<compile_context>
chip_gen: v7x
topology: tpu7x:2x2x1
jax: 0.10.2.dev20260603
libtpu: 0.0.44.dev20260713+nightly
codegen_flags: <defaults>
</compile_context>

<pallas_src>
import functools

import jax
import jax.numpy as jnp
from jax import lax
from jax.experimental import pallas as pl
from jax.experimental.pallas import tpu as pltpu
from jax.experimental.pallas import tpu_sc as plsc

_N = 10000
_E = 320000
_IN = 128
_HID = 64
_RBFK = 16
_NCLS = 26
_WY = 100

_NC = 2
_NS = 16
_NW = _NC * _NS
_CH = 128
_CHP = _CH // 2
_NCHK = 80
_NCHKL = 20
_EPW = _NCHK * _CH
_NACC = 10240

_F32 = jnp.float32
_BF16 = jnp.bfloat16
_I32 = jnp.int32

_SC_PARAMS = pltpu.CompilerParams(use_tc_tiling_on_sc=False)


def _silu(x):
    return x * jax.nn.sigmoid(x)


def _lnorm(x, g, b):
    mu = jnp.mean(x, axis=-1, keepdims=True)
    var = jnp.mean((x - mu) ** 2, axis=-1, keepdims=True)
    return (x - mu) / jnp.sqrt(var + 1e-5) * g + b


def _dot(a, b):
    return jnp.dot(a, b, preferred_element_type=_F32)


def _rmax_body(vx_ref, vy_ref, vz_ref, out_ref):
    r2 = vx_ref[...] ** 2 + vy_ref[...] ** 2 + vz_ref[...] ** 2
    r = jnp.maximum(jnp.sqrt(r2), 1e-8)
    rb = lax.bitcast_convert_type(r, _I32)
    k1 = _I32(304000)
    k2 = _I32(304001)

    def body(i, c):
        lo1, hi1, lo2, hi2 = c
        mid1 = lo1 + (hi1 - lo1) // 2
        mid2 = lo2 + (hi2 - lo2) // 2
        c1 = jnp.sum((rb <= mid1).astype(_I32))
        c2 = jnp.sum((rb <= mid2).astype(_I32))
        lo1n = jnp.where(c1 >= k1, lo1, mid1)
        hi1n = jnp.where(c1 >= k1, mid1, hi1)
        lo2n = jnp.where(c2 >= k2, lo2, mid2)
        hi2n = jnp.where(c2 >= k2, mid2, hi2)
        return lo1n, hi1n, lo2n, hi2n

    init = (_I32(-1), _I32(0x7F7FFFFF), _I32(-1), _I32(0x7F7FFFFF))
    _, hi1, _, hi2 = lax.fori_loop(0, 31, body, init)
    a = lax.bitcast_convert_type(hi1, _F32)
    b = lax.bitcast_convert_type(hi2, _F32)
    idxf = _F32(0.95) * _F32(_E - 1)
    frac = idxf - jnp.floor(idxf)
    q = a + (b - a) * frac
    out_ref[0, 0] = jnp.clip(q, 1.0, 8.0)


def _rmax_call(vx, vy, vz):
    return pl.pallas_call(
        _rmax_body,
        out_shape=jax.ShapeDtypeStruct((1, 1), _F32),
        out_specs=pl.BlockSpec(memory_space=pltpu.SMEM),
    )(vx, vy, vz)


def _node_body(x_ref, win_ref, bin_ref, g_ref, b_ref, w1ab_ref,
               h_ref, gid_ref, t_ref):
    x = x_ref[...]
    t = _dot(x, win_ref[...]) + bin_ref[...]
    h = _silu(_lnorm(t, g_ref[...], b_ref[...]))
    h_ref[...] = h
    t_ref[...] = _dot(h, w1ab_ref[...])
    xa = x[:, _WY:_WY + _NCLS]
    m = jnp.max(xa, axis=1, keepdims=True)
    io = lax.broadcasted_iota(_I32, (1, _NCLS), 1)
    cand = jnp.where(xa == m, io, _I32(2 ** 30))
    gid_ref[...] = jnp.min(cand, axis=1, keepdims=True)


def _node_call(x, win, bin_, g, b, w1ab):
    bn = 1000
    nb = _N // bn
    wspec = lambda shape: pl.BlockSpec(shape, lambda i: (0, 0))
    return pl.pallas_call(
        _node_body,
        grid=(nb,),
        in_specs=[
            pl.BlockSpec((bn, _IN), lambda i: (i, 0)),
            wspec((_IN, _HID)), wspec((1, _HID)), wspec((1, _HID)),
            wspec((1, _HID)), wspec((_HID, 2 * _HID)),
        ],
        out_specs=[
            pl.BlockSpec((bn, _HID), lambda i: (i, 0)),
            pl.BlockSpec((bn, 1), lambda i: (i, 0)),
            pl.BlockSpec((bn, 2 * _HID), lambda i: (i, 0)),
        ],
        out_shape=[
            jax.ShapeDtypeStruct((_N, _HID), _F32),
            jax.ShapeDtypeStruct((_N, 1), _I32),
            jax.ShapeDtypeStruct((_N, 2 * _HID), _F32),
        ],
    )(x, win, bin_, g, b, w1ab)


def _edge_body(rmax_ref, ea_ref, we_ref, be_ref, g_ref, b_ref, o_ref):
    ea = ea_ref[...]
    rm = rmax_ref[0, 0]
    io = lax.broadcasted_iota(_I32, (1, _RBFK), 1).astype(_F32)
    centers = rm * io / _F32(_RBFK - 1)
    delta = jnp.maximum(rm / _F32(_RBFK - 1), 1e-3)
    gamma = 1.0 / (2.0 * (0.5 * delta) ** 2)
    v = ea[:, 0:3]
    r = jnp.maximum(jnp.sqrt(jnp.sum(v * v, axis=1, keepdims=True)), 1e-8)
    u = v / r
    rbf = jnp.exp(-gamma * (r - centers) ** 2)
    e = jnp.concatenate([u, r, rbf], axis=1)
    t = _dot(e, we_ref[...]) + be_ref[...]
    o_ref[...] = _lnorm(_silu(t), g_ref[...], b_ref[...]).astype(_BF16)


def _edge_call(rmax, eap, we, be, g, b):
    bp = 2000
    nb = _E // bp
    wspec = lambda shape: pl.BlockSpec(shape, lambda i: (0, 0))
    return pl.pallas_call(
        _edge_body,
        grid=(nb,),
        in_specs=[
            pl.BlockSpec(memory_space=pltpu.SMEM),
            pl.BlockSpec((bp, 4), lambda i: (i, 0)),
            wspec((3 + 1 + _RBFK, _HID)), wspec((1, _HID)),
            wspec((1, _HID)), wspec((1, _HID)),
        ],
        out_specs=pl.BlockSpec((bp, _HID), lambda i: (i, 0)),
        out_shape=jax.ShapeDtypeStruct((_E, _HID), _BF16),
    )(rmax, eap, we, be, g, b)


def _msg_body(u_ref, v_ref, e_ref, w1c_ref, b1_ref, w2_ref, b2_ref, o_ref):
    pq = u_ref[...][:, :_HID] + v_ref[...][:, _HID:]
    m1 = pq + _dot(e_ref[...].astype(_F32), w1c_ref[...]) + b1_ref[...]
    m1 = _silu(m1)
    m2 = _silu(_dot(m1, w2_ref[...]) + b2_ref[...])
    o_ref[...] = jnp.concatenate([m2, m2], axis=1)


def _msg_call(ug, vg, he, w1c, b1, w2, b2):
    bp = 2000
    nb = _E // bp
    espec = pl.BlockSpec((bp, _HID), lambda i: (i, 0))
    uspec = pl.BlockSpec((bp, 2 * _HID), lambda i: (i, 0))
    wspec = lambda shape: pl.BlockSpec(shape, lambda i: (0, 0))
    return pl.pallas_call(
        _msg_body,
        grid=(nb,),
        in_specs=[uspec, uspec, espec,
                  wspec((_HID, _HID)), wspec((1, _HID)),
                  wspec((_HID, _HID)), wspec((1, _HID))],
        out_specs=uspec,
        out_shape=jax.ShapeDtypeStruct((_E, 2 * _HID), _F32),
    )(ug, vg, he, w1c, b1, w2, b2)


def _upd_body_proj(h_ref, m0_ref, m1_ref, wh_ref, wm_ref, bu_ref, g_ref,
                   b_ref, w1ab_ref, h_out, t_out):
    h = h_ref[...]
    m = m0_ref[0] + m1_ref[0]
    t = _silu(_dot(h, wh_ref[...]) + _dot(m, wm_ref[...]) + bu_ref[...]) + h
    hn = _lnorm(t, g_ref[...], b_ref[...])
    h_out[...] = hn
    t_out[...] = _dot(hn, w1ab_ref[...])


def _upd_body(h_ref, m0_ref, m1_ref, wh_ref, wm_ref, bu_ref, g_ref, b_ref,
              h_out):
    h = h_ref[...]
    m = m0_ref[0] + m1_ref[0]
    t = _silu(_dot(h, wh_ref[...]) + _dot(m, wm_ref[...]) + bu_ref[...]) + h
    h_out[...] = _lnorm(t, g_ref[...], b_ref[...])


def _upd_call(h, macc, wh, wm, bu, g, b, w1ab=None):
    bn = 1000
    nb = _N // bn
    nspec = pl.BlockSpec((bn, _HID), lambda i: (i, 0))
    m0spec = pl.BlockSpec((1, bn, _HID), lambda i: (0, i, 0))
    m1spec = pl.BlockSpec((1, bn, _HID), lambda i: (1, i, 0))
    wspec = lambda shape: pl.BlockSpec(shape, lambda i: (0, 0))
    hspec = jax.ShapeDtypeStruct((_N, _HID), _F32)
    if w1ab is None:
        return pl.pallas_call(
            _upd_body,
            grid=(nb,),
            in_specs=[nspec, m0spec, m1spec,
                      wspec((_HID, _HID)), wspec((_HID, _HID)),
                      wspec((1, _HID)), wspec((1, _HID)), wspec((1, _HID))],
            out_specs=nspec,
            out_shape=hspec,
        )(h, macc, macc, wh, wm, bu, g, b)
    return pl.pallas_call(
        _upd_body_proj,
        grid=(nb,),
        in_specs=[nspec, m0spec, m1spec,
                  wspec((_HID, _HID)), wspec((_HID, _HID)),
                  wspec((1, _HID)), wspec((1, _HID)), wspec((1, _HID)),
                  wspec((_HID, 2 * _HID))],
        out_specs=[nspec, pl.BlockSpec((bn, 2 * _HID), lambda i: (i, 0))],
        out_shape=[hspec, jax.ShapeDtypeStruct((_N, 2 * _HID), _F32)],
    )(h, macc, macc, wh, wm, bu, g, b, w1ab)


def _f1_body(s0_ref, s1_ref, s2_ref, s3_ref, gid_ref, wj0_ref, wj1_ref,
             wj2_ref, wj3_ref, bj_ref, wo1_ref, bo1_ref, wo2_ref, bo2_ref,
             sums_ref, cnts_ref):
    hagg = (_dot(s0_ref[...], wj0_ref[...]) + _dot(s1_ref[...], wj1_ref[...])
            + _dot(s2_ref[...], wj2_ref[...]) + _dot(s3_ref[...], wj3_ref[...])
            + bj_ref[...])
    z = _silu(_dot(hagg, wo1_ref[...]) + bo1_ref[...])
    lg = _dot(z, wo2_ref[...]) + bo2_ref[...]
    grow = gid_ref[0]
    io = lax.broadcasted_iota(_I32, (_NCLS, 1), 0)
    oh = (grow == io).astype(_F32)

    @pl.when(pl.program_id(0) == 0)
    def _():
        sums_ref[...] = jnp.zeros_like(sums_ref)
        cnts_ref[...] = jnp.zeros_like(cnts_ref)

    sums_ref[...] += _dot(oh, lg)
    cnts_ref[...] += jnp.sum(oh, axis=1, keepdims=True)


def _f1_call(s0, s1, s2, s3, gid3, wj0, wj1, wj2, wj3, bj, wo1, bo1, wo2,
             bo2):
    bn = 1000
    nb = _N // bn
    nspec = pl.BlockSpec((bn, _HID), lambda i: (i, 0))
    wspec = lambda shape: pl.BlockSpec(shape, lambda i: (0, 0))
    return pl.pallas_call(
        _f1_body,
        grid=(nb,),
        in_specs=[nspec, nspec, nspec, nspec,
                  pl.BlockSpec((1, 1, bn), lambda i: (i, 0, 0)),
                  wspec((_HID, _HID)), wspec((_HID, _HID)),
                  wspec((_HID, _HID)), wspec((_HID, _HID)),
                  wspec((1, _HID)), wspec((_HID, _HID)), wspec((1, _HID)),
                  wspec((_HID, _NCLS)), wspec((1, _NCLS))],
        out_specs=[pl.BlockSpec((_NCLS, _NCLS), lambda i: (0, 0)),
                   pl.BlockSpec((_NCLS, 1), lambda i: (0, 0))],
        out_shape=[jax.ShapeDtypeStruct((_NCLS, _NCLS), _F32),
                   jax.ShapeDtypeStruct((_NCLS, 1), _F32)],
        compiler_params=pltpu.CompilerParams(
            dimension_semantics=("arbitrary",)),
    )(s0, s1, s2, s3, gid3, wj0, wj1, wj2, wj3, bj, wo1, bo1, wo2, bo2)


def _f2_body(gid_ref, sums_ref, cnts_ref, o_ref):
    mean = sums_ref[...] / jnp.maximum(cnts_ref[...], 1.0)
    gid = gid_ref[...]
    io = lax.broadcasted_iota(_I32, (1, _NCLS), 1)
    oh = (gid == io).astype(_F32)
    o_ref[...] = _dot(oh, mean)


def _f2_call(gid, sums, cnts):
    bn = 1000
    nb = _N // bn
    return pl.pallas_call(
        _f2_body,
        grid=(nb,),
        in_specs=[pl.BlockSpec((bn, 1), lambda i: (i, 0)),
                  pl.BlockSpec((_NCLS, _NCLS), lambda i: (0, 0)),
                  pl.BlockSpec((_NCLS, 1), lambda i: (0, 0))],
        out_specs=pl.BlockSpec((bn, _NCLS), lambda i: (i, 0)),
        out_shape=jax.ShapeDtypeStruct((_N, _NCLS), _F32),
    )(gid, sums, cnts)


def _sc_gather(tbl, src2d, dst2d):
    mesh = plsc.VectorSubcoreMesh(core_axis_name="c", subcore_axis_name="s")

    @functools.partial(
        pl.kernel, mesh=mesh,
        out_type=(jax.ShapeDtypeStruct((_E, 2 * _HID), _F32),
                  jax.ShapeDtypeStruct((_E, 2 * _HID), _F32)),
        scratch_types=[
            pltpu.VMEM((_NCHK, _CH), _I32),
            pltpu.VMEM((_NCHK, _CH), _I32),
            pltpu.VMEM((_CH, 2 * _HID), _F32),
            pltpu.VMEM((_CH, 2 * _HID), _F32),
            pltpu.VMEM((_CH, 2 * _HID), _F32),
            pltpu.VMEM((_CH, 2 * _HID), _F32),
            pltpu.SemaphoreType.DMA,
            pltpu.SemaphoreType.DMA,
            pltpu.SemaphoreType.DMA,
            pltpu.SemaphoreType.DMA,
        ],
        compiler_params=_SC_PARAMS,
    )
    def k(tbl_hbm, src_hbm, dst_hbm, p_hbm, q_hbm,
          idx1, idx2, bp0, bq0, bp1, bq1, gs0, gs1, ws0, ws1):
        wid = lax.axis_index("s") * _NC + lax.axis_index("c")
        rowbase = wid * _NCHK
        last = wid == _NW - 1

        @pl.when(jnp.logical_not(last))
        def _():
            pltpu.sync_copy(src_hbm.at[pl.ds(rowbase, _NCHK)], idx1)
            pltpu.sync_copy(dst_hbm.at[pl.ds(rowbase, _NCHK)], idx2)

        @pl.when(last)
        def _():
            pltpu.sync_copy(src_hbm.at[pl.ds(rowbase, _NCHKL)],
                            idx1.at[pl.ds(0, _NCHKL)])
            pltpu.sync_copy(dst_hbm.at[pl.ds(rowbase, _NCHKL)],
                            idx2.at[pl.ds(0, _NCHKL)])

        nhalf = jnp.where(last, _NCHKL // 2, _NCHK // 2)
        ebase = wid * _EPW

        def drain(sem, bp, bq):
            pltpu.make_async_copy(bp, p_hbm.at[pl.ds(0, _CH)], sem).wait()
            pltpu.make_async_copy(bq, q_hbm.at[pl.ds(0, _CH)], sem).wait()

        def body(i, carry):
            e = 2 * i
            o = 2 * i + 1

            @pl.when(i > 0)
            def _():
                drain(ws0, bp0, bq0)
                drain(ws1, bp1, bq1)

            c1 = pltpu.async_copy(tbl_hbm.at[idx1.at[e]], bp0, gs0)
            c2 = pltpu.async_copy(tbl_hbm.at[idx2.at[e]], bq0, gs0)
            c3 = pltpu.async_copy(tbl_hbm.at[idx1.at[o]], bp1, gs1)
            c4 = pltpu.async_copy(tbl_hbm.at[idx2.at[o]], bq1, gs1)
            c1.wait()
            c2.wait()
            pltpu.async_copy(bp0, p_hbm.at[pl.ds(ebase + e * _CH, _CH)], ws0)
            pltpu.async_copy(bq0, q_hbm.at[pl.ds(ebase + e * _CH, _CH)], ws0)
            c3.wait()
            c4.wait()
            pltpu.async_copy(bp1, p_hbm.at[pl.ds(ebase + o * _CH, _CH)], ws1)
            pltpu.async_copy(bq1, q_hbm.at[pl.ds(ebase + o * _CH, _CH)], ws1)
            return carry

        lax.fori_loop(0, nhalf, body, 0)
        drain(ws0, bp0, bq0)
        drain(ws1, bp1, bq1)

    return k(tbl, src2d, dst2d)


def _sc_scatter(m2, dst2d, zeros_acc):
    mesh = plsc.VectorSubcoreMesh(core_axis_name="c", subcore_axis_name="s")

    @functools.partial(
        pl.kernel, mesh=mesh,
        out_type=jax.ShapeDtypeStruct((_NC, _NACC, _HID), _F32),
        scratch_types=[
            pltpu.VMEM((_NCHK, _CH), _I32),
            pltpu.VMEM((_CH, _HID), _F32),
            pltpu.VMEM((_CH, _HID), _F32),
            pltpu.VMEM_SHARED((_NACC, _HID), _F32),
            pltpu.SemaphoreType.DMA,
            pltpu.SemaphoreType.DMA,
        ],
        compiler_params=_SC_PARAMS,
    )
    def k(m2_hbm, dst_hbm, zero_hbm, out_hbm, idx, buf0, buf1, shacc,
          rs0, rs1):
        c = lax.axis_index("c")
        s = lax.axis_index("s")
        wid = s * _NC + c
        zrows = _NACC // _NS
        pltpu.sync_copy(zero_hbm.at[pl.ds(s * zrows, zrows)],
                        shacc.at[pl.ds(s * zrows, zrows)])
        plsc.subcore_barrier()
        last = wid == _NW - 1

        @pl.when(jnp.logical_not(last))
        def _():
            pltpu.sync_copy(dst_hbm.at[pl.ds(wid * _NCHK, _NCHK)], idx)

        @pl.when(last)
        def _():
            pltpu.sync_copy(dst_hbm.at[pl.ds(wid * _NCHK, _NCHKL)],
                            idx.at[pl.ds(0, _NCHKL)])

        nhalf = jnp.where(last, _NCHKL // 2, _NCHK // 2)
        ebase = wid * _EPW

        def mslice(j):
            return m2_hbm.at[pl.ds(ebase + j * _CH, _CH), pl.ds(0, _HID)]

        pltpu.async_copy(mslice(0), buf0, rs0)

        def body(i, carry):
            e = 2 * i
            o = 2 * i + 1
            pltpu.async_copy(mslice(o), buf1, rs1)
            pltpu.make_async_copy(mslice(0), buf0, rs0).wait()
            pltpu.sync_copy(buf0, shacc.at[idx.at[e]], add=True)

            @pl.when(i + 1 < nhalf)
            def _():
                pltpu.async_copy(mslice(e + 2), buf0, rs0)

            pltpu.make_async_copy(mslice(0), buf1, rs1).wait()
            pltpu.sync_copy(buf1, shacc.at[idx.at[o]], add=True)
            return carry

        lax.fori_loop(0, nhalf, body, 0)
        plsc.subcore_barrier()
        orows = _NACC // _NS
        pltpu.sync_copy(shacc.at[pl.ds(s * orows, orows)],
                        out_hbm.at[c, pl.ds(s * orows, orows)])

    return k(m2, dst2d, zeros_acc)


def kernel(x, edge_index, edge_attr, params):
    p = params
    src = edge_index[0]
    dst = edge_index[1]
    src2d = src.reshape(_E // _CH, _CH)
    dst2d = dst.reshape(_E // _CH, _CH)
    eap = edge_attr
    vx = edge_attr[:, 0].reshape(_E // _CH, _CH)
    vy = edge_attr[:, 1].reshape(_E // _CH, _CH)
    vz = edge_attr[:, 2].reshape(_E // _CH, _CH)
    zeros_acc = jnp.zeros((_NACC, _HID), _F32)

    row = lambda v: v.reshape(1, -1)
    w1ab = [p['msg_W1'][l][:2 * _HID].reshape(2, _HID, _HID)
            .transpose(1, 0, 2).reshape(_HID, 2 * _HID)
            for l in range(3)]
    w1c = [p['msg_W1'][l][2 * _HID:] for l in range(3)]
    wuh = [p['upd_W'][l][:_HID] for l in range(3)]
    wum = [p['upd_W'][l][_HID:] for l in range(3)]

    rmax = _rmax_call(vx, vy, vz)
    h, gid, tbl = _node_call(
        x, p['W_in'], row(p['b_in']), row(p['ln_in_g']), row(p['ln_in_b']),
        w1ab[0])
    he = _edge_call(rmax, eap, p['W_e'], row(p['b_e']),
                    row(p['ln_e_g']), row(p['ln_e_b']))

    states = [h]
    for l in range(3):
        ug, vg = _sc_gather(tbl, src2d, dst2d)
        m2 = _msg_call(ug, vg, he, w1c[l], row(p['msg_b1'][l]),
                       p['msg_W2'][l], row(p['msg_b2'][l]))
        macc = _sc_scatter(m2, dst2d, zeros_acc)
        if l < 2:
            h, tbl = _upd_call(
                h, macc, wuh[l], wum[l], row(p['upd_b'][l]),
                row(p['ln_g'][l]), row(p['ln_b'][l]), w1ab[l + 1])
        else:
            h = _upd_call(
                h, macc, wuh[l], wum[l], row(p['upd_b'][l]),
                row(p['ln_g'][l]), row(p['ln_b'][l]))
        states.append(h)

    wjk = [p['W_jk'][l * _HID:(l + 1) * _HID] for l in range(4)]
    gid3 = gid.reshape(_N // 1000, 1, 1000)
    sums, cnts = _f1_call(states[0], states[1], states[2], states[3], gid3,
                          wjk[0], wjk[1], wjk[2], wjk[3], row(p['b_jk']),
                          p['W_o1'], row(p['b_o1']), p['W_o2'],
                          row(p['b_o2']))
    return _f2_call(gid, sums, cnts)

# --- scband reference (transcript-rebuilt; emitter-appended) ---
"""Pipeline reference for scband-mpnn-17686675325408 (READ-ONLY COPY).

The authoritative reference and input builder live on the scoring server;
editing this copy changes nothing except your own understanding.
"""

import jax, jax.numpy as jnp
import numpy as np

N = 10000
E = 320000
IN_DIM = 128
EDGE_DIM = 4
HID = 64
LAYERS = 3
RBF_K = 16
NCLS = 26
WY_START = 100
WY_DIM = 26


def _silu(x):
    return x * jax.nn.sigmoid(x)


def _ln(x, g, b, eps=1e-5):
    mu = jnp.mean(x, axis=-1, keepdims=True)
    var = jnp.mean((x - mu) ** 2, axis=-1, keepdims=True)
    return (x - mu) / jnp.sqrt(var + eps) * g + b


def _lin_init(key, fan_in, fan_out):
    k1, k2 = jax.random.split(key)
    bound = 1.0 / np.sqrt(fan_in)
    W = jax.random.uniform(k1, (fan_in, fan_out), jnp.float32, -bound, bound)
    b = jax.random.uniform(k2, (fan_out,), jnp.float32, -bound, bound)
    return W, b


def setup_inputs(seed: int = 0):
    key = jax.random.key(seed)
    ks = iter(jax.random.split(key, 64))
    x = jax.random.normal(next(ks), (N, IN_DIM), dtype=jnp.float32)
    edge_index = jax.random.randint(next(ks), (2, E), 0, N, dtype=jnp.int32)
    edge_attr = jax.random.normal(next(ks), (E, EDGE_DIM), dtype=jnp.float32)
    p = {}
    p['W_in'], p['b_in'] = _lin_init(next(ks), IN_DIM, HID)
    p['ln_in_g'] = jnp.ones((HID,), jnp.float32)
    p['ln_in_b'] = jnp.zeros((HID,), jnp.float32)
    p['W_e'], p['b_e'] = _lin_init(next(ks), 3 + 1 + RBF_K, HID)
    p['ln_e_g'] = jnp.ones((HID,), jnp.float32)
    p['ln_e_b'] = jnp.zeros((HID,), jnp.float32)
    p['msg_W1'] = []; p['msg_b1'] = []; p['msg_W2'] = []; p['msg_b2'] = []
    p['upd_W'] = []; p['upd_b'] = []; p['ln_g'] = []; p['ln_b'] = []
    for _ in range(LAYERS):
        W1, b1 = _lin_init(next(ks), 3 * HID, HID)
        W2, b2 = _lin_init(next(ks), HID, HID)
        Wu, bu = _lin_init(next(ks), 2 * HID, HID)
        p['msg_W1'].append(W1); p['msg_b1'].append(b1)
        p['msg_W2'].append(W2); p['msg_b2'].append(b2)
        p['upd_W'].append(Wu); p['upd_b'].append(bu)
        p['ln_g'].append(jnp.ones((HID,), jnp.float32))
        p['ln_b'].append(jnp.zeros((HID,), jnp.float32))
    p['W_jk'], p['b_jk'] = _lin_init(next(ks), HID * (LAYERS + 1), HID)
    p['W_o1'], p['b_o1'] = _lin_init(next(ks), HID, HID)
    p['W_o2'], p['b_o2'] = _lin_init(next(ks), HID, NCLS)
    return {'x': x, 'edge_index': edge_index, 'edge_attr': edge_attr, 'params': p}


def _forward(x, edge_attr, params, edge_index):
    h = _silu(_ln(x @ params['W_in'] + params['b_in'], params['ln_in_g'], params['ln_in_b']))
    v = edge_attr[:, :3]
    r = jnp.maximum(jnp.linalg.norm(v, axis=-1, keepdims=True), 1e-8)
    u = v / r
    r_max = jax.lax.stop_gradient(jnp.clip(jnp.quantile(r[:, 0], 0.95), 1.0, 8.0))
    centers = (r_max * jnp.arange(RBF_K, dtype=jnp.float32) / (RBF_K - 1)).reshape(1, RBF_K)
    delta = jnp.maximum(r_max / max(1, RBF_K - 1), 1e-3)
    gamma = 1.0 / (2.0 * (0.5 * delta) ** 2)
    rbf = jnp.exp(-gamma * (r - centers) ** 2)
    e = jnp.concatenate([u, r, rbf], axis=-1)
    e_enc = _ln(_silu(e @ params['W_e'] + params['b_e']), params['ln_e_g'], params['ln_e_b'])
    src, dst = edge_index[0], edge_index[1]
    states = [h]
    for l in range(LAYERS):
        hi = h[src]
        hj = h[dst]
        m_ij = _silu(jnp.concatenate([hi, hj, e_enc], axis=-1) @ params['msg_W1'][l] + params['msg_b1'][l])
        m_ij = _silu(m_ij @ params['msg_W2'][l] + params['msg_b2'][l])
        m = jnp.zeros_like(h).at[dst].add(m_ij)
        h = _silu(jnp.concatenate([h, m], axis=-1) @ params['upd_W'][l] + params['upd_b'][l]) + h
        h = _ln(h, params['ln_g'][l], params['ln_b'][l])
        states.append(h)
    h_agg = jnp.concatenate(states, axis=-1) @ params['W_jk'] + params['b_jk']
    z = _silu(h_agg @ params['W_o1'] + params['b_o1'])
    logits = z @ params['W_o2'] + params['b_o2']
    gid = jnp.argmax(x[:, WY_START:WY_START + WY_DIM], axis=-1)
    sum_logits = jax.ops.segment_sum(logits, gid, num_segments=WY_DIM)
    counts = jax.ops.segment_sum(jnp.ones((logits.shape[0], 1), logits.dtype), gid, num_segments=WY_DIM)
    mean_logits = sum_logits / jnp.maximum(counts, 1.0)
    return mean_logits[gid]


def reference(x, edge_index, edge_attr, params):
    return _forward(x, edge_attr, params, edge_index)

if __name__ == "__main__":
    import jax
    _d = setup_inputs()
    print(jax.jit(kernel)(*tuple(_d.values())))

</pallas_src>

<mosaic_0001>
#map = affine_map<(d0, d1) -> (0, 0)>
module attributes {stable_mosaic.version = 14 : i64} {
  func.func @k(%arg0: i32, %arg1: i32, %arg2: memref<10000x128xf32, #tpu.memory_space<hbm>>, %arg3: memref<2500x128xi32, #tpu.memory_space<hbm>>, %arg4: memref<2500x128xi32, #tpu.memory_space<hbm>>, %arg5: memref<320000x128xf32, #tpu.memory_space<hbm>>, %arg6: memref<320000x128xf32, #tpu.memory_space<hbm>>, %arg7: memref<80x128xi32, #tpu.memory_space<vmem>>, %arg8: memref<80x128xi32, #tpu.memory_space<vmem>>, %arg9: memref<128x128xf32, #tpu.memory_space<vmem>>, %arg10: memref<128x128xf32, #tpu.memory_space<vmem>>, %arg11: memref<128x128xf32, #tpu.memory_space<vmem>>, %arg12: memref<128x128xf32, #tpu.memory_space<vmem>>, %arg13: memref<!tpu.dma_semaphore, #tpu.memory_space<semaphore_mem>>, %arg14: memref<!tpu.dma_semaphore, #tpu.memory_space<semaphore_mem>>, %arg15: memref<!tpu.dma_semaphore, #tpu.memory_space<semaphore_mem>>, %arg16: memref<!tpu.dma_semaphore, #tpu.memory_space<semaphore_mem>>) attributes {dimension_semantics = [#tpu.dimension_semantics<core_parallel>, #tpu.dimension_semantics<subcore_parallel>], iteration_bounds = array<i64: 2, 16>, scalar_prefetch = 0 : i64, scratch_operands = 10 : i64, tpu.core_type = #tpu.core_type<sc_vector_subcore>, window_params = [{transform_indices = #map}, {transform_indices = #map}, {transform_indices = #map}, {transform_indices = #map}, {transform_indices = #map}]} {
    %mul3A = arith.constant 2 : i32
    %mul3A_0 = arith.muli %arg1, %mul3A : i32
    %add3A = arith.addi %mul3A_0, %arg0 : i32
    %mul3A_1 = arith.constant 80 : i32
    %mul3A_2 = arith.muli %add3A, %mul3A_1 : i32
    %eq3A = arith.constant 31 : i32
    %eq3A_3 = arith.cmpi eq, %add3A, %eq3A : i32
    %not3A = arith.constant true
    %not3A_4 = arith.xori %eq3A_3, %not3A : i1
    %convert_element_type3A = arith.extui %not3A_4 : i1 to i32
    %cond3A = arith.constant 0 : i32
    %cond3A_5 = arith.cmpi ne, %convert_element_type3A, %cond3A : i32
    scf.if %cond3A_5 {
      "tpu.region"() ({
        %run_scoped3A = tpu.sem_alloc : memref<!tpu.dma_semaphore, #tpu.memory_space<semaphore_mem>>
        %dma_start3A = arith.constant 0 : i32
        %dma_start3A_44 = tpu.memref_slice %arg3[%mul3A_2, %dma_start3A] : memref<2500x128xi32, #tpu.memory_space<hbm>> -> memref<80x128xi32, #tpu.memory_space<hbm>>
        %dma_start3A_45 = arith.constant 0 : i32
        %dma_start3A_46 = tpu.memref_slice %arg3[%mul3A_2, %dma_start3A_45] : memref<2500x128xi32, #tpu.memory_space<hbm>> -> memref<80x128xi32, #tpu.memory_space<hbm>>
        tpu.enqueue_dma source(%dma_start3A_46 : memref<80x128xi32, #tpu.memory_space<hbm>>) target(%arg7 : memref<80x128xi32, #tpu.memory_space<vmem>>) target_semaphore(%run_scoped3A : memref<!tpu.dma_semaphore, #tpu.memory_space<semaphore_mem>>)
        %dma_wait3A_47 = arith.constant 0 : i32
        %dma_wait3A_48 = tpu.memref_slice %arg3[%mul3A_2, %dma_wait3A_47] : memref<2500x128xi32, #tpu.memory_space<hbm>> -> memref<80x128xi32, #tpu.memory_space<hbm>>
        %dma_wait3A_49 = arith.constant 0 : i32
        %dma_wait3A_50 = tpu.memref_slice %arg3[%mul3A_2, %dma_wait3A_49] : memref<2500x128xi32, #tpu.memory_space<hbm>> -> memref<80x128xi32, #tpu.memory_space<hbm>>
        tpu.wait_dma2 semaphore(%run_scoped3A : memref<!tpu.dma_semaphore, #tpu.memory_space<semaphore_mem>>) src(%dma_wait3A_50 : memref<80x128xi32, #tpu.memory_space<hbm>>) dst(%arg7 : memref<80x128xi32, #tpu.memory_space<vmem>>)
        tpu.yield
      }) : () -> ()
      "tpu.region"() ({
        %run_scoped3A = tpu.sem_alloc : memref<!tpu.dma_semaphore, #tpu.memory_space<semaphore_mem>>
        %dma_start3A = arith.constant 0 : i32
        %dma_start3A_44 = tpu.memref_slice %arg4[%mul3A_2, %dma_start3A] : memref<2500x128xi32, #tpu.memory_space<hbm>> -> memref<80x128xi32, #tpu.memory_space<hbm>>
        %dma_start3A_45 = arith.constant 0 : i32
        %dma_start3A_46 = tpu.memref_slice %arg4[%mul3A_2, %dma_start3A_45] : memref<2500x128xi32, #tpu.memory_space<hbm>> -> memref<80x128xi32, #tpu.memory_space<hbm>>
        tpu.enqueue_dma source(%dma_start3A_46 : memref<80x128xi32, #tpu.memory_space<hbm>>) target(%arg8 : memref<80x128xi32, #tpu.memory_space<vmem>>) target_semaphore(%run_scoped3A : memref<!tpu.dma_semaphore, #tpu.memory_space<semaphore_mem>>)
        %dma_wait3A_47 = arith.constant 0 : i32
        %dma_wait3A_48 = tpu.memref_slice %arg4[%mul3A_2, %dma_wait3A_47] : memref<2500x128xi32, #tpu.memory_space<hbm>> -> memref<80x128xi32, #tpu.memory_space<hbm>>
        %dma_wait3A_49 = arith.constant 0 : i32
        %dma_wait3A_50 = tpu.memref_slice %arg4[%mul3A_2, %dma_wait3A_49] : memref<2500x128xi32, #tpu.memory_space<hbm>> -> memref<80x128xi32, #tpu.memory_space<hbm>>
        tpu.wait_dma2 semaphore(%run_scoped3A : memref<!tpu.dma_semaphore, #tpu.memory_space<semaphore_mem>>) src(%dma_wait3A_50 : memref<80x128xi32, #tpu.memory_space<hbm>>) dst(%arg8 : memref<80x128xi32, #tpu.memory_space<vmem>>)
        tpu.yield
      }) : () -> ()
    } else {
    }
    %convert_element_type3A_6 = arith.extui %eq3A_3 : i1 to i32
    %cond3A_7 = arith.constant 0 : i32
    %cond3A_8 = arith.cmpi ne, %convert_element_type3A_6, %cond3A_7 : i32
    scf.if %cond3A_8 {
      "tpu.region"() ({
        %run_scoped3A = tpu.sem_alloc : memref<!tpu.dma_semaphore, #tpu.memory_space<semaphore_mem>>
        %dma_start3A = arith.constant 0 : i32
        %dma_start3A_44 = arith.constant 0 : i32
        %dma_start3A_45 = tpu.memref_slice %arg7[%dma_start3A, %dma_start3A_44] : memref<80x128xi32, #tpu.memory_space<vmem>> -> memref<20x128xi32, #tpu.memory_space<vmem>>
        %dma_start3A_46 = arith.constant 0 : i32
        %dma_start3A_47 = tpu.memref_slice %arg3[%mul3A_2, %dma_start3A_46] : memref<2500x128xi32, #tpu.memory_space<hbm>> -> memref<20x128xi32, #tpu.memory_space<hbm>>
        %dma_start3A_48 = arith.constant 0 : i32
        %dma_start3A_49 = arith.constant 0 : i32
        %dma_start3A_50 = tpu.memref_slice %arg7[%dma_start3A_48, %dma_start3A_49] : memref<80x128xi32, #tpu.memory_space<vmem>> -> memref<20x128xi32, #tpu.memory_space<vmem>>
        %dma_start3A_51 = arith.constant 0 : i32
        %dma_start3A_52 = tpu.memref_slice %arg3[%mul3A_2, %dma_start3A_51] : memref<2500x128xi32, #tpu.memory_space<hbm>> -> memref<20x128xi32, #tpu.memory_space<hbm>>
        tpu.enqueue_dma source(%dma_start3A_52 : memref<20x128xi32, #tpu.memory_space<hbm>>) target(%dma_start3A_50 : memref<20x128xi32, #tpu.memory_space<vmem>>) target_semaphore(%run_scoped3A : memref<!tpu.dma_semaphore, #tpu.memory_space<semaphore_mem>>)
        %dma_wait3A_53 = arith.constant 0 : i32
        %dma_wait3A_54 = arith.constant 0 : i32
        %dma_wait3A_55 = tpu.memref_slice %arg7[%dma_wait3A_53, %dma_wait3A_54] : memref<80x128xi32, #tpu.memory_space<vmem>> -> memref<20x128xi32, #tpu.memory_space<vmem>>
        %dma_wait3A_56 = arith.constant 0 : i32
        %dma_wait3A_57 = tpu.memref_slice %arg3[%mul3A_2, %dma_wait3A_56] : memref<2500x128xi32, #tpu.memory_space<hbm>> -> memref<20x128xi32, #tpu.memory_space<hbm>>
        %dma_wait3A_58 = arith.constant 0 : i32
        %dma_wait3A_59 = arith.constant 0 : i32
        %dma_wait3A_60 = tpu.memref_slice %arg7[%dma_wait3A_58, %dma_wait3A_59] : memref<80x128xi32, #tpu.memory_space<vmem>> -> memref<20x128xi32, #tpu.memory_space<vmem>>
        %dma_wait3A_61 = arith.constant 0 : i32
        %dma_wait3A_62 = tpu.memref_slice %arg3[%mul3A_2, %dma_wait3A_61] : memref<2500x128xi32, #tpu.memory_space<hbm>> -> memref<20x128xi32, #tpu.memory_space<hbm>>
        tpu.wait_dma2 semaphore(%run_scoped3A : memref<!tpu.dma_semaphore, #tpu.memory_space<semaphore_mem>>) src(%dma_wait3A_62 : memref<20x128xi32, #tpu.memory_space<hbm>>) dst(%dma_wait3A_60 : memref<20x128xi32, #tpu.memory_space<vmem>>)
        tpu.yield
      }) : () -> ()
      "tpu.region"() ({
        %run_scoped3A = tpu.sem_alloc : memref<!tpu.dma_semaphore, #tpu.memory_space<semaphore_mem>>
        %dma_start3A = arith.constant 0 : i32
        %dma_start3A_44 = arith.constant 0 : i32
        %dma_start3A_45 = tpu.memref_slice %arg8[%dma_start3A, %dma_start3A_44] : memref<80x128xi32, #tpu.memory_space<vmem>> -> memref<20x128xi32, #tpu.memory_space<vmem>>
        %dma_start3A_46 = arith.constant 0 : i32
        %dma_start3A_47 = tpu.memref_slice %arg4[%mul3A_2, %dma_start3A_46] : memref<2500x128xi32, #tpu.memory_space<hbm>> -> memref<20x128xi32, #tpu.memory_space<hbm>>
        %dma_start3A_48 = arith.constant 0 : i32
        %dma_start3A_49 = arith.constant 0 : i32
        %dma_start3A_50 = tpu.memref_slice %arg8[%dma_start3A_48, %dma_start3A_49] : memref<80x128xi32, #tpu.memory_space<vmem>> -> memref<20x128xi32, #tpu.memory_space<vmem>>
        %dma_start3A_51 = arith.constant 0 : i32
        %dma_start3A_52 = tpu.memref_slice %arg4[%mul3A_2, %dma_start3A_51] : memref<2500x128xi32, #tpu.memory_space<hbm>> -> memref<20x128xi32, #tpu.memory_space<hbm>>
        tpu.enqueue_dma source(%dma_start3A_52 : memref<20x128xi32, #tpu.memory_space<hbm>>) target(%dma_start3A_50 : memref<20x128xi32, #tpu.memory_space<vmem>>) target_semaphore(%run_scoped3A : memref<!tpu.dma_semaphore, #tpu.memory_space<semaphore_mem>>)
        %dma_wait3A_53 = arith.constant 0 : i32
        %dma_wait3A_54 = arith.constant 0 : i32
        %dma_wait3A_55 = tpu.memref_slice %arg8[%dma_wait3A_53, %dma_wait3A_54] : memref<80x128xi32, #tpu.memory_space<vmem>> -> memref<20x128xi32, #tpu.memory_space<vmem>>
        %dma_wait3A_56 = arith.constant 0 : i32
        %dma_wait3A_57 = tpu.memref_slice %arg4[%mul3A_2, %dma_wait3A_56] : memref<2500x128xi32, #tpu.memory_space<hbm>> -> memref<20x128xi32, #tpu.memory_space<hbm>>
        %dma_wait3A_58 = arith.constant 0 : i32
        %dma_wait3A_59 = arith.constant 0 : i32
        %dma_wait3A_60 = tpu.memref_slice %arg8[%dma_wait3A_58, %dma_wait3A_59] : memref<80x128xi32, #tpu.memory_space<vmem>> -> memref<20x128xi32, #tpu.memory_space<vmem>>
        %dma_wait3A_61 = arith.constant 0 : i32
        %dma_wait3A_62 = tpu.memref_slice %arg4[%mul3A_2, %dma_wait3A_61] : memref<2500x128xi32, #tpu.memory_space<hbm>> -> memref<20x128xi32, #tpu.memory_space<hbm>>
        tpu.wait_dma2 semaphore(%run_scoped3A : memref<!tpu.dma_semaphore, #tpu.memory_space<semaphore_mem>>) src(%dma_wait3A_62 : memref<20x128xi32, #tpu.memory_space<hbm>>) dst(%dma_wait3A_60 : memref<20x128xi32, #tpu.memory_space<vmem>>)
        tpu.yield
      }) : () -> ()
    } else {
    }
    %jit3A = arith.constant 10 : i32
    %jit3A_9 = arith.constant 40 : i32
    %select_n3A = arith.select %eq3A_3, %jit3A, %jit3A_9 : i32
    %mul3A_10 = arith.constant 10240 : i32
    %mul3A_11 = arith.muli %add3A, %mul3A_10 : i32
    %while3A = arith.constant 0 : i32
    %while3A_12 = arith.constant 0 : i32
    %while3A_13 = arith.subi %select_n3A, %while3A_12 : i32
    %while3A_14 = arith.addi %while3A_12, %while3A_13 : i32
    %while3A_15 = arith.constant 1 : i32
    %while3A_16 = arith.divsi %while3A_13, %while3A_15 : i32
    %while3A_17 = arith.muli %while3A_16, %while3A_15 : i32
    %while3A_18 = arith.addi %while3A_12, %while3A_17 : i32
    %while3A_19 = arith.constant 1 : i32
    scf.for %while3A_44 = %while3A_12 to %while3A_18 step %while3A_19  : i32 {
      %mul3A_45 = arith.constant 2 : i32
      %mul3A_46 = arith.muli %mul3A_45, %while3A_44 : i32
      %mul3A_47 = arith.constant 2 : i32
      %mul3A_48 = arith.muli %mul3A_47, %while3A_44 : i32
      %add3A_49 = arith.constant 1 : i32
      %add3A_50 = arith.addi %mul3A_48, %add3A_49 : i32
      %gt3A = arith.constant 0 : i32
      %gt3A_51 = arith.cmpi sgt, %while3A_44, %gt3A : i32
      %convert_element_type3A_52 = arith.extui %gt3A_51 : i1 to i32
      %cond3A_53 = arith.constant 0 : i32
      %cond3A_54 = arith.cmpi ne, %convert_element_type3A_52, %cond3A_53 : i32
      scf.if %cond3A_54 {
        %dma_wait3A_130 = arith.constant 0 : i32
        %dma_wait3A_131 = arith.constant 0 : i32
        %dma_wait3A_132 = tpu.memref_slice %arg5[%dma_wait3A_130, %dma_wait3A_131] : memref<320000x128xf32, #tpu.memory_space<hbm>> -> memref<128x128xf32, #tpu.memory_space<hbm>>
        %dma_wait3A_133 = arith.constant 0 : i32
        %dma_wait3A_134 = arith.constant 0 : i32
        %dma_wait3A_135 = tpu.memref_slice %arg5[%dma_wait3A_133, %dma_wait3A_134] : memref<320000x128xf32, #tpu.memory_space<hbm>> -> memref<128x128xf32, #tpu.memory_space<hbm>>
        tpu.wait_dma2 semaphore(%arg15 : memref<!tpu.dma_semaphore, #tpu.memory_space<semaphore_mem>>) src(%arg9 : memref<128x128xf32, #tpu.memory_space<vmem>>) dst(%dma_wait3A_135 : memref<128x128xf32, #tpu.memory_space<hbm>>)
        %dma_wait3A_136 = arith.constant 0 : i32
        %dma_wait3A_137 = arith.constant 0 : i32
        %dma_wait3A_138 = tpu.memref_slice %arg6[%dma_wait3A_136, %dma_wait3A_137] : memref<320000x128xf32, #tpu.memory_space<hbm>> -> memref<128x128xf32, #tpu.memory_space<hbm>>
        %dma_wait3A_139 = arith.constant 0 : i32
        %dma_wait3A_140 = arith.constant 0 : i32
        %dma_wait3A_141 = tpu.memref_slice %arg6[%dma_wait3A_139, %dma_wait3A_140] : memref<320000x128xf32, #tpu.memory_space<hbm>> -> memref<128x128xf32, #tpu.memory_space<hbm>>
        tpu.wait_dma2 semaphore(%arg15 : memref<!tpu.dma_semaphore, #tpu.memory_space<semaphore_mem>>) src(%arg10 : memref<128x128xf32, #tpu.memory_space<vmem>>) dst(%dma_wait3A_141 : memref<128x128xf32, #tpu.memory_space<hbm>>)
        %dma_wait3A_142 = arith.constant 0 : i32
        %dma_wait3A_143 = arith.constant 0 : i32
        %dma_wait3A_144 = tpu.memref_slice %arg5[%dma_wait3A_142, %dma_wait3A_143] : memref<320000x128xf32, #tpu.memory_space<hbm>> -> memref<128x128xf32, #tpu.memory_space<hbm>>
        %dma_wait3A_145 = arith.constant 0 : i32
        %dma_wait3A_146 = arith.constant 0 : i32
        %dma_wait3A_147 = tpu.memref_slice %arg5[%dma_wait3A_145, %dma_wait3A_146] : memref<320000x128xf32, #tpu.memory_space<hbm>> -> memref<128x128xf32, #tpu.memory_space<hbm>>
        tpu.wait_dma2 semaphore(%arg16 : memref<!tpu.dma_semaphore, #tpu.memory_space<semaphore_mem>>) src(%arg11 : memref<128x128xf32, #tpu.memory_space<vmem>>) dst(%dma_wait3A_147 : memref<128x128xf32, #tpu.memory_space<hbm>>)
        %dma_wait3A_148 = arith.constant 0 : i32
        %dma_wait3A_149 = arith.constant 0 : i32
        %dma_wait3A_150 = tpu.memref_slice %arg6[%dma_wait3A_148, %dma_wait3A_149] : memref<320000x128xf32, #tpu.memory_space<hbm>> -> memref<128x128xf32, #tpu.memory_space<hbm>>
        %dma_wait3A_151 = arith.constant 0 : i32
        %dma_wait3A_152 = arith.constant 0 : i32
        %dma_wait3A_153 = tpu.memref_slice %arg6[%dma_wait3A_151, %dma_wait3A_152] : memref<320000x128xf32, #tpu.memory_space<hbm>> -> memref<128x128xf32, #tpu.memory_space<hbm>>
        tpu.wait_dma2 semaphore(%arg16 : memref<!tpu.dma_semaphore, #tpu.memory_space<semaphore_mem>>) src(%arg12 : memref<128x128xf32, #tpu.memory_space<vmem>>) dst(%dma_wait3A_153 : memref<128x128xf32, #tpu.memory_space<hbm>>)
      } else {
      }
      %dma_start3A = arith.constant 0 : i32
      %dma_start3A_55 = tpu.memref_slice %arg7[%mul3A_46, %dma_start3A] : memref<80x128xi32, #tpu.memory_space<vmem>> -> memref<1x128xi32, #tpu.memory_space<vmem>>
      %dma_start3A_56 = tpu.memref_squeeze %dma_start3A_55 : memref<1x128xi32, #tpu.memory_space<vmem>> -> memref<128xi32, #tpu.memory_space<vmem>>
      %dma_start3A_57 = arith.constant 0 : i32
      %dma_start3A_58 = arith.constant 0 : i32
      %dma_start3A_59 = tpu.memref_slice %arg2[%dma_start3A_57, %dma_start3A_58] : memref<10000x128xf32, #tpu.memory_space<hbm>> -> memref<10000x128xf32, #tpu.memory_space<hbm>>
      tpu.enqueue_indirect_dma source(%dma_start3A_59 : memref<10000x128xf32, #tpu.memory_space<hbm>>) target(%arg9 : memref<128x128xf32, #tpu.memory_space<vmem>>) offsets(%dma_start3A_56 : memref<128xi32, #tpu.memory_space<vmem>>) semaphore(%arg13 : memref<!tpu.dma_semaphore, #tpu.memory_space<semaphore_mem>>)
      %dma_start3A_60 = arith.constant 0 : i32
      %dma_start3A_61 = tpu.memref_slice %arg8[%mul3A_46, %dma_start3A_60] : memref<80x128xi32, #tpu.memory_space<vmem>> -> memref<1x128xi32, #tpu.memory_space<vmem>>
      %dma_start3A_62 = tpu.memref_squeeze %dma_start3A_61 : memref<1x128xi32, #tpu.memory_space<vmem>> -> memref<128xi32, #tpu.memory_space<vmem>>
      %dma_start3A_63 = arith.constant 0 : i32
      %dma_start3A_64 = arith.constant 0 : i32
      %dma_start3A_65 = tpu.memref_slice %arg2[%dma_start3A_63, %dma_start3A_64] : memref<10000x128xf32, #tpu.memory_space<hbm>> -> memref<10000x128xf32, #tpu.memory_space<hbm>>
      tpu.enqueue_indirect_dma source(%dma_start3A_65 : memref<10000x128xf32, #tpu.memory_space<hbm>>) target(%arg10 : memref<128x128xf32, #tpu.memory_space<vmem>>) offsets(%dma_start3A_62 : memref<128xi32, #tpu.memory_space<vmem>>) semaphore(%arg13 : memref<!tpu.dma_semaphore, #tpu.memory_space<semaphore_mem>>)
      %dma_start3A_66 = arith.constant 0 : i32
      %dma_start3A_67 = tpu.memref_slice %arg7[%add3A_50, %dma_start3A_66] : memref<80x128xi32, #tpu.memory_space<vmem>> -> memref<1x128xi32, #tpu.memory_space<vmem>>
      %dma_start3A_68 = tpu.memref_squeeze %dma_start3A_67 : memref<1x128xi32, #tpu.memory_space<vmem>> -> memref<128xi32, #tpu.memory_space<vmem>>
      %dma_start3A_69 = arith.constant 0 : i32
      %dma_start3A_70 = arith.constant 0 : i32
      %dma_start3A_71 = tpu.memref_slice %arg2[%dma_start3A_69, %dma_start3A_70] : memref<10000x128xf32, #tpu.memory_space<hbm>> -> memref<10000x128xf32, #tpu.memory_space<hbm>>
      tpu.enqueue_indirect_dma source(%dma_start3A_71 : memref<10000x128xf32, #tpu.memory_space<hbm>>) target(%arg11 : memref<128x128xf32, #tpu.memory_space<vmem>>) offsets(%dma_start3A_68 : memref<128xi32, #tpu.memory_space<vmem>>) semaphore(%arg14 : memref<!tpu.dma_semaphore, #tpu.memory_space<semaphore_mem>>)
      %dma_start3A_72 = arith.constant 0 : i32
      %dma_start3A_73 = tpu.memref_slice %arg8[%add3A_50, %dma_start3A_72] : memref<80x128xi32, #tpu.memory_space<vmem>> -> memref<1x128xi32, #tpu.memory_space<vmem>>
      %dma_start3A_74 = tpu.memref_squeeze %dma_start3A_73 : memref<1x128xi32, #tpu.memory_space<vmem>> -> memref<128xi32, #tpu.memory_space<vmem>>
      %dma_start3A_75 = arith.constant 0 : i32
      %dma_start3A_76 = arith.constant 0 : i32
      %dma_start3A_77 = tpu.memref_slice %arg2[%dma_start3A_75, %dma_start3A_76] : memref<10000x128xf32, #tpu.memory_space<hbm>> -> memref<10000x128xf32, #tpu.memory_space<hbm>>
      tpu.enqueue_indirect_dma source(%dma_start3A_77 : memref<10000x128xf32, #tpu.memory_space<hbm>>) target(%arg12 : memref<128x128xf32, #tpu.memory_space<vmem>>) offsets(%dma_start3A_74 : memref<128xi32, #tpu.memory_space<vmem>>) semaphore(%arg14 : memref<!tpu.dma_semaphore, #tpu.memory_space<semaphore_mem>>)
      %dma_wait3A_78 = arith.constant 0 : i32
      %dma_wait3A_79 = tpu.memref_slice %arg7[%mul3A_46, %dma_wait3A_78] : memref<80x128xi32, #tpu.memory_space<vmem>> -> memref<1x128xi32, #tpu.memory_space<vmem>>
      %dma_wait3A_80 = tpu.memref_squeeze %dma_wait3A_79 : memref<1x128xi32, #tpu.memory_space<vmem>> -> memref<128xi32, #tpu.memory_space<vmem>>
      %dma_wait3A_81 = arith.constant 0 : i32
      %dma_wait3A_82 = arith.constant 0 : i32
      %dma_wait3A_83 = tpu.memref_slice %arg2[%dma_wait3A_81, %dma_wait3A_82] : memref<10000x128xf32, #tpu.memory_space<hbm>> -> memref<10000x128xf32, #tpu.memory_space<hbm>>
      tpu.wait_indirect_dma semaphore(%arg13 : memref<!tpu.dma_semaphore, #tpu.memory_space<semaphore_mem>>) src(%dma_wait3A_83 : memref<10000x128xf32, #tpu.memory_space<hbm>>) dst(%arg9 : memref<128x128xf32, #tpu.memory_space<vmem>>)
      %dma_wait3A_84 = arith.constant 0 : i32
      %dma_wait3A_85 = tpu.memref_slice %arg8[%mul3A_46, %dma_wait3A_84] : memref<80x128xi32, #tpu.memory_space<vmem>> -> memref<1x128xi32, #tpu.memory_space<vmem>>
      %dma_wait3A_86 = tpu.memref_squeeze %dma_wait3A_85 : memref<1x128xi32, #tpu.memory_space<vmem>> -> memref<128xi32, #tpu.memory_space<vmem>>
      %dma_wait3A_87 = arith.constant 0 : i32
      %dma_wait3A_88 = arith.constant 0 : i32
      %dma_wait3A_89 = tpu.memref_slice %arg2[%dma_wait3A_87, %dma_wait3A_88] : memref<10000x128xf32, #tpu.memory_space<hbm>> -> memref<10000x128xf32, #tpu.memory_space<hbm>>
      tpu.wait_indirect_dma semaphore(%arg13 : memref<!tpu.dma_semaphore, #tpu.memory_space<semaphore_mem>>) src(%dma_wait3A_89 : memref<10000x128xf32, #tpu.memory_space<hbm>>) dst(%arg10 : memref<128x128xf32, #tpu.memory_space<vmem>>)
      %mul3A_90 = arith.constant 128 : i32
      %mul3A_91 = arith.muli %mul3A_46, %mul3A_90 : i32
      %add3A_92 = arith.addi %mul3A_11, %mul3A_91 : i32
      %dma_start3A_93 = arith.constant 0 : i32
      %dma_start3A_94 = tpu.memref_slice %arg5[%add3A_92, %dma_start3A_93] : memref<320000x128xf32, #tpu.memory_space<hbm>> -> memref<128x128xf32, #tpu.memory_space<hbm>>
      %dma_start3A_95 = arith.constant 0 : i32
      %dma_start3A_96 = tpu.memref_slice %arg5[%add3A_92, %dma_start3A_95] : memref<320000x128xf32, #tpu.memory_space<hbm>> -> memref<128x128xf32, #tpu.memory_space<hbm>>
      tpu.enqueue_dma source(%arg9 : memref<128x128xf32, #tpu.memory_space<vmem>>) target(%dma_start3A_96 : memref<128x128xf32, #tpu.memory_space<hbm>>) target_semaphore(%arg15 : memref<!tpu.dma_semaphore, #tpu.memory_space<semaphore_mem>>)
      %mul3A_97 = arith.constant 128 : i32
      %mul3A_98 = arith.muli %mul3A_46, %mul3A_97 : i32
      %add3A_99 = arith.addi %mul3A_11, %mul3A_98 : i32
      %dma_start3A_100 = arith.constant 0 : i32
      %dma_start3A_101 = tpu.memref_slice %arg6[%add3A_99, %dma_start3A_100] : memref<320000x128xf32, #tpu.memory_space<hbm>> -> memref<128x128xf32, #tpu.memory_space<hbm>>
      %dma_start3A_102 = arith.constant 0 : i32
      %dma_start3A_103 = tpu.memref_slice %arg6[%add3A_99, %dma_start3A_102] : memref<320000x128xf32, #tpu.memory_space<hbm>> -> memref<128x128xf32, #tpu.memory_space<hbm>>
      tpu.enqueue_dma source(%arg10 : memref<128x128xf32, #tpu.memory_space<vmem>>) target(%dma_start3A_103 : memref<128x128xf32, #tpu.memory_space<hbm>>) target_semaphore(%arg15 : memref<!tpu.dma_semaphore, #tpu.memory_space<semaphore_mem>>)
      %dma_wait3A_104 = arith.constant 0 : i32
      %dma_wait3A_105 = tpu.memref_slice %arg7[%add3A_50, %dma_wait3A_104] : memref<80x128xi32, #tpu.memory_space<vmem>> -> memref<1x128xi32, #tpu.memory_space<vmem>>
      %dma_wait3A_106 = tpu.memref_squeeze %dma_wait3A_105 : memref<1x128xi32, #tpu.memory_space<vmem>> -> memref<128xi32, #tpu.memory_space<vmem>>
      %dma_wait3A_107 = arith.constant 0 : i32
      %dma_wait3A_108 = arith.constant 0 : i32
      %dma_wait3A_109 = tpu.memref_slice %arg2[%dma_wait3A_107, %dma_wait3A_108] : memref<10000x128xf32, #tpu.memory_space<hbm>> -> memref<10000x128xf32, #tpu.memory_space<hbm>>
      tpu.wait_indirect_dma semaphore(%arg14 : memref<!tpu.dma_semaphore, #tpu.memory_space<semaphore_mem>>) src(%dma_wait3A_109 : memref<10000x128xf32, #tpu.memory_space<hbm>>) dst(%arg11 : memref<128x128xf32, #tpu.memory_space<vmem>>)
      %dma_wait3A_110 = arith.constant 0 : i32
      %dma_wait3A_111 = tpu.memref_slice %arg8[%add3A_50, %dma_wait3A_110] : memref<80x128xi32, #tpu.memory_space<vmem>> -> memref<1x128xi32, #tpu.memory_space<vmem>>
      %dma_wait3A_112 = tpu.memref_squeeze %dma_wait3A_111 : memref<1x128xi32, #tpu.memory_space<vmem>> -> memref<128xi32, #tpu.memory_space<vmem>>
      %dma_wait3A_113 = arith.constant 0 : i32
      %dma_wait3A_114 = arith.constant 0 : i32
      %dma_wait3A_115 = tpu.memref_slice %arg2[%dma_wait3A_113, %dma_wait3A_114] : memref<10000x128xf32, #tpu.memory_space<hbm>> -> memref<10000x128xf32, #tpu.memory_space<hbm>>
      tpu.wait_indirect_dma semaphore(%arg14 : memref<!tpu.dma_semaphore, #tpu.memory_space<semaphore_mem>>) src(%dma_wait3A_115 : memref<10000x128xf32, #tpu.memory_space<hbm>>) dst(%arg12 : memref<128x128xf32, #tpu.memory_space<vmem>>)
      %mul3A_116 = arith.constant 128 : i32
      %mul3A_117 = arith.muli %add3A_50, %mul3A_116 : i32
      %add3A_118 = arith.addi %mul3A_11, %mul3A_117 : i32
      %dma_start3A_119 = arith.constant 0 : i32
      %dma_start3A_120 = tpu.memref_slice %arg5[%add3A_118, %dma_start3A_119] : memref<320000x128xf32, #tpu.memory_space<hbm>> -> memref<128x128xf32, #tpu.memory_space<hbm>>
      %dma_start3A_121 = arith.constant 0 : i32
      %dma_start3A_122 = tpu.memref_slice %arg5[%add3A_118, %dma_start3A_121] : memref<320000x128xf32, #tpu.memory_space<hbm>> -> memref<128x128xf32, #tpu.memory_space<hbm>>
      tpu.enqueue_dma source(%arg11 : memref<128x128xf32, #tpu.memory_space<vmem>>) target(%dma_start3A_122 : memref<128x128xf32, #tpu.memory_space<hbm>>) target_semaphore(%arg16 : memref<!tpu.dma_semaphore, #tpu.memory_space<semaphore_mem>>)
      %mul3A_123 = arith.constant 128 : i32
      %mul3A_124 = arith.muli %add3A_50, %mul3A_123 : i32
      %add3A_125 = arith.addi %mul3A_11, %mul3A_124 : i32
      %dma_start3A_126 = arith.constant 0 : i32
      %dma_start3A_127 = tpu.memref_slice %arg6[%add3A_125, %dma_start3A_126] : memref<320000x128xf32, #tpu.memory_space<hbm>> -> memref<128x128xf32, #tpu.memory_space<hbm>>
      %dma_start3A_128 = arith.constant 0 : i32
      %dma_start3A_129 = tpu.memref_slice %arg6[%add3A_125, %dma_start3A_128] : memref<320000x128xf32, #tpu.memory_space<hbm>> -> memref<128x128xf32, #tpu.memory_space<hbm>>
      tpu.enqueue_dma source(%arg12 : memref<128x128xf32, #tpu.memory_space<vmem>>) target(%dma_start3A_129 : memref<128x128xf32, #tpu.memory_space<hbm>>) target_semaphore(%arg16 : memref<!tpu.dma_semaphore, #tpu.memory_space<semaphore_mem>>)
    }
    %while3A_20 = arith.constant 1 : i32
    scf.for %while3A_44 = %while3A_18 to %while3A_14 step %while3A_20  : i32 {
      %mul3A_45 = arith.constant 2 : i32
      %mul3A_46 = arith.muli %mul3A_45, %while3A_44 : i32
      %mul3A_47 = arith.constant 2 : i32
      %mul3A_48 = arith.muli %mul3A_47, %while3A_44 : i32
      %add3A_49 = arith.constant 1 : i32
      %add3A_50 = arith.addi %mul3A_48, %add3A_49 : i32
      %gt3A = arith.constant 0 : i32
      %gt3A_51 = arith.cmpi sgt, %while3A_44, %gt3A : i32
      %convert_element_type3A_52 = arith.extui %gt3A_51 : i1 to i32
      %cond3A_53 = arith.constant 0 : i32
      %cond3A_54 = arith.cmpi ne, %convert_element_type3A_52, %cond3A_53 : i32
      scf.if %cond3A_54 {
        %dma_wait3A_130 = arith.constant 0 : i32
        %dma_wait3A_131 = arith.constant 0 : i32
        %dma_wait3A_132 = tpu.memref_slice %arg5[%dma_wait3A_130, %dma_wait3A_131] : memref<320000x128xf32, #tpu.memory_space<hbm>> -> memref<128x128xf32, #tpu.memory_space<hbm>>
        %dma_wait3A_133 = arith.constant 0 : i32
        %dma_wait3A_134 = arith.constant 0 : i32
        %dma_wait3A_135 = tpu.memref_slice %arg5[%dma_wait3A_133, %dma_wait3A_134] : memref<320000x128xf32, #tpu.memory_space<hbm>> -> memref<128x128xf32, #tpu.memory_space<hbm>>
        tpu.wait_dma2 semaphore(%arg15 : memref<!tpu.dma_semaphore, #tpu.memory_space<semaphore_mem>>) src(%arg9 : memref<128x128xf32, #tpu.memory_space<vmem>>) dst(%dma_wait3A_135 : memref<128x128xf32, #tpu.memory_space<hbm>>)
        %dma_wait3A_136 = arith.constant 0 : i32
        %dma_wait3A_137 = arith.constant 0 : i32
        %dma_wait3A_138 = tpu.memref_slice %arg6[%dma_wait3A_136, %dma_wait3A_137] : memref<320000x128xf32, #tpu.memory_space<hbm>> -> memref<128x128xf32, #tpu.memory_space<hbm>>
        %dma_wait3A_139 = arith.constant 0 : i32
        %dma_wait3A_140 = arith.constant 0 : i32
        %dma_wait3A_141 = tpu.memref_slice %arg6[%dma_wait3A_139, %dma_wait3A_140] : memref<320000x128xf32, #tpu.memory_space<hbm>> -> memref<128x128xf32, #tpu.memory_space<hbm>>
        tpu.wait_dma2 semaphore(%arg15 : memref<!tpu.dma_semaphore, #tpu.memory_space<semaphore_mem>>) src(%arg10 : memref<128x128xf32, #tpu.memory_space<vmem>>) dst(%dma_wait3A_141 : memref<128x128xf32, #tpu.memory_space<hbm>>)
        %dma_wait3A_142 = arith.constant 0 : i32
        %dma_wait3A_143 = arith.constant 0 : i32
        %dma_wait3A_144 = tpu.memref_slice %arg5[%dma_wait3A_142, %dma_wait3A_143] : memref<320000x128xf32, #tpu.memory_space<hbm>> -> memref<128x128xf32, #tpu.memory_space<hbm>>
        %dma_wait3A_145 = arith.constant 0 : i32
        %dma_wait3A_146 = arith.constant 0 : i32
        %dma_wait3A_147 = tpu.memref_slice %arg5[%dma_wait3A_145, %dma_wait3A_146] : memref<320000x128xf32, #tpu.memory_space<hbm>> -> memref<128x128xf32, #tpu.memory_space<hbm>>
        tpu.wait_dma2 semaphore(%arg16 : memref<!tpu.dma_semaphore, #tpu.memory_space<semaphore_mem>>) src(%arg11 : memref<128x128xf32, #tpu.memory_space<vmem>>) dst(%dma_wait3A_147 : memref<128x128xf32, #tpu.memory_space<hbm>>)
        %dma_wait3A_148 = arith.constant 0 : i32
        %dma_wait3A_149 = arith.constant 0 : i32
        %dma_wait3A_150 = tpu.memref_slice %arg6[%dma_wait3A_148, %dma_wait3A_149] : memref<320000x128xf32, #tpu.memory_space<hbm>> -> memref<128x128xf32, #tpu.memory_space<hbm>>
        %dma_wait3A_151 = arith.constant 0 : i32
        %dma_wait3A_152 = arith.constant 0 : i32
        %dma_wait3A_153 = tpu.memref_slice %arg6[%dma_wait3A_151, %dma_wait3A_152] : memref<320000x128xf32, #tpu.memory_space<hbm>> -> memref<128x128xf32, #tpu.memory_space<hbm>>
        tpu.wait_dma2 semaphore(%arg16 : memref<!tpu.dma_semaphore, #tpu.memory_space<semaphore_mem>>) src(%arg12 : memref<128x128xf32, #tpu.memory_space<vmem>>) dst(%dma_wait3A_153 : memref<128x128xf32, #tpu.memory_space<hbm>>)
      } else {
      }
      %dma_start3A = arith.constant 0 : i32
      %dma_start3A_55 = tpu.memref_slice %arg7[%mul3A_46, %dma_start3A] : memref<80x128xi32, #tpu.memory_space<vmem>> -> memref<1x128xi32, #tpu.memory_space<vmem>>
      %dma_start3A_56 = tpu.memref_squeeze %dma_start3A_55 : memref<1x128xi32, #tpu.memory_space<vmem>> -> memref<128xi32, #tpu.memory_space<vmem>>
      %dma_start3A_57 = arith.constant 0 : i32
      %dma_start3A_58 = arith.constant 0 : i32
      %dma_start3A_59 = tpu.memref_slice %arg2[%dma_start3A_57, %dma_start3A_58] : memref<10000x128xf32, #tpu.memory_space<hbm>> -> memref<10000x128xf32, #tpu.memory_space<hbm>>
      tpu.enqueue_indirect_dma source(%dma_start3A_59 : memref<10000x128xf32, #tpu.memory_space<hbm>>) target(%arg9 : memref<128x128xf32, #tpu.memory_space<vmem>>) offsets(%dma_start3A_56 : memref<128xi32, #tpu.memory_space<vmem>>) semaphore(%arg13 : memref<!tpu.dma_semaphore, #tpu.memory_space<semaphore_mem>>)
      %dma_start3A_60 = arith.constant 0 : i32
      %dma_start3A_61 = tpu.memref_slice %arg8[%mul3A_46, %dma_start3A_60] : memref<80x128xi32, #tpu.memory_space<vmem>> -> memref<1x128xi32, #tpu.memory_space<vmem>>
      %dma_start3A_62 = tpu.memref_squeeze %dma_start3A_61 : memref<1x128xi32, #tpu.memory_space<vmem>> -> memref<128xi32, #tpu.memory_space<vmem>>
      %dma_start3A_63 = arith.constant 0 : i32
      %dma_start3A_64 = arith.constant 0 : i32
      %dma_start3A_65 = tpu.memref_slice %arg2[%dma_start3A_63, %dma_start3A_64] : memref<10000x128xf32, #tpu.memory_space<hbm>> -> memref<10000x128xf32, #tpu.memory_space<hbm>>
      tpu.enqueue_indirect_dma source(%dma_start3A_65 : memref<10000x128xf32, #tpu.memory_space<hbm>>) target(%arg10 : memref<128x128xf32, #tpu.memory_space<vmem>>) offsets(%dma_start3A_62 : memref<128xi32, #tpu.memory_space<vmem>>) semaphore(%arg13 : memref<!tpu.dma_semaphore, #tpu.memory_space<semaphore_mem>>)
      %dma_start3A_66 = arith.constant 0 : i32
      %dma_start3A_67 = tpu.memref_slice %arg7[%add3A_50, %dma_start3A_66] : memref<80x128xi32, #tpu.memory_space<vmem>> -> memref<1x128xi32, #tpu.memory_space<vmem>>
      %dma_start3A_68 = tpu.memref_squeeze %dma_start3A_67 : memref<1x128xi32, #tpu.memory_space<vmem>> -> memref<128xi32, #tpu.memory_space<vmem>>
      %dma_start3A_69 = arith.constant 0 : i32
      %dma_start3A_70 = arith.constant 0 : i32
      %dma_start3A_71 = tpu.memref_slice %arg2[%dma_start3A_69, %dma_start3A_70] : memref<10000x128xf32, #tpu.memory_space<hbm>> -> memref<10000x128xf32, #tpu.memory_space<hbm>>
      tpu.enqueue_indirect_dma source(%dma_start3A_71 : memref<10000x128xf32, #tpu.memory_space<hbm>>) target(%arg11 : memref<128x128xf32, #tpu.memory_space<vmem>>) offsets(%dma_start3A_68 : memref<128xi32, #tpu.memory_space<vmem>>) semaphore(%arg14 : memref<!tpu.dma_semaphore, #tpu.memory_space<semaphore_mem>>)
      %dma_start3A_72 = arith.constant 0 : i32
      %dma_start3A_73 = tpu.memref_slice %arg8[%add3A_50, %dma_start3A_72] : memref<80x128xi32, #tpu.memory_space<vmem>> -> memref<1x128xi32, #tpu.memory_space<vmem>>
      %dma_start3A_74 = tpu.memref_squeeze %dma_start3A_73 : memref<1x128xi32, #tpu.memory_space<vmem>> -> memref<128xi32, #tpu.memory_space<vmem>>
      %dma_start3A_75 = arith.constant 0 : i32
      %dma_start3A_76 = arith.constant 0 : i32
      %dma_start3A_77 = tpu.memref_slice %arg2[%dma_start3A_75, %dma_start3A_76] : memref<10000x128xf32, #tpu.memory_space<hbm>> -> memref<10000x128xf32, #tpu.memory_space<hbm>>
      tpu.enqueue_indirect_dma source(%dma_start3A_77 : memref<10000x128xf32, #tpu.memory_space<hbm>>) target(%arg12 : memref<128x128xf32, #tpu.memory_space<vmem>>) offsets(%dma_start3A_74 : memref<128xi32, #tpu.memory_space<vmem>>) semaphore(%arg14 : memref<!tpu.dma_semaphore, #tpu.memory_space<semaphore_mem>>)
      %dma_wait3A_78 = arith.constant 0 : i32
      %dma_wait3A_79 = tpu.memref_slice %arg7[%mul3A_46, %dma_wait3A_78] : memref<80x128xi32, #tpu.memory_space<vmem>> -> memref<1x128xi32, #tpu.memory_space<vmem>>
      %dma_wait3A_80 = tpu.memref_squeeze %dma_wait3A_79 : memref<1x128xi32, #tpu.memory_space<vmem>> -> memref<128xi32, #tpu.memory_space<vmem>>
      %dma_wait3A_81 = arith.constant 0 : i32
      %dma_wait3A_82 = arith.constant 0 : i32
      %dma_wait3A_83 = tpu.memref_slice %arg2[%dma_wait3A_81, %dma_wait3A_82] : memref<10000x128xf32, #tpu.memory_space<hbm>> -> memref<10000x128xf32, #tpu.memory_space<hbm>>
      tpu.wait_indirect_dma semaphore(%arg13 : memref<!tpu.dma_semaphore, #tpu.memory_space<semaphore_mem>>) src(%dma_wait3A_83 : memref<10000x128xf32, #tpu.memory_space<hbm>>) dst(%arg9 : memref<128x128xf32, #tpu.memory_space<vmem>>)
      %dma_wait3A_84 = arith.constant 0 : i32
      %dma_wait3A_85 = tpu.memref_slice %arg8[%mul3A_46, %dma_wait3A_84] : memref<80x128xi32, #tpu.memory_space<vmem>> -> memref<1x128xi32, #tpu.memory_space<vmem>>
      %dma_wait3A_86 = tpu.memref_squeeze %dma_wait3A_85 : memref<1x128xi32, #tpu.memory_space<vmem>> -> memref<128xi32, #tpu.memory_space<vmem>>
      %dma_wait3A_87 = arith.constant 0 : i32
      %dma_wait3A_88 = arith.constant 0 : i32
      %dma_wait3A_89 = tpu.memref_slice %arg2[%dma_wait3A_87, %dma_wait3A_88] : memref<10000x128xf32, #tpu.memory_space<hbm>> -> memref<10000x128xf32, #tpu.memory_space<hbm>>
      tpu.wait_indirect_dma semaphore(%arg13 : memref<!tpu.dma_semaphore, #tpu.memory_space<semaphore_mem>>) src(%dma_wait3A_89 : memref<10000x128xf32, #tpu.memory_space<hbm>>) dst(%arg10 : memref<128x128xf32, #tpu.memory_space<vmem>>)
      %mul3A_90 = arith.constant 128 : i32
      %mul3A_91 = arith.muli %mul3A_46, %mul3A_90 : i32
      %add3A_92 = arith.addi %mul3A_11, %mul3A_91 : i32
      %dma_start3A_93 = arith.constant 0 : i32
      %dma_start3A_94 = tpu.memref_slice %arg5[%add3A_92, %dma_start3A_93] : memref<320000x128xf32, #tpu.memory_space<hbm>> -> memref<128x128xf32, #tpu.memory_space<hbm>>
      %dma_start3A_95 = arith.constant 0 : i32
      %dma_start3A_96 = tpu.memref_slice %arg5[%add3A_92, %dma_start3A_95] : memref<320000x128xf32, #tpu.memory_space<hbm>> -> memref<128x128xf32, #tpu.memory_space<hbm>>
      tpu.enqueue_dma source(%arg9 : memref<128x128xf32, #tpu.memory_space<vmem>>) target(%dma_start3A_96 : memref<128x128xf32, #tpu.memory_space<hbm>>) target_semaphore(%arg15 : memref<!tpu.dma_semaphore, #tpu.memory_space<semaphore_mem>>)
      %mul3A_97 = arith.constant 128 : i32
      %mul3A_98 = arith.muli %mul3A_46, %mul3A_97 : i32
      %add3A_99 = arith.addi %mul3A_11, %mul3A_98 : i32
      %dma_start3A_100 = arith.constant 0 : i32
      %dma_start3A_101 = tpu.memref_slice %arg6[%add3A_99, %dma_start3A_100] : memref<320000x128xf32, #tpu.memory_space<hbm>> -> memref<128x128xf32, #tpu.memory_space<hbm>>
      %dma_start3A_102 = arith.constant 0 : i32
      %dma_start3A_103 = tpu.memref_slice %arg6[%add3A_99, %dma_start3A_102] : memref<320000x128xf32, #tpu.memory_space<hbm>> -> memref<128x128xf32, #tpu.memory_space<hbm>>
      tpu.enqueue_dma source(%arg10 : memref<128x128xf32, #tpu.memory_space<vmem>>) target(%dma_start3A_103 : memref<128x128xf32, #tpu.memory_space<hbm>>) target_semaphore(%arg15 : memref<!tpu.dma_semaphore, #tpu.memory_space<semaphore_mem>>)
      %dma_wait3A_104 = arith.constant 0 : i32
      %dma_wait3A_105 = tpu.memref_slice %arg7[%add3A_50, %dma_wait3A_104] : memref<80x128xi32, #tpu.memory_space<vmem>> -> memref<1x128xi32, #tpu.memory_space<vmem>>
      %dma_wait3A_106 = tpu.memref_squeeze %dma_wait3A_105 : memref<1x128xi32, #tpu.memory_space<vmem>> -> memref<128xi32, #tpu.memory_space<vmem>>
      %dma_wait3A_107 = arith.constant 0 : i32
      %dma_wait3A_108 = arith.constant 0 : i32
      %dma_wait3A_109 = tpu.memref_slice %arg2[%dma_wait3A_107, %dma_wait3A_108] : memref<10000x128xf32, #tpu.memory_space<hbm>> -> memref<10000x128xf32, #tpu.memory_space<hbm>>
      tpu.wait_indirect_dma semaphore(%arg14 : memref<!tpu.dma_semaphore, #tpu.memory_space<semaphore_mem>>) src(%dma_wait3A_109 : memref<10000x128xf32, #tpu.memory_space<hbm>>) dst(%arg11 : memref<128x128xf32, #tpu.memory_space<vmem>>)
      %dma_wait3A_110 = arith.constant 0 : i32
      %dma_wait3A_111 = tpu.memref_slice %arg8[%add3A_50, %dma_wait3A_110] : memref<80x128xi32, #tpu.memory_space<vmem>> -> memref<1x128xi32, #tpu.memory_space<vmem>>
      %dma_wait3A_112 = tpu.memref_squeeze %dma_wait3A_111 : memref<1x128xi32, #tpu.memory_space<vmem>> -> memref<128xi32, #tpu.memory_space<vmem>>
      %dma_wait3A_113 = arith.constant 0 : i32
      %dma_wait3A_114 = arith.constant 0 : i32
      %dma_wait3A_115 = tpu.memref_slice %arg2[%dma_wait3A_113, %dma_wait3A_114] : memref<10000x128xf32, #tpu.memory_space<hbm>> -> memref<10000x128xf32, #tpu.memory_space<hbm>>
      tpu.wait_indirect_dma semaphore(%arg14 : memref<!tpu.dma_semaphore, #tpu.memory_space<semaphore_mem>>) src(%dma_wait3A_115 : memref<10000x128xf32, #tpu.memory_space<hbm>>) dst(%arg12 : memref<128x128xf32, #tpu.memory_space<vmem>>)
      %mul3A_116 = arith.constant 128 : i32
      %mul3A_117 = arith.muli %add3A_50, %mul3A_116 : i32
      %add3A_118 = arith.addi %mul3A_11, %mul3A_117 : i32
      %dma_start3A_119 = arith.constant 0 : i32
      %dma_start3A_120 = tpu.memref_slice %arg5[%add3A_118, %dma_start3A_119] : memref<320000x128xf32, #tpu.memory_space<hbm>> -> memref<128x128xf32, #tpu.memory_space<hbm>>
      %dma_start3A_121 = arith.constant 0 : i32
      %dma_start3A_122 = tpu.memref_slice %arg5[%add3A_118, %dma_start3A_121] : memref<320000x128xf32, #tpu.memory_space<hbm>> -> memref<128x128xf32, #tpu.memory_space<hbm>>
      tpu.enqueue_dma source(%arg11 : memref<128x128xf32, #tpu.memory_space<vmem>>) target(%dma_start3A_122 : memref<128x128xf32, #tpu.memory_space<hbm>>) target_semaphore(%arg16 : memref<!tpu.dma_semaphore, #tpu.memory_space<semaphore_mem>>)
      %mul3A_123 = arith.constant 128 : i32
      %mul3A_124 = arith.muli %add3A_50, %mul3A_123 : i32
      %add3A_125 = arith.addi %mul3A_11, %mul3A_124 : i32
      %dma_start3A_126 = arith.constant 0 : i32
      %dma_start3A_127 = tpu.memref_slice %arg6[%add3A_125, %dma_start3A_126] : memref<320000x128xf32, #tpu.memory_space<hbm>> -> memref<128x128xf32, #tpu.memory_space<hbm>>
      %dma_start3A_128 = arith.constant 0 : i32
      %dma_start3A_129 = tpu.memref_slice %arg6[%add3A_125, %dma_start3A_128] : memref<320000x128xf32, #tpu.memory_space<hbm>> -> memref<128x128xf32, #tpu.memory_space<hbm>>
      tpu.enqueue_dma source(%arg12 : memref<128x128xf32, #tpu.memory_space<vmem>>) target(%dma_start3A_129 : memref<128x128xf32, #tpu.memory_space<hbm>>) target_semaphore(%arg16 : memref<!tpu.dma_semaphore, #tpu.memory_space<semaphore_mem>>)
    }
    %dma_wait3A = arith.constant 0 : i32
    %dma_wait3A_21 = arith.constant 0 : i32
    %dma_wait3A_22 = tpu.memref_slice %arg5[%dma_wait3A, %dma_wait3A_21] : memref<320000x128xf32, #tpu.memory_space<hbm>> -> memref<128x128xf32, #tpu.memory_space<hbm>>
    %dma_wait3A_23 = arith.constant 0 : i32
    %dma_wait3A_24 = arith.constant 0 : i32
    %dma_wait3A_25 = tpu.memref_slice %arg5[%dma_wait3A_23, %dma_wait3A_24] : memref<320000x128xf32, #tpu.memory_space<hbm>> -> memref<128x128xf32, #tpu.memory_space<hbm>>
    tpu.wait_dma2 semaphore(%arg15 : memref<!tpu.dma_semaphore, #tpu.memory_space<semaphore_mem>>) src(%arg9 : memref<128x128xf32, #tpu.memory_space<vmem>>) dst(%dma_wait3A_25 : memref<128x128xf32, #tpu.memory_space<hbm>>)
    %dma_wait3A_26 = arith.constant 0 : i32
    %dma_wait3A_27 = arith.constant 0 : i32
    %dma_wait3A_28 = tpu.memref_slice %arg6[%dma_wait3A_26, %dma_wait3A_27] : memref<320000x128xf32, #tpu.memory_space<hbm>> -> memref<128x128xf32, #tpu.memory_space<hbm>>
    %dma_wait3A_29 = arith.constant 0 : i32
    %dma_wait3A_30 = arith.constant 0 : i32
    %dma_wait3A_31 = tpu.memref_slice %arg6[%dma_wait3A_29, %dma_wait3A_30] : memref<320000x128xf32, #tpu.memory_space<hbm>> -> memref<128x128xf32, #tpu.memory_space<hbm>>
    tpu.wait_dma2 semaphore(%arg15 : memref<!tpu.dma_semaphore, #tpu.memory_space<semaphore_mem>>) src(%arg10 : memref<128x128xf32, #tpu.memory_space<vmem>>) dst(%dma_wait3A_31 : memref<128x128xf32, #tpu.memory_space<hbm>>)
    %dma_wait3A_32 = arith.constant 0 : i32
    %dma_wait3A_33 = arith.constant 0 : i32
    %dma_wait3A_34 = tpu.memref_slice %arg5[%dma_wait3A_32, %dma_wait3A_33] : memref<320000x128xf32, #tpu.memory_space<hbm>> -> memref<128x128xf32, #tpu.memory_space<hbm>>
    %dma_wait3A_35 = arith.constant 0 : i32
    %dma_wait3A_36 = arith.constant 0 : i32
    %dma_wait3A_37 = tpu.memref_slice %arg5[%dma_wait3A_35, %dma_wait3A_36] : memref<320000x128xf32, #tpu.memory_space<hbm>> -> memref<128x128xf32, #tpu.memory_space<hbm>>
    tpu.wait_dma2 semaphore(%arg16 : memref<!tpu.dma_semaphore, #tpu.memory_space<semaphore_mem>>) src(%arg11 : memref<128x128xf32, #tpu.memory_space<vmem>>) dst(%dma_wait3A_37 : memref<128x128xf32, #tpu.memory_space<hbm>>)
    %dma_wait3A_38 = arith.constant 0 : i32
    %dma_wait3A_39 = arith.constant 0 : i32
    %dma_wait3A_40 = tpu.memref_slice %arg6[%dma_wait3A_38, %dma_wait3A_39] : memref<320000x128xf32, #tpu.memory_space<hbm>> -> memref<128x128xf32, #tpu.memory_space<hbm>>
    %dma_wait3A_41 = arith.constant 0 : i32
    %dma_wait3A_42 = arith.constant 0 : i32
    %dma_wait3A_43 = tpu.memref_slice %arg6[%dma_wait3A_41, %dma_wait3A_42] : memref<320000x128xf32, #tpu.memory_space<hbm>> -> memref<128x128xf32, #tpu.memory_space<hbm>>
    tpu.wait_dma2 semaphore(%arg16 : memref<!tpu.dma_semaphore, #tpu.memory_space<semaphore_mem>>) src(%arg12 : memref<128x128xf32, #tpu.memory_space<vmem>>) dst(%dma_wait3A_43 : memref<128x128xf32, #tpu.memory_space<hbm>>)
    return
  }
}

#map = affine_map<(d0, d1) -> (0, 0)>
module attributes {stable_mosaic.version = 14 : i64} {
  func.func @k(%arg0: i32, %arg1: i32, %arg2: memref<10000x128xf32, #tpu.memory_space<hbm>>, %arg3: memref<2500x128xi32, #tpu.memory_space<hbm>>, %arg4: memref<2500x128xi32, #tpu.memory_space<hbm>>, %arg5: memref<320000x128xf32, #tpu.memory_space<hbm>>, %arg6: memref<320000x128xf32, #tpu.memory_space<hbm>>, %arg7: memref<80x128xi32, #tpu.memory_space<vmem>>, %arg8: memref<80x128xi32, #tpu.memory_space<vmem>>, %arg9: memref<128x128xf32, #tpu.memory_space<vmem>>, %arg10: memref<128x128xf32, #tpu.memory_space<vmem>>, %arg11: memref<128x128xf32, #tpu.memory_space<vmem>>, %arg12: memref<128x128xf32, #tpu.memory_space<vmem>>, %arg13: memref<!tpu.dma_semaphore, #tpu.memory_space<semaphore_mem>>, %arg14: memref<!tpu.dma_semaphore, #tpu.memory_space<semaphore_mem>>, %arg15: memref<!tpu.dma_semaphore, #tpu.memory_space<semaphore_mem>>, %arg16: memref<!tpu.dma_semaphore, #tpu.memory_space<semaphore_mem>>) attributes {dimension_semantics = [#tpu.dimension_semantics<core_parallel>, #tpu.dimension_semantics<subcore_parallel>], iteration_bounds = array<i64: 2, 16>, scalar_prefetch = 0 : i64, scratch_operands = 10 : i64, tpu.core_type = #tpu.core_type<sc_vector_subcore>, window_params = [{transform_indices = #map}, {transform_indices = #map}, {transform_indices = #map}, {transform_indices = #map}, {transform_indices = #map}]} {
    %mul3A = arith.constant 2 : i32
    %mul3A_0 = arith.muli %arg1, %mul3A : i32
    %add3A = arith.addi %mul3A_0, %arg0 : i32
    %mul3A_1 = arith.constant 80 : i32
    %mul3A_2 = arith.muli %add3A, %mul3A_1 : i32
    %eq3A = arith.constant 31 : i32
    %eq3A_3 = arith.cmpi eq, %add3A, %eq3A : i32
    %not3A = arith.constant true
    %not3A_4 = arith.xori %eq3A_3, %not3A : i1
    %convert_element_type3A = arith.extui %not3A_4 : i1 to i32
    %cond3A = arith.constant 0 : i32
    %cond3A_5 = arith.cmpi ne, %convert_element_type3A, %cond3A : i32
    scf.if %cond3A_5 {
      "tpu.region"() ({
        %run_scoped3A = tpu.sem_alloc : memref<!tpu.dma_semaphore, #tpu.memory_space<semaphore_mem>>
        %dma_start3A = arith.constant 0 : i32
        %dma_start3A_44 = tpu.memref_slice %arg3[%mul3A_2, %dma_start3A] : memref<2500x128xi32, #tpu.memory_space<hbm>> -> memref<80x128xi32, #tpu.memory_space<hbm>>
        %dma_start3A_45 = arith.constant 0 : i32
        %dma_start3A_46 = tpu.memref_slice %arg3[%mul3A_2, %dma_start3A_45] : memref<2500x128xi32, #tpu.memory_space<hbm>> -> memref<80x128xi32, #tpu.memory_space<hbm>>
        tpu.enqueue_dma source(%dma_start3A_46 : memref<80x128xi32, #tpu.memory_space<hbm>>) target(%arg7 : memref<80x128xi32, #tpu.memory_space<vmem>>) target_semaphore(%run_scoped3A : memref<!tpu.dma_semaphore, #tpu.memory_space<semaphore_mem>>)
        %dma_wait3A_47 = arith.constant 0 : i32
        %dma_wait3A_48 = tpu.memref_slice %arg3[%mul3A_2, %dma_wait3A_47] : memref<2500x128xi32, #tpu.memory_space<hbm>> -> memref<80x128xi32, #tpu.memory_space<hbm>>
        %dma_wait3A_49 = arith.constant 0 : i32
        %dma_wait3A_50 = tpu.memref_slice %arg3[%mul3A_2, %dma_wait3A_49] : memref<2500x128xi32, #tpu.memory_space<hbm>> -> memref<80x128xi32, #tpu.memory_space<hbm>>
        tpu.wait_dma2 semaphore(%run_scoped3A : memref<!tpu.dma_semaphore, #tpu.memory_space<semaphore_mem>>) src(%dma_wait3A_50 : memref<80x128xi32, #tpu.memory_space<hbm>>) dst(%arg7 : memref<80x128xi32, #tpu.memory_space<vmem>>)
        tpu.yield
      }) : () -> ()
      "tpu.region"() ({
        %run_scoped3A = tpu.sem_alloc : memref<!tpu.dma_semaphore, #tpu.memory_space<semaphore_mem>>
        %dma_start3A = arith.constant 0 : i32
        %dma_start3A_44 = tpu.memref_slice %arg4[%mul3A_2, %dma_start3A] : memref<2500x128xi32, #tpu.memory_space<hbm>> -> memref<80x128xi32, #tpu.memory_space<hbm>>
        %dma_start3A_45 = arith.constant 0 : i32
        %dma_start3A_46 = tpu.memref_slice %arg4[%mul3A_2, %dma_start3A_45] : memref<2500x128xi32, #tpu.memory_space<hbm>> -> memref<80x128xi32, #tpu.memory_space<hbm>>
        tpu.enqueue_dma source(%dma_start3A_46 : memref<80x128xi32, #tpu.memory_space<hbm>>) target(%arg8 : memref<80x128xi32, #tpu.memory_space<vmem>>) target_semaphore(%run_scoped3A : memref<!tpu.dma_semaphore, #tpu.memory_space<semaphore_mem>>)
        %dma_wait3A_47 = arith.constant 0 : i32
        %dma_wait3A_48 = tpu.memref_slice %arg4[%mul3A_2, %dma_wait3A_47] : memref<2500x128xi32, #tpu.memory_space<hbm>> -> memref<80x128xi32, #tpu.memory_space<hbm>>
        %dma_wait3A_49 = arith.constant 0 : i32
        %dma_wait3A_50 = tpu.memref_slice %arg4[%mul3A_2, %dma_wait3A_49] : memref<2500x128xi32, #tpu.memory_space<hbm>> -> memref<80x128xi32, #tpu.memory_space<hbm>>
        tpu.wait_dma2 semaphore(%run_scoped3A : memref<!tpu.dma_semaphore, #tpu.memory_space<semaphore_mem>>) src(%dma_wait3A_50 : memref<80x128xi32, #tpu.memory_space<hbm>>) dst(%arg8 : memref<80x128xi32, #tpu.memory_space<vmem>>)
        tpu.yield
      }) : () -> ()
    } else {
    }
    %convert_element_type3A_6 = arith.extui %eq3A_3 : i1 to i32
    %cond3A_7 = arith.constant 0 : i32
    %cond3A_8 = arith.cmpi ne, %convert_element_type3A_6, %cond3A_7 : i32
    scf.if %cond3A_8 {
      "tpu.region"() ({
        %run_scoped3A = tpu.sem_alloc : memref<!tpu.dma_semaphore, #tpu.memory_space<semaphore_mem>>
        %dma_start3A = arith.constant 0 : i32
        %dma_start3A_44 = arith.constant 0 : i32
        %dma_start3A_45 = tpu.memref_slice %arg7[%dma_start3A, %dma_start3A_44] : memref<80x128xi32, #tpu.memory_space<vmem>> -> memref<20x128xi32, #tpu.memory_space<vmem>>
        %dma_start3A_46 = arith.constant 0 : i32
        %dma_start3A_47 = tpu.memref_slice %arg3[%mul3A_2, %dma_start3A_46] : memref<2500x128xi32, #tpu.memory_space<hbm>> -> memref<20x128xi32, #tpu.memory_space<hbm>>
        %dma_start3A_48 = arith.constant 0 : i32
        %dma_start3A_49 = arith.constant 0 : i32
        %dma_start3A_50 = tpu.memref_slice %arg7[%dma_start3A_48, %dma_start3A_49] : memref<80x128xi32, #tpu.memory_space<vmem>> -> memref<20x128xi32, #tpu.memory_space<vmem>>
        %dma_start3A_51 = arith.constant 0 : i32
        %dma_start3A_52 = tpu.memref_slice %arg3[%mul3A_2, %dma_start3A_51] : memref<2500x128xi32, #tpu.memory_space<hbm>> -> memref<20x128xi32, #tpu.memory_space<hbm>>
        tpu.enqueue_dma source(%dma_start3A_52 : memref<20x128xi32, #tpu.memory_space<hbm>>) target(%dma_start3A_50 : memref<20x128xi32, #tpu.memory_space<vmem>>) target_semaphore(%run_scoped3A : memref<!tpu.dma_semaphore, #tpu.memory_space<semaphore_mem>>)
        %dma_wait3A_53 = arith.constant 0 : i32
        %dma_wait3A_54 = arith.constant 0 : i32
        %dma_wait3A_55 = tpu.memref_slice %arg7[%dma_wait3A_53, %dma_wait3A_54] : memref<80x128xi32, #tpu.memory_space<vmem>> -> memref<20x128xi32, #tpu.memory_space<vmem>>
        %dma_wait3A_56 = arith.constant 0 : i32
        %dma_wait3A_57 = tpu.memref_slice %arg3[%mul3A_2, %dma_wait3A_56] : memref<2500x128xi32, #tpu.memory_space<hbm>> -> memref<20x128xi32, #tpu.memory_space<hbm>>
        %dma_wait3A_58 = arith.constant 0 : i32
        %dma_wait3A_59 = arith.constant 0 : i32
        %dma_wait3A_60 = tpu.memref_slice %arg7[%dma_wait3A_58, %dma_wait3A_59] : memref<80x128xi32, #tpu.memory_space<vmem>> -> memref<20x128xi32, #tpu.memory_space<vmem>>
        %dma_wait3A_61 = arith.constant 0 : i32
        %dma_wait3A_62 = tpu.memref_slice %arg3[%mul3A_2, %dma_wait3A_61] : memref<2500x128xi32, #tpu.memory_space<hbm>> -> memref<20x128xi32, #tpu.memory_space<hbm>>
        tpu.wait_dma2 semaphore(%run_scoped3A : memref<!tpu.dma_semaphore, #tpu.memory_space<semaphore_mem>>) src(%dma_wait3A_62 : memref<20x128xi32, #tpu.memory_space<hbm>>) dst(%dma_wait3A_60 : memref<20x128xi32, #tpu.memory_space<vmem>>)
        tpu.yield
      }) : () -> ()
      "tpu.region"() ({
        %run_scoped3A = tpu.sem_alloc : memref<!tpu.dma_semaphore, #tpu.memory_space<semaphore_mem>>
        %dma_start3A = arith.constant 0 : i32
        %dma_start3A_44 = arith.constant 0 : i32
        %dma_start3A_45 = tpu.memref_slice %arg8[%dma_start3A, %dma_start3A_44] : memref<80x128xi32, #tpu.memory_space<vmem>> -> memref<20x128xi32, #tpu.memory_space<vmem>>
        %dma_start3A_46 = arith.constant 0 : i32
        %dma_start3A_47 = tpu.memref_slice %arg4[%mul3A_2, %dma_start3A_46] : memref<2500x128xi32, #tpu.memory_space<hbm>> -> memref<20x128xi32, #tpu.memory_space<hbm>>
        %dma_start3A_48 = arith.constant 0 : i32
        %dma_start3A_49 = arith.constant 0 : i32
        %dma_start3A_50 = tpu.memref_slice %arg8[%dma_start3A_48, %dma_start3A_49] : memref<80x128xi32, #tpu.memory_space<vmem>> -> memref<20x128xi32, #tpu.memory_space<vmem>>
        %dma_start3A_51 = arith.constant 0 : i32
        %dma_start3A_52 = tpu.memref_slice %arg4[%mul3A_2, %dma_start3A_51] : memref<2500x128xi32, #tpu.memory_space<hbm>> -> memref<20x128xi32, #tpu.memory_space<hbm>>
        tpu.enqueue_dma source(%dma_start3A_52 : memref<20x128xi32, #tpu.memory_space<hbm>>) target(%dma_start3A_50 : memref<20x128xi32, #tpu.memory_space<vmem>>) target_semaphore(%run_scoped3A : memref<!tpu.dma_semaphore, #tpu.memory_space<semaphore_mem>>)
        %dma_wait3A_53 = arith.constant 0 : i32
        %dma_wait3A_54 = arith.constant 0 : i32
        %dma_wait3A_55 = tpu.memref_slice %arg8[%dma_wait3A_53, %dma_wait3A_54] : memref<80x128xi32, #tpu.memory_space<vmem>> -> memref<20x128xi32, #tpu.memory_space<vmem>>
        %dma_wait3A_56 = arith.constant 0 : i32
        %dma_wait3A_57 = tpu.memref_slice %arg4[%mul3A_2, %dma_wait3A_56] : memref<2500x128xi32, #tpu.memory_space<hbm>> -> memref<20x128xi32, #tpu.memory_space<hbm>>
        %dma_wait3A_58 = arith.constant 0 : i32
        %dma_wait3A_59 = arith.constant 0 : i32
        %dma_wait3A_60 = tpu.memref_slice %arg8[%dma_wait3A_58, %dma_wait3A_59] : memref<80x128xi32, #tpu.memory_space<vmem>> -> memref<20x128xi32, #tpu.memory_space<vmem>>
        %dma_wait3A_61 = arith.constant 0 : i32
        %dma_wait3A_62 = tpu.memref_slice %arg4[%mul3A_2, %dma_wait3A_61] : memref<2500x128xi32, #tpu.memory_space<hbm>> -> memref<20x128xi32, #tpu.memory_space<hbm>>
        tpu.wait_dma2 semaphore(%run_scoped3A : memref<!tpu.dma_semaphore, #tpu.memory_space<semaphore_mem>>) src(%dma_wait3A_62 : memref<20x128xi32, #tpu.memory_space<hbm>>) dst(%dma_wait3A_60 : memref<20x128xi32, #tpu.memory_space<vmem>>)
        tpu.yield
      }) : () -> ()
    } else {
    }
    %jit3A = arith.constant 10 : i32
    %jit3A_9 = arith.constant 40 : i32
    %select_n3A = arith.select %eq3A_3, %jit3A, %jit3A_9 : i32
    %mul3A_10 = arith.constant 10240 : i32
    %mul3A_11 = arith.muli %add3A, %mul3A_10 : i32
    %while3A = arith.constant 0 : i32
    %while3A_12 = arith.constant 0 : i32
    %while3A_13 = arith.subi %select_n3A, %while3A_12 : i32
    %while3A_14 = arith.addi %while3A_12, %while3A_13 : i32
    %while3A_15 = arith.constant 1 : i32
    %while3A_16 = arith.divsi %while3A_13, %while3A_15 : i32
    %while3A_17 = arith.muli %while3A_16, %while3A_15 : i32
    %while3A_18 = arith.addi %while3A_12, %while3A_17 : i32
    %while3A_19 = arith.constant 1 : i32
    scf.for %while3A_44 = %while3A_12 to %while3A_18 step %while3A_19  : i32 {
      %mul3A_45 = arith.constant 2 : i32
      %mul3A_46 = arith.muli %mul3A_45, %while3A_44 : i32
      %mul3A_47 = arith.constant 2 : i32
      %mul3A_48 = arith.muli %mul3A_47, %while3A_44 : i32
      %add3A_49 = arith.constant 1 : i32
      %add3A_50 = arith.addi %mul3A_48, %add3A_49 : i32
      %gt3A = arith.constant 0 : i32
      %gt3A_51 = arith.cmpi sgt, %while3A_44, %gt3A : i32
      %convert_element_type3A_52 = arith.extui %gt3A_51 : i1 to i32
      %cond3A_53 = arith.constant 0 : i32
      %cond3A_54 = arith.cmpi ne, %convert_element_type3A_52, %cond3A_53 : i32
      scf.if %cond3A_54 {
        %dma_wait3A_130 = arith.constant 0 : i32
        %dma_wait3A_131 = arith.constant 0 : i32
        %dma_wait3A_132 = tpu.memref_slice %arg5[%dma_wait3A_130, %dma_wait3A_131] : memref<320000x128xf32, #tpu.memory_space<hbm>> -> memref<128x128xf32, #tpu.memory_space<hbm>>
        %dma_wait3A_133 = arith.constant 0 : i32
        %dma_wait3A_134 = arith.constant 0 : i32
        %dma_wait3A_135 = tpu.memref_slice %arg5[%dma_wait3A_133, %dma_wait3A_134] : memref<320000x128xf32, #tpu.memory_space<hbm>> -> memref<128x128xf32, #tpu.memory_space<hbm>>
        tpu.wait_dma2 semaphore(%arg15 : memref<!tpu.dma_semaphore, #tpu.memory_space<semaphore_mem>>) src(%arg9 : memref<128x128xf32, #tpu.memory_space<vmem>>) dst(%dma_wait3A_135 : memref<128x128xf32, #tpu.memory_space<hbm>>)
        %dma_wait3A_136 = arith.constant 0 : i32
        %dma_wait3A_137 = arith.constant 0 : i32
        %dma_wait3A_138 = tpu.memref_slice %arg6[%dma_wait3A_136, %dma_wait3A_137] : memref<320000x128xf32, #tpu.memory_space<hbm>> -> memref<128x128xf32, #tpu.memory_space<hbm>>
        %dma_wait3A_139 = arith.constant 0 : i32
        %dma_wait3A_140 = arith.constant 0 : i32
        %dma_wait3A_141 = tpu.memref_slice %arg6[%dma_wait3A_139, %dma_wait3A_140] : memref<320000x128xf32, #tpu.memory_space<hbm>> -> memref<128x128xf32, #tpu.memory_space<hbm>>
        tpu.wait_dma2 semaphore(%arg15 : memref<!tpu.dma_semaphore, #tpu.memory_space<semaphore_mem>>) src(%arg10 : memref<128x128xf32, #tpu.memory_space<vmem>>) dst(%dma_wait3A_141 : memref<128x128xf32, #tpu.memory_space<hbm>>)
        %dma_wait3A_142 = arith.constant 0 : i32
        %dma_wait3A_143 = arith.constant 0 : i32
        %dma_wait3A_144 = tpu.memref_slice %arg5[%dma_wait3A_142, %dma_wait3A_143] : memref<320000x128xf32, #tpu.memory_space<hbm>> -> memref<128x128xf32, #tpu.memory_space<hbm>>
        %dma_wait3A_145 = arith.constant 0 : i32
        %dma_wait3A_146 = arith.constant 0 : i32
        %dma_wait3A_147 = tpu.memref_slice %arg5[%dma_wait3A_145, %dma_wait3A_146] : memref<320000x128xf32, #tpu.memory_space<hbm>> -> memref<128x128xf32, #tpu.memory_space<hbm>>
        tpu.wait_dma2 semaphore(%arg16 : memref<!tpu.dma_semaphore, #tpu.memory_space<semaphore_mem>>) src(%arg11 : memref<128x128xf32, #tpu.memory_space<vmem>>) dst(%dma_wait3A_147 : memref<128x128xf32, #tpu.memory_space<hbm>>)
        %dma_wait3A_148 = arith.constant 0 : i32
        %dma_wait3A_149 = arith.constant 0 : i32
        %dma_wait3A_150 = tpu.memref_slice %arg6[%dma_wait3A_148, %dma_wait3A_149] : memref<320000x128xf32, #tpu.memory_space<hbm>> -> memref<128x128xf32, #tpu.memory_space<hbm>>
        %dma_wait3A_151 = arith.constant 0 : i32
        %dma_wait3A_152 = arith.constant 0 : i32
        %dma_wait3A_153 = tpu.memref_slice %arg6[%dma_wait3A_151, %dma_wait3A_152] : memref<320000x128xf32, #tpu.memory_space<hbm>> -> memref<128x128xf32, #tpu.memory_space<hbm>>
        tpu.wait_dma2 semaphore(%arg16 : memref<!tpu.dma_semaphore, #tpu.memory_space<semaphore_mem>>) src(%arg12 : memref<128x128xf32, #tpu.memory_space<vmem>>) dst(%dma_wait3A_153 : memref<128x128xf32, #tpu.memory_space<hbm>>)
      } else {
      }
      %dma_start3A = arith.constant 0 : i32
      %dma_start3A_55 = tpu.memref_slice %arg7[%mul3A_46, %dma_start3A] : memref<80x128xi32, #tpu.memory_space<vmem>> -> memref<1x128xi32, #tpu.memory_space<vmem>>
      %dma_start3A_56 = tpu.memref_squeeze %dma_start3A_55 : memref<1x128xi32, #tpu.memory_space<vmem>> -> memref<128xi32, #tpu.memory_space<vmem>>
      %dma_start3A_57 = arith.constant 0 : i32
      %dma_start3A_58 = arith.constant 0 : i32
      %dma_start3A_59 = tpu.memref_slice %arg2[%dma_start3A_57, %dma_start3A_58] : memref<10000x128xf32, #tpu.memory_space<hbm>> -> memref<10000x128xf32, #tpu.memory_space<hbm>>
      tpu.enqueue_indirect_dma source(%dma_start3A_59 : memref<10000x128xf32, #tpu.memory_space<hbm>>) target(%arg9 : memref<128x128xf32, #tpu.memory_space<vmem>>) offsets(%dma_start3A_56 : memref<128xi32, #tpu.memory_space<vmem>>) semaphore(%arg13 : memref<!tpu.dma_semaphore, #tpu.memory_space<semaphore_mem>>)
      %dma_start3A_60 = arith.constant 0 : i32
      %dma_start3A_61 = tpu.memref_slice %arg8[%mul3A_46, %dma_start3A_60] : memref<80x128xi32, #tpu.memory_space<vmem>> -> memref<1x128xi32, #tpu.memory_space<vmem>>
      %dma_start3A_62 = tpu.memref_squeeze %dma_start3A_61 : memref<1x128xi32, #tpu.memory_space<vmem>> -> memref<128xi32, #tpu.memory_space<vmem>>
      %dma_start3A_63 = arith.constant 0 : i32
      %dma_start3A_64 = arith.constant 0 : i32
      %dma_start3A_65 = tpu.memref_slice %arg2[%dma_start3A_63, %dma_start3A_64] : memref<10000x128xf32, #tpu.memory_space<hbm>> -> memref<10000x128xf32, #tpu.memory_space<hbm>>
      tpu.enqueue_indirect_dma source(%dma_start3A_65 : memref<10000x128xf32, #tpu.memory_space<hbm>>) target(%arg10 : memref<128x128xf32, #tpu.memory_space<vmem>>) offsets(%dma_start3A_62 : memref<128xi32, #tpu.memory_space<vmem>>) semaphore(%arg13 : memref<!tpu.dma_semaphore, #tpu.memory_space<semaphore_mem>>)
      %dma_start3A_66 = arith.constant 0 : i32
      %dma_start3A_67 = tpu.memref_slice %arg7[%add3A_50, %dma_start3A_66] : memref<80x128xi32, #tpu.memory_space<vmem>> -> memref<1x128xi32, #tpu.memory_space<vmem>>
      %dma_start3A_68 = tpu.memref_squeeze %dma_start3A_67 : memref<1x128xi32, #tpu.memory_space<vmem>> -> memref<128xi32, #tpu.memory_space<vmem>>
      %dma_start3A_69 = arith.constant 0 : i32
      %dma_start3A_70 = arith.constant 0 : i32
      %dma_start3A_71 = tpu.memref_slice %arg2[%dma_start3A_69, %dma_start3A_70] : memref<10000x128xf32, #tpu.memory_space<hbm>> -> memref<10000x128xf32, #tpu.memory_space<hbm>>
      tpu.enqueue_indirect_dma source(%dma_start3A_71 : memref<10000x128xf32, #tpu.memory_space<hbm>>) target(%arg11 : memref<128x128xf32, #tpu.memory_space<vmem>>) offsets(%dma_start3A_68 : memref<128xi32, #tpu.memory_space<vmem>>) semaphore(%arg14 : memref<!tpu.dma_semaphore, #tpu.memory_space<semaphore_mem>>)
      %dma_start3A_72 = arith.constant 0 : i32
      %dma_start3A_73 = tpu.memref_slice %arg8[%add3A_50, %dma_start3A_72] : memref<80x128xi32, #tpu.memory_space<vmem>> -> memref<1x128xi32, #tpu.memory_space<vmem>>
      %dma_start3A_74 = tpu.memref_squeeze %dma_start3A_73 : memref<1x128xi32, #tpu.memory_space<vmem>> -> memref<128xi32, #tpu.memory_space<vmem>>
      %dma_start3A_75 = arith.constant 0 : i32
      %dma_start3A_76 = arith.constant 0 : i32
      %dma_start3A_77 = tpu.memref_slice %arg2[%dma_start3A_75, %dma_start3A_76] : memref<10000x128xf32, #tpu.memory_space<hbm>> -> memref<10000x128xf32, #tpu.memory_space<hbm>>
      tpu.enqueue_indirect_dma source(%dma_start3A_77 : memref<10000x128xf32, #tpu.memory_space<hbm>>) target(%arg12 : memref<128x128xf32, #tpu.memory_space<vmem>>) offsets(%dma_start3A_74 : memref<128xi32, #tpu.memory_space<vmem>>) semaphore(%arg14 : memref<!tpu.dma_semaphore, #tpu.memory_space<semaphore_mem>>)
      %dma_wait3A_78 = arith.constant 0 : i32
      %dma_wait3A_79 = tpu.memref_slice %arg7[%mul3A_46, %dma_wait3A_78] : memref<80x128xi32, #tpu.memory_space<vmem>> -> memref<1x128xi32, #tpu.memory_space<vmem>>
      %dma_wait3A_80 = tpu.memref_squeeze %dma_wait3A_79 : memref<1x128xi32, #tpu.memory_space<vmem>> -> memref<128xi32, #tpu.memory_space<vmem>>
      %dma_wait3A_81 = arith.constant 0 : i32
      %dma_wait3A_82 = arith.constant 0 : i32
      %dma_wait3A_83 = tpu.memref_slice %arg2[%dma_wait3A_81, %dma_wait3A_82] : memref<10000x128xf32, #tpu.memory_space<hbm>> -> memref<10000x128xf32, #tpu.memory_space<hbm>>
      tpu.wait_indirect_dma semaphore(%arg13 : memref<!tpu.dma_semaphore, #tpu.memory_space<semaphore_mem>>) src(%dma_wait3A_83 : memref<10000x128xf32, #tpu.memory_space<hbm>>) dst(%arg9 : memref<128x128xf32, #tpu.memory_space<vmem>>)
      %dma_wait3A_84 = arith.constant 0 : i32
      %dma_wait3A_85 = tpu.memref_slice %arg8[%mul3A_46, %dma_wait3A_84] : memref<80x128xi32, #tpu.memory_space<vmem>> -> memref<1x128xi32, #tpu.memory_space<vmem>>
      %dma_wait3A_86 = tpu.memref_squeeze %dma_wait3A_85 : memref<1x128xi32, #tpu.memory_space<vmem>> -> memref<128xi32, #tpu.memory_space<vmem>>
      %dma_wait3A_87 = arith.constant 0 : i32
      %dma_wait3A_88 = arith.constant 0 : i32
      %dma_wait3A_89 = tpu.memref_slice %arg2[%dma_wait3A_87, %dma_wait3A_88] : memref<10000x128xf32, #tpu.memory_space<hbm>> -> memref<10000x128xf32, #tpu.memory_space<hbm>>
      tpu.wait_indirect_dma semaphore(%arg13 : memref<!tpu.dma_semaphore, #tpu.memory_space<semaphore_mem>>) src(%dma_wait3A_89 : memref<10000x128xf32, #tpu.memory_space<hbm>>) dst(%arg10 : memref<128x128xf32, #tpu.memory_space<vmem>>)
      %mul3A_90 = arith.constant 128 : i32
      %mul3A_91 = arith.muli %mul3A_46, %mul3A_90 : i32
      %add3A_92 = arith.addi %mul3A_11, %mul3A_91 : i32
      %dma_start3A_93 = arith.constant 0 : i32
      %dma_start3A_94 = tpu.memref_slice %arg5[%add3A_92, %dma_start3A_93] : memref<320000x128xf32, #tpu.memory_space<hbm>> -> memref<128x128xf32, #tpu.memory_space<hbm>>
      %dma_start3A_95 = arith.constant 0 : i32
      %dma_start3A_96 = tpu.memref_slice %arg5[%add3A_92, %dma_start3A_95] : memref<320000x128xf32, #tpu.memory_space<hbm>> -> memref<128x128xf32, #tpu.memory_space<hbm>>
      tpu.enqueue_dma source(%arg9 : memref<128x128xf32, #tpu.memory_space<vmem>>) target(%dma_start3A_96 : memref<128x128xf32, #tpu.memory_space<hbm>>) target_semaphore(%arg15 : memref<!tpu.dma_semaphore, #tpu.memory_space<semaphore_mem>>)
      %mul3A_97 = arith.constant 128 : i32
      %mul3A_98 = arith.muli %mul3A_46, %mul3A_97 : i32
      %add3A_99 = arith.addi %mul3A_11, %mul3A_98 : i32
      %dma_start3A_100 = arith.constant 0 : i32
      %dma_start3A_101 = tpu.memref_slice %arg6[%add3A_99, %dma_start3A_100] : memref<320000x128xf32, #tpu.memory_space<hbm>> -> memref<128x128xf32, #tpu.memory_space<hbm>>
      %dma_start3A_102 = arith.constant 0 : i32
      %dma_start3A_103 = tpu.memref_slice %arg6[%add3A_99, %dma_start3A_102] : memref<320000x128xf32, #tpu.memory_space<hbm>> -> memref<128x128xf32, #tpu.memory_space<hbm>>
      tpu.enqueue_dma source(%arg10 : memref<128x128xf32, #tpu.memory_space<vmem>>) target(%dma_start3A_103 : memref<128x128xf32, #tpu.memory_space<hbm>>) target_semaphore(%arg15 : memref<!tpu.dma_semaphore, #tpu.memory_space<semaphore_mem>>)
      %dma_wait3A_104 = arith.constant 0 : i32
      %dma_wait3A_105 = tpu.memref_slice %arg7[%add3A_50, %dma_wait3A_104] : memref<80x128xi32, #tpu.memory_space<vmem>> -> memref<1x128xi32, #tpu.memory_space<vmem>>
      %dma_wait3A_106 = tpu.memref_squeeze %dma_wait3A_105 : memref<1x128xi32, #tpu.memory_space<vmem>> -> memref<128xi32, #tpu.memory_space<vmem>>
      %dma_wait3A_107 = arith.constant 0 : i32
      %dma_wait3A_108 = arith.constant 0 : i32
      %dma_wait3A_109 = tpu.memref_slice %arg2[%dma_wait3A_107, %dma_wait3A_108] : memref<10000x128xf32, #tpu.memory_space<hbm>> -> memref<10000x128xf32, #tpu.memory_space<hbm>>
      tpu.wait_indirect_dma semaphore(%arg14 : memref<!tpu.dma_semaphore, #tpu.memory_space<semaphore_mem>>) src(%dma_wait3A_109 : memref<10000x128xf32, #tpu.memory_space<hbm>>) dst(%arg11 : memref<128x128xf32, #tpu.memory_space<vmem>>)
      %dma_wait3A_110 = arith.constant 0 : i32
      %dma_wait3A_111 = tpu.memref_slice %arg8[%add3A_50, %dma_wait3A_110] : memref<80x128xi32, #tpu.memory_space<vmem>> -> memref<1x128xi32, #tpu.memory_space<vmem>>
      %dma_wait3A_112 = tpu.memref_squeeze %dma_wait3A_111 : memref<1x128xi32, #tpu.memory_space<vmem>> -> memref<128xi32, #tpu.memory_space<vmem>>
      %dma_wait3A_113 = arith.constant 0 : i32
      %dma_wait3A_114 = arith.constant 0 : i32
      %dma_wait3A_115 = tpu.memref_slice %arg2[%dma_wait3A_113, %dma_wait3A_114] : memref<10000x128xf32, #tpu.memory_space<hbm>> -> memref<10000x128xf32, #tpu.memory_space<hbm>>
      tpu.wait_indirect_dma semaphore(%arg14 : memref<!tpu.dma_semaphore, #tpu.memory_space<semaphore_mem>>) src(%dma_wait3A_115 : memref<10000x128xf32, #tpu.memory_space<hbm>>) dst(%arg12 : memref<128x128xf32, #tpu.memory_space<vmem>>)
      %mul3A_116 = arith.constant 128 : i32
      %mul3A_117 = arith.muli %add3A_50, %mul3A_116 : i32
      %add3A_118 = arith.addi %mul3A_11, %mul3A_117 : i32
      %dma_start3A_119 = arith.constant 0 : i32
      %dma_start3A_120 = tpu.memref_slice %arg5[%add3A_118, %dma_start3A_119] : memref<320000x128xf32, #tpu.memory_space<hbm>> -> memref<128x128xf32, #tpu.memory_space<hbm>>
      %dma_start3A_121 = arith.constant 0 : i32
      %dma_start3A_122 = tpu.memref_slice %arg5[%add3A_118, %dma_start3A_121] : memref<320000x128xf32, #tpu.memory_space<hbm>> -> memref<128x128xf32, #tpu.memory_space<hbm>>
      tpu.enqueue_dma source(%arg11 : memref<128x128xf32, #tpu.memory_space<vmem>>) target(%dma_start3A_122 : memref<128x128xf32, #tpu.memory_space<hbm>>) target_semaphore(%arg16 : memref<!tpu.dma_semaphore, #tpu.memory_space<semaphore_mem>>)
      %mul3A_123 = arith.constant 128 : i32
      %mul3A_124 = arith.muli %add3A_50, %mul3A_123 : i32
      %add3A_125 = arith.addi %mul3A_11, %mul3A_124 : i32
      %dma_start3A_126 = arith.constant 0 : i32
      %dma_start3A_127 = tpu.memref_slice %arg6[%add3A_125, %dma_start3A_126] : memref<320000x128xf32, #tpu.memory_space<hbm>> -> memref<128x128xf32, #tpu.memory_space<hbm>>
      %dma_start3A_128 = arith.constant 0 : i32
      %dma_start3A_129 = tpu.memref_slice %arg6[%add3A_125, %dma_start3A_128] : memref<320000x128xf32, #tpu.memory_space<hbm>> -> memref<128x128xf32, #tpu.memory_space<hbm>>
      tpu.enqueue_dma source(%arg12 : memref<128x128xf32, #tpu.memory_space<vmem>>) target(%dma_start3A_129 : memref<128x128xf32, #tpu.memory_space<hbm>>) target_semaphore(%arg16 : memref<!tpu.dma_semaphore, #tpu.memory_space<semaphore_mem>>)
    }
    %while3A_20 = arith.constant 1 : i32
    scf.for %while3A_44 = %while3A_18 to %while3A_14 step %while3A_20  : i32 {
      %mul3A_45 = arith.constant 2 : i32
      %mul3A_46 = arith.muli %mul3A_45, %while3A_44 : i32
      %mul3A_47 = arith.constant 2 : i32
      %mul3A_48 = arith.muli %mul3A_47, %while3A_44 : i32
      %add3A_49 = arith.constant 1 : i32
      %add3A_50 = arith.addi %mul3A_48, %add3A_49 : i32
      %gt3A = arith.constant 0 : i32
      %gt3A_51 = arith.cmpi sgt, %while3A_44, %gt3A : i32
      %convert_element_type3A_52 = arith.extui %gt3A_51 : i1 to i32
      %cond3A_53 = arith.constant 0 : i32
      %cond3A_54 = arith.cmpi ne, %convert_element_type3A_52, %cond3A_53 : i32
      scf.if %cond3A_54 {
        %dma_wait3A_130 = arith.constant 0 : i32
        %dma_wait3A_131 = arith.constant 0 : i32
        %dma_wait3A_132 = tpu.memref_slice %arg5[%dma_wait3A_130, %dma_wait3A_131] : memref<320000x128xf32, #tpu.memory_space<hbm>> -> memref<128x128xf32, #tpu.memory_space<hbm>>
        %dma_wait3A_133 = arith.constant 0 : i32
        %dma_wait3A_134 = arith.constant 0 : i32
        %dma_wait3A_135 = tpu.memref_slice %arg5[%dma_wait3A_133, %dma_wait3A_134] : memref<320000x128xf32, #tpu.memory_space<hbm>> -> memref<128x128xf32, #tpu.memory_space<hbm>>
        tpu.wait_dma2 semaphore(%arg15 : memref<!tpu.dma_semaphore, #tpu.memory_space<semaphore_mem>>) src(%arg9 : memref<128x128xf32, #tpu.memory_space<vmem>>) dst(%dma_wait3A_135 : memref<128x128xf32, #tpu.memory_space<hbm>>)
        %dma_wait3A_136 = arith.constant 0 : i32
        %dma_wait3A_137 = arith.constant 0 : i32
        %dma_wait3A_138 = tpu.memref_slice %arg6[%dma_wait3A_136, %dma_wait3A_137] : memref<320000x128xf32, #tpu.memory_space<hbm>> -> memref<128x128xf32, #tpu.memory_space<hbm>>
        %dma_wait3A_139 = arith.constant 0 : i32
        %dma_wait3A_140 = arith.constant 0 : i32
        %dma_wait3A_141 = tpu.memref_slice %arg6[%dma_wait3A_139, %dma_wait3A_140] : memref<320000x128xf32, #tpu.memory_space<hbm>> -> memref<128x128xf32, #tpu.memory_space<hbm>>
        tpu.wait_dma2 semaphore(%arg15 : memref<!tpu.dma_semaphore, #tpu.memory_space<semaphore_mem>>) src(%arg10 : memref<128x128xf32, #tpu.memory_space<vmem>>) dst(%dma_wait3A_141 : memref<128x128xf32, #tpu.memory_space<hbm>>)
        %dma_wait3A_142 = arith.constant 0 : i32
        %dma_wait3A_143 = arith.constant 0 : i32
        %dma_wait3A_144 = tpu.memref_slice %arg5[%dma_wait3A_142, %dma_wait3A_143] : memref<320000x128xf32, #tpu.memory_space<hbm>> -> memref<128x128xf32, #tpu.memory_space<hbm>>
        %dma_wait3A_145 = arith.constant 0 : i32
        %dma_wait3A_146 = arith.constant 0 : i32
        %dma_wait3A_147 = tpu.memref_slice %arg5[%dma_wait3A_145, %dma_wait3A_146] : memref<320000x128xf32, #tpu.memory_space<hbm>> -> memref<128x128xf32, #tpu.memory_space<hbm>>
        tpu.wait_dma2 semaphore(%arg16 : memref<!tpu.dma_semaphore, #tpu.memory_space<semaphore_mem>>) src(%arg11 : memref<128x128xf32, #tpu.memory_space<vmem>>) dst(%dma_wait3A_147 : memref<128x128xf32, #tpu.memory_space<hbm>>)
        %dma_wait3A_148 = arith.constant 0 : i32
        %dma_wait3A_149 = arith.constant 0 : i32
        %dma_wait3A_150 = tpu.memref_slice %arg6[%dma_wait3A_148, %dma_wait3A_149] : memref<320000x128xf32, #tpu.memory_space<hbm>> -> memref<128x128xf32, #tpu.memory_space<hbm>>
        %dma_wait3A_151 = arith.constant 0 : i32
        %dma_wait3A_152 = arith.constant 0 : i32
        %dma_wait3A_153 = tpu.memref_slice %arg6[%dma_wait3A_151, %dma_wait3A_152] : memref<320000x128xf32, #tpu.memory_space<hbm>> -> memref<128x128xf32, #tpu.memory_space<hbm>>
        tpu.wait_dma2 semaphore(%arg16 : memref<!tpu.dma_semaphore, #tpu.memory_space<semaphore_mem>>) src(%arg12 : memref<128x128xf32, #tpu.memory_space<vmem>>) dst(%dma_wait3A_153 : memref<128x128xf32, #tpu.memory_space<hbm>>)
      } else {
      }
      %dma_start3A = arith.constant 0 : i32
      %dma_start3A_55 = tpu.memref_slice %arg7[%mul3A_46, %dma_start3A] : memref<80x128xi32, #tpu.memory_space<vmem>> -> memref<1x128xi32, #tpu.memory_space<vmem>>
      %dma_start3A_56 = tpu.memref_squeeze %dma_start3A_55 : memref<1x128xi32, #tpu.memory_space<vmem>> -> memref<128xi32, #tpu.memory_space<vmem>>
      %dma_start3A_57 = arith.constant 0 : i32
      %dma_start3A_58 = arith.constant 0 : i32
      %dma_start3A_59 = tpu.memref_slice %arg2[%dma_start3A_57, %dma_start3A_58] : memref<10000x128xf32, #tpu.memory_space<hbm>> -> memref<10000x128xf32, #tpu.memory_space<hbm>>
      tpu.enqueue_indirect_dma source(%dma_start3A_59 : memref<10000x128xf32, #tpu.memory_space<hbm>>) target(%arg9 : memref<128x128xf32, #tpu.memory_space<vmem>>) offsets(%dma_start3A_56 : memref<128xi32, #tpu.memory_space<vmem>>) semaphore(%arg13 : memref<!tpu.dma_semaphore, #tpu.memory_space<semaphore_mem>>)
      %dma_start3A_60 = arith.constant 0 : i32
      %dma_start3A_61 = tpu.memref_slice %arg8[%mul3A_46, %dma_start3A_60] : memref<80x128xi32, #tpu.memory_space<vmem>> -> memref<1x128xi32, #tpu.memory_space<vmem>>
      %dma_start3A_62 = tpu.memref_squeeze %dma_start3A_61 : memref<1x128xi32, #tpu.memory_space<vmem>> -> memref<128xi32, #tpu.memory_space<vmem>>
      %dma_start3A_63 = arith.constant 0 : i32
      %dma_start3A_64 = arith.constant 0 : i32
      %dma_start3A_65 = tpu.memref_slice %arg2[%dma_start3A_63, %dma_start3A_64] : memref<10000x128xf32, #tpu.memory_space<hbm>> -> memref<10000x128xf32, #tpu.memory_space<hbm>>
      tpu.enqueue_indirect_dma source(%dma_start3A_65 : memref<10000x128xf32, #tpu.memory_space<hbm>>) target(%arg10 : memref<128x128xf32, #tpu.memory_space<vmem>>) offsets(%dma_start3A_62 : memref<128xi32, #tpu.memory_space<vmem>>) semaphore(%arg13 : memref<!tpu.dma_semaphore, #tpu.memory_space<semaphore_mem>>)
      %dma_start3A_66 = arith.constant 0 : i32
      %dma_start3A_67 = tpu.memref_slice %arg7[%add3A_50, %dma_start3A_66] : memref<80x128xi32, #tpu.memory_space<vmem>> -> memref<1x128xi32, #tpu.memory_space<vmem>>
      %dma_start3A_68 = tpu.memref_squeeze %dma_start3A_67 : memref<1x128xi32, #tpu.memory_space<vmem>> -> memref<128xi32, #tpu.memory_space<vmem>>
      %dma_start3A_69 = arith.constant 0 : i32
      %dma_start3A_70 = arith.constant 0 : i32
      %dma_start3A_71 = tpu.memref_slice %arg2[%dma_start3A_69, %dma_start3A_70] : memref<10000x128xf32, #tpu.memory_space<hbm>> -> memref<10000x128xf32, #tpu.memory_space<hbm>>
      tpu.enqueue_indirect_dma source(%dma_start3A_71 : memref<10000x128xf32, #tpu.memory_space<hbm>>) target(%arg11 : memref<128x128xf32, #tpu.memory_space<vmem>>) offsets(%dma_start3A_68 : memref<128xi32, #tpu.memory_space<vmem>>) semaphore(%arg14 : memref<!tpu.dma_semaphore, #tpu.memory_space<semaphore_mem>>)
      %dma_start3A_72 = arith.constant 0 : i32
      %dma_start3A_73 = tpu.memref_slice %arg8[%add3A_50, %dma_start3A_72] : memref<80x128xi32, #tpu.memory_space<vmem>> -> memref<1x128xi32, #tpu.memory_space<vmem>>
      %dma_start3A_74 = tpu.memref_squeeze %dma_start3A_73 : memref<1x128xi32, #tpu.memory_space<vmem>> -> memref<128xi32, #tpu.memory_space<vmem>>
      %dma_start3A_75 = arith.constant 0 : i32
      %dma_start3A_76 = arith.constant 0 : i32
      %dma_start3A_77 = tpu.memref_slice %arg2[%dma_start3A_75, %dma_start3A_76] : memref<10000x128xf32, #tpu.memory_space<hbm>> -> memref<10000x128xf32, #tpu.memory_space<hbm>>
      tpu.enqueue_indirect_dma source(%dma_start3A_77 : memref<10000x128xf32, #tpu.memory_space<hbm>>) target(%arg12 : memref<128x128xf32, #tpu.memory_space<vmem>>) offsets(%dma_start3A_74 : memref<128xi32, #tpu.memory_space<vmem>>) semaphore(%arg14 : memref<!tpu.dma_semaphore, #tpu.memory_space<semaphore_mem>>)
      %dma_wait3A_78 = arith.constant 0 : i32
      %dma_wait3A_79 = tpu.memref_slice %arg7[%mul3A_46, %dma_wait3A_78] : memref<80x128xi32, #tpu.memory_space<vmem>> -> memref<1x128xi32, #tpu.memory_space<vmem>>
      %dma_wait3A_80 = tpu.memref_squeeze %dma_wait3A_79 : memref<1x128xi32, #tpu.memory_space<vmem>> -> memref<128xi32, #tpu.memory_space<vmem>>
      %dma_wait3A_81 = arith.constant 0 : i32
      %dma_wait3A_82 = arith.constant 0 : i32
      %dma_wait3A_83 = tpu.memref_slice %arg2[%dma_wait3A_81, %dma_wait3A_82] : memref<10000x128xf32, #tpu.memory_space<hbm>> -> memref<10000x128xf32, #tpu.memory_space<hbm>>
      tpu.wait_indirect_dma semaphore(%arg13 : memref<!tpu.dma_semaphore, #tpu.memory_space<semaphore_mem>>) src(%dma_wait3A_83 : memref<10000x128xf32, #tpu.memory_space<hbm>>) dst(%arg9 : memref<128x128xf32, #tpu.memory_space<vmem>>)
      %dma_wait3A_84 = arith.constant 0 : i32
      %dma_wait3A_85 = tpu.memref_slice %arg8[%mul3A_46, %dma_wait3A_84] : memref<80x128xi32, #tpu.memory_space<vmem>> -> memref<1x128xi32, #tpu.memory_space<vmem>>
      %dma_wait3A_86 = tpu.memref_squeeze %dma_wait3A_85 : memref<1x128xi32, #tpu.memory_space<vmem>> -> memref<128xi32, #tpu.memory_space<vmem>>
      %dma_wait3A_87 = arith.constant 0 : i32
      %dma_wait3A_88 = arith.constant 0 : i32
      %dma_wait3A_89 = tpu.memref_slice %arg2[%dma_wait3A_87, %dma_wait3A_88] : memref<10000x128xf32, #tpu.memory_space<hbm>> -> memref<10000x128xf32, #tpu.memory_space<hbm>>
      tpu.wait_indirect_dma semaphore(%arg13 : memref<!tpu.dma_semaphore, #tpu.memory_space<semaphore_mem>>) src(%dma_wait3A_89 : memref<10000x128xf32, #tpu.memory_space<hbm>>) dst(%arg10 : memref<128x128xf32, #tpu.memory_space<vmem>>)
      %mul3A_90 = arith.constant 128 : i32
      %mul3A_91 = arith.muli %mul3A_46, %mul3A_90 : i32
      %add3A_92 = arith.addi %mul3A_11, %mul3A_91 : i32
      %dma_start3A_93 = arith.constant 0 : i32
      %dma_start3A_94 = tpu.memref_slice %arg5[%add3A_92, %dma_start3A_93] : memref<320000x128xf32, #tpu.memory_space<hbm>> -> memref<128x128xf32, #tpu.memory_space<hbm>>
      %dma_start3A_95 = arith.constant 0 : i32
      %dma_start3A_96 = tpu.memref_slice %arg5[%add3A_92, %dma_start3A_95] : memref<320000x128xf32, #tpu.memory_space<hbm>> -> memref<128x128xf32, #tpu.memory_space<hbm>>
      tpu.enqueue_dma source(%arg9 : memref<128x128xf32, #tpu.memory_space<vmem>>) target(%dma_start3A_96 : memref<128x128xf32, #tpu.memory_space<hbm>>) target_semaphore(%arg15 : memref<!tpu.dma_semaphore, #tpu.memory_space<semaphore_mem>>)
      %mul3A_97 = arith.constant 128 : i32
      %mul3A_98 = arith.muli %mul3A_46, %mul3A_97 : i32
      %add3A_99 = arith.addi %mul3A_11, %mul3A_98 : i32
      %dma_start3A_100 = arith.constant 0 : i32
      %dma_start3A_101 = tpu.memref_slice %arg6[%add3A_99, %dma_start3A_100] : memref<320000x128xf32, #tpu.memory_space<hbm>> -> memref<128x128xf32, #tpu.memory_space<hbm>>
      %dma_start3A_102 = arith.constant 0 : i32
      %dma_start3A_103 = tpu.memref_slice %arg6[%add3A_99, %dma_start3A_102] : memref<320000x128xf32, #tpu.memory_space<hbm>> -> memref<128x128xf32, #tpu.memory_space<hbm>>
      tpu.enqueue_dma source(%arg10 : memref<128x128xf32, #tpu.memory_space<vmem>>) target(%dma_start3A_103 : memref<128x128xf32, #tpu.memory_space<hbm>>) target_semaphore(%arg15 : memref<!tpu.dma_semaphore, #tpu.memory_space<semaphore_mem>>)
      %dma_wait3A_104 = arith.constant 0 : i32
      %dma_wait3A_105 = tpu.memref_slice %arg7[%add3A_50, %dma_wait3A_104] : memref<80x128xi32, #tpu.memory_space<vmem>> -> memref<1x128xi32, #tpu.memory_space<vmem>>
      %dma_wait3A_106 = tpu.memref_squeeze %dma_wait3A_105 : memref<1x128xi32, #tpu.memory_space<vmem>> -> memref<128xi32, #tpu.memory_space<vmem>>
      %dma_wait3A_107 = arith.constant 0 : i32
      %dma_wait3A_108 = arith.constant 0 : i32
      %dma_wait3A_109 = tpu.memref_slice %arg2[%dma_wait3A_107, %dma_wait3A_108] : memref<10000x128xf32, #tpu.memory_space<hbm>> -> memref<10000x128xf32, #tpu.memory_space<hbm>>
      tpu.wait_indirect_dma semaphore(%arg14 : memref<!tpu.dma_semaphore, #tpu.memory_space<semaphore_mem>>) src(%dma_wait3A_109 : memref<10000x128xf32, #tpu.memory_space<hbm>>) dst(%arg11 : memref<128x128xf32, #tpu.memory_space<vmem>>)
      %dma_wait3A_110 = arith.constant 0 : i32
      %dma_wait3A_111 = tpu.memref_slice %arg8[%add3A_50, %dma_wait3A_110] : memref<80x128xi32, #tpu.memory_space<vmem>> -> memref<1x128xi32, #tpu.memory_space<vmem>>
      %dma_wait3A_112 = tpu.memref_squeeze %dma_wait3A_111 : memref<1x128xi32, #tpu.memory_space<vmem>> -> memref<128xi32, #tpu.memory_space<vmem>>
      %dma_wait3A_113 = arith.constant 0 : i32
      %dma_wait3A_114 = arith.constant 0 : i32
      %dma_wait3A_115 = tpu.memref_slice %arg2[%dma_wait3A_113, %dma_wait3A_114] : memref<10000x128xf32, #tpu.memory_space<hbm>> -> memref<10000x128xf32, #tpu.memory_space<hbm>>
      tpu.wait_indirect_dma semaphore(%arg14 : memref<!tpu.dma_semaphore, #tpu.memory_space<semaphore_mem>>) src(%dma_wait3A_115 : memref<10000x128xf32, #tpu.memory_space<hbm>>) dst(%arg12 : memref<128x128xf32, #tpu.memory_space<vmem>>)
      %mul3A_116 = arith.constant 128 : i32
      %mul3A_117 = arith.muli %add3A_50, %mul3A_116 : i32
      %add3A_118 = arith.addi %mul3A_11, %mul3A_117 : i32
      %dma_start3A_119 = arith.constant 0 : i32
      %dma_start3A_120 = tpu.memref_slice %arg5[%add3A_118, %dma_start3A_119] : memref<320000x128xf32, #tpu.memory_space<hbm>> -> memref<128x128xf32, #tpu.memory_space<hbm>>
      %dma_start3A_121 = arith.constant 0 : i32
      %dma_start3A_122 = tpu.memref_slice %arg5[%add3A_118, %dma_start3A_121] : memref<320000x128xf32, #tpu.memory_space<hbm>> -> memref<128x128xf32, #tpu.memory_space<hbm>>
      tpu.enqueue_dma source(%arg11 : memref<128x128xf32, #tpu.memory_space<vmem>>) target(%dma_start3A_122 : memref<128x128xf32, #tpu.memory_space<hbm>>) target_semaphore(%arg16 : memref<!tpu.dma_semaphore, #tpu.memory_space<semaphore_mem>>)
      %mul3A_123 = arith.constant 128 : i32
      %mul3A_124 = arith.muli %add3A_50, %mul3A_123 : i32
      %add3A_125 = arith.addi %mul3A_11, %mul3A_124 : i32
      %dma_start3A_126 = arith.constant 0 : i32
      %dma_start3A_127 = tpu.memref_slice %arg6[%add3A_125, %dma_start3A_126] : memref<320000x128xf32, #tpu.memory_space<hbm>> -> memref<128x128xf32, #tpu.memory_space<hbm>>
      %dma_start3A_128 = arith.constant 0 : i32
      %dma_start3A_129 = tpu.memref_slice %arg6[%add3A_125, %dma_start3A_128] : memref<320000x128xf32, #tpu.memory_space<hbm>> -> memref<128x128xf32, #tpu.memory_space<hbm>>
      tpu.enqueue_dma source(%arg12 : memref<128x128xf32, #tpu.memory_space<vmem>>) target(%dma_start3A_129 : memref<128x128xf32, #tpu.memory_space<hbm>>) target_semaphore(%arg16 : memref<!tpu.dma_semaphore, #tpu.memory_space<semaphore_mem>>)
    }
    %dma_wait3A = arith.constant 0 : i32
    %dma_wait3A_21 = arith.constant 0 : i32
    %dma_wait3A_22 = tpu.memref_slice %arg5[%dma_wait3A, %dma_wait3A_21] : memref<320000x128xf32, #tpu.memory_space<hbm>> -> memref<128x128xf32, #tpu.memory_space<hbm>>
    %dma_wait3A_23 = arith.constant 0 : i32
    %dma_wait3A_24 = arith.constant 0 : i32
    %dma_wait3A_25 = tpu.memref_slice %arg5[%dma_wait3A_23, %dma_wait3A_24] : memref<320000x128xf32, #tpu.memory_space<hbm>> -> memref<128x128xf32, #tpu.memory_space<hbm>>
    tpu.wait_dma2 semaphore(%arg15 : memref<!tpu.dma_semaphore, #tpu.memory_space<semaphore_mem>>) src(%arg9 : memref<128x128xf32, #tpu.memory_space<vmem>>) dst(%dma_wait3A_25 : memref<128x128xf32, #tpu.memory_space<hbm>>)
    %dma_wait3A_26 = arith.constant 0 : i32
    %dma_wait3A_27 = arith.constant 0 : i32
    %dma_wait3A_28 = tpu.memref_slice %arg6[%dma_wait3A_26, %dma_wait3A_27] : memref<320000x128xf32, #tpu.memory_space<hbm>> -> memref<128x128xf32, #tpu.memory_space<hbm>>
    %dma_wait3A_29 = arith.constant 0 : i32
    %dma_wait3A_30 = arith.constant 0 : i32
    %dma_wait3A_31 = tpu.memref_slice %arg6[%dma_wait3A_29, %dma_wait3A_30] : memref<320000x128xf32, #tpu.memory_space<hbm>> -> memref<128x128xf32, #tpu.memory_space<hbm>>
    tpu.wait_dma2 semaphore(%arg15 : memref<!tpu.dma_semaphore, #tpu.memory_space<semaphore_mem>>) src(%arg10 : memref<128x128xf32, #tpu.memory_space<vmem>>) dst(%dma_wait3A_31 : memref<128x128xf32, #tpu.memory_space<hbm>>)
    %dma_wait3A_32 = arith.constant 0 : i32
    %dma_wait3A_33 = arith.constant 0 : i32
    %dma_wait3A_34 = tpu.memref_slice %arg5[%dma_wait3A_32, %dma_wait3A_33] : memref<320000x128xf32, #tpu.memory_space<hbm>> -> memref<128x128xf32, #tpu.memory_space<hbm>>
    %dma_wait3A_35 = arith.constant 0 : i32
    %dma_wait3A_36 = arith.constant 0 : i32
    %dma_wait3A_37 = tpu.memref_slice %arg5[%dma_wait3A_35, %dma_wait3A_36] : memref<320000x128xf32, #tpu.memory_space<hbm>> -> memref<128x128xf32, #tpu.memory_space<hbm>>
    tpu.wait_dma2 semaphore(%arg16 : memref<!tpu.dma_semaphore, #tpu.memory_space<semaphore_mem>>) src(%arg11 : memref<128x128xf32, #tpu.memory_space<vmem>>) dst(%dma_wait3A_37 : memref<128x128xf32, #tpu.memory_space<hbm>>)
    %dma_wait3A_38 = arith.constant 0 : i32
    %dma_wait3A_39 = arith.constant 0 : i32
    %dma_wait3A_40 = tpu.memref_slice %arg6[%dma_wait3A_38, %dma_wait3A_39] : memref<320000x128xf32, #tpu.memory_space<hbm>> -> memref<128x128xf32, #tpu.memory_space<hbm>>
    %dma_wait3A_41 = arith.constant 0 : i32
    %dma_wait3A_42 = arith.constant 0 : i32
    %dma_wait3A_43 = tpu.memref_slice %arg6[%dma_wait3A_41, %dma_wait3A_42] : memref<320000x128xf32, #tpu.memory_space<hbm>> -> memref<128x128xf32, #tpu.memory_space<hbm>>
    tpu.wait_dma2 semaphore(%arg16 : memref<!tpu.dma_semaphore, #tpu.memory_space<semaphore_mem>>) src(%arg12 : memref<128x128xf32, #tpu.memory_space<vmem>>) dst(%dma_wait3A_43 : memref<128x128xf32, #tpu.memory_space<hbm>>)
    return
  }
}

#map = affine_map<(d0, d1) -> (0, 0)>
#map1 = affine_map<(d0, d1) -> (0, 0, 0)>
module attributes {stable_mosaic.version = 14 : i64} {
  func.func @k(%arg0: i32, %arg1: i32, %arg2: memref<320000x128xf32, #tpu.memory_space<hbm>>, %arg3: memref<2500x128xi32, #tpu.memory_space<hbm>>, %arg4: memref<10240x64xf32, #tpu.memory_space<hbm>>, %arg5: memref<2x10240x64xf32, #tpu.memory_space<hbm>>, %arg6: memref<80x128xi32, #tpu.memory_space<vmem>>, %arg7: memref<128x64xf32, #tpu.memory_space<vmem>>, %arg8: memref<128x64xf32, #tpu.memory_space<vmem>>, %arg9: memref<10240x64xf32, #tpu.memory_space<vmem_shared>>, %arg10: memref<!tpu.dma_semaphore, #tpu.memory_space<semaphore_mem>>, %arg11: memref<!tpu.dma_semaphore, #tpu.memory_space<semaphore_mem>>) attributes {dimension_semantics = [#tpu.dimension_semantics<core_parallel>, #tpu.dimension_semantics<subcore_parallel>], iteration_bounds = array<i64: 2, 16>, scalar_prefetch = 0 : i64, scratch_operands = 6 : i64, tpu.core_type = #tpu.core_type<sc_vector_subcore>, window_params = [{transform_indices = #map}, {transform_indices = #map}, {transform_indices = #map}, {transform_indices = #map1}]} {
    %mul3A = arith.constant 2 : i32
    %mul3A_0 = arith.muli %arg1, %mul3A : i32
    %add3A = arith.addi %mul3A_0, %arg0 : i32
    %mul3A_1 = arith.constant 640 : i32
    %mul3A_2 = arith.muli %arg1, %mul3A_1 : i32
    %mul3A_3 = arith.constant 640 : i32
    %mul3A_4 = arith.muli %arg1, %mul3A_3 : i32
    "tpu.region"() ({
      %run_scoped3A = tpu.sem_alloc : memref<!tpu.dma_semaphore, #tpu.memory_space<semaphore_mem>>
      %dma_start3A_33 = arith.constant 0 : i32
      %dma_start3A_34 = tpu.memref_slice %arg9[%mul3A_4, %dma_start3A_33] : memref<10240x64xf32, #tpu.memory_space<vmem_shared>> -> memref<640x64xf32, #tpu.memory_space<vmem_shared>>
      %dma_start3A_35 = arith.constant 0 : i32
      %dma_start3A_36 = tpu.memref_slice %arg4[%mul3A_2, %dma_start3A_35] : memref<10240x64xf32, #tpu.memory_space<hbm>> -> memref<640x64xf32, #tpu.memory_space<hbm>>
      tpu.enqueue_dma source(%dma_start3A_36 : memref<640x64xf32, #tpu.memory_space<hbm>>) target(%dma_start3A_34 : memref<640x64xf32, #tpu.memory_space<vmem_shared>>) target_semaphore(%run_scoped3A : memref<!tpu.dma_semaphore, #tpu.memory_space<semaphore_mem>>)
      %dma_wait3A = arith.constant 0 : i32
      %dma_wait3A_37 = tpu.memref_slice %arg9[%mul3A_4, %dma_wait3A] : memref<10240x64xf32, #tpu.memory_space<vmem_shared>> -> memref<640x64xf32, #tpu.memory_space<vmem_shared>>
      %dma_wait3A_38 = arith.constant 0 : i32
      %dma_wait3A_39 = tpu.memref_slice %arg4[%mul3A_2, %dma_wait3A_38] : memref<10240x64xf32, #tpu.memory_space<hbm>> -> memref<640x64xf32, #tpu.memory_space<hbm>>
      tpu.wait_dma2 semaphore(%run_scoped3A : memref<!tpu.dma_semaphore, #tpu.memory_space<semaphore_mem>>) src(%dma_wait3A_39 : memref<640x64xf32, #tpu.memory_space<hbm>>) dst(%dma_wait3A_37 : memref<640x64xf32, #tpu.memory_space<vmem_shared>>)
      tpu.yield
    }) : () -> ()
    %barrier3A = arith.constant 0 : index
    tpu.barrier barrier_id(%barrier3A)
    %eq3A = arith.constant 31 : i32
    %eq3A_5 = arith.cmpi eq, %add3A, %eq3A : i32
    %not3A = arith.constant true
    %not3A_6 = arith.xori %eq3A_5, %not3A : i1
    %convert_element_type3A = arith.extui %not3A_6 : i1 to i32
    %cond3A = arith.constant 0 : i32
    %cond3A_7 = arith.cmpi ne, %convert_element_type3A, %cond3A : i32
    scf.if %cond3A_7 {
      %mul3A_33 = arith.constant 80 : i32
      %mul3A_34 = arith.muli %add3A, %mul3A_33 : i32
      "tpu.region"() ({
        %run_scoped3A = tpu.sem_alloc : memref<!tpu.dma_semaphore, #tpu.memory_space<semaphore_mem>>
        %dma_start3A_35 = arith.constant 0 : i32
        %dma_start3A_36 = tpu.memref_slice %arg3[%mul3A_34, %dma_start3A_35] : memref<2500x128xi32, #tpu.memory_space<hbm>> -> memref<80x128xi32, #tpu.memory_space<hbm>>
        %dma_start3A_37 = arith.constant 0 : i32
        %dma_start3A_38 = tpu.memref_slice %arg3[%mul3A_34, %dma_start3A_37] : memref<2500x128xi32, #tpu.memory_space<hbm>> -> memref<80x128xi32, #tpu.memory_space<hbm>>
        tpu.enqueue_dma source(%dma_start3A_38 : memref<80x128xi32, #tpu.memory_space<hbm>>) target(%arg6 : memref<80x128xi32, #tpu.memory_space<vmem>>) target_semaphore(%run_scoped3A : memref<!tpu.dma_semaphore, #tpu.memory_space<semaphore_mem>>)
        %dma_wait3A = arith.constant 0 : i32
        %dma_wait3A_39 = tpu.memref_slice %arg3[%mul3A_34, %dma_wait3A] : memref<2500x128xi32, #tpu.memory_space<hbm>> -> memref<80x128xi32, #tpu.memory_space<hbm>>
        %dma_wait3A_40 = arith.constant 0 : i32
        %dma_wait3A_41 = tpu.memref_slice %arg3[%mul3A_34, %dma_wait3A_40] : memref<2500x128xi32, #tpu.memory_space<hbm>> -> memref<80x128xi32, #tpu.memory_space<hbm>>
        tpu.wait_dma2 semaphore(%run_scoped3A : memref<!tpu.dma_semaphore, #tpu.memory_space<semaphore_mem>>) src(%dma_wait3A_41 : memref<80x128xi32, #tpu.memory_space<hbm>>) dst(%arg6 : memref<80x128xi32, #tpu.memory_space<vmem>>)
        tpu.yield
      }) : () -> ()
    } else {
    }
    %convert_element_type3A_8 = arith.extui %eq3A_5 : i1 to i32
    %cond3A_9 = arith.constant 0 : i32
    %cond3A_10 = arith.cmpi ne, %convert_element_type3A_8, %cond3A_9 : i32
    scf.if %cond3A_10 {
      %mul3A_33 = arith.constant 80 : i32
      %mul3A_34 = arith.muli %add3A, %mul3A_33 : i32
      "tpu.region"() ({
        %run_scoped3A = tpu.sem_alloc : memref<!tpu.dma_semaphore, #tpu.memory_space<semaphore_mem>>
        %dma_start3A_35 = arith.constant 0 : i32
        %dma_start3A_36 = arith.constant 0 : i32
        %dma_start3A_37 = tpu.memref_slice %arg6[%dma_start3A_35, %dma_start3A_36] : memref<80x128xi32, #tpu.memory_space<vmem>> -> memref<20x128xi32, #tpu.memory_space<vmem>>
        %dma_start3A_38 = arith.constant 0 : i32
        %dma_start3A_39 = tpu.memref_slice %arg3[%mul3A_34, %dma_start3A_38] : memref<2500x128xi32, #tpu.memory_space<hbm>> -> memref<20x128xi32, #tpu.memory_space<hbm>>
        %dma_start3A_40 = arith.constant 0 : i32
        %dma_start3A_41 = arith.constant 0 : i32
        %dma_start3A_42 = tpu.memref_slice %arg6[%dma_start3A_40, %dma_start3A_41] : memref<80x128xi32, #tpu.memory_space<vmem>> -> memref<20x128xi32, #tpu.memory_space<vmem>>
        %dma_start3A_43 = arith.constant 0 : i32
        %dma_start3A_44 = tpu.memref_slice %arg3[%mul3A_34, %dma_start3A_43] : memref<2500x128xi32, #tpu.memory_space<hbm>> -> memref<20x128xi32, #tpu.memory_space<hbm>>
        tpu.enqueue_dma source(%dma_start3A_44 : memref<20x128xi32, #tpu.memory_space<hbm>>) target(%dma_start3A_42 : memref<20x128xi32, #tpu.memory_space<vmem>>) target_semaphore(%run_scoped3A : memref<!tpu.dma_semaphore, #tpu.memory_space<semaphore_mem>>)
        %dma_wait3A = arith.constant 0 : i32
        %dma_wait3A_45 = arith.constant 0 : i32
        %dma_wait3A_46 = tpu.memref_slice %arg6[%dma_wait3A, %dma_wait3A_45] : memref<80x128xi32, #tpu.memory_space<vmem>> -> memref<20x128xi32, #tpu.memory_space<vmem>>
        %dma_wait3A_47 = arith.constant 0 : i32
        %dma_wait3A_48 = tpu.memref_slice %arg3[%mul3A_34, %dma_wait3A_47] : memref<2500x128xi32, #tpu.memory_space<hbm>> -> memref<20x128xi32, #tpu.memory_space<hbm>>
        %dma_wait3A_49 = arith.constant 0 : i32
        %dma_wait3A_50 = arith.constant 0 : i32
        %dma_wait3A_51 = tpu.memref_slice %arg6[%dma_wait3A_49, %dma_wait3A_50] : memref<80x128xi32, #tpu.memory_space<vmem>> -> memref<20x128xi32, #tpu.memory_space<vmem>>
        %dma_wait3A_52 = arith.constant 0 : i32
        %dma_wait3A_53 = tpu.memref_slice %arg3[%mul3A_34, %dma_wait3A_52] : memref<2500x128xi32, #tpu.memory_space<hbm>> -> memref<20x128xi32, #tpu.memory_space<hbm>>
        tpu.wait_dma2 semaphore(%run_scoped3A : memref<!tpu.dma_semaphore, #tpu.memory_space<semaphore_mem>>) src(%dma_wait3A_53 : memref<20x128xi32, #tpu.memory_space<hbm>>) dst(%dma_wait3A_51 : memref<20x128xi32, #tpu.memory_space<vmem>>)
        tpu.yield
      }) : () -> ()
    } else {
    }
    %jit3A = arith.constant 10 : i32
    %jit3A_11 = arith.constant 40 : i32
    %select_n3A = arith.select %eq3A_5, %jit3A, %jit3A_11 : i32
    %mul3A_12 = arith.constant 10240 : i32
    %mul3A_13 = arith.muli %add3A, %mul3A_12 : i32
    %add3A_14 = arith.constant 0 : i32
    %add3A_15 = arith.addi %mul3A_13, %add3A_14 : i32
    %dma_start3A = arith.constant 0 : i32
    %dma_start3A_16 = tpu.memref_slice %arg2[%add3A_15, %dma_start3A] : memref<320000x128xf32, #tpu.memory_space<hbm>> -> memref<128x64xf32, #tpu.memory_space<hbm>>
    %dma_start3A_17 = arith.constant 0 : i32
    %dma_start3A_18 = tpu.memref_slice %arg2[%add3A_15, %dma_start3A_17] : memref<320000x128xf32, #tpu.memory_space<hbm>> -> memref<128x64xf32, #tpu.memory_space<hbm>>
    tpu.enqueue_dma source(%dma_start3A_18 : memref<128x64xf32, #tpu.memory_space<hbm>>) target(%arg7 : memref<128x64xf32, #tpu.memory_space<vmem>>) target_semaphore(%arg10 : memref<!tpu.dma_semaphore, #tpu.memory_space<semaphore_mem>>)
    %while3A = arith.constant 0 : i32
    %while3A_19 = arith.constant 0 : i32
    %while3A_20 = arith.subi %select_n3A, %while3A_19 : i32
    %while3A_21 = arith.addi %while3A_19, %while3A_20 : i32
    %while3A_22 = arith.constant 1 : i32
    %while3A_23 = arith.divsi %while3A_20, %while3A_22 : i32
    %while3A_24 = arith.muli %while3A_23, %while3A_22 : i32
    %while3A_25 = arith.addi %while3A_19, %while3A_24 : i32
    %while3A_26 = arith.constant 1 : i32
    scf.for %while3A_33 = %while3A_19 to %while3A_25 step %while3A_26  : i32 {
      %mul3A_34 = arith.constant 2 : i32
      %mul3A_35 = arith.muli %mul3A_34, %while3A_33 : i32
      %mul3A_36 = arith.constant 2 : i32
      %mul3A_37 = arith.muli %mul3A_36, %while3A_33 : i32
      %add3A_38 = arith.constant 1 : i32
      %add3A_39 = arith.addi %mul3A_37, %add3A_38 : i32
      %mul3A_40 = arith.constant 128 : i32
      %mul3A_41 = arith.muli %add3A_39, %mul3A_40 : i32
      %add3A_42 = arith.addi %mul3A_13, %mul3A_41 : i32
      %dma_start3A_43 = arith.constant 0 : i32
      %dma_start3A_44 = tpu.memref_slice %arg2[%add3A_42, %dma_start3A_43] : memref<320000x128xf32, #tpu.memory_space<hbm>> -> memref<128x64xf32, #tpu.memory_space<hbm>>
      %dma_start3A_45 = arith.constant 0 : i32
      %dma_start3A_46 = tpu.memref_slice %arg2[%add3A_42, %dma_start3A_45] : memref<320000x128xf32, #tpu.memory_space<hbm>> -> memref<128x64xf32, #tpu.memory_space<hbm>>
      tpu.enqueue_dma source(%dma_start3A_46 : memref<128x64xf32, #tpu.memory_space<hbm>>) target(%arg8 : memref<128x64xf32, #tpu.memory_space<vmem>>) target_semaphore(%arg11 : memref<!tpu.dma_semaphore, #tpu.memory_space<semaphore_mem>>)
      %add3A_47 = arith.constant 0 : i32
      %add3A_48 = arith.addi %mul3A_13, %add3A_47 : i32
      %dma_wait3A = arith.constant 0 : i32
      %dma_wait3A_49 = tpu.memref_slice %arg2[%add3A_48, %dma_wait3A] : memref<320000x128xf32, #tpu.memory_space<hbm>> -> memref<128x64xf32, #tpu.memory_space<hbm>>
      %dma_wait3A_50 = arith.constant 0 : i32
      %dma_wait3A_51 = tpu.memref_slice %arg2[%add3A_48, %dma_wait3A_50] : memref<320000x128xf32, #tpu.memory_space<hbm>> -> memref<128x64xf32, #tpu.memory_space<hbm>>
      tpu.wait_dma2 semaphore(%arg10 : memref<!tpu.dma_semaphore, #tpu.memory_space<semaphore_mem>>) src(%dma_wait3A_51 : memref<128x64xf32, #tpu.memory_space<hbm>>) dst(%arg7 : memref<128x64xf32, #tpu.memory_space<vmem>>)
      "tpu.region"() ({
        %run_scoped3A = tpu.sem_alloc : memref<!tpu.dma_semaphore, #tpu.memory_space<semaphore_mem>>
        %dma_start3A_63 = arith.constant 0 : i32
        %dma_start3A_64 = tpu.memref_slice %arg6[%mul3A_35, %dma_start3A_63] : memref<80x128xi32, #tpu.memory_space<vmem>> -> memref<1x128xi32, #tpu.memory_space<vmem>>
        %dma_start3A_65 = tpu.memref_squeeze %dma_start3A_64 : memref<1x128xi32, #tpu.memory_space<vmem>> -> memref<128xi32, #tpu.memory_space<vmem>>
        %dma_start3A_66 = arith.constant 0 : i32
        %dma_start3A_67 = arith.constant 0 : i32
        %dma_start3A_68 = tpu.memref_slice %arg9[%dma_start3A_66, %dma_start3A_67] : memref<10240x64xf32, #tpu.memory_space<vmem_shared>> -> memref<10240x64xf32, #tpu.memory_space<vmem_shared>>
        tpu.enqueue_indirect_dma source(%arg7 : memref<128x64xf32, #tpu.memory_space<vmem>>) target(%dma_start3A_68 : memref<10240x64xf32, #tpu.memory_space<vmem_shared>>) offsets(%dma_start3A_65 : memref<128xi32, #tpu.memory_space<vmem>>) semaphore(%run_scoped3A : memref<!tpu.dma_semaphore, #tpu.memory_space<semaphore_mem>>) {add = true}
        %dma_wait3A_69 = arith.constant 0 : i32
        %dma_wait3A_70 = tpu.memref_slice %arg6[%mul3A_35, %dma_wait3A_69] : memref<80x128xi32, #tpu.memory_space<vmem>> -> memref<1x128xi32, #tpu.memory_space<vmem>>
        %dma_wait3A_71 = tpu.memref_squeeze %dma_wait3A_70 : memref<1x128xi32, #tpu.memory_space<vmem>> -> memref<128xi32, #tpu.memory_space<vmem>>
        %dma_wait3A_72 = arith.constant 0 : i32
        %dma_wait3A_73 = arith.constant 0 : i32
        %dma_wait3A_74 = tpu.memref_slice %arg9[%dma_wait3A_72, %dma_wait3A_73] : memref<10240x64xf32, #tpu.memory_space<vmem_shared>> -> memref<10240x64xf32, #tpu.memory_space<vmem_shared>>
        tpu.wait_indirect_dma semaphore(%run_scoped3A : memref<!tpu.dma_semaphore, #tpu.memory_space<semaphore_mem>>) src(%arg7 : memref<128x64xf32, #tpu.memory_space<vmem>>) dst(%dma_wait3A_74 : memref<10240x64xf32, #tpu.memory_space<vmem_shared>>)
        tpu.yield
      }) : () -> ()
      %add3A_52 = arith.constant 1 : i32
      %add3A_53 = arith.addi %while3A_33, %add3A_52 : i32
      %lt3A = arith.cmpi slt, %add3A_53, %select_n3A : i32
      %convert_element_type3A_54 = arith.extui %lt3A : i1 to i32
      %cond3A_55 = arith.constant 0 : i32
      %cond3A_56 = arith.cmpi ne, %convert_element_type3A_54, %cond3A_55 : i32
      scf.if %cond3A_56 {
        %add3A_63 = arith.constant 2 : i32
        %add3A_64 = arith.addi %mul3A_35, %add3A_63 : i32
        %mul3A_65 = arith.constant 128 : i32
        %mul3A_66 = arith.muli %add3A_64, %mul3A_65 : i32
        %add3A_67 = arith.addi %mul3A_13, %mul3A_66 : i32
        %dma_start3A_68 = arith.constant 0 : i32
        %dma_start3A_69 = tpu.memref_slice %arg2[%add3A_67, %dma_start3A_68] : memref<320000x128xf32, #tpu.memory_space<hbm>> -> memref<128x64xf32, #tpu.memory_space<hbm>>
        %dma_start3A_70 = arith.constant 0 : i32
        %dma_start3A_71 = tpu.memref_slice %arg2[%add3A_67, %dma_start3A_70] : memref<320000x128xf32, #tpu.memory_space<hbm>> -> memref<128x64xf32, #tpu.memory_space<hbm>>
        tpu.enqueue_dma source(%dma_start3A_71 : memref<128x64xf32, #tpu.memory_space<hbm>>) target(%arg7 : memref<128x64xf32, #tpu.memory_space<vmem>>) target_semaphore(%arg10 : memref<!tpu.dma_semaphore, #tpu.memory_space<semaphore_mem>>)
      } else {
      }
      %add3A_57 = arith.constant 0 : i32
      %add3A_58 = arith.addi %mul3A_13, %add3A_57 : i32
      %dma_wait3A_59 = arith.constant 0 : i32
      %dma_wait3A_60 = tpu.memref_slice %arg2[%add3A_58, %dma_wait3A_59] : memref<320000x128xf32, #tpu.memory_space<hbm>> -> memref<128x64xf32, #tpu.memory_space<hbm>>
      %dma_wait3A_61 = arith.constant 0 : i32
      %dma_wait3A_62 = tpu.memref_slice %arg2[%add3A_58, %dma_wait3A_61] : memref<320000x128xf32, #tpu.memory_space<hbm>> -> memref<128x64xf32, #tpu.memory_space<hbm>>
      tpu.wait_dma2 semaphore(%arg11 : memref<!tpu.dma_semaphore, #tpu.memory_space<semaphore_mem>>) src(%dma_wait3A_62 : memref<128x64xf32, #tpu.memory_space<hbm>>) dst(%arg8 : memref<128x64xf32, #tpu.memory_space<vmem>>)
      "tpu.region"() ({
        %run_scoped3A = tpu.sem_alloc : memref<!tpu.dma_semaphore, #tpu.memory_space<semaphore_mem>>
        %dma_start3A_63 = arith.constant 0 : i32
        %dma_start3A_64 = tpu.memref_slice %arg6[%add3A_39, %dma_start3A_63] : memref<80x128xi32, #tpu.memory_space<vmem>> -> memref<1x128xi32, #tpu.memory_space<vmem>>
        %dma_start3A_65 = tpu.memref_squeeze %dma_start3A_64 : memref<1x128xi32, #tpu.memory_space<vmem>> -> memref<128xi32, #tpu.memory_space<vmem>>
        %dma_start3A_66 = arith.constant 0 : i32
        %dma_start3A_67 = arith.constant 0 : i32
        %dma_start3A_68 = tpu.memref_slice %arg9[%dma_start3A_66, %dma_start3A_67] : memref<10240x64xf32, #tpu.memory_space<vmem_shared>> -> memref<10240x64xf32, #tpu.memory_space<vmem_shared>>
        tpu.enqueue_indirect_dma source(%arg8 : memref<128x64xf32, #tpu.memory_space<vmem>>) target(%dma_start3A_68 : memref<10240x64xf32, #tpu.memory_space<vmem_shared>>) offsets(%dma_start3A_65 : memref<128xi32, #tpu.memory_space<vmem>>) semaphore(%run_scoped3A : memref<!tpu.dma_semaphore, #tpu.memory_space<semaphore_mem>>) {add = true}
        %dma_wait3A_69 = arith.constant 0 : i32
        %dma_wait3A_70 = tpu.memref_slice %arg6[%add3A_39, %dma_wait3A_69] : memref<80x128xi32, #tpu.memory_space<vmem>> -> memref<1x128xi32, #tpu.memory_space<vmem>>
        %dma_wait3A_71 = tpu.memref_squeeze %dma_wait3A_70 : memref<1x128xi32, #tpu.memory_space<vmem>> -> memref<128xi32, #tpu.memory_space<vmem>>
        %dma_wait3A_72 = arith.constant 0 : i32
        %dma_wait3A_73 = arith.constant 0 : i32
        %dma_wait3A_74 = tpu.memref_slice %arg9[%dma_wait3A_72, %dma_wait3A_73] : memref<10240x64xf32, #tpu.memory_space<vmem_shared>> -> memref<10240x64xf32, #tpu.memory_space<vmem_shared>>
        tpu.wait_indirect_dma semaphore(%run_scoped3A : memref<!tpu.dma_semaphore, #tpu.memory_space<semaphore_mem>>) src(%arg8 : memref<128x64xf32, #tpu.memory_space<vmem>>) dst(%dma_wait3A_74 : memref<10240x64xf32, #tpu.memory_space<vmem_shared>>)
        tpu.yield
      }) : () -> ()
    }
    %while3A_27 = arith.constant 1 : i32
    scf.for %while3A_33 = %while3A_25 to %while3A_21 step %while3A_27  : i32 {
      %mul3A_34 = arith.constant 2 : i32
      %mul3A_35 = arith.muli %mul3A_34, %while3A_33 : i32
      %mul3A_36 = arith.constant 2 : i32
      %mul3A_37 = arith.muli %mul3A_36, %while3A_33 : i32
      %add3A_38 = arith.constant 1 : i32
      %add3A_39 = arith.addi %mul3A_37, %add3A_38 : i32
      %mul3A_40 = arith.constant 128 : i32
      %mul3A_41 = arith.muli %add3A_39, %mul3A_40 : i32
      %add3A_42 = arith.addi %mul3A_13, %mul3A_41 : i32
      %dma_start3A_43 = arith.constant 0 : i32
      %dma_start3A_44 = tpu.memref_slice %arg2[%add3A_42, %dma_start3A_43] : memref<320000x128xf32, #tpu.memory_space<hbm>> -> memref<128x64xf32, #tpu.memory_space<hbm>>
      %dma_start3A_45 = arith.constant 0 : i32
      %dma_start3A_46 = tpu.memref_slice %arg2[%add3A_42, %dma_start3A_45] : memref<320000x128xf32, #tpu.memory_space<hbm>> -> memref<128x64xf32, #tpu.memory_space<hbm>>
      tpu.enqueue_dma source(%dma_start3A_46 : memref<128x64xf32, #tpu.memory_space<hbm>>) target(%arg8 : memref<128x64xf32, #tpu.memory_space<vmem>>) target_semaphore(%arg11 : memref<!tpu.dma_semaphore, #tpu.memory_space<semaphore_mem>>)
      %add3A_47 = arith.constant 0 : i32
      %add3A_48 = arith.addi %mul3A_13, %add3A_47 : i32
      %dma_wait3A = arith.constant 0 : i32
      %dma_wait3A_49 = tpu.memref_slice %arg2[%add3A_48, %dma_wait3A] : memref<320000x128xf32, #tpu.memory_space<hbm>> -> memref<128x64xf32, #tpu.memory_space<hbm>>
      %dma_wait3A_50 = arith.constant 0 : i32
      %dma_wait3A_51 = tpu.memref_slice %arg2[%add3A_48, %dma_wait3A_50] : memref<320000x128xf32, #tpu.memory_space<hbm>> -> memref<128x64xf32, #tpu.memory_space<hbm>>
      tpu.wait_dma2 semaphore(%arg10 : memref<!tpu.dma_semaphore, #tpu.memory_space<semaphore_mem>>) src(%dma_wait3A_51 : memref<128x64xf32, #tpu.memory_space<hbm>>) dst(%arg7 : memref<128x64xf32, #tpu.memory_space<vmem>>)
      "tpu.region"() ({
        %run_scoped3A = tpu.sem_alloc : memref<!tpu.dma_semaphore, #tpu.memory_space<semaphore_mem>>
        %dma_start3A_63 = arith.constant 0 : i32
        %dma_start3A_64 = tpu.memref_slice %arg6[%mul3A_35, %dma_start3A_63] : memref<80x128xi32, #tpu.memory_space<vmem>> -> memref<1x128xi32, #tpu.memory_space<vmem>>
        %dma_start3A_65 = tpu.memref_squeeze %dma_start3A_64 : memref<1x128xi32, #tpu.memory_space<vmem>> -> memref<128xi32, #tpu.memory_space<vmem>>
        %dma_start3A_66 = arith.constant 0 : i32
        %dma_start3A_67 = arith.constant 0 : i32
        %dma_start3A_68 = tpu.memref_slice %arg9[%dma_start3A_66, %dma_start3A_67] : memref<10240x64xf32, #tpu.memory_space<vmem_shared>> -> memref<10240x64xf32, #tpu.memory_space<vmem_shared>>
        tpu.enqueue_indirect_dma source(%arg7 : memref<128x64xf32, #tpu.memory_space<vmem>>) target(%dma_start3A_68 : memref<10240x64xf32, #tpu.memory_space<vmem_shared>>) offsets(%dma_start3A_65 : memref<128xi32, #tpu.memory_space<vmem>>) semaphore(%run_scoped3A : memref<!tpu.dma_semaphore, #tpu.memory_space<semaphore_mem>>) {add = true}
        %dma_wait3A_69 = arith.constant 0 : i32
        %dma_wait3A_70 = tpu.memref_slice %arg6[%mul3A_35, %dma_wait3A_69] : memref<80x128xi32, #tpu.memory_space<vmem>> -> memref<1x128xi32, #tpu.memory_space<vmem>>
        %dma_wait3A_71 = tpu.memref_squeeze %dma_wait3A_70 : memref<1x128xi32, #tpu.memory_space<vmem>> -> memref<128xi32, #tpu.memory_space<vmem>>
        %dma_wait3A_72 = arith.constant 0 : i32
        %dma_wait3A_73 = arith.constant 0 : i32
        %dma_wait3A_74 = tpu.memref_slice %arg9[%dma_wait3A_72, %dma_wait3A_73] : memref<10240x64xf32, #tpu.memory_space<vmem_shared>> -> memref<10240x64xf32, #tpu.memory_space<vmem_shared>>
        tpu.wait_indirect_dma semaphore(%run_scoped3A : memref<!tpu.dma_semaphore, #tpu.memory_space<semaphore_mem>>) src(%arg7 : memref<128x64xf32, #tpu.memory_space<vmem>>) dst(%dma_wait3A_74 : memref<10240x64xf32, #tpu.memory_space<vmem_shared>>)
        tpu.yield
      }) : () -> ()
      %add3A_52 = arith.constant 1 : i32
      %add3A_53 = arith.addi %while3A_33, %add3A_52 : i32
      %lt3A = arith.cmpi slt, %add3A_53, %select_n3A : i32
      %convert_element_type3A_54 = arith.extui %lt3A : i1 to i32
      %cond3A_55 = arith.constant 0 : i32
      %cond3A_56 = arith.cmpi ne, %convert_element_type3A_54, %cond3A_55 : i32
      scf.if %cond3A_56 {
        %add3A_63 = arith.constant 2 : i32
        %add3A_64 = arith.addi %mul3A_35, %add3A_63 : i32
        %mul3A_65 = arith.constant 128 : i32
        %mul3A_66 = arith.muli %add3A_64, %mul3A_65 : i32
        %add3A_67 = arith.addi %mul3A_13, %mul3A_66 : i32
        %dma_start3A_68 = arith.constant 0 : i32
        %dma_start3A_69 = tpu.memref_slice %arg2[%add3A_67, %dma_start3A_68] : memref<320000x128xf32, #tpu.memory_space<hbm>> -> memref<128x64xf32, #tpu.memory_space<hbm>>
        %dma_start3A_70 = arith.constant 0 : i32
        %dma_start3A_71 = tpu.memref_slice %arg2[%add3A_67, %dma_start3A_70] : memref<320000x128xf32, #tpu.memory_space<hbm>> -> memref<128x64xf32, #tpu.memory_space<hbm>>
        tpu.enqueue_dma source(%dma_start3A_71 : memref<128x64xf32, #tpu.memory_space<hbm>>) target(%arg7 : memref<128x64xf32, #tpu.memory_space<vmem>>) target_semaphore(%arg10 : memref<!tpu.dma_semaphore, #tpu.memory_space<semaphore_mem>>)
      } else {
      }
      %add3A_57 = arith.constant 0 : i32
      %add3A_58 = arith.addi %mul3A_13, %add3A_57 : i32
      %dma_wait3A_59 = arith.constant 0 : i32
      %dma_wait3A_60 = tpu.memref_slice %arg2[%add3A_58, %dma_wait3A_59] : memref<320000x128xf32, #tpu.memory_space<hbm>> -> memref<128x64xf32, #tpu.memory_space<hbm>>
      %dma_wait3A_61 = arith.constant 0 : i32
      %dma_wait3A_62 = tpu.memref_slice %arg2[%add3A_58, %dma_wait3A_61] : memref<320000x128xf32, #tpu.memory_space<hbm>> -> memref<128x64xf32, #tpu.memory_space<hbm>>
      tpu.wait_dma2 semaphore(%arg11 : memref<!tpu.dma_semaphore, #tpu.memory_space<semaphore_mem>>) src(%dma_wait3A_62 : memref<128x64xf32, #tpu.memory_space<hbm>>) dst(%arg8 : memref<128x64xf32, #tpu.memory_space<vmem>>)
      "tpu.region"() ({
        %run_scoped3A = tpu.sem_alloc : memref<!tpu.dma_semaphore, #tpu.memory_space<semaphore_mem>>
        %dma_start3A_63 = arith.constant 0 : i32
        %dma_start3A_64 = tpu.memref_slice %arg6[%add3A_39, %dma_start3A_63] : memref<80x128xi32, #tpu.memory_space<vmem>> -> memref<1x128xi32, #tpu.memory_space<vmem>>
        %dma_start3A_65 = tpu.memref_squeeze %dma_start3A_64 : memref<1x128xi32, #tpu.memory_space<vmem>> -> memref<128xi32, #tpu.memory_space<vmem>>
        %dma_start3A_66 = arith.constant 0 : i32
        %dma_start3A_67 = arith.constant 0 : i32
        %dma_start3A_68 = tpu.memref_slice %arg9[%dma_start3A_66, %dma_start3A_67] : memref<10240x64xf32, #tpu.memory_space<vmem_shared>> -> memref<10240x64xf32, #tpu.memory_space<vmem_shared>>
        tpu.enqueue_indirect_dma source(%arg8 : memref<128x64xf32, #tpu.memory_space<vmem>>) target(%dma_start3A_68 : memref<10240x64xf32, #tpu.memory_space<vmem_shared>>) offsets(%dma_start3A_65 : memref<128xi32, #tpu.memory_space<vmem>>) semaphore(%run_scoped3A : memref<!tpu.dma_semaphore, #tpu.memory_space<semaphore_mem>>) {add = true}
        %dma_wait3A_69 = arith.constant 0 : i32
        %dma_wait3A_70 = tpu.memref_slice %arg6[%add3A_39, %dma_wait3A_69] : memref<80x128xi32, #tpu.memory_space<vmem>> -> memref<1x128xi32, #tpu.memory_space<vmem>>
        %dma_wait3A_71 = tpu.memref_squeeze %dma_wait3A_70 : memref<1x128xi32, #tpu.memory_space<vmem>> -> memref<128xi32, #tpu.memory_space<vmem>>
        %dma_wait3A_72 = arith.constant 0 : i32
        %dma_wait3A_73 = arith.constant 0 : i32
        %dma_wait3A_74 = tpu.memref_slice %arg9[%dma_wait3A_72, %dma_wait3A_73] : memref<10240x64xf32, #tpu.memory_space<vmem_shared>> -> memref<10240x64xf32, #tpu.memory_space<vmem_shared>>
        tpu.wait_indirect_dma semaphore(%run_scoped3A : memref<!tpu.dma_semaphore, #tpu.memory_space<semaphore_mem>>) src(%arg8 : memref<128x64xf32, #tpu.memory_space<vmem>>) dst(%dma_wait3A_74 : memref<10240x64xf32, #tpu.memory_space<vmem_shared>>)
        tpu.yield
      }) : () -> ()
    }
    %barrier3A_28 = arith.constant 0 : index
    tpu.barrier barrier_id(%barrier3A_28)
    %mul3A_29 = arith.constant 640 : i32
    %mul3A_30 = arith.muli %arg1, %mul3A_29 : i32
    %mul3A_31 = arith.constant 640 : i32
    %mul3A_32 = arith.muli %arg1, %mul3A_31 : i32
    "tpu.region"() ({
      %run_scoped3A = tpu.sem_alloc : memref<!tpu.dma_semaphore, #tpu.memory_space<semaphore_mem>>
      %dma_start3A_33 = arith.constant 0 : i32
      %dma_start3A_34 = tpu.memref_slice %arg5[%arg0, %mul3A_32, %dma_start3A_33] : memref<2x10240x64xf32, #tpu.memory_space<hbm>> -> memref<1x640x64xf32, #tpu.memory_space<hbm>>
      %dma_start3A_35 = tpu.memref_squeeze %dma_start3A_34 : memref<1x640x64xf32, #tpu.memory_space<hbm>> -> memref<640x64xf32, #tpu.memory_space<hbm>>
      %dma_start3A_36 = arith.constant 0 : i32
      %dma_start3A_37 = tpu.memref_slice %arg9[%mul3A_30, %dma_start3A_36] : memref<10240x64xf32, #tpu.memory_space<vmem_shared>> -> memref<640x64xf32, #tpu.memory_space<vmem_shared>>
      tpu.enqueue_dma source(%dma_start3A_37 : memref<640x64xf32, #tpu.memory_space<vmem_shared>>) target(%dma_start3A_35 : memref<640x64xf32, #tpu.memory_space<hbm>>) target_semaphore(%run_scoped3A : memref<!tpu.dma_semaphore, #tpu.memory_space<semaphore_mem>>)
      %dma_wait3A = arith.constant 0 : i32
      %dma_wait3A_38 = tpu.memref_slice %arg5[%arg0, %mul3A_32, %dma_wait3A] : memref<2x10240x64xf32, #tpu.memory_space<hbm>> -> memref<1x640x64xf32, #tpu.memory_space<hbm>>
      %dma_wait3A_39 = tpu.memref_squeeze %dma_wait3A_38 : memref<1x640x64xf32, #tpu.memory_space<hbm>> -> memref<640x64xf32, #tpu.memory_space<hbm>>
      %dma_wait3A_40 = arith.constant 0 : i32
      %dma_wait3A_41 = tpu.memref_slice %arg9[%mul3A_30, %dma_wait3A_40] : memref<10240x64xf32, #tpu.memory_space<vmem_shared>> -> memref<640x64xf32, #tpu.memory_space<vmem_shared>>
      tpu.wait_dma2 semaphore(%run_scoped3A : memref<!tpu.dma_semaphore, #tpu.memory_space<semaphore_mem>>) src(%dma_wait3A_41 : memref<640x64xf32, #tpu.memory_space<vmem_shared>>) dst(%dma_wait3A_39 : memref<640x64xf32, #tpu.memory_space<hbm>>)
      tpu.yield
    }) : () -> ()
    return
  }
}

#map = affine_map<(d0, d1) -> (0, 0)>
#map1 = affine_map<(d0, d1) -> (0, 0, 0)>
module attributes {stable_mosaic.version = 14 : i64} {
  func.func @k(%arg0: i32, %arg1: i32, %arg2: memref<320000x128xf32, #tpu.memory_space<hbm>>, %arg3: memref<2500x128xi32, #tpu.memory_space<hbm>>, %arg4: memref<10240x64xf32, #tpu.memory_space<hbm>>, %arg5: memref<2x10240x64xf32, #tpu.memory_space<hbm>>, %arg6: memref<80x128xi32, #tpu.memory_space<vmem>>, %arg7: memref<128x64xf32, #tpu.memory_space<vmem>>, %arg8: memref<128x64xf32, #tpu.memory_space<vmem>>, %arg9: memref<10240x64xf32, #tpu.memory_space<vmem_shared>>, %arg10: memref<!tpu.dma_semaphore, #tpu.memory_space<semaphore_mem>>, %arg11: memref<!tpu.dma_semaphore, #tpu.memory_space<semaphore_mem>>) attributes {dimension_semantics = [#tpu.dimension_semantics<core_parallel>, #tpu.dimension_semantics<subcore_parallel>], iteration_bounds = array<i64: 2, 16>, scalar_prefetch = 0 : i64, scratch_operands = 6 : i64, tpu.core_type = #tpu.core_type<sc_vector_subcore>, window_params = [{transform_indices = #map}, {transform_indices = #map}, {transform_indices = #map}, {transform_indices = #map1}]} {
    %mul3A = arith.constant 2 : i32
    %mul3A_0 = arith.muli %arg1, %mul3A : i32
    %add3A = arith.addi %mul3A_0, %arg0 : i32
    %mul3A_1 = arith.constant 640 : i32
    %mul3A_2 = arith.muli %arg1, %mul3A_1 : i32
    %mul3A_3 = arith.constant 640 : i32
    %mul3A_4 = arith.muli %arg1, %mul3A_3 : i32
    "tpu.region"() ({
      %run_scoped3A = tpu.sem_alloc : memref<!tpu.dma_semaphore, #tpu.memory_space<semaphore_mem>>
      %dma_start3A_33 = arith.constant 0 : i32
      %dma_start3A_34 = tpu.memref_slice %arg9[%mul3A_4, %dma_start3A_33] : memref<10240x64xf32, #tpu.memory_space<vmem_shared>> -> memref<640x64xf32, #tpu.memory_space<vmem_shared>>
      %dma_start3A_35 = arith.constant 0 : i32
      %dma_start3A_36 = tpu.memref_slice %arg4[%mul3A_2, %dma_start3A_35] : memref<10240x64xf32, #tpu.memory_space<hbm>> -> memref<640x64xf32, #tpu.memory_space<hbm>>
      tpu.enqueue_dma source(%dma_start3A_36 : memref<640x64xf32, #tpu.memory_space<hbm>>) target(%dma_start3A_34 : memref<640x64xf32, #tpu.memory_space<vmem_shared>>) target_semaphore(%run_scoped3A : memref<!tpu.dma_semaphore, #tpu.memory_space<semaphore_mem>>)
      %dma_wait3A = arith.constant 0 : i32
      %dma_wait3A_37 = tpu.memref_slice %arg9[%mul3A_4, %dma_wait3A] : memref<10240x64xf32, #tpu.memory_space<vmem_shared>> -> memref<640x64xf32, #tpu.memory_space<vmem_shared>>
      %dma_wait3A_38 = arith.constant 0 : i32
      %dma_wait3A_39 = tpu.memref_slice %arg4[%mul3A_2, %dma_wait3A_38] : memref<10240x64xf32, #tpu.memory_space<hbm>> -> memref<640x64xf32, #tpu.memory_space<hbm>>
      tpu.wait_dma2 semaphore(%run_scoped3A : memref<!tpu.dma_semaphore, #tpu.memory_space<semaphore_mem>>) src(%dma_wait3A_39 : memref<640x64xf32, #tpu.memory_space<hbm>>) dst(%dma_wait3A_37 : memref<640x64xf32, #tpu.memory_space<vmem_shared>>)
      tpu.yield
    }) : () -> ()
    %barrier3A = arith.constant 0 : index
    tpu.barrier barrier_id(%barrier3A)
    %eq3A = arith.constant 31 : i32
    %eq3A_5 = arith.cmpi eq, %add3A, %eq3A : i32
    %not3A = arith.constant true
    %not3A_6 = arith.xori %eq3A_5, %not3A : i1
    %convert_element_type3A = arith.extui %not3A_6 : i1 to i32
    %cond3A = arith.constant 0 : i32
    %cond3A_7 = arith.cmpi ne, %convert_element_type3A, %cond3A : i32
    scf.if %cond3A_7 {
      %mul3A_33 = arith.constant 80 : i32
      %mul3A_34 = arith.muli %add3A, %mul3A_33 : i32
      "tpu.region"() ({
        %run_scoped3A = tpu.sem_alloc : memref<!tpu.dma_semaphore, #tpu.memory_space<semaphore_mem>>
        %dma_start3A_35 = arith.constant 0 : i32
        %dma_start3A_36 = tpu.memref_slice %arg3[%mul3A_34, %dma_start3A_35] : memref<2500x128xi32, #tpu.memory_space<hbm>> -> memref<80x128xi32, #tpu.memory_space<hbm>>
        %dma_start3A_37 = arith.constant 0 : i32
        %dma_start3A_38 = tpu.memref_slice %arg3[%mul3A_34, %dma_start3A_37] : memref<2500x128xi32, #tpu.memory_space<hbm>> -> memref<80x128xi32, #tpu.memory_space<hbm>>
        tpu.enqueue_dma source(%dma_start3A_38 : memref<80x128xi32, #tpu.memory_space<hbm>>) target(%arg6 : memref<80x128xi32, #tpu.memory_space<vmem>>) target_semaphore(%run_scoped3A : memref<!tpu.dma_semaphore, #tpu.memory_space<semaphore_mem>>)
        %dma_wait3A = arith.constant 0 : i32
        %dma_wait3A_39 = tpu.memref_slice %arg3[%mul3A_34, %dma_wait3A] : memref<2500x128xi32, #tpu.memory_space<hbm>> -> memref<80x128xi32, #tpu.memory_space<hbm>>
        %dma_wait3A_40 = arith.constant 0 : i32
        %dma_wait3A_41 = tpu.memref_slice %arg3[%mul3A_34, %dma_wait3A_40] : memref<2500x128xi32, #tpu.memory_space<hbm>> -> memref<80x128xi32, #tpu.memory_space<hbm>>
        tpu.wait_dma2 semaphore(%run_scoped3A : memref<!tpu.dma_semaphore, #tpu.memory_space<semaphore_mem>>) src(%dma_wait3A_41 : memref<80x128xi32, #tpu.memory_space<hbm>>) dst(%arg6 : memref<80x128xi32, #tpu.memory_space<vmem>>)
        tpu.yield
      }) : () -> ()
    } else {
    }
    %convert_element_type3A_8 = arith.extui %eq3A_5 : i1 to i32
    %cond3A_9 = arith.constant 0 : i32
    %cond3A_10 = arith.cmpi ne, %convert_element_type3A_8, %cond3A_9 : i32
    scf.if %cond3A_10 {
      %mul3A_33 = arith.constant 80 : i32
      %mul3A_34 = arith.muli %add3A, %mul3A_33 : i32
      "tpu.region"() ({
        %run_scoped3A = tpu.sem_alloc : memref<!tpu.dma_semaphore, #tpu.memory_space<semaphore_mem>>
        %dma_start3A_35 = arith.constant 0 : i32
        %dma_start3A_36 = arith.constant 0 : i32
        %dma_start3A_37 = tpu.memref_slice %arg6[%dma_start3A_35, %dma_start3A_36] : memref<80x128xi32, #tpu.memory_space<vmem>> -> memref<20x128xi32, #tpu.memory_space<vmem>>
        %dma_start3A_38 = arith.constant 0 : i32
        %dma_start3A_39 = tpu.memref_slice %arg3[%mul3A_34, %dma_start3A_38] : memref<2500x128xi32, #tpu.memory_space<hbm>> -> memref<20x128xi32, #tpu.memory_space<hbm>>
        %dma_start3A_40 = arith.constant 0 : i32
        %dma_start3A_41 = arith.constant 0 : i32
        %dma_start3A_42 = tpu.memref_slice %arg6[%dma_start3A_40, %dma_start3A_41] : memref<80x128xi32, #tpu.memory_space<vmem>> -> memref<20x128xi32, #tpu.memory_space<vmem>>
        %dma_start3A_43 = arith.constant 0 : i32
        %dma_start3A_44 = tpu.memref_slice %arg3[%mul3A_34, %dma_start3A_43] : memref<2500x128xi32, #tpu.memory_space<hbm>> -> memref<20x128xi32, #tpu.memory_space<hbm>>
        tpu.enqueue_dma source(%dma_start3A_44 : memref<20x128xi32, #tpu.memory_space<hbm>>) target(%dma_start3A_42 : memref<20x128xi32, #tpu.memory_space<vmem>>) target_semaphore(%run_scoped3A : memref<!tpu.dma_semaphore, #tpu.memory_space<semaphore_mem>>)
        %dma_wait3A = arith.constant 0 : i32
        %dma_wait3A_45 = arith.constant 0 : i32
        %dma_wait3A_46 = tpu.memref_slice %arg6[%dma_wait3A, %dma_wait3A_45] : memref<80x128xi32, #tpu.memory_space<vmem>> -> memref<20x128xi32, #tpu.memory_space<vmem>>
        %dma_wait3A_47 = arith.constant 0 : i32
        %dma_wait3A_48 = tpu.memref_slice %arg3[%mul3A_34, %dma_wait3A_47] : memref<2500x128xi32, #tpu.memory_space<hbm>> -> memref<20x128xi32, #tpu.memory_space<hbm>>
        %dma_wait3A_49 = arith.constant 0 : i32
        %dma_wait3A_50 = arith.constant 0 : i32
        %dma_wait3A_51 = tpu.memref_slice %arg6[%dma_wait3A_49, %dma_wait3A_50] : memref<80x128xi32, #tpu.memory_space<vmem>> -> memref<20x128xi32, #tpu.memory_space<vmem>>
        %dma_wait3A_52 = arith.constant 0 : i32
        %dma_wait3A_53 = tpu.memref_slice %arg3[%mul3A_34, %dma_wait3A_52] : memref<2500x128xi32, #tpu.memory_space<hbm>> -> memref<20x128xi32, #tpu.memory_space<hbm>>
        tpu.wait_dma2 semaphore(%run_scoped3A : memref<!tpu.dma_semaphore, #tpu.memory_space<semaphore_mem>>) src(%dma_wait3A_53 : memref<20x128xi32, #tpu.memory_space<hbm>>) dst(%dma_wait3A_51 : memref<20x128xi32, #tpu.memory_space<vmem>>)
        tpu.yield
      }) : () -> ()
    } else {
    }
    %jit3A = arith.constant 10 : i32
    %jit3A_11 = arith.constant 40 : i32
    %select_n3A = arith.select %eq3A_5, %jit3A, %jit3A_11 : i32
    %mul3A_12 = arith.constant 10240 : i32
    %mul3A_13 = arith.muli %add3A, %mul3A_12 : i32
    %add3A_14 = arith.constant 0 : i32
    %add3A_15 = arith.addi %mul3A_13, %add3A_14 : i32
    %dma_start3A = arith.constant 0 : i32
    %dma_start3A_16 = tpu.memref_slice %arg2[%add3A_15, %dma_start3A] : memref<320000x128xf32, #tpu.memory_space<hbm>> -> memref<128x64xf32, #tpu.memory_space<hbm>>
    %dma_start3A_17 = arith.constant 0 : i32
    %dma_start3A_18 = tpu.memref_slice %arg2[%add3A_15, %dma_start3A_17] : memref<320000x128xf32, #tpu.memory_space<hbm>> -> memref<128x64xf32, #tpu.memory_space<hbm>>
    tpu.enqueue_dma source(%dma_start3A_18 : memref<128x64xf32, #tpu.memory_space<hbm>>) target(%arg7 : memref<128x64xf32, #tpu.memory_space<vmem>>) target_semaphore(%arg10 : memref<!tpu.dma_semaphore, #tpu.memory_space<semaphore_mem>>)
    %while3A = arith.constant 0 : i32
    %while3A_19 = arith.constant 0 : i32
    %while3A_20 = arith.subi %select_n3A, %while3A_19 : i32
    %while3A_21 = arith.addi %while3A_19, %while3A_20 : i32
    %while3A_22 = arith.constant 1 : i32
    %while3A_23 = arith.divsi %while3A_20, %while3A_22 : i32
    %while3A_24 = arith.muli %while3A_23, %while3A_22 : i32
    %while3A_25 = arith.addi %while3A_19, %while3A_24 : i32
    %while3A_26 = arith.constant 1 : i32
    scf.for %while3A_33 = %while3A_19 to %while3A_25 step %while3A_26  : i32 {
      %mul3A_34 = arith.constant 2 : i32
      %mul3A_35 = arith.muli %mul3A_34, %while3A_33 : i32
      %mul3A_36 = arith.constant 2 : i32
      %mul3A_37 = arith.muli %mul3A_36, %while3A_33 : i32
      %add3A_38 = arith.constant 1 : i32
      %add3A_39 = arith.addi %mul3A_37, %add3A_38 : i32
      %mul3A_40 = arith.constant 128 : i32
      %mul3A_41 = arith.muli %add3A_39, %mul3A_40 : i32
      %add3A_42 = arith.addi %mul3A_13, %mul3A_41 : i32
      %dma_start3A_43 = arith.constant 0 : i32
      %dma_start3A_44 = tpu.memref_slice %arg2[%add3A_42, %dma_start3A_43] : memref<320000x128xf32, #tpu.memory_space<hbm>> -> memref<128x64xf32, #tpu.memory_space<hbm>>
      %dma_start3A_45 = arith.constant 0 : i32
      %dma_start3A_46 = tpu.memref_slice %arg2[%add3A_42, %dma_start3A_45] : memref<320000x128xf32, #tpu.memory_space<hbm>> -> memref<128x64xf32, #tpu.memory_space<hbm>>
      tpu.enqueue_dma source(%dma_start3A_46 : memref<128x64xf32, #tpu.memory_space<hbm>>) target(%arg8 : memref<128x64xf32, #tpu.memory_space<vmem>>) target_semaphore(%arg11 : memref<!tpu.dma_semaphore, #tpu.memory_space<semaphore_mem>>)
      %add3A_47 = arith.constant 0 : i32
      %add3A_48 = arith.addi %mul3A_13, %add3A_47 : i32
      %dma_wait3A = arith.constant 0 : i32
      %dma_wait3A_49 = tpu.memref_slice %arg2[%add3A_48, %dma_wait3A] : memref<320000x128xf32, #tpu.memory_space<hbm>> -> memref<128x64xf32, #tpu.memory_space<hbm>>
      %dma_wait3A_50 = arith.constant 0 : i32
      %dma_wait3A_51 = tpu.memref_slice %arg2[%add3A_48, %dma_wait3A_50] : memref<320000x128xf32, #tpu.memory_space<hbm>> -> memref<128x64xf32, #tpu.memory_space<hbm>>
      tpu.wait_dma2 semaphore(%arg10 : memref<!tpu.dma_semaphore, #tpu.memory_space<semaphore_mem>>) src(%dma_wait3A_51 : memref<128x64xf32, #tpu.memory_space<hbm>>) dst(%arg7 : memref<128x64xf32, #tpu.memory_space<vmem>>)
      "tpu.region"() ({
        %run_scoped3A = tpu.sem_alloc : memref<!tpu.dma_semaphore, #tpu.memory_space<semaphore_mem>>
        %dma_start3A_63 = arith.constant 0 : i32
        %dma_start3A_64 = tpu.memref_slice %arg6[%mul3A_35, %dma_start3A_63] : memref<80x128xi32, #tpu.memory_space<vmem>> -> memref<1x128xi32, #tpu.memory_space<vmem>>
        %dma_start3A_65 = tpu.memref_squeeze %dma_start3A_64 : memref<1x128xi32, #tpu.memory_space<vmem>> -> memref<128xi32, #tpu.memory_space<vmem>>
        %dma_start3A_66 = arith.constant 0 : i32
        %dma_start3A_67 = arith.constant 0 : i32
        %dma_start3A_68 = tpu.memref_slice %arg9[%dma_start3A_66, %dma_start3A_67] : memref<10240x64xf32, #tpu.memory_space<vmem_shared>> -> memref<10240x64xf32, #tpu.memory_space<vmem_shared>>
        tpu.enqueue_indirect_dma source(%arg7 : memref<128x64xf32, #tpu.memory_space<vmem>>) target(%dma_start3A_68 : memref<10240x64xf32, #tpu.memory_space<vmem_shared>>) offsets(%dma_start3A_65 : memref<128xi32, #tpu.memory_space<vmem>>) semaphore(%run_scoped3A : memref<!tpu.dma_semaphore, #tpu.memory_space<semaphore_mem>>) {add = true}
        %dma_wait3A_69 = arith.constant 0 : i32
        %dma_wait3A_70 = tpu.memref_slice %arg6[%mul3A_35, %dma_wait3A_69] : memref<80x128xi32, #tpu.memory_space<vmem>> -> memref<1x128xi32, #tpu.memory_space<vmem>>
        %dma_wait3A_71 = tpu.memref_squeeze %dma_wait3A_70 : memref<1x128xi32, #tpu.memory_space<vmem>> -> memref<128xi32, #tpu.memory_space<vmem>>
        %dma_wait3A_72 = arith.constant 0 : i32
        %dma_wait3A_73 = arith.constant 0 : i32
        %dma_wait3A_74 = tpu.memref_slice %arg9[%dma_wait3A_72, %dma_wait3A_73] : memref<10240x64xf32, #tpu.memory_space<vmem_shared>> -> memref<10240x64xf32, #tpu.memory_space<vmem_shared>>
        tpu.wait_indirect_dma semaphore(%run_scoped3A : memref<!tpu.dma_semaphore, #tpu.memory_space<semaphore_mem>>) src(%arg7 : memref<128x64xf32, #tpu.memory_space<vmem>>) dst(%dma_wait3A_74 : memref<10240x64xf32, #tpu.memory_space<vmem_shared>>)
        tpu.yield
      }) : () -> ()
      %add3A_52 = arith.constant 1 : i32
      %add3A_53 = arith.addi %while3A_33, %add3A_52 : i32
      %lt3A = arith.cmpi slt, %add3A_53, %select_n3A : i32
      %convert_element_type3A_54 = arith.extui %lt3A : i1 to i32
      %cond3A_55 = arith.constant 0 : i32
      %cond3A_56 = arith.cmpi ne, %convert_element_type3A_54, %cond3A_55 : i32
      scf.if %cond3A_56 {
        %add3A_63 = arith.constant 2 : i32
        %add3A_64 = arith.addi %mul3A_35, %add3A_63 : i32
        %mul3A_65 = arith.constant 128 : i32
        %mul3A_66 = arith.muli %add3A_64, %mul3A_65 : i32
        %add3A_67 = arith.addi %mul3A_13, %mul3A_66 : i32
        %dma_start3A_68 = arith.constant 0 : i32
        %dma_start3A_69 = tpu.memref_slice %arg2[%add3A_67, %dma_start3A_68] : memref<320000x128xf32, #tpu.memory_space<hbm>> -> memref<128x64xf32, #tpu.memory_space<hbm>>
        %dma_start3A_70 = arith.constant 0 : i32
        %dma_start3A_71 = tpu.memref_slice %arg2[%add3A_67, %dma_start3A_70] : memref<320000x128xf32, #tpu.memory_space<hbm>> -> memref<128x64xf32, #tpu.memory_space<hbm>>
        tpu.enqueue_dma source(%dma_start3A_71 : memref<128x64xf32, #tpu.memory_space<hbm>>) target(%arg7 : memref<128x64xf32, #tpu.memory_space<vmem>>) target_semaphore(%arg10 : memref<!tpu.dma_semaphore, #tpu.memory_space<semaphore_mem>>)
      } else {
      }
      %add3A_57 = arith.constant 0 : i32
      %add3A_58 = arith.addi %mul3A_13, %add3A_57 : i32
      %dma_wait3A_59 = arith.constant 0 : i32
      %dma_wait3A_60 = tpu.memref_slice %arg2[%add3A_58, %dma_wait3A_59] : memref<320000x128xf32, #tpu.memory_space<hbm>> -> memref<128x64xf32, #tpu.memory_space<hbm>>
      %dma_wait3A_61 = arith.constant 0 : i32
      %dma_wait3A_62 = tpu.memref_slice %arg2[%add3A_58, %dma_wait3A_61] : memref<320000x128xf32, #tpu.memory_space<hbm>> -> memref<128x64xf32, #tpu.memory_space<hbm>>
      tpu.wait_dma2 semaphore(%arg11 : memref<!tpu.dma_semaphore, #tpu.memory_space<semaphore_mem>>) src(%dma_wait3A_62 : memref<128x64xf32, #tpu.memory_space<hbm>>) dst(%arg8 : memref<128x64xf32, #tpu.memory_space<vmem>>)
      "tpu.region"() ({
        %run_scoped3A = tpu.sem_alloc : memref<!tpu.dma_semaphore, #tpu.memory_space<semaphore_mem>>
        %dma_start3A_63 = arith.constant 0 : i32
        %dma_start3A_64 = tpu.memref_slice %arg6[%add3A_39, %dma_start3A_63] : memref<80x128xi32, #tpu.memory_space<vmem>> -> memref<1x128xi32, #tpu.memory_space<vmem>>
        %dma_start3A_65 = tpu.memref_squeeze %dma_start3A_64 : memref<1x128xi32, #tpu.memory_space<vmem>> -> memref<128xi32, #tpu.memory_space<vmem>>
        %dma_start3A_66 = arith.constant 0 : i32
        %dma_start3A_67 = arith.constant 0 : i32
        %dma_start3A_68 = tpu.memref_slice %arg9[%dma_start3A_66, %dma_start3A_67] : memref<10240x64xf32, #tpu.memory_space<vmem_shared>> -> memref<10240x64xf32, #tpu.memory_space<vmem_shared>>
        tpu.enqueue_indirect_dma source(%arg8 : memref<128x64xf32, #tpu.memory_space<vmem>>) target(%dma_start3A_68 : memref<10240x64xf32, #tpu.memory_space<vmem_shared>>) offsets(%dma_start3A_65 : memref<128xi32, #tpu.memory_space<vmem>>) semaphore(%run_scoped3A : memref<!tpu.dma_semaphore, #tpu.memory_space<semaphore_mem>>) {add = true}
        %dma_wait3A_69 = arith.constant 0 : i32
        %dma_wait3A_70 = tpu.memref_slice %arg6[%add3A_39, %dma_wait3A_69] : memref<80x128xi32, #tpu.memory_space<vmem>> -> memref<1x128xi32, #tpu.memory_space<vmem>>
        %dma_wait3A_71 = tpu.memref_squeeze %dma_wait3A_70 : memref<1x128xi32, #tpu.memory_space<vmem>> -> memref<128xi32, #tpu.memory_space<vmem>>
        %dma_wait3A_72 = arith.constant 0 : i32
        %dma_wait3A_73 = arith.constant 0 : i32
        %dma_wait3A_74 = tpu.memref_slice %arg9[%dma_wait3A_72, %dma_wait3A_73] : memref<10240x64xf32, #tpu.memory_space<vmem_shared>> -> memref<10240x64xf32, #tpu.memory_space<vmem_shared>>
        tpu.wait_indirect_dma semaphore(%run_scoped3A : memref<!tpu.dma_semaphore, #tpu.memory_space<semaphore_mem>>) src(%arg8 : memref<128x64xf32, #tpu.memory_space<vmem>>) dst(%dma_wait3A_74 : memref<10240x64xf32, #tpu.memory_space<vmem_shared>>)
        tpu.yield
      }) : () -> ()
    }
    %while3A_27 = arith.constant 1 : i32
    scf.for %while3A_33 = %while3A_25 to %while3A_21 step %while3A_27  : i32 {
      %mul3A_34 = arith.constant 2 : i32
      %mul3A_35 = arith.muli %mul3A_34, %while3A_33 : i32
      %mul3A_36 = arith.constant 2 : i32
      %mul3A_37 = arith.muli %mul3A_36, %while3A_33 : i32
      %add3A_38 = arith.constant 1 : i32
      %add3A_39 = arith.addi %mul3A_37, %add3A_38 : i32
      %mul3A_40 = arith.constant 128 : i32
      %mul3A_41 = arith.muli %add3A_39, %mul3A_40 : i32
      %add3A_42 = arith.addi %mul3A_13, %mul3A_41 : i32
      %dma_start3A_43 = arith.constant 0 : i32
      %dma_start3A_44 = tpu.memref_slice %arg2[%add3A_42, %dma_start3A_43] : memref<320000x128xf32, #tpu.memory_space<hbm>> -> memref<128x64xf32, #tpu.memory_space<hbm>>
      %dma_start3A_45 = arith.constant 0 : i32
      %dma_start3A_46 = tpu.memref_slice %arg2[%add3A_42, %dma_start3A_45] : memref<320000x128xf32, #tpu.memory_space<hbm>> -> memref<128x64xf32, #tpu.memory_space<hbm>>
      tpu.enqueue_dma source(%dma_start3A_46 : memref<128x64xf32, #tpu.memory_space<hbm>>) target(%arg8 : memref<128x64xf32, #tpu.memory_space<vmem>>) target_semaphore(%arg11 : memref<!tpu.dma_semaphore, #tpu.memory_space<semaphore_mem>>)
      %add3A_47 = arith.constant 0 : i32
      %add3A_48 = arith.addi %mul3A_13, %add3A_47 : i32
      %dma_wait3A = arith.constant 0 : i32
      %dma_wait3A_49 = tpu.memref_slice %arg2[%add3A_48, %dma_wait3A] : memref<320000x128xf32, #tpu.memory_space<hbm>> -> memref<128x64xf32, #tpu.memory_space<hbm>>
      %dma_wait3A_50 = arith.constant 0 : i32
      %dma_wait3A_51 = tpu.memref_slice %arg2[%add3A_48, %dma_wait3A_50] : memref<320000x128xf32, #tpu.memory_space<hbm>> -> memref<128x64xf32, #tpu.memory_space<hbm>>
      tpu.wait_dma2 semaphore(%arg10 : memref<!tpu.dma_semaphore, #tpu.memory_space<semaphore_mem>>) src(%dma_wait3A_51 : memref<128x64xf32, #tpu.memory_space<hbm>>) dst(%arg7 : memref<128x64xf32, #tpu.memory_space<vmem>>)
      "tpu.region"() ({
        %run_scoped3A = tpu.sem_alloc : memref<!tpu.dma_semaphore, #tpu.memory_space<semaphore_mem>>
        %dma_start3A_63 = arith.constant 0 : i32
        %dma_start3A_64 = tpu.memref_slice %arg6[%mul3A_35, %dma_start3A_63] : memref<80x128xi32, #tpu.memory_space<vmem>> -> memref<1x128xi32, #tpu.memory_space<vmem>>
        %dma_start3A_65 = tpu.memref_squeeze %dma_start3A_64 : memref<1x128xi32, #tpu.memory_space<vmem>> -> memref<128xi32, #tpu.memory_space<vmem>>
        %dma_start3A_66 = arith.constant 0 : i32
        %dma_start3A_67 = arith.constant 0 : i32
        %dma_start3A_68 = tpu.memref_slice %arg9[%dma_start3A_66, %dma_start3A_67] : memref<10240x64xf32, #tpu.memory_space<vmem_shared>> -> memref<10240x64xf32, #tpu.memory_space<vmem_shared>>
        tpu.enqueue_indirect_dma source(%arg7 : memref<128x64xf32, #tpu.memory_space<vmem>>) target(%dma_start3A_68 : memref<10240x64xf32, #tpu.memory_space<vmem_shared>>) offsets(%dma_start3A_65 : memref<128xi32, #tpu.memory_space<vmem>>) semaphore(%run_scoped3A : memref<!tpu.dma_semaphore, #tpu.memory_space<semaphore_mem>>) {add = true}
        %dma_wait3A_69 = arith.constant 0 : i32
        %dma_wait3A_70 = tpu.memref_slice %arg6[%mul3A_35, %dma_wait3A_69] : memref<80x128xi32, #tpu.memory_space<vmem>> -> memref<1x128xi32, #tpu.memory_space<vmem>>
        %dma_wait3A_71 = tpu.memref_squeeze %dma_wait3A_70 : memref<1x128xi32, #tpu.memory_space<vmem>> -> memref<128xi32, #tpu.memory_space<vmem>>
        %dma_wait3A_72 = arith.constant 0 : i32
        %dma_wait3A_73 = arith.constant 0 : i32
        %dma_wait3A_74 = tpu.memref_slice %arg9[%dma_wait3A_72, %dma_wait3A_73] : memref<10240x64xf32, #tpu.memory_space<vmem_shared>> -> memref<10240x64xf32, #tpu.memory_space<vmem_shared>>
        tpu.wait_indirect_dma semaphore(%run_scoped3A : memref<!tpu.dma_semaphore, #tpu.memory_space<semaphore_mem>>) src(%arg7 : memref<128x64xf32, #tpu.memory_space<vmem>>) dst(%dma_wait3A_74 : memref<10240x64xf32, #tpu.memory_space<vmem_shared>>)
        tpu.yield
      }) : () -> ()
      %add3A_52 = arith.constant 1 : i32
      %add3A_53 = arith.addi %while3A_33, %add3A_52 : i32
      %lt3A = arith.cmpi slt, %add3A_53, %select_n3A : i32
      %convert_element_type3A_54 = arith.extui %lt3A : i1 to i32
      %cond3A_55 = arith.constant 0 : i32
      %cond3A_56 = arith.cmpi ne, %convert_element_type3A_54, %cond3A_55 : i32
      scf.if %cond3A_56 {
        %add3A_63 = arith.constant 2 : i32
        %add3A_64 = arith.addi %mul3A_35, %add3A_63 : i32
        %mul3A_65 = arith.constant 128 : i32
        %mul3A_66 = arith.muli %add3A_64, %mul3A_65 : i32
        %add3A_67 = arith.addi %mul3A_13, %mul3A_66 : i32
        %dma_start3A_68 = arith.constant 0 : i32
        %dma_start3A_69 = tpu.memref_slice %arg2[%add3A_67, %dma_start3A_68] : memref<320000x128xf32, #tpu.memory_space<hbm>> -> memref<128x64xf32, #tpu.memory_space<hbm>>
        %dma_start3A_70 = arith.constant 0 : i32
        %dma_start3A_71 = tpu.memref_slice %arg2[%add3A_67, %dma_start3A_70] : memref<320000x128xf32, #tpu.memory_space<hbm>> -> memref<128x64xf32, #tpu.memory_space<hbm>>
        tpu.enqueue_dma source(%dma_start3A_71 : memref<128x64xf32, #tpu.memory_space<hbm>>) target(%arg7 : memref<128x64xf32, #tpu.memory_space<vmem>>) target_semaphore(%arg10 : memref<!tpu.dma_semaphore, #tpu.memory_space<semaphore_mem>>)
      } else {
      }
      %add3A_57 = arith.constant 0 : i32
      %add3A_58 = arith.addi %mul3A_13, %add3A_57 : i32
      %dma_wait3A_59 = arith.constant 0 : i32
      %dma_wait3A_60 = tpu.memref_slice %arg2[%add3A_58, %dma_wait3A_59] : memref<320000x128xf32, #tpu.memory_space<hbm>> -> memref<128x64xf32, #tpu.memory_space<hbm>>
      %dma_wait3A_61 = arith.constant 0 : i32
      %dma_wait3A_62 = tpu.memref_slice %arg2[%add3A_58, %dma_wait3A_61] : memref<320000x128xf32, #tpu.memory_space<hbm>> -> memref<128x64xf32, #tpu.memory_space<hbm>>
      tpu.wait_dma2 semaphore(%arg11 : memref<!tpu.dma_semaphore, #tpu.memory_space<semaphore_mem>>) src(%dma_wait3A_62 : memref<128x64xf32, #tpu.memory_space<hbm>>) dst(%arg8 : memref<128x64xf32, #tpu.memory_space<vmem>>)
      "tpu.region"() ({
        %run_scoped3A = tpu.sem_alloc : memref<!tpu.dma_semaphore, #tpu.memory_space<semaphore_mem>>
        %dma_start3A_63 = arith.constant 0 : i32
        %dma_start3A_64 = tpu.memref_slice %arg6[%add3A_39, %dma_start3A_63] : memref<80x128xi32, #tpu.memory_space<vmem>> -> memref<1x128xi32, #tpu.memory_space<vmem>>
        %dma_start3A_65 = tpu.memref_squeeze %dma_start3A_64 : memref<1x128xi32, #tpu.memory_space<vmem>> -> memref<128xi32, #tpu.memory_space<vmem>>
        %dma_start3A_66 = arith.constant 0 : i32
        %dma_start3A_67 = arith.constant 0 : i32
        %dma_start3A_68 = tpu.memref_slice %arg9[%dma_start3A_66, %dma_start3A_67] : memref<10240x64xf32, #tpu.memory_space<vmem_shared>> -> memref<10240x64xf32, #tpu.memory_space<vmem_shared>>
        tpu.enqueue_indirect_dma source(%arg8 : memref<128x64xf32, #tpu.memory_space<vmem>>) target(%dma_start3A_68 : memref<10240x64xf32, #tpu.memory_space<vmem_shared>>) offsets(%dma_start3A_65 : memref<128xi32, #tpu.memory_space<vmem>>) semaphore(%run_scoped3A : memref<!tpu.dma_semaphore, #tpu.memory_space<semaphore_mem>>) {add = true}
        %dma_wait3A_69 = arith.constant 0 : i32
        %dma_wait3A_70 = tpu.memref_slice %arg6[%add3A_39, %dma_wait3A_69] : memref<80x128xi32, #tpu.memory_space<vmem>> -> memref<1x128xi32, #tpu.memory_space<vmem>>
        %dma_wait3A_71 = tpu.memref_squeeze %dma_wait3A_70 : memref<1x128xi32, #tpu.memory_space<vmem>> -> memref<128xi32, #tpu.memory_space<vmem>>
        %dma_wait3A_72 = arith.constant 0 : i32
        %dma_wait3A_73 = arith.constant 0 : i32
        %dma_wait3A_74 = tpu.memref_slice %arg9[%dma_wait3A_72, %dma_wait3A_73] : memref<10240x64xf32, #tpu.memory_space<vmem_shared>> -> memref<10240x64xf32, #tpu.memory_space<vmem_shared>>
        tpu.wait_indirect_dma semaphore(%run_scoped3A : memref<!tpu.dma_semaphore, #tpu.memory_space<semaphore_mem>>) src(%arg8 : memref<128x64xf32, #tpu.memory_space<vmem>>) dst(%dma_wait3A_74 : memref<10240x64xf32, #tpu.memory_space<vmem_shared>>)
        tpu.yield
      }) : () -> ()
    }
    %barrier3A_28 = arith.constant 0 : index
    tpu.barrier barrier_id(%barrier3A_28)
    %mul3A_29 = arith.constant 640 : i32
    %mul3A_30 = arith.muli %arg1, %mul3A_29 : i32
    %mul3A_31 = arith.constant 640 : i32
    %mul3A_32 = arith.muli %arg1, %mul3A_31 : i32
    "tpu.region"() ({
      %run_scoped3A = tpu.sem_alloc : memref<!tpu.dma_semaphore, #tpu.memory_space<semaphore_mem>>
      %dma_start3A_33 = arith.constant 0 : i32
      %dma_start3A_34 = tpu.memref_slice %arg5[%arg0, %mul3A_32, %dma_start3A_33] : memref<2x10240x64xf32, #tpu.memory_space<hbm>> -> memref<1x640x64xf32, #tpu.memory_space<hbm>>
      %dma_start3A_35 = tpu.memref_squeeze %dma_start3A_34 : memref<1x640x64xf32, #tpu.memory_space<hbm>> -> memref<640x64xf32, #tpu.memory_space<hbm>>
      %dma_start3A_36 = arith.constant 0 : i32
      %dma_start3A_37 = tpu.memref_slice %arg9[%mul3A_30, %dma_start3A_36] : memref<10240x64xf32, #tpu.memory_space<vmem_shared>> -> memref<640x64xf32, #tpu.memory_space<vmem_shared>>
      tpu.enqueue_dma source(%dma_start3A_37 : memref<640x64xf32, #tpu.memory_space<vmem_shared>>) target(%dma_start3A_35 : memref<640x64xf32, #tpu.memory_space<hbm>>) target_semaphore(%run_scoped3A : memref<!tpu.dma_semaphore, #tpu.memory_space<semaphore_mem>>)
      %dma_wait3A = arith.constant 0 : i32
      %dma_wait3A_38 = tpu.memref_slice %arg5[%arg0, %mul3A_32, %dma_wait3A] : memref<2x10240x64xf32, #tpu.memory_space<hbm>> -> memref<1x640x64xf32, #tpu.memory_space<hbm>>
      %dma_wait3A_39 = tpu.memref_squeeze %dma_wait3A_38 : memref<1x640x64xf32, #tpu.memory_space<hbm>> -> memref<640x64xf32, #tpu.memory_space<hbm>>
      %dma_wait3A_40 = arith.constant 0 : i32
      %dma_wait3A_41 = tpu.memref_slice %arg9[%mul3A_30, %dma_wait3A_40] : memref<10240x64xf32, #tpu.memory_space<vmem_shared>> -> memref<640x64xf32, #tpu.memory_space<vmem_shared>>
      tpu.wait_dma2 semaphore(%run_scoped3A : memref<!tpu.dma_semaphore, #tpu.memory_space<semaphore_mem>>) src(%dma_wait3A_41 : memref<640x64xf32, #tpu.memory_space<vmem_shared>>) dst(%dma_wait3A_39 : memref<640x64xf32, #tpu.memory_space<hbm>>)
      tpu.yield
    }) : () -> ()
    return
  }
}

#map = affine_map<(d0, d1) -> (0, 0)>
module attributes {stable_mosaic.version = 14 : i64} {
  func.func @k(%arg0: i32, %arg1: i32, %arg2: memref<10000x128xf32, #tpu.memory_space<hbm>>, %arg3: memref<2500x128xi32, #tpu.memory_space<hbm>>, %arg4: memref<2500x128xi32, #tpu.memory_space<hbm>>, %arg5: memref<320000x128xf32, #tpu.memory_space<hbm>>, %arg6: memref<320000x128xf32, #tpu.memory_space<hbm>>, %arg7: memref<80x128xi32, #tpu.memory_space<vmem>>, %arg8: memref<80x128xi32, #tpu.memory_space<vmem>>, %arg9: memref<128x128xf32, #tpu.memory_space<vmem>>, %arg10: memref<128x128xf32, #tpu.memory_space<vmem>>, %arg11: memref<128x128xf32, #tpu.memory_space<vmem>>, %arg12: memref<128x128xf32, #tpu.memory_space<vmem>>, %arg13: memref<!tpu.dma_semaphore, #tpu.memory_space<semaphore_mem>>, %arg14: memref<!tpu.dma_semaphore, #tpu.memory_space<semaphore_mem>>, %arg15: memref<!tpu.dma_semaphore, #tpu.memory_space<semaphore_mem>>, %arg16: memref<!tpu.dma_semaphore, #tpu.memory_space<semaphore_mem>>) attributes {dimension_semantics = [#tpu.dimension_semantics<core_parallel>, #tpu.dimension_semantics<subcore_parallel>], iteration_bounds = array<i64: 2, 16>, scalar_prefetch = 0 : i64, scratch_operands = 10 : i64, tpu.core_type = #tpu.core_type<sc_vector_subcore>, window_params = [{transform_indices = #map}, {transform_indices = #map}, {transform_indices = #map}, {transform_indices = #map}, {transform_indices = #map}]} {
    %mul3A = arith.constant 2 : i32
    %mul3A_0 = arith.muli %arg1, %mul3A : i32
    %add3A = arith.addi %mul3A_0, %arg0 : i32
    %mul3A_1 = arith.constant 80 : i32
    %mul3A_2 = arith.muli %add3A, %mul3A_1 : i32
    %eq3A = arith.constant 31 : i32
    %eq3A_3 = arith.cmpi eq, %add3A, %eq3A : i32
    %not3A = arith.constant true
    %not3A_4 = arith.xori %eq3A_3, %not3A : i1
    %convert_element_type3A = arith.extui %not3A_4 : i1 to i32
    %cond3A = arith.constant 0 : i32
    %cond3A_5 = arith.cmpi ne, %convert_element_type3A, %cond3A : i32
    scf.if %cond3A_5 {
      "tpu.region"() ({
        %run_scoped3A = tpu.sem_alloc : memref<!tpu.dma_semaphore, #tpu.memory_space<semaphore_mem>>
        %dma_start3A = arith.constant 0 : i32
        %dma_start3A_44 = tpu.memref_slice %arg3[%mul3A_2, %dma_start3A] : memref<2500x128xi32, #tpu.memory_space<hbm>> -> memref<80x128xi32, #tpu.memory_space<hbm>>
        %dma_start3A_45 = arith.constant 0 : i32
        %dma_start3A_46 = tpu.memref_slice %arg3[%mul3A_2, %dma_start3A_45] : memref<2500x128xi32, #tpu.memory_space<hbm>> -> memref<80x128xi32, #tpu.memory_space<hbm>>
        tpu.enqueue_dma source(%dma_start3A_46 : memref<80x128xi32, #tpu.memory_space<hbm>>) target(%arg7 : memref<80x128xi32, #tpu.memory_space<vmem>>) target_semaphore(%run_scoped3A : memref<!tpu.dma_semaphore, #tpu.memory_space<semaphore_mem>>)
        %dma_wait3A_47 = arith.constant 0 : i32
        %dma_wait3A_48 = tpu.memref_slice %arg3[%mul3A_2, %dma_wait3A_47] : memref<2500x128xi32, #tpu.memory_space<hbm>> -> memref<80x128xi32, #tpu.memory_space<hbm>>
        %dma_wait3A_49 = arith.constant 0 : i32
        %dma_wait3A_50 = tpu.memref_slice %arg3[%mul3A_2, %dma_wait3A_49] : memref<2500x128xi32, #tpu.memory_space<hbm>> -> memref<80x128xi32, #tpu.memory_space<hbm>>
        tpu.wait_dma2 semaphore(%run_scoped3A : memref<!tpu.dma_semaphore, #tpu.memory_space<semaphore_mem>>) src(%dma_wait3A_50 : memref<80x128xi32, #tpu.memory_space<hbm>>) dst(%arg7 : memref<80x128xi32, #tpu.memory_space<vmem>>)
        tpu.yield
      }) : () -> ()
      "tpu.region"() ({
        %run_scoped3A = tpu.sem_alloc : memref<!tpu.dma_semaphore, #tpu.memory_space<semaphore_mem>>
        %dma_start3A = arith.constant 0 : i32
        %dma_start3A_44 = tpu.memref_slice %arg4[%mul3A_2, %dma_start3A] : memref<2500x128xi32, #tpu.memory_space<hbm>> -> memref<80x128xi32, #tpu.memory_space<hbm>>
        %dma_start3A_45 = arith.constant 0 : i32
        %dma_start3A_46 = tpu.memref_slice %arg4[%mul3A_2, %dma_start3A_45] : memref<2500x128xi32, #tpu.memory_space<hbm>> -> memref<80x128xi32, #tpu.memory_space<hbm>>
        tpu.enqueue_dma source(%dma_start3A_46 : memref<80x128xi32, #tpu.memory_space<hbm>>) target(%arg8 : memref<80x128xi32, #tpu.memory_space<vmem>>) target_semaphore(%run_scoped3A : memref<!tpu.dma_semaphore, #tpu.memory_space<semaphore_mem>>)
        %dma_wait3A_47 = arith.constant 0 : i32
        %dma_wait3A_48 = tpu.memref_slice %arg4[%mul3A_2, %dma_wait3A_47] : memref<2500x128xi32, #tpu.memory_space<hbm>> -> memref<80x128xi32, #tpu.memory_space<hbm>>
        %dma_wait3A_49 = arith.constant 0 : i32
        %dma_wait3A_50 = tpu.memref_slice %arg4[%mul3A_2, %dma_wait3A_49] : memref<2500x128xi32, #tpu.memory_space<hbm>> -> memref<80x128xi32, #tpu.memory_space<hbm>>
        tpu.wait_dma2 semaphore(%run_scoped3A : memref<!tpu.dma_semaphore, #tpu.memory_space<semaphore_mem>>) src(%dma_wait3A_50 : memref<80x128xi32, #tpu.memory_space<hbm>>) dst(%arg8 : memref<80x128xi32, #tpu.memory_space<vmem>>)
        tpu.yield
      }) : () -> ()
    } else {
    }
    %convert_element_type3A_6 = arith.extui %eq3A_3 : i1 to i32
    %cond3A_7 = arith.constant 0 : i32
    %cond3A_8 = arith.cmpi ne, %convert_element_type3A_6, %cond3A_7 : i32
    scf.if %cond3A_8 {
      "tpu.region"() ({
        %run_scoped3A = tpu.sem_alloc : memref<!tpu.dma_semaphore, #tpu.memory_space<semaphore_mem>>
        %dma_start3A = arith.constant 0 : i32
        %dma_start3A_44 = arith.constant 0 : i32
        %dma_start3A_45 = tpu.memref_slice %arg7[%dma_start3A, %dma_start3A_44] : memref<80x128xi32, #tpu.memory_space<vmem>> -> memref<20x128xi32, #tpu.memory_space<vmem>>
        %dma_start3A_46 = arith.constant 0 : i32
        %dma_start3A_47 = tpu.memref_slice %arg3[%mul3A_2, %dma_start3A_46] : memref<2500x128xi32, #tpu.memory_space<hbm>> -> memref<20x128xi32, #tpu.memory_space<hbm>>
        %dma_start3A_48 = arith.constant 0 : i32
        %dma_start3A_49 = arith.constant 0 : i32
        %dma_start3A_50 = tpu.memref_slice %arg7[%dma_start3A_48, %dma_start3A_49] : memref<80x128xi32, #tpu.memory_space<vmem>> -> memref<20x128xi32, #tpu.memory_space<vmem>>
        %dma_start3A_51 = arith.constant 0 : i32
        %dma_start3A_52 = tpu.memref_slice %arg3[%mul3A_2, %dma_start3A_51] : memref<2500x128xi32, #tpu.memory_space<hbm>> -> memref<20x128xi32, #tpu.memory_space<hbm>>
        tpu.enqueue_dma source(%dma_start3A_52 : memref<20x128xi32, #tpu.memory_space<hbm>>) target(%dma_start3A_50 : memref<20x128xi32, #tpu.memory_space<vmem>>) target_semaphore(%run_scoped3A : memref<!tpu.dma_semaphore, #tpu.memory_space<semaphore_mem>>)
        %dma_wait3A_53 = arith.constant 0 : i32
        %dma_wait3A_54 = arith.constant 0 : i32
        %dma_wait3A_55 = tpu.memref_slice %arg7[%dma_wait3A_53, %dma_wait3A_54] : memref<80x128xi32, #tpu.memory_space<vmem>> -> memref<20x128xi32, #tpu.memory_space<vmem>>
        %dma_wait3A_56 = arith.constant 0 : i32
        %dma_wait3A_57 = tpu.memref_slice %arg3[%mul3A_2, %dma_wait3A_56] : memref<2500x128xi32, #tpu.memory_space<hbm>> -> memref<20x128xi32, #tpu.memory_space<hbm>>
        %dma_wait3A_58 = arith.constant 0 : i32
        %dma_wait3A_59 = arith.constant 0 : i32
        %dma_wait3A_60 = tpu.memref_slice %arg7[%dma_wait3A_58, %dma_wait3A_59] : memref<80x128xi32, #tpu.memory_space<vmem>> -> memref<20x128xi32, #tpu.memory_space<vmem>>
        %dma_wait3A_61 = arith.constant 0 : i32
        %dma_wait3A_62 = tpu.memref_slice %arg3[%mul3A_2, %dma_wait3A_61] : memref<2500x128xi32, #tpu.memory_space<hbm>> -> memref<20x128xi32, #tpu.memory_space<hbm>>
        tpu.wait_dma2 semaphore(%run_scoped3A : memref<!tpu.dma_semaphore, #tpu.memory_space<semaphore_mem>>) src(%dma_wait3A_62 : memref<20x128xi32, #tpu.memory_space<hbm>>) dst(%dma_wait3A_60 : memref<20x128xi32, #tpu.memory_space<vmem>>)
        tpu.yield
      }) : () -> ()
      "tpu.region"() ({
        %run_scoped3A = tpu.sem_alloc : memref<!tpu.dma_semaphore, #tpu.memory_space<semaphore_mem>>
        %dma_start3A = arith.constant 0 : i32
        %dma_start3A_44 = arith.constant 0 : i32
        %dma_start3A_45 = tpu.memref_slice %arg8[%dma_start3A, %dma_start3A_44] : memref<80x128xi32, #tpu.memory_space<vmem>> -> memref<20x128xi32, #tpu.memory_space<vmem>>
        %dma_start3A_46 = arith.constant 0 : i32
        %dma_start3A_47 = tpu.memref_slice %arg4[%mul3A_2, %dma_start3A_46] : memref<2500x128xi32, #tpu.memory_space<hbm>> -> memref<20x128xi32, #tpu.memory_space<hbm>>
        %dma_start3A_48 = arith.constant 0 : i32
        %dma_start3A_49 = arith.constant 0 : i32
        %dma_start3A_50 = tpu.memref_slice %arg8[%dma_start3A_48, %dma_start3A_49] : memref<80x128xi32, #tpu.memory_space<vmem>> -> memref<20x128xi32, #tpu.memory_space<vmem>>
        %dma_start3A_51 = arith.constant 0 : i32
        %dma_start3A_52 = tpu.memref_slice %arg4[%mul3A_2, %dma_start3A_51] : memref<2500x128xi32, #tpu.memory_space<hbm>> -> memref<20x128xi32, #tpu.memory_space<hbm>>
        tpu.enqueue_dma source(%dma_start3A_52 : memref<20x128xi32, #tpu.memory_space<hbm>>) target(%dma_start3A_50 : memref<20x128xi32, #tpu.memory_space<vmem>>) target_semaphore(%run_scoped3A : memref<!tpu.dma_semaphore, #tpu.memory_space<semaphore_mem>>)
        %dma_wait3A_53 = arith.constant 0 : i32
        %dma_wait3A_54 = arith.constant 0 : i32
        %dma_wait3A_55 = tpu.memref_slice %arg8[%dma_wait3A_53, %dma_wait3A_54] : memref<80x128xi32, #tpu.memory_space<vmem>> -> memref<20x128xi32, #tpu.memory_space<vmem>>
        %dma_wait3A_56 = arith.constant 0 : i32
        %dma_wait3A_57 = tpu.memref_slice %arg4[%mul3A_2, %dma_wait3A_56] : memref<2500x128xi32, #tpu.memory_space<hbm>> -> memref<20x128xi32, #tpu.memory_space<hbm>>
        %dma_wait3A_58 = arith.constant 0 : i32
        %dma_wait3A_59 = arith.constant 0 : i32
        %dma_wait3A_60 = tpu.memref_slice %arg8[%dma_wait3A_58, %dma_wait3A_59] : memref<80x128xi32, #tpu.memory_space<vmem>> -> memref<20x128xi32, #tpu.memory_space<vmem>>
        %dma_wait3A_61 = arith.constant 0 : i32
        %dma_wait3A_62 = tpu.memref_slice %arg4[%mul3A_2, %dma_wait3A_61] : memref<2500x128xi32, #tpu.memory_space<hbm>> -> memref<20x128xi32, #tpu.memory_space<hbm>>
        tpu.wait_dma2 semaphore(%run_scoped3A : memref<!tpu.dma_semaphore, #tpu.memory_space<semaphore_mem>>) src(%dma_wait3A_62 : memref<20x128xi32, #tpu.memory_space<hbm>>) dst(%dma_wait3A_60 : memref<20x128xi32, #tpu.memory_space<vmem>>)
        tpu.yield
      }) : () -> ()
    } else {
    }
    %jit3A = arith.constant 10 : i32
    %jit3A_9 = arith.constant 40 : i32
    %select_n3A = arith.select %eq3A_3, %jit3A, %jit3A_9 : i32
    %mul3A_10 = arith.constant 10240 : i32
    %mul3A_11 = arith.muli %add3A, %mul3A_10 : i32
    %while3A = arith.constant 0 : i32
    %while3A_12 = arith.constant 0 : i32
    %while3A_13 = arith.subi %select_n3A, %while3A_12 : i32
    %while3A_14 = arith.addi %while3A_12, %while3A_13 : i32
    %while3A_15 = arith.constant 1 : i32
    %while3A_16 = arith.divsi %while3A_13, %while3A_15 : i32
    %while3A_17 = arith.muli %while3A_16, %while3A_15 : i32
    %while3A_18 = arith.addi %while3A_12, %while3A_17 : i32
    %while3A_19 = arith.constant 1 : i32
    scf.for %while3A_44 = %while3A_12 to %while3A_18 step %while3A_19  : i32 {
      %mul3A_45 = arith.constant 2 : i32
      %mul3A_46 = arith.muli %mul3A_45, %while3A_44 : i32
      %mul3A_47 = arith.constant 2 : i32
      %mul3A_48 = arith.muli %mul3A_47, %while3A_44 : i32
      %add3A_49 = arith.constant 1 : i32
      %add3A_50 = arith.addi %mul3A_48, %add3A_49 : i32
      %gt3A = arith.constant 0 : i32
      %gt3A_51 = arith.cmpi sgt, %while3A_44, %gt3A : i32
      %convert_element_type3A_52 = arith.extui %gt3A_51 : i1 to i32
      %cond3A_53 = arith.constant 0 : i32
      %cond3A_54 = arith.cmpi ne, %convert_element_type3A_52, %cond3A_53 : i32
      scf.if %cond3A_54 {
        %dma_wait3A_130 = arith.constant 0 : i32
        %dma_wait3A_131 = arith.constant 0 : i32
        %dma_wait3A_132 = tpu.memref_slice %arg5[%dma_wait3A_130, %dma_wait3A_131] : memref<320000x128xf32, #tpu.memory_space<hbm>> -> memref<128x128xf32, #tpu.memory_space<hbm>>
        %dma_wait3A_133 = arith.constant 0 : i32
        %dma_wait3A_134 = arith.constant 0 : i32
        %dma_wait3A_135 = tpu.memref_slice %arg5[%dma_wait3A_133, %dma_wait3A_134] : memref<320000x128xf32, #tpu.memory_space<hbm>> -> memref<128x128xf32, #tpu.memory_space<hbm>>
        tpu.wait_dma2 semaphore(%arg15 : memref<!tpu.dma_semaphore, #tpu.memory_space<semaphore_mem>>) src(%arg9 : memref<128x128xf32, #tpu.memory_space<vmem>>) dst(%dma_wait3A_135 : memref<128x128xf32, #tpu.memory_space<hbm>>)
        %dma_wait3A_136 = arith.constant 0 : i32
        %dma_wait3A_137 = arith.constant 0 : i32
        %dma_wait3A_138 = tpu.memref_slice %arg6[%dma_wait3A_136, %dma_wait3A_137] : memref<320000x128xf32, #tpu.memory_space<hbm>> -> memref<128x128xf32, #tpu.memory_space<hbm>>
        %dma_wait3A_139 = arith.constant 0 : i32
        %dma_wait3A_140 = arith.constant 0 : i32
        %dma_wait3A_141 = tpu.memref_slice %arg6[%dma_wait3A_139, %dma_wait3A_140] : memref<320000x128xf32, #tpu.memory_space<hbm>> -> memref<128x128xf32, #tpu.memory_space<hbm>>
        tpu.wait_dma2 semaphore(%arg15 : memref<!tpu.dma_semaphore, #tpu.memory_space<semaphore_mem>>) src(%arg10 : memref<128x128xf32, #tpu.memory_space<vmem>>) dst(%dma_wait3A_141 : memref<128x128xf32, #tpu.memory_space<hbm>>)
        %dma_wait3A_142 = arith.constant 0 : i32
        %dma_wait3A_143 = arith.constant 0 : i32
        %dma_wait3A_144 = tpu.memref_slice %arg5[%dma_wait3A_142, %dma_wait3A_143] : memref<320000x128xf32, #tpu.memory_space<hbm>> -> memref<128x128xf32, #tpu.memory_space<hbm>>
        %dma_wait3A_145 = arith.constant 0 : i32
        %dma_wait3A_146 = arith.constant 0 : i32
        %dma_wait3A_147 = tpu.memref_slice %arg5[%dma_wait3A_145, %dma_wait3A_146] : memref<320000x128xf32, #tpu.memory_space<hbm>> -> memref<128x128xf32, #tpu.memory_space<hbm>>
        tpu.wait_dma2 semaphore(%arg16 : memref<!tpu.dma_semaphore, #tpu.memory_space<semaphore_mem>>) src(%arg11 : memref<128x128xf32, #tpu.memory_space<vmem>>) dst(%dma_wait3A_147 : memref<128x128xf32, #tpu.memory_space<hbm>>)
        %dma_wait3A_148 = arith.constant 0 : i32
        %dma_wait3A_149 = arith.constant 0 : i32
        %dma_wait3A_150 = tpu.memref_slice %arg6[%dma_wait3A_148, %dma_wait3A_149] : memref<320000x128xf32, #tpu.memory_space<hbm>> -> memref<128x128xf32, #tpu.memory_space<hbm>>
        %dma_wait3A_151 = arith.constant 0 : i32
        %dma_wait3A_152 = arith.constant 0 : i32
        %dma_wait3A_153 = tpu.memref_slice %arg6[%dma_wait3A_151, %dma_wait3A_152] : memref<320000x128xf32, #tpu.memory_space<hbm>> -> memref<128x128xf32, #tpu.memory_space<hbm>>
        tpu.wait_dma2 semaphore(%arg16 : memref<!tpu.dma_semaphore, #tpu.memory_space<semaphore_mem>>) src(%arg12 : memref<128x128xf32, #tpu.memory_space<vmem>>) dst(%dma_wait3A_153 : memref<128x128xf32, #tpu.memory_space<hbm>>)
      } else {
      }
      %dma_start3A = arith.constant 0 : i32
      %dma_start3A_55 = tpu.memref_slice %arg7[%mul3A_46, %dma_start3A] : memref<80x128xi32, #tpu.memory_space<vmem>> -> memref<1x128xi32, #tpu.memory_space<vmem>>
      %dma_start3A_56 = tpu.memref_squeeze %dma_start3A_55 : memref<1x128xi32, #tpu.memory_space<vmem>> -> memref<128xi32, #tpu.memory_space<vmem>>
      %dma_start3A_57 = arith.constant 0 : i32
      %dma_start3A_58 = arith.constant 0 : i32
      %dma_start3A_59 = tpu.memref_slice %arg2[%dma_start3A_57, %dma_start3A_58] : memref<10000x128xf32, #tpu.memory_space<hbm>> -> memref<10000x128xf32, #tpu.memory_space<hbm>>
      tpu.enqueue_indirect_dma source(%dma_start3A_59 : memref<10000x128xf32, #tpu.memory_space<hbm>>) target(%arg9 : memref<128x128xf32, #tpu.memory_space<vmem>>) offsets(%dma_start3A_56 : memref<128xi32, #tpu.memory_space<vmem>>) semaphore(%arg13 : memref<!tpu.dma_semaphore, #tpu.memory_space<semaphore_mem>>)
      %dma_start3A_60 = arith.constant 0 : i32
      %dma_start3A_61 = tpu.memref_slice %arg8[%mul3A_46, %dma_start3A_60] : memref<80x128xi32, #tpu.memory_space<vmem>> -> memref<1x128xi32, #tpu.memory_space<vmem>>
      %dma_start3A_62 = tpu.memref_squeeze %dma_start3A_61 : memref<1x128xi32, #tpu.memory_space<vmem>> -> memref<128xi32, #tpu.memory_space<vmem>>
      %dma_start3A_63 = arith.constant 0 : i32
      %dma_start3A_64 = arith.constant 0 : i32
      %dma_start3A_65 = tpu.memref_slice %arg2[%dma_start3A_63, %dma_start3A_64] : memref<10000x128xf32, #tpu.memory_space<hbm>> -> memref<10000x128xf32, #tpu.memory_space<hbm>>
      tpu.enqueue_indirect_dma source(%dma_start3A_65 : memref<10000x128xf32, #tpu.memory_space<hbm>>) target(%arg10 : memref<128x128xf32, #tpu.memory_space<vmem>>) offsets(%dma_start3A_62 : memref<128xi32, #tpu.memory_space<vmem>>) semaphore(%arg13 : memref<!tpu.dma_semaphore, #tpu.memory_space<semaphore_mem>>)
      %dma_start3A_66 = arith.constant 0 : i32
      %dma_start3A_67 = tpu.memref_slice %arg7[%add3A_50, %dma_start3A_66] : memref<80x128xi32, #tpu.memory_space<vmem>> -> memref<1x128xi32, #tpu.memory_space<vmem>>
      %dma_start3A_68 = tpu.memref_squeeze %dma_start3A_67 : memref<1x128xi32, #tpu.memory_space<vmem>> -> memref<128xi32, #tpu.memory_space<vmem>>
      %dma_start3A_69 = arith.constant 0 : i32
      %dma_start3A_70 = arith.constant 0 : i32
      %dma_start3A_71 = tpu.memref_slice %arg2[%dma_start3A_69, %dma_start3A_70] : memref<10000x128xf32, #tpu.memory_space<hbm>> -> memref<10000x128xf32, #tpu.memory_space<hbm>>
      tpu.enqueue_indirect_dma source(%dma_start3A_71 : memref<10000x128xf32, #tpu.memory_space<hbm>>) target(%arg11 : memref<128x128xf32, #tpu.memory_space<vmem>>) offsets(%dma_start3A_68 : memref<128xi32, #tpu.memory_space<vmem>>) semaphore(%arg14 : memref<!tpu.dma_semaphore, #tpu.memory_space<semaphore_mem>>)
      %dma_start3A_72 = arith.constant 0 : i32
      %dma_start3A_73 = tpu.memref_slice %arg8[%add3A_50, %dma_start3A_72] : memref<80x128xi32, #tpu.memory_space<vmem>> -> memref<1x128xi32, #tpu.memory_space<vmem>>
      %dma_start3A_74 = tpu.memref_squeeze %dma_start3A_73 : memref<1x128xi32, #tpu.memory_space<vmem>> -> memref<128xi32, #tpu.memory_space<vmem>>
      %dma_start3A_75 = arith.constant 0 : i32
      %dma_start3A_76 = arith.constant 0 : i32
      %dma_start3A_77 = tpu.memref_slice %arg2[%dma_start3A_75, %dma_start3A_76] : memref<10000x128xf32, #tpu.memory_space<hbm>> -> memref<10000x128xf32, #tpu.memory_space<hbm>>
      tpu.enqueue_indirect_dma source(%dma_start3A_77 : memref<10000x128xf32, #tpu.memory_space<hbm>>) target(%arg12 : memref<128x128xf32, #tpu.memory_space<vmem>>) offsets(%dma_start3A_74 : memref<128xi32, #tpu.memory_space<vmem>>) semaphore(%arg14 : memref<!tpu.dma_semaphore, #tpu.memory_space<semaphore_mem>>)
      %dma_wait3A_78 = arith.constant 0 : i32
      %dma_wait3A_79 = tpu.memref_slice %arg7[%mul3A_46, %dma_wait3A_78] : memref<80x128xi32, #tpu.memory_space<vmem>> -> memref<1x128xi32, #tpu.memory_space<vmem>>
      %dma_wait3A_80 = tpu.memref_squeeze %dma_wait3A_79 : memref<1x128xi32, #tpu.memory_space<vmem>> -> memref<128xi32, #tpu.memory_space<vmem>>
      %dma_wait3A_81 = arith.constant 0 : i32
      %dma_wait3A_82 = arith.constant 0 : i32
      %dma_wait3A_83 = tpu.memref_slice %arg2[%dma_wait3A_81, %dma_wait3A_82] : memref<10000x128xf32, #tpu.memory_space<hbm>> -> memref<10000x128xf32, #tpu.memory_space<hbm>>
      tpu.wait_indirect_dma semaphore(%arg13 : memref<!tpu.dma_semaphore, #tpu.memory_space<semaphore_mem>>) src(%dma_wait3A_83 : memref<10000x128xf32, #tpu.memory_space<hbm>>) dst(%arg9 : memref<128x128xf32, #tpu.memory_space<vmem>>)
      %dma_wait3A_84 = arith.constant 0 : i32
      %dma_wait3A_85 = tpu.memref_slice %arg8[%mul3A_46, %dma_wait3A_84] : memref<80x128xi32, #tpu.memory_space<vmem>> -> memref<1x128xi32, #tpu.memory_space<vmem>>
      %dma_wait3A_86 = tpu.memref_squeeze %dma_wait3A_85 : memref<1x128xi32, #tpu.memory_space<vmem>> -> memref<128xi32, #tpu.memory_space<vmem>>
      %dma_wait3A_87 = arith.constant 0 : i32
      %dma_wait3A_88 = arith.constant 0 : i32
      %dma_wait3A_89 = tpu.memref_slice %arg2[%dma_wait3A_87, %dma_wait3A_88] : memref<10000x128xf32, #tpu.memory_space<hbm>> -> memref<10000x128xf32, #tpu.memory_space<hbm>>
      tpu.wait_indirect_dma semaphore(%arg13 : memref<!tpu.dma_semaphore, #tpu.memory_space<semaphore_mem>>) src(%dma_wait3A_89 : memref<10000x128xf32, #tpu.memory_space<hbm>>) dst(%arg10 : memref<128x128xf32, #tpu.memory_space<vmem>>)
      %mul3A_90 = arith.constant 128 : i32
      %mul3A_91 = arith.muli %mul3A_46, %mul3A_90 : i32
      %add3A_92 = arith.addi %mul3A_11, %mul3A_91 : i32
      %dma_start3A_93 = arith.constant 0 : i32
      %dma_start3A_94 = tpu.memref_slice %arg5[%add3A_92, %dma_start3A_93] : memref<320000x128xf32, #tpu.memory_space<hbm>> -> memref<128x128xf32, #tpu.memory_space<hbm>>
      %dma_start3A_95 = arith.constant 0 : i32
      %dma_start3A_96 = tpu.memref_slice %arg5[%add3A_92, %dma_start3A_95] : memref<320000x128xf32, #tpu.memory_space<hbm>> -> memref<128x128xf32, #tpu.memory_space<hbm>>
      tpu.enqueue_dma source(%arg9 : memref<128x128xf32, #tpu.memory_space<vmem>>) target(%dma_start3A_96 : memref<128x128xf32, #tpu.memory_space<hbm>>) target_semaphore(%arg15 : memref<!tpu.dma_semaphore, #tpu.memory_space<semaphore_mem>>)
      %mul3A_97 = arith.constant 128 : i32
      %mul3A_98 = arith.muli %mul3A_46, %mul3A_97 : i32
      %add3A_99 = arith.addi %mul3A_11, %mul3A_98 : i32
      %dma_start3A_100 = arith.constant 0 : i32
      %dma_start3A_101 = tpu.memref_slice %arg6[%add3A_99, %dma_start3A_100] : memref<320000x128xf32, #tpu.memory_space<hbm>> -> memref<128x128xf32, #tpu.memory_space<hbm>>
      %dma_start3A_102 = arith.constant 0 : i32
      %dma_start3A_103 = tpu.memref_slice %arg6[%add3A_99, %dma_start3A_102] : memref<320000x128xf32, #tpu.memory_space<hbm>> -> memref<128x128xf32, #tpu.memory_space<hbm>>
      tpu.enqueue_dma source(%arg10 : memref<128x128xf32, #tpu.memory_space<vmem>>) target(%dma_start3A_103 : memref<128x128xf32, #tpu.memory_space<hbm>>) target_semaphore(%arg15 : memref<!tpu.dma_semaphore, #tpu.memory_space<semaphore_mem>>)
      %dma_wait3A_104 = arith.constant 0 : i32
      %dma_wait3A_105 = tpu.memref_slice %arg7[%add3A_50, %dma_wait3A_104] : memref<80x128xi32, #tpu.memory_space<vmem>> -> memref<1x128xi32, #tpu.memory_space<vmem>>
      %dma_wait3A_106 = tpu.memref_squeeze %dma_wait3A_105 : memref<1x128xi32, #tpu.memory_space<vmem>> -> memref<128xi32, #tpu.memory_space<vmem>>
      %dma_wait3A_107 = arith.constant 0 : i32
      %dma_wait3A_108 = arith.constant 0 : i32
      %dma_wait3A_109 = tpu.memref_slice %arg2[%dma_wait3A_107, %dma_wait3A_108] : memref<10000x128xf32, #tpu.memory_space<hbm>> -> memref<10000x128xf32, #tpu.memory_space<hbm>>
      tpu.wait_indirect_dma semaphore(%arg14 : memref<!tpu.dma_semaphore, #tpu.memory_space<semaphore_mem>>) src(%dma_wait3A_109 : memref<10000x128xf32, #tpu.memory_space<hbm>>) dst(%arg11 : memref<128x128xf32, #tpu.memory_space<vmem>>)
      %dma_wait3A_110 = arith.constant 0 : i32
      %dma_wait3A_111 = tpu.memref_slice %arg8[%add3A_50, %dma_wait3A_110] : memref<80x128xi32, #tpu.memory_space<vmem>> -> memref<1x128xi32, #tpu.memory_space<vmem>>
      %dma_wait3A_112 = tpu.memref_squeeze %dma_wait3A_111 : memref<1x128xi32, #tpu.memory_space<vmem>> -> memref<128xi32, #tpu.memory_space<vmem>>
      %dma_wait3A_113 = arith.constant 0 : i32
      %dma_wait3A_114 = arith.constant 0 : i32
      %dma_wait3A_115 = tpu.memref_slice %arg2[%dma_wait3A_113, %dma_wait3A_114] : memref<10000x128xf32, #tpu.memory_space<hbm>> -> memref<10000x128xf32, #tpu.memory_space<hbm>>
      tpu.wait_indirect_dma semaphore(%arg14 : memref<!tpu.dma_semaphore, #tpu.memory_space<semaphore_mem>>) src(%dma_wait3A_115 : memref<10000x128xf32, #tpu.memory_space<hbm>>) dst(%arg12 : memref<128x128xf32, #tpu.memory_space<vmem>>)
      %mul3A_116 = arith.constant 128 : i32
      %mul3A_117 = arith.muli %add3A_50, %mul3A_116 : i32
      %add3A_118 = arith.addi %mul3A_11, %mul3A_117 : i32
      %dma_start3A_119 = arith.constant 0 : i32
      %dma_start3A_120 = tpu.memref_slice %arg5[%add3A_118, %dma_start3A_119] : memref<320000x128xf32, #tpu.memory_space<hbm>> -> memref<128x128xf32, #tpu.memory_space<hbm>>
      %dma_start3A_121 = arith.constant 0 : i32
      %dma_start3A_122 = tpu.memref_slice %arg5[%add3A_118, %dma_start3A_121] : memref<320000x128xf32, #tpu.memory_space<hbm>> -> memref<128x128xf32, #tpu.memory_space<hbm>>
      tpu.enqueue_dma source(%arg11 : memref<128x128xf32, #tpu.memory_space<vmem>>) target(%dma_start3A_122 : memref<128x128xf32, #tpu.memory_space<hbm>>) target_semaphore(%arg16 : memref<!tpu.dma_semaphore, #tpu.memory_space<semaphore_mem>>)
      %mul3A_123 = arith.constant 128 : i32
      %mul3A_124 = arith.muli %add3A_50, %mul3A_123 : i32
      %add3A_125 = arith.addi %mul3A_11, %mul3A_124 : i32
      %dma_start3A_126 = arith.constant 0 : i32
      %dma_start3A_127 = tpu.memref_slice %arg6[%add3A_125, %dma_start3A_126] : memref<320000x128xf32, #tpu.memory_space<hbm>> -> memref<128x128xf32, #tpu.memory_space<hbm>>
      %dma_start3A_128 = arith.constant 0 : i32
      %dma_start3A_129 = tpu.memref_slice %arg6[%add3A_125, %dma_start3A_128] : memref<320000x128xf32, #tpu.memory_space<hbm>> -> memref<128x128xf32, #tpu.memory_space<hbm>>
      tpu.enqueue_dma source(%arg12 : memref<128x128xf32, #tpu.memory_space<vmem>>) target(%dma_start3A_129 : memref<128x128xf32, #tpu.memory_space<hbm>>) target_semaphore(%arg16 : memref<!tpu.dma_semaphore, #tpu.memory_space<semaphore_mem>>)
    }
    %while3A_20 = arith.constant 1 : i32
    scf.for %while3A_44 = %while3A_18 to %while3A_14 step %while3A_20  : i32 {
      %mul3A_45 = arith.constant 2 : i32
      %mul3A_46 = arith.muli %mul3A_45, %while3A_44 : i32
      %mul3A_47 = arith.constant 2 : i32
      %mul3A_48 = arith.muli %mul3A_47, %while3A_44 : i32
      %add3A_49 = arith.constant 1 : i32
      %add3A_50 = arith.addi %mul3A_48, %add3A_49 : i32
      %gt3A = arith.constant 0 : i32
      %gt3A_51 = arith.cmpi sgt, %while3A_44, %gt3A : i32
      %convert_element_type3A_52 = arith.extui %gt3A_51 : i1 to i32
      %cond3A_53 = arith.constant 0 : i32
      %cond3A_54 = arith.cmpi ne, %convert_element_type3A_52, %cond3A_53 : i32
      scf.if %cond3A_54 {
        %dma_wait3A_130 = arith.constant 0 : i32
        %dma_wait3A_131 = arith.constant 0 : i32
        %dma_wait3A_132 = tpu.memref_slice %arg5[%dma_wait3A_130, %dma_wait3A_131] : memref<320000x128xf32, #tpu.memory_space<hbm>> -> memref<128x128xf32, #tpu.memory_space<hbm>>
        %dma_wait3A_133 = arith.constant 0 : i32
        %dma_wait3A_134 = arith.constant 0 : i32
        %dma_wait3A_135 = tpu.memref_slice %arg5[%dma_wait3A_133, %dma_wait3A_134] : memref<320000x128xf32, #tpu.memory_space<hbm>> -> memref<128x128xf32, #tpu.memory_space<hbm>>
        tpu.wait_dma2 semaphore(%arg15 : memref<!tpu.dma_semaphore, #tpu.memory_space<semaphore_mem>>) src(%arg9 : memref<128x128xf32, #tpu.memory_space<vmem>>) dst(%dma_wait3A_135 : memref<128x128xf32, #tpu.memory_space<hbm>>)
        %dma_wait3A_136 = arith.constant 0 : i32
        %dma_wait3A_137 = arith.constant 0 : i32
        %dma_wait3A_138 = tpu.memref_slice %arg6[%dma_wait3A_136, %dma_wait3A_137] : memref<320000x128xf32, #tpu.memory_space<hbm>> -> memref<128x128xf32, #tpu.memory_space<hbm>>
        %dma_wait3A_139 = arith.constant 0 : i32
        %dma_wait3A_140 = arith.constant 0 : i32
        %dma_wait3A_141 = tpu.memref_slice %arg6[%dma_wait3A_139, %dma_wait3A_140] : memref<320000x128xf32, #tpu.memory_space<hbm>> -> memref<128x128xf32, #tpu.memory_space<hbm>>
        tpu.wait_dma2 semaphore(%arg15 : memref<!tpu.dma_semaphore, #tpu.memory_space<semaphore_mem>>) src(%arg10 : memref<128x128xf32, #tpu.memory_space<vmem>>) dst(%dma_wait3A_141 : memref<128x128xf32, #tpu.memory_space<hbm>>)
        %dma_wait3A_142 = arith.constant 0 : i32
        %dma_wait3A_143 = arith.constant 0 : i32
        %dma_wait3A_144 = tpu.memref_slice %arg5[%dma_wait3A_142, %dma_wait3A_143] : memref<320000x128xf32, #tpu.memory_space<hbm>> -> memref<128x128xf32, #tpu.memory_space<hbm>>
        %dma_wait3A_145 = arith.constant 0 : i32
        %dma_wait3A_146 = arith.constant 0 : i32
        %dma_wait3A_147 = tpu.memref_slice %arg5[%dma_wait3A_145, %dma_wait3A_146] : memref<320000x128xf32, #tpu.memory_space<hbm>> -> memref<128x128xf32, #tpu.memory_space<hbm>>
        tpu.wait_dma2 semaphore(%arg16 : memref<!tpu.dma_semaphore, #tpu.memory_space<semaphore_mem>>) src(%arg11 : memref<128x128xf32, #tpu.memory_space<vmem>>) dst(%dma_wait3A_147 : memref<128x128xf32, #tpu.memory_space<hbm>>)
        %dma_wait3A_148 = arith.constant 0 : i32
        %dma_wait3A_149 = arith.constant 0 : i32
        %dma_wait3A_150 = tpu.memref_slice %arg6[%dma_wait3A_148, %dma_wait3A_149] : memref<320000x128xf32, #tpu.memory_space<hbm>> -> memref<128x128xf32, #tpu.memory_space<hbm>>
        %dma_wait3A_151 = arith.constant 0 : i32
        %dma_wait3A_152 = arith.constant 0 : i32
        %dma_wait3A_153 = tpu.memref_slice %arg6[%dma_wait3A_151, %dma_wait3A_152] : memref<320000x128xf32, #tpu.memory_space<hbm>> -> memref<128x128xf32, #tpu.memory_space<hbm>>
        tpu.wait_dma2 semaphore(%arg16 : memref<!tpu.dma_semaphore, #tpu.memory_space<semaphore_mem>>) src(%arg12 : memref<128x128xf32, #tpu.memory_space<vmem>>) dst(%dma_wait3A_153 : memref<128x128xf32, #tpu.memory_space<hbm>>)
      } else {
      }
      %dma_start3A = arith.constant 0 : i32
      %dma_start3A_55 = tpu.memref_slice %arg7[%mul3A_46, %dma_start3A] : memref<80x128xi32, #tpu.memory_space<vmem>> -> memref<1x128xi32, #tpu.memory_space<vmem>>
      %dma_start3A_56 = tpu.memref_squeeze %dma_start3A_55 : memref<1x128xi32, #tpu.memory_space<vmem>> -> memref<128xi32, #tpu.memory_space<vmem>>
      %dma_start3A_57 = arith.constant 0 : i32
      %dma_start3A_58 = arith.constant 0 : i32
      %dma_start3A_59 = tpu.memref_slice %arg2[%dma_start3A_57, %dma_start3A_58] : memref<10000x128xf32, #tpu.memory_space<hbm>> -> memref<10000x128xf32, #tpu.memory_space<hbm>>
      tpu.enqueue_indirect_dma source(%dma_start3A_59 : memref<10000x128xf32, #tpu.memory_space<hbm>>) target(%arg9 : memref<128x128xf32, #tpu.memory_space<vmem>>) offsets(%dma_start3A_56 : memref<128xi32, #tpu.memory_space<vmem>>) semaphore(%arg13 : memref<!tpu.dma_semaphore, #tpu.memory_space<semaphore_mem>>)
      %dma_start3A_60 = arith.constant 0 : i32
      %dma_start3A_61 = tpu.memref_slice %arg8[%mul3A_46, %dma_start3A_60] : memref<80x128xi32, #tpu.memory_space<vmem>> -> memref<1x128xi32, #tpu.memory_space<vmem>>
      %dma_start3A_62 = tpu.memref_squeeze %dma_start3A_61 : memref<1x128xi32, #tpu.memory_space<vmem>> -> memref<128xi32, #tpu.memory_space<vmem>>
      %dma_start3A_63 = arith.constant 0 : i32
      %dma_start3A_64 = arith.constant 0 : i32
      %dma_start3A_65 = tpu.memref_slice %arg2[%dma_start3A_63, %dma_start3A_64] : memref<10000x128xf32, #tpu.memory_space<hbm>> -> memref<10000x128xf32, #tpu.memory_space<hbm>>
      tpu.enqueue_indirect_dma source(%dma_start3A_65 : memref<10000x128xf32, #tpu.memory_space<hbm>>) target(%arg10 : memref<128x128xf32, #tpu.memory_space<vmem>>) offsets(%dma_start3A_62 : memref<128xi32, #tpu.memory_space<vmem>>) semaphore(%arg13 : memref<!tpu.dma_semaphore, #tpu.memory_space<semaphore_mem>>)
      %dma_start3A_66 = arith.constant 0 : i32
      %dma_start3A_67 = tpu.memref_slice %arg7[%add3A_50, %dma_start3A_66] : memref<80x128xi32, #tpu.memory_space<vmem>> -> memref<1x128xi32, #tpu.memory_space<vmem>>
      %dma_start3A_68 = tpu.memref_squeeze %dma_start3A_67 : memref<1x128xi32, #tpu.memory_space<vmem>> -> memref<128xi32, #tpu.memory_space<vmem>>
      %dma_start3A_69 = arith.constant 0 : i32
      %dma_start3A_70 = arith.constant 0 : i32
      %dma_start3A_71 = tpu.memref_slice %arg2[%dma_start3A_69, %dma_start3A_70] : memref<10000x128xf32, #tpu.memory_space<hbm>> -> memref<10000x128xf32, #tpu.memory_space<hbm>>
      tpu.enqueue_indirect_dma source(%dma_start3A_71 : memref<10000x128xf32, #tpu.memory_space<hbm>>) target(%arg11 : memref<128x128xf32, #tpu.memory_space<vmem>>) offsets(%dma_start3A_68 : memref<128xi32, #tpu.memory_space<vmem>>) semaphore(%arg14 : memref<!tpu.dma_semaphore, #tpu.memory_space<semaphore_mem>>)
      %dma_start3A_72 = arith.constant 0 : i32
      %dma_start3A_73 = tpu.memref_slice %arg8[%add3A_50, %dma_start3A_72] : memref<80x128xi32, #tpu.memory_space<vmem>> -> memref<1x128xi32, #tpu.memory_space<vmem>>
      %dma_start3A_74 = tpu.memref_squeeze %dma_start3A_73 : memref<1x128xi32, #tpu.memory_space<vmem>> -> memref<128xi32, #tpu.memory_space<vmem>>
      %dma_start3A_75 = arith.constant 0 : i32
      %dma_start3A_76 = arith.constant 0 : i32
      %dma_start3A_77 = tpu.memref_slice %arg2[%dma_start3A_75, %dma_start3A_76] : memref<10000x128xf32, #tpu.memory_space<hbm>> -> memref<10000x128xf32, #tpu.memory_space<hbm>>
      tpu.enqueue_indirect_dma source(%dma_start3A_77 : memref<10000x128xf32, #tpu.memory_space<hbm>>) target(%arg12 : memref<128x128xf32, #tpu.memory_space<vmem>>) offsets(%dma_start3A_74 : memref<128xi32, #tpu.memory_space<vmem>>) semaphore(%arg14 : memref<!tpu.dma_semaphore, #tpu.memory_space<semaphore_mem>>)
      %dma_wait3A_78 = arith.constant 0 : i32
      %dma_wait3A_79 = tpu.memref_slice %arg7[%mul3A_46, %dma_wait3A_78] : memref<80x128xi32, #tpu.memory_space<vmem>> -> memref<1x128xi32, #tpu.memory_space<vmem>>
      %dma_wait3A_80 = tpu.memref_squeeze %dma_wait3A_79 : memref<1x128xi32, #tpu.memory_space<vmem>> -> memref<128xi32, #tpu.memory_space<vmem>>
      %dma_wait3A_81 = arith.constant 0 : i32
      %dma_wait3A_82 = arith.constant 0 : i32
      %dma_wait3A_83 = tpu.memref_slice %arg2[%dma_wait3A_81, %dma_wait3A_82] : memref<10000x128xf32, #tpu.memory_space<hbm>> -> memref<10000x128xf32, #tpu.memory_space<hbm>>
      tpu.wait_indirect_dma semaphore(%arg13 : memref<!tpu.dma_semaphore, #tpu.memory_space<semaphore_mem>>) src(%dma_wait3A_83 : memref<10000x128xf32, #tpu.memory_space<hbm>>) dst(%arg9 : memref<128x128xf32, #tpu.memory_space<vmem>>)
      %dma_wait3A_84 = arith.constant 0 : i32
      %dma_wait3A_85 = tpu.memref_slice %arg8[%mul3A_46, %dma_wait3A_84] : memref<80x128xi32, #tpu.memory_space<vmem>> -> memref<1x128xi32, #tpu.memory_space<vmem>>
      %dma_wait3A_86 = tpu.memref_squeeze %dma_wait3A_85 : memref<1x128xi32, #tpu.memory_space<vmem>> -> memref<128xi32, #tpu.memory_space<vmem>>
      %dma_wait3A_87 = arith.constant 0 : i32
      %dma_wait3A_88 = arith.constant 0 : i32
      %dma_wait3A_89 = tpu.memref_slice %arg2[%dma_wait3A_87, %dma_wait3A_88] : memref<10000x128xf32, #tpu.memory_space<hbm>> -> memref<10000x128xf32, #tpu.memory_space<hbm>>
      tpu.wait_indirect_dma semaphore(%arg13 : memref<!tpu.dma_semaphore, #tpu.memory_space<semaphore_mem>>) src(%dma_wait3A_89 : memref<10000x128xf32, #tpu.memory_space<hbm>>) dst(%arg10 : memref<128x128xf32, #tpu.memory_space<vmem>>)
      %mul3A_90 = arith.constant 128 : i32
      %mul3A_91 = arith.muli %mul3A_46, %mul3A_90 : i32
      %add3A_92 = arith.addi %mul3A_11, %mul3A_91 : i32
      %dma_start3A_93 = arith.constant 0 : i32
      %dma_start3A_94 = tpu.memref_slice %arg5[%add3A_92, %dma_start3A_93] : memref<320000x128xf32, #tpu.memory_space<hbm>> -> memref<128x128xf32, #tpu.memory_space<hbm>>
      %dma_start3A_95 = arith.constant 0 : i32
      %dma_start3A_96 = tpu.memref_slice %arg5[%add3A_92, %dma_start3A_95] : memref<320000x128xf32, #tpu.memory_space<hbm>> -> memref<128x128xf32, #tpu.memory_space<hbm>>
      tpu.enqueue_dma source(%arg9 : memref<128x128xf32, #tpu.memory_space<vmem>>) target(%dma_start3A_96 : memref<128x128xf32, #tpu.memory_space<hbm>>) target_semaphore(%arg15 : memref<!tpu.dma_semaphore, #tpu.memory_space<semaphore_mem>>)
      %mul3A_97 = arith.constant 128 : i32
      %mul3A_98 = arith.muli %mul3A_46, %mul3A_97 : i32
      %add3A_99 = arith.addi %mul3A_11, %mul3A_98 : i32
      %dma_start3A_100 = arith.constant 0 : i32
      %dma_start3A_101 = tpu.memref_slice %arg6[%add3A_99, %dma_start3A_100] : memref<320000x128xf32, #tpu.memory_space<hbm>> -> memref<128x128xf32, #tpu.memory_space<hbm>>
      %dma_start3A_102 = arith.constant 0 : i32
      %dma_start3A_103 = tpu.memref_slice %arg6[%add3A_99, %dma_start3A_102] : memref<320000x128xf32, #tpu.memory_space<hbm>> -> memref<128x128xf32, #tpu.memory_space<hbm>>
      tpu.enqueue_dma source(%arg10 : memref<128x128xf32, #tpu.memory_space<vmem>>) target(%dma_start3A_103 : memref<128x128xf32, #tpu.memory_space<hbm>>) target_semaphore(%arg15 : memref<!tpu.dma_semaphore, #tpu.memory_space<semaphore_mem>>)
      %dma_wait3A_104 = arith.constant 0 : i32
      %dma_wait3A_105 = tpu.memref_slice %arg7[%add3A_50, %dma_wait3A_104] : memref<80x128xi32, #tpu.memory_space<vmem>> -> memref<1x128xi32, #tpu.memory_space<vmem>>
      %dma_wait3A_106 = tpu.memref_squeeze %dma_wait3A_105 : memref<1x128xi32, #tpu.memory_space<vmem>> -> memref<128xi32, #tpu.memory_space<vmem>>
      %dma_wait3A_107 = arith.constant 0 : i32
      %dma_wait3A_108 = arith.constant 0 : i32
      %dma_wait3A_109 = tpu.memref_slice %arg2[%dma_wait3A_107, %dma_wait3A_108] : memref<10000x128xf32, #tpu.memory_space<hbm>> -> memref<10000x128xf32, #tpu.memory_space<hbm>>
      tpu.wait_indirect_dma semaphore(%arg14 : memref<!tpu.dma_semaphore, #tpu.memory_space<semaphore_mem>>) src(%dma_wait3A_109 : memref<10000x128xf32, #tpu.memory_space<hbm>>) dst(%arg11 : memref<128x128xf32, #tpu.memory_space<vmem>>)
      %dma_wait3A_110 = arith.constant 0 : i32
      %dma_wait3A_111 = tpu.memref_slice %arg8[%add3A_50, %dma_wait3A_110] : memref<80x128xi32, #tpu.memory_space<vmem>> -> memref<1x128xi32, #tpu.memory_space<vmem>>
      %dma_wait3A_112 = tpu.memref_squeeze %dma_wait3A_111 : memref<1x128xi32, #tpu.memory_space<vmem>> -> memref<128xi32, #tpu.memory_space<vmem>>
      %dma_wait3A_113 = arith.constant 0 : i32
      %dma_wait3A_114 = arith.constant 0 : i32
      %dma_wait3A_115 = tpu.memref_slice %arg2[%dma_wait3A_113, %dma_wait3A_114] : memref<10000x128xf32, #tpu.memory_space<hbm>> -> memref<10000x128xf32, #tpu.memory_space<hbm>>
      tpu.wait_indirect_dma semaphore(%arg14 : memref<!tpu.dma_semaphore, #tpu.memory_space<semaphore_mem>>) src(%dma_wait3A_115 : memref<10000x128xf32, #tpu.memory_space<hbm>>) dst(%arg12 : memref<128x128xf32, #tpu.memory_space<vmem>>)
      %mul3A_116 = arith.constant 128 : i32
      %mul3A_117 = arith.muli %add3A_50, %mul3A_116 : i32
      %add3A_118 = arith.addi %mul3A_11, %mul3A_117 : i32
      %dma_start3A_119 = arith.constant 0 : i32
      %dma_start3A_120 = tpu.memref_slice %arg5[%add3A_118, %dma_start3A_119] : memref<320000x128xf32, #tpu.memory_space<hbm>> -> memref<128x128xf32, #tpu.memory_space<hbm>>
      %dma_start3A_121 = arith.constant 0 : i32
      %dma_start3A_122 = tpu.memref_slice %arg5[%add3A_118, %dma_start3A_121] : memref<320000x128xf32, #tpu.memory_space<hbm>> -> memref<128x128xf32, #tpu.memory_space<hbm>>
      tpu.enqueue_dma source(%arg11 : memref<128x128xf32, #tpu.memory_space<vmem>>) target(%dma_start3A_122 : memref<128x128xf32, #tpu.memory_space<hbm>>) target_semaphore(%arg16 : memref<!tpu.dma_semaphore, #tpu.memory_space<semaphore_mem>>)
      %mul3A_123 = arith.constant 128 : i32
      %mul3A_124 = arith.muli %add3A_50, %mul3A_123 : i32
      %add3A_125 = arith.addi %mul3A_11, %mul3A_124 : i32
      %dma_start3A_126 = arith.constant 0 : i32
      %dma_start3A_127 = tpu.memref_slice %arg6[%add3A_125, %dma_start3A_126] : memref<320000x128xf32, #tpu.memory_space<hbm>> -> memref<128x128xf32, #tpu.memory_space<hbm>>
      %dma_start3A_128 = arith.constant 0 : i32
      %dma_start3A_129 = tpu.memref_slice %arg6[%add3A_125, %dma_start3A_128] : memref<320000x128xf32, #tpu.memory_space<hbm>> -> memref<128x128xf32, #tpu.memory_space<hbm>>
      tpu.enqueue_dma source(%arg12 : memref<128x128xf32, #tpu.memory_space<vmem>>) target(%dma_start3A_129 : memref<128x128xf32, #tpu.memory_space<hbm>>) target_semaphore(%arg16 : memref<!tpu.dma_semaphore, #tpu.memory_space<semaphore_mem>>)
    }
    %dma_wait3A = arith.constant 0 : i32
    %dma_wait3A_21 = arith.constant 0 : i32
    %dma_wait3A_22 = tpu.memref_slice %arg5[%dma_wait3A, %dma_wait3A_21] : memref<320000x128xf32, #tpu.memory_space<hbm>> -> memref<128x128xf32, #tpu.memory_space<hbm>>
    %dma_wait3A_23 = arith.constant 0 : i32
    %dma_wait3A_24 = arith.constant 0 : i32
    %dma_wait3A_25 = tpu.memref_slice %arg5[%dma_wait3A_23, %dma_wait3A_24] : memref<320000x128xf32, #tpu.memory_space<hbm>> -> memref<128x128xf32, #tpu.memory_space<hbm>>
    tpu.wait_dma2 semaphore(%arg15 : memref<!tpu.dma_semaphore, #tpu.memory_space<semaphore_mem>>) src(%arg9 : memref<128x128xf32, #tpu.memory_space<vmem>>) dst(%dma_wait3A_25 : memref<128x128xf32, #tpu.memory_space<hbm>>)
    %dma_wait3A_26 = arith.constant 0 : i32
    %dma_wait3A_27 = arith.constant 0 : i32
    %dma_wait3A_28 = tpu.memref_slice %arg6[%dma_wait3A_26, %dma_wait3A_27] : memref<320000x128xf32, #tpu.memory_space<hbm>> -> memref<128x128xf32, #tpu.memory_space<hbm>>
    %dma_wait3A_29 = arith.constant 0 : i32
    %dma_wait3A_30 = arith.constant 0 : i32
    %dma_wait3A_31 = tpu.memref_slice %arg6[%dma_wait3A_29, %dma_wait3A_30] : memref<320000x128xf32, #tpu.memory_space<hbm>> -> memref<128x128xf32, #tpu.memory_space<hbm>>
    tpu.wait_dma2 semaphore(%arg15 : memref<!tpu.dma_semaphore, #tpu.memory_space<semaphore_mem>>) src(%arg10 : memref<128x128xf32, #tpu.memory_space<vmem>>) dst(%dma_wait3A_31 : memref<128x128xf32, #tpu.memory_space<hbm>>)
    %dma_wait3A_32 = arith.constant 0 : i32
    %dma_wait3A_33 = arith.constant 0 : i32
    %dma_wait3A_34 = tpu.memref_slice %arg5[%dma_wait3A_32, %dma_wait3A_33] : memref<320000x128xf32, #tpu.memory_space<hbm>> -> memref<128x128xf32, #tpu.memory_space<hbm>>
    %dma_wait3A_35 = arith.constant 0 : i32
    %dma_wait3A_36 = arith.constant 0 : i32
    %dma_wait3A_37 = tpu.memref_slice %arg5[%dma_wait3A_35, %dma_wait3A_36] : memref<320000x128xf32, #tpu.memory_space<hbm>> -> memref<128x128xf32, #tpu.memory_space<hbm>>
    tpu.wait_dma2 semaphore(%arg16 : memref<!tpu.dma_semaphore, #tpu.memory_space<semaphore_mem>>) src(%arg11 : memref<128x128xf32, #tpu.memory_space<vmem>>) dst(%dma_wait3A_37 : memref<128x128xf32, #tpu.memory_space<hbm>>)
    %dma_wait3A_38 = arith.constant 0 : i32
    %dma_wait3A_39 = arith.constant 0 : i32
    %dma_wait3A_40 = tpu.memref_slice %arg6[%dma_wait3A_38, %dma_wait3A_39] : memref<320000x128xf32, #tpu.memory_space<hbm>> -> memref<128x128xf32, #tpu.memory_space<hbm>>
    %dma_wait3A_41 = arith.constant 0 : i32
    %dma_wait3A_42 = arith.constant 0 : i32
    %dma_wait3A_43 = tpu.memref_slice %arg6[%dma_wait3A_41, %dma_wait3A_42] : memref<320000x128xf32, #tpu.memory_space<hbm>> -> memref<128x128xf32, #tpu.memory_space<hbm>>
    tpu.wait_dma2 semaphore(%arg16 : memref<!tpu.dma_semaphore, #tpu.memory_space<semaphore_mem>>) src(%arg12 : memref<128x128xf32, #tpu.memory_space<vmem>>) dst(%dma_wait3A_43 : memref<128x128xf32, #tpu.memory_space<hbm>>)
    return
  }
}

#map = affine_map<(d0, d1) -> (0, 0)>
#map1 = affine_map<(d0, d1) -> (0, 0, 0)>
module attributes {stable_mosaic.version = 14 : i64} {
  func.func @k(%arg0: i32, %arg1: i32, %arg2: memref<320000x128xf32, #tpu.memory_space<hbm>>, %arg3: memref<2500x128xi32, #tpu.memory_space<hbm>>, %arg4: memref<10240x64xf32, #tpu.memory_space<hbm>>, %arg5: memref<2x10240x64xf32, #tpu.memory_space<hbm>>, %arg6: memref<80x128xi32, #tpu.memory_space<vmem>>, %arg7: memref<128x64xf32, #tpu.memory_space<vmem>>, %arg8: memref<128x64xf32, #tpu.memory_space<vmem>>, %arg9: memref<10240x64xf32, #tpu.memory_space<vmem_shared>>, %arg10: memref<!tpu.dma_semaphore, #tpu.memory_space<semaphore_mem>>, %arg11: memref<!tpu.dma_semaphore, #tpu.memory_space<semaphore_mem>>) attributes {dimension_semantics = [#tpu.dimension_semantics<core_parallel>, #tpu.dimension_semantics<subcore_parallel>], iteration_bounds = array<i64: 2, 16>, scalar_prefetch = 0 : i64, scratch_operands = 6 : i64, tpu.core_type = #tpu.core_type<sc_vector_subcore>, window_params = [{transform_indices = #map}, {transform_indices = #map}, {transform_indices = #map}, {transform_indices = #map1}]} {
    %mul3A = arith.constant 2 : i32
    %mul3A_0 = arith.muli %arg1, %mul3A : i32
    %add3A = arith.addi %mul3A_0, %arg0 : i32
    %mul3A_1 = arith.constant 640 : i32
    %mul3A_2 = arith.muli %arg1, %mul3A_1 : i32
    %mul3A_3 = arith.constant 640 : i32
    %mul3A_4 = arith.muli %arg1, %mul3A_3 : i32
    "tpu.region"() ({
      %run_scoped3A = tpu.sem_alloc : memref<!tpu.dma_semaphore, #tpu.memory_space<semaphore_mem>>
      %dma_start3A_33 = arith.constant 0 : i32
      %dma_start3A_34 = tpu.memref_slice %arg9[%mul3A_4, %dma_start3A_33] : memref<10240x64xf32, #tpu.memory_space<vmem_shared>> -> memref<640x64xf32, #tpu.memory_space<vmem_shared>>
      %dma_start3A_35 = arith.constant 0 : i32
      %dma_start3A_36 = tpu.memref_slice %arg4[%mul3A_2, %dma_start3A_35] : memref<10240x64xf32, #tpu.memory_space<hbm>> -> memref<640x64xf32, #tpu.memory_space<hbm>>
      tpu.enqueue_dma source(%dma_start3A_36 : memref<640x64xf32, #tpu.memory_space<hbm>>) target(%dma_start3A_34 : memref<640x64xf32, #tpu.memory_space<vmem_shared>>) target_semaphore(%run_scoped3A : memref<!tpu.dma_semaphore, #tpu.memory_space<semaphore_mem>>)
      %dma_wait3A = arith.constant 0 : i32
      %dma_wait3A_37 = tpu.memref_slice %arg9[%mul3A_4, %dma_wait3A] : memref<10240x64xf32, #tpu.memory_space<vmem_shared>> -> memref<640x64xf32, #tpu.memory_space<vmem_shared>>
      %dma_wait3A_38 = arith.constant 0 : i32
      %dma_wait3A_39 = tpu.memref_slice %arg4[%mul3A_2, %dma_wait3A_38] : memref<10240x64xf32, #tpu.memory_space<hbm>> -> memref<640x64xf32, #tpu.memory_space<hbm>>
      tpu.wait_dma2 semaphore(%run_scoped3A : memref<!tpu.dma_semaphore, #tpu.memory_space<semaphore_mem>>) src(%dma_wait3A_39 : memref<640x64xf32, #tpu.memory_space<hbm>>) dst(%dma_wait3A_37 : memref<640x64xf32, #tpu.memory_space<vmem_shared>>)
      tpu.yield
    }) : () -> ()
    %barrier3A = arith.constant 0 : index
    tpu.barrier barrier_id(%barrier3A)
    %eq3A = arith.constant 31 : i32
    %eq3A_5 = arith.cmpi eq, %add3A, %eq3A : i32
    %not3A = arith.constant true
    %not3A_6 = arith.xori %eq3A_5, %not3A : i1
    %convert_element_type3A = arith.extui %not3A_6 : i1 to i32
    %cond3A = arith.constant 0 : i32
    %cond3A_7 = arith.cmpi ne, %convert_element_type3A, %cond3A : i32
    scf.if %cond3A_7 {
      %mul3A_33 = arith.constant 80 : i32
      %mul3A_34 = arith.muli %add3A, %mul3A_33 : i32
      "tpu.region"() ({
        %run_scoped3A = tpu.sem_alloc : memref<!tpu.dma_semaphore, #tpu.memory_space<semaphore_mem>>
        %dma_start3A_35 = arith.constant 0 : i32
        %dma_start3A_36 = tpu.memref_slice %arg3[%mul3A_34, %dma_start3A_35] : memref<2500x128xi32, #tpu.memory_space<hbm>> -> memref<80x128xi32, #tpu.memory_space<hbm>>
        %dma_start3A_37 = arith.constant 0 : i32
        %dma_start3A_38 = tpu.memref_slice %arg3[%mul3A_34, %dma_start3A_37] : memref<2500x128xi32, #tpu.memory_space<hbm>> -> memref<80x128xi32, #tpu.memory_space<hbm>>
        tpu.enqueue_dma source(%dma_start3A_38 : memref<80x128xi32, #tpu.memory_space<hbm>>) target(%arg6 : memref<80x128xi32, #tpu.memory_space<vmem>>) target_semaphore(%run_scoped3A : memref<!tpu.dma_semaphore, #tpu.memory_space<semaphore_mem>>)
        %dma_wait3A = arith.constant 0 : i32
        %dma_wait3A_39 = tpu.memref_slice %arg3[%mul3A_34, %dma_wait3A] : memref<2500x128xi32, #tpu.memory_space<hbm>> -> memref<80x128xi32, #tpu.memory_space<hbm>>
        %dma_wait3A_40 = arith.constant 0 : i32
        %dma_wait3A_41 = tpu.memref_slice %arg3[%mul3A_34, %dma_wait3A_40] : memref<2500x128xi32, #tpu.memory_space<hbm>> -> memref<80x128xi32, #tpu.memory_space<hbm>>
        tpu.wait_dma2 semaphore(%run_scoped3A : memref<!tpu.dma_semaphore, #tpu.memory_space<semaphore_mem>>) src(%dma_wait3A_41 : memref<80x128xi32, #tpu.memory_space<hbm>>) dst(%arg6 : memref<80x128xi32, #tpu.memory_space<vmem>>)
        tpu.yield
      }) : () -> ()
    } else {
    }
    %convert_element_type3A_8 = arith.extui %eq3A_5 : i1 to i32
    %cond3A_9 = arith.constant 0 : i32
    %cond3A_10 = arith.cmpi ne, %convert_element_type3A_8, %cond3A_9 : i32
    scf.if %cond3A_10 {
      %mul3A_33 = arith.constant 80 : i32
      %mul3A_34 = arith.muli %add3A, %mul3A_33 : i32
      "tpu.region"() ({
        %run_scoped3A = tpu.sem_alloc : memref<!tpu.dma_semaphore, #tpu.memory_space<semaphore_mem>>
        %dma_start3A_35 = arith.constant 0 : i32
        %dma_start3A_36 = arith.constant 0 : i32
        %dma_start3A_37 = tpu.memref_slice %arg6[%dma_start3A_35, %dma_start3A_36] : memref<80x128xi32, #tpu.memory_space<vmem>> -> memref<20x128xi32, #tpu.memory_space<vmem>>
        %dma_start3A_38 = arith.constant 0 : i32
        %dma_start3A_39 = tpu.memref_slice %arg3[%mul3A_34, %dma_start3A_38] : memref<2500x128xi32, #tpu.memory_space<hbm>> -> memref<20x128xi32, #tpu.memory_space<hbm>>
        %dma_start3A_40 = arith.constant 0 : i32
        %dma_start3A_41 = arith.constant 0 : i32
        %dma_start3A_42 = tpu.memref_slice %arg6[%dma_start3A_40, %dma_start3A_41] : memref<80x128xi32, #tpu.memory_space<vmem>> -> memref<20x128xi32, #tpu.memory_space<vmem>>
        %dma_start3A_43 = arith.constant 0 : i32
        %dma_start3A_44 = tpu.memref_slice %arg3[%mul3A_34, %dma_start3A_43] : memref<2500x128xi32, #tpu.memory_space<hbm>> -> memref<20x128xi32, #tpu.memory_space<hbm>>
        tpu.enqueue_dma source(%dma_start3A_44 : memref<20x128xi32, #tpu.memory_space<hbm>>) target(%dma_start3A_42 : memref<20x128xi32, #tpu.memory_space<vmem>>) target_semaphore(%run_scoped3A : memref<!tpu.dma_semaphore, #tpu.memory_space<semaphore_mem>>)
        %dma_wait3A = arith.constant 0 : i32
        %dma_wait3A_45 = arith.constant 0 : i32
        %dma_wait3A_46 = tpu.memref_slice %arg6[%dma_wait3A, %dma_wait3A_45] : memref<80x128xi32, #tpu.memory_space<vmem>> -> memref<20x128xi32, #tpu.memory_space<vmem>>
        %dma_wait3A_47 = arith.constant 0 : i32
        %dma_wait3A_48 = tpu.memref_slice %arg3[%mul3A_34, %dma_wait3A_47] : memref<2500x128xi32, #tpu.memory_space<hbm>> -> memref<20x128xi32, #tpu.memory_space<hbm>>
        %dma_wait3A_49 = arith.constant 0 : i32
        %dma_wait3A_50 = arith.constant 0 : i32
        %dma_wait3A_51 = tpu.memref_slice %arg6[%dma_wait3A_49, %dma_wait3A_50] : memref<80x128xi32, #tpu.memory_space<vmem>> -> memref<20x128xi32, #tpu.memory_space<vmem>>
        %dma_wait3A_52 = arith.constant 0 : i32
        %dma_wait3A_53 = tpu.memref_slice %arg3[%mul3A_34, %dma_wait3A_52] : memref<2500x128xi32, #tpu.memory_space<hbm>> -> memref<20x128xi32, #tpu.memory_space<hbm>>
        tpu.wait_dma2 semaphore(%run_scoped3A : memref<!tpu.dma_semaphore, #tpu.memory_space<semaphore_mem>>) src(%dma_wait3A_53 : memref<20x128xi32, #tpu.memory_space<hbm>>) dst(%dma_wait3A_51 : memref<20x128xi32, #tpu.memory_space<vmem>>)
        tpu.yield
      }) : () -> ()
    } else {
    }
    %jit3A = arith.constant 10 : i32
    %jit3A_11 = arith.constant 40 : i32
    %select_n3A = arith.select %eq3A_5, %jit3A, %jit3A_11 : i32
    %mul3A_12 = arith.constant 10240 : i32
    %mul3A_13 = arith.muli %add3A, %mul3A_12 : i32
    %add3A_14 = arith.constant 0 : i32
    %add3A_15 = arith.addi %mul3A_13, %add3A_14 : i32
    %dma_start3A = arith.constant 0 : i32
    %dma_start3A_16 = tpu.memref_slice %arg2[%add3A_15, %dma_start3A] : memref<320000x128xf32, #tpu.memory_space<hbm>> -> memref<128x64xf32, #tpu.memory_space<hbm>>
    %dma_start3A_17 = arith.constant 0 : i32
    %dma_start3A_18 = tpu.memref_slice %arg2[%add3A_15, %dma_start3A_17] : memref<320000x128xf32, #tpu.memory_space<hbm>> -> memref<128x64xf32, #tpu.memory_space<hbm>>
    tpu.enqueue_dma source(%dma_start3A_18 : memref<128x64xf32, #tpu.memory_space<hbm>>) target(%arg7 : memref<128x64xf32, #tpu.memory_space<vmem>>) target_semaphore(%arg10 : memref<!tpu.dma_semaphore, #tpu.memory_space<semaphore_mem>>)
    %while3A = arith.constant 0 : i32
    %while3A_19 = arith.constant 0 : i32
    %while3A_20 = arith.subi %select_n3A, %while3A_19 : i32
    %while3A_21 = arith.addi %while3A_19, %while3A_20 : i32
    %while3A_22 = arith.constant 1 : i32
    %while3A_23 = arith.divsi %while3A_20, %while3A_22 : i32
    %while3A_24 = arith.muli %while3A_23, %while3A_22 : i32
    %while3A_25 = arith.addi %while3A_19, %while3A_24 : i32
    %while3A_26 = arith.constant 1 : i32
    scf.for %while3A_33 = %while3A_19 to %while3A_25 step %while3A_26  : i32 {
      %mul3A_34 = arith.constant 2 : i32
      %mul3A_35 = arith.muli %mul3A_34, %while3A_33 : i32
      %mul3A_36 = arith.constant 2 : i32
      %mul3A_37 = arith.muli %mul3A_36, %while3A_33 : i32
      %add3A_38 = arith.constant 1 : i32
      %add3A_39 = arith.addi %mul3A_37, %add3A_38 : i32
      %mul3A_40 = arith.constant 128 : i32
      %mul3A_41 = arith.muli %add3A_39, %mul3A_40 : i32
      %add3A_42 = arith.addi %mul3A_13, %mul3A_41 : i32
      %dma_start3A_43 = arith.constant 0 : i32
      %dma_start3A_44 = tpu.memref_slice %arg2[%add3A_42, %dma_start3A_43] : memref<320000x128xf32, #tpu.memory_space<hbm>> -> memref<128x64xf32, #tpu.memory_space<hbm>>
      %dma_start3A_45 = arith.constant 0 : i32
      %dma_start3A_46 = tpu.memref_slice %arg2[%add3A_42, %dma_start3A_45] : memref<320000x128xf32, #tpu.memory_space<hbm>> -> memref<128x64xf32, #tpu.memory_space<hbm>>
      tpu.enqueue_dma source(%dma_start3A_46 : memref<128x64xf32, #tpu.memory_space<hbm>>) target(%arg8 : memref<128x64xf32, #tpu.memory_space<vmem>>) target_semaphore(%arg11 : memref<!tpu.dma_semaphore, #tpu.memory_space<semaphore_mem>>)
      %add3A_47 = arith.constant 0 : i32
      %add3A_48 = arith.addi %mul3A_13, %add3A_47 : i32
      %dma_wait3A = arith.constant 0 : i32
      %dma_wait3A_49 = tpu.memref_slice %arg2[%add3A_48, %dma_wait3A] : memref<320000x128xf32, #tpu.memory_space<hbm>> -> memref<128x64xf32, #tpu.memory_space<hbm>>
      %dma_wait3A_50 = arith.constant 0 : i32
      %dma_wait3A_51 = tpu.memref_slice %arg2[%add3A_48, %dma_wait3A_50] : memref<320000x128xf32, #tpu.memory_space<hbm>> -> memref<128x64xf32, #tpu.memory_space<hbm>>
      tpu.wait_dma2 semaphore(%arg10 : memref<!tpu.dma_semaphore, #tpu.memory_space<semaphore_mem>>) src(%dma_wait3A_51 : memref<128x64xf32, #tpu.memory_space<hbm>>) dst(%arg7 : memref<128x64xf32, #tpu.memory_space<vmem>>)
      "tpu.region"() ({
        %run_scoped3A = tpu.sem_alloc : memref<!tpu.dma_semaphore, #tpu.memory_space<semaphore_mem>>
        %dma_start3A_63 = arith.constant 0 : i32
        %dma_start3A_64 = tpu.memref_slice %arg6[%mul3A_35, %dma_start3A_63] : memref<80x128xi32, #tpu.memory_space<vmem>> -> memref<1x128xi32, #tpu.memory_space<vmem>>
        %dma_start3A_65 = tpu.memref_squeeze %dma_start3A_64 : memref<1x128xi32, #tpu.memory_space<vmem>> -> memref<128xi32, #tpu.memory_space<vmem>>
        %dma_start3A_66 = arith.constant 0 : i32
        %dma_start3A_67 = arith.constant 0 : i32
        %dma_start3A_68 = tpu.memref_slice %arg9[%dma_start3A_66, %dma_start3A_67] : memref<10240x64xf32, #tpu.memory_space<vmem_shared>> -> memref<10240x64xf32, #tpu.memory_space<vmem_shared>>
        tpu.enqueue_indirect_dma source(%arg7 : memref<128x64xf32, #tpu.memory_space<vmem>>) target(%dma_start3A_68 : memref<10240x64xf32, #tpu.memory_space<vmem_shared>>) offsets(%dma_start3A_65 : memref<128xi32, #tpu.memory_space<vmem>>) semaphore(%run_scoped3A : memref<!tpu.dma_semaphore, #tpu.memory_space<semaphore_mem>>) {add = true}
        %dma_wait3A_69 = arith.constant 0 : i32
        %dma_wait3A_70 = tpu.memref_slice %arg6[%mul3A_35, %dma_wait3A_69] : memref<80x128xi32, #tpu.memory_space<vmem>> -> memref<1x128xi32, #tpu.memory_space<vmem>>
        %dma_wait3A_71 = tpu.memref_squeeze %dma_wait3A_70 : memref<1x128xi32, #tpu.memory_space<vmem>> -> memref<128xi32, #tpu.memory_space<vmem>>
        %dma_wait3A_72 = arith.constant 0 : i32
        %dma_wait3A_73 = arith.constant 0 : i32
        %dma_wait3A_74 = tpu.memref_slice %arg9[%dma_wait3A_72, %dma_wait3A_73] : memref<10240x64xf32, #tpu.memory_space<vmem_shared>> -> memref<10240x64xf32, #tpu.memory_space<vmem_shared>>
        tpu.wait_indirect_dma semaphore(%run_scoped3A : memref<!tpu.dma_semaphore, #tpu.memory_space<semaphore_mem>>) src(%arg7 : memref<128x64xf32, #tpu.memory_space<vmem>>) dst(%dma_wait3A_74 : memref<10240x64xf32, #tpu.memory_space<vmem_shared>>)
        tpu.yield
      }) : () -> ()
      %add3A_52 = arith.constant 1 : i32
      %add3A_53 = arith.addi %while3A_33, %add3A_52 : i32
      %lt3A = arith.cmpi slt, %add3A_53, %select_n3A : i32
      %convert_element_type3A_54 = arith.extui %lt3A : i1 to i32
      %cond3A_55 = arith.constant 0 : i32
      %cond3A_56 = arith.cmpi ne, %convert_element_type3A_54, %cond3A_55 : i32
      scf.if %cond3A_56 {
        %add3A_63 = arith.constant 2 : i32
        %add3A_64 = arith.addi %mul3A_35, %add3A_63 : i32
        %mul3A_65 = arith.constant 128 : i32
        %mul3A_66 = arith.muli %add3A_64, %mul3A_65 : i32
        %add3A_67 = arith.addi %mul3A_13, %mul3A_66 : i32
        %dma_start3A_68 = arith.constant 0 : i32
        %dma_start3A_69 = tpu.memref_slice %arg2[%add3A_67, %dma_start3A_68] : memref<320000x128xf32, #tpu.memory_space<hbm>> -> memref<128x64xf32, #tpu.memory_space<hbm>>
        %dma_start3A_70 = arith.constant 0 : i32
        %dma_start3A_71 = tpu.memref_slice %arg2[%add3A_67, %dma_start3A_70] : memref<320000x128xf32, #tpu.memory_space<hbm>> -> memref<128x64xf32, #tpu.memory_space<hbm>>
        tpu.enqueue_dma source(%dma_start3A_71 : memref<128x64xf32, #tpu.memory_space<hbm>>) target(%arg7 : memref<128x64xf32, #tpu.memory_space<vmem>>) target_semaphore(%arg10 : memref<!tpu.dma_semaphore, #tpu.memory_space<semaphore_mem>>)
      } else {
      }
      %add3A_57 = arith.constant 0 : i32
      %add3A_58 = arith.addi %mul3A_13, %add3A_57 : i32
      %dma_wait3A_59 = arith.constant 0 : i32
      %dma_wait3A_60 = tpu.memref_slice %arg2[%add3A_58, %dma_wait3A_59] : memref<320000x128xf32, #tpu.memory_space<hbm>> -> memref<128x64xf32, #tpu.memory_space<hbm>>
      %dma_wait3A_61 = arith.constant 0 : i32
      %dma_wait3A_62 = tpu.memref_slice %arg2[%add3A_58, %dma_wait3A_61] : memref<320000x128xf32, #tpu.memory_space<hbm>> -> memref<128x64xf32, #tpu.memory_space<hbm>>
      tpu.wait_dma2 semaphore(%arg11 : memref<!tpu.dma_semaphore, #tpu.memory_space<semaphore_mem>>) src(%dma_wait3A_62 : memref<128x64xf32, #tpu.memory_space<hbm>>) dst(%arg8 : memref<128x64xf32, #tpu.memory_space<vmem>>)
      "tpu.region"() ({
        %run_scoped3A = tpu.sem_alloc : memref<!tpu.dma_semaphore, #tpu.memory_space<semaphore_mem>>
        %dma_start3A_63 = arith.constant 0 : i32
        %dma_start3A_64 = tpu.memref_slice %arg6[%add3A_39, %dma_start3A_63] : memref<80x128xi32, #tpu.memory_space<vmem>> -> memref<1x128xi32, #tpu.memory_space<vmem>>
        %dma_start3A_65 = tpu.memref_squeeze %dma_start3A_64 : memref<1x128xi32, #tpu.memory_space<vmem>> -> memref<128xi32, #tpu.memory_space<vmem>>
        %dma_start3A_66 = arith.constant 0 : i32
        %dma_start3A_67 = arith.constant 0 : i32
        %dma_start3A_68 = tpu.memref_slice %arg9[%dma_start3A_66, %dma_start3A_67] : memref<10240x64xf32, #tpu.memory_space<vmem_shared>> -> memref<10240x64xf32, #tpu.memory_space<vmem_shared>>
        tpu.enqueue_indirect_dma source(%arg8 : memref<128x64xf32, #tpu.memory_space<vmem>>) target(%dma_start3A_68 : memref<10240x64xf32, #tpu.memory_space<vmem_shared>>) offsets(%dma_start3A_65 : memref<128xi32, #tpu.memory_space<vmem>>) semaphore(%run_scoped3A : memref<!tpu.dma_semaphore, #tpu.memory_space<semaphore_mem>>) {add = true}
        %dma_wait3A_69 = arith.constant 0 : i32
        %dma_wait3A_70 = tpu.memref_slice %arg6[%add3A_39, %dma_wait3A_69] : memref<80x128xi32, #tpu.memory_space<vmem>> -> memref<1x128xi32, #tpu.memory_space<vmem>>
        %dma_wait3A_71 = tpu.memref_squeeze %dma_wait3A_70 : memref<1x128xi32, #tpu.memory_space<vmem>> -> memref<128xi32, #tpu.memory_space<vmem>>
        %dma_wait3A_72 = arith.constant 0 : i32
        %dma_wait3A_73 = arith.constant 0 : i32
        %dma_wait3A_74 = tpu.memref_slice %arg9[%dma_wait3A_72, %dma_wait3A_73] : memref<10240x64xf32, #tpu.memory_space<vmem_shared>> -> memref<10240x64xf32, #tpu.memory_space<vmem_shared>>
        tpu.wait_indirect_dma semaphore(%run_scoped3A : memref<!tpu.dma_semaphore, #tpu.memory_space<semaphore_mem>>) src(%arg8 : memref<128x64xf32, #tpu.memory_space<vmem>>) dst(%dma_wait3A_74 : memref<10240x64xf32, #tpu.memory_space<vmem_shared>>)
        tpu.yield
      }) : () -> ()
    }
    %while3A_27 = arith.constant 1 : i32
    scf.for %while3A_33 = %while3A_25 to %while3A_21 step %while3A_27  : i32 {
      %mul3A_34 = arith.constant 2 : i32
      %mul3A_35 = arith.muli %mul3A_34, %while3A_33 : i32
      %mul3A_36 = arith.constant 2 : i32
      %mul3A_37 = arith.muli %mul3A_36, %while3A_33 : i32
      %add3A_38 = arith.constant 1 : i32
      %add3A_39 = arith.addi %mul3A_37, %add3A_38 : i32
      %mul3A_40 = arith.constant 128 : i32
      %mul3A_41 = arith.muli %add3A_39, %mul3A_40 : i32
      %add3A_42 = arith.addi %mul3A_13, %mul3A_41 : i32
      %dma_start3A_43 = arith.constant 0 : i32
      %dma_start3A_44 = tpu.memref_slice %arg2[%add3A_42, %dma_start3A_43] : memref<320000x128xf32, #tpu.memory_space<hbm>> -> memref<128x64xf32, #tpu.memory_space<hbm>>
      %dma_start3A_45 = arith.constant 0 : i32
      %dma_start3A_46 = tpu.memref_slice %arg2[%add3A_42, %dma_start3A_45] : memref<320000x128xf32, #tpu.memory_space<hbm>> -> memref<128x64xf32, #tpu.memory_space<hbm>>
      tpu.enqueue_dma source(%dma_start3A_46 : memref<128x64xf32, #tpu.memory_space<hbm>>) target(%arg8 : memref<128x64xf32, #tpu.memory_space<vmem>>) target_semaphore(%arg11 : memref<!tpu.dma_semaphore, #tpu.memory_space<semaphore_mem>>)
      %add3A_47 = arith.constant 0 : i32
      %add3A_48 = arith.addi %mul3A_13, %add3A_47 : i32
      %dma_wait3A = arith.constant 0 : i32
      %dma_wait3A_49 = tpu.memref_slice %arg2[%add3A_48, %dma_wait3A] : memref<320000x128xf32, #tpu.memory_space<hbm>> -> memref<128x64xf32, #tpu.memory_space<hbm>>
      %dma_wait3A_50 = arith.constant 0 : i32
      %dma_wait3A_51 = tpu.memref_slice %arg2[%add3A_48, %dma_wait3A_50] : memref<320000x128xf32, #tpu.memory_space<hbm>> -> memref<128x64xf32, #tpu.memory_space<hbm>>
      tpu.wait_dma2 semaphore(%arg10 : memref<!tpu.dma_semaphore, #tpu.memory_space<semaphore_mem>>) src(%dma_wait3A_51 : memref<128x64xf32, #tpu.memory_space<hbm>>) dst(%arg7 : memref<128x64xf32, #tpu.memory_space<vmem>>)
      "tpu.region"() ({
        %run_scoped3A = tpu.sem_alloc : memref<!tpu.dma_semaphore, #tpu.memory_space<semaphore_mem>>
        %dma_start3A_63 = arith.constant 0 : i32
        %dma_start3A_64 = tpu.memref_slice %arg6[%mul3A_35, %dma_start3A_63] : memref<80x128xi32, #tpu.memory_space<vmem>> -> memref<1x128xi32, #tpu.memory_space<vmem>>
        %dma_start3A_65 = tpu.memref_squeeze %dma_start3A_64 : memref<1x128xi32, #tpu.memory_space<vmem>> -> memref<128xi32, #tpu.memory_space<vmem>>
        %dma_start3A_66 = arith.constant 0 : i32
        %dma_start3A_67 = arith.constant 0 : i32
        %dma_start3A_68 = tpu.memref_slice %arg9[%dma_start3A_66, %dma_start3A_67] : memref<10240x64xf32, #tpu.memory_space<vmem_shared>> -> memref<10240x64xf32, #tpu.memory_space<vmem_shared>>
        tpu.enqueue_indirect_dma source(%arg7 : memref<128x64xf32, #tpu.memory_space<vmem>>) target(%dma_start3A_68 : memref<10240x64xf32, #tpu.memory_space<vmem_shared>>) offsets(%dma_start3A_65 : memref<128xi32, #tpu.memory_space<vmem>>) semaphore(%run_scoped3A : memref<!tpu.dma_semaphore, #tpu.memory_space<semaphore_mem>>) {add = true}
        %dma_wait3A_69 = arith.constant 0 : i32
        %dma_wait3A_70 = tpu.memref_slice %arg6[%mul3A_35, %dma_wait3A_69] : memref<80x128xi32, #tpu.memory_space<vmem>> -> memref<1x128xi32, #tpu.memory_space<vmem>>
        %dma_wait3A_71 = tpu.memref_squeeze %dma_wait3A_70 : memref<1x128xi32, #tpu.memory_space<vmem>> -> memref<128xi32, #tpu.memory_space<vmem>>
        %dma_wait3A_72 = arith.constant 0 : i32
        %dma_wait3A_73 = arith.constant 0 : i32
        %dma_wait3A_74 = tpu.memref_slice %arg9[%dma_wait3A_72, %dma_wait3A_73] : memref<10240x64xf32, #tpu.memory_space<vmem_shared>> -> memref<10240x64xf32, #tpu.memory_space<vmem_shared>>
        tpu.wait_indirect_dma semaphore(%run_scoped3A : memref<!tpu.dma_semaphore, #tpu.memory_space<semaphore_mem>>) src(%arg7 : memref<128x64xf32, #tpu.memory_space<vmem>>) dst(%dma_wait3A_74 : memref<10240x64xf32, #tpu.memory_space<vmem_shared>>)
        tpu.yield
      }) : () -> ()
      %add3A_52 = arith.constant 1 : i32
      %add3A_53 = arith.addi %while3A_33, %add3A_52 : i32
      %lt3A = arith.cmpi slt, %add3A_53, %select_n3A : i32
      %convert_element_type3A_54 = arith.extui %lt3A : i1 to i32
      %cond3A_55 = arith.constant 0 : i32
      %cond3A_56 = arith.cmpi ne, %convert_element_type3A_54, %cond3A_55 : i32
      scf.if %cond3A_56 {
        %add3A_63 = arith.constant 2 : i32
        %add3A_64 = arith.addi %mul3A_35, %add3A_63 : i32
        %mul3A_65 = arith.constant 128 : i32
        %mul3A_66 = arith.muli %add3A_64, %mul3A_65 : i32
        %add3A_67 = arith.addi %mul3A_13, %mul3A_66 : i32
        %dma_start3A_68 = arith.constant 0 : i32
        %dma_start3A_69 = tpu.memref_slice %arg2[%add3A_67, %dma_start3A_68] : memref<320000x128xf32, #tpu.memory_space<hbm>> -> memref<128x64xf32, #tpu.memory_space<hbm>>
        %dma_start3A_70 = arith.constant 0 : i32
        %dma_start3A_71 = tpu.memref_slice %arg2[%add3A_67, %dma_start3A_70] : memref<320000x128xf32, #tpu.memory_space<hbm>> -> memref<128x64xf32, #tpu.memory_space<hbm>>
        tpu.enqueue_dma source(%dma_start3A_71 : memref<128x64xf32, #tpu.memory_space<hbm>>) target(%arg7 : memref<128x64xf32, #tpu.memory_space<vmem>>) target_semaphore(%arg10 : memref<!tpu.dma_semaphore, #tpu.memory_space<semaphore_mem>>)
      } else {
      }
      %add3A_57 = arith.constant 0 : i32
      %add3A_58 = arith.addi %mul3A_13, %add3A_57 : i32
      %dma_wait3A_59 = arith.constant 0 : i32
      %dma_wait3A_60 = tpu.memref_slice %arg2[%add3A_58, %dma_wait3A_59] : memref<320000x128xf32, #tpu.memory_space<hbm>> -> memref<128x64xf32, #tpu.memory_space<hbm>>
      %dma_wait3A_61 = arith.constant 0 : i32
      %dma_wait3A_62 = tpu.memref_slice %arg2[%add3A_58, %dma_wait3A_61] : memref<320000x128xf32, #tpu.memory_space<hbm>> -> memref<128x64xf32, #tpu.memory_space<hbm>>
      tpu.wait_dma2 semaphore(%arg11 : memref<!tpu.dma_semaphore, #tpu.memory_space<semaphore_mem>>) src(%dma_wait3A_62 : memref<128x64xf32, #tpu.memory_space<hbm>>) dst(%arg8 : memref<128x64xf32, #tpu.memory_space<vmem>>)
      "tpu.region"() ({
        %run_scoped3A = tpu.sem_alloc : memref<!tpu.dma_semaphore, #tpu.memory_space<semaphore_mem>>
        %dma_start3A_63 = arith.constant 0 : i32
        %dma_start3A_64 = tpu.memref_slice %arg6[%add3A_39, %dma_start3A_63] : memref<80x128xi32, #tpu.memory_space<vmem>> -> memref<1x128xi32, #tpu.memory_space<vmem>>
        %dma_start3A_65 = tpu.memref_squeeze %dma_start3A_64 : memref<1x128xi32, #tpu.memory_space<vmem>> -> memref<128xi32, #tpu.memory_space<vmem>>
        %dma_start3A_66 = arith.constant 0 : i32
        %dma_start3A_67 = arith.constant 0 : i32
        %dma_start3A_68 = tpu.memref_slice %arg9[%dma_start3A_66, %dma_start3A_67] : memref<10240x64xf32, #tpu.memory_space<vmem_shared>> -> memref<10240x64xf32, #tpu.memory_space<vmem_shared>>
        tpu.enqueue_indirect_dma source(%arg8 : memref<128x64xf32, #tpu.memory_space<vmem>>) target(%dma_start3A_68 : memref<10240x64xf32, #tpu.memory_space<vmem_shared>>) offsets(%dma_start3A_65 : memref<128xi32, #tpu.memory_space<vmem>>) semaphore(%run_scoped3A : memref<!tpu.dma_semaphore, #tpu.memory_space<semaphore_mem>>) {add = true}
        %dma_wait3A_69 = arith.constant 0 : i32
        %dma_wait3A_70 = tpu.memref_slice %arg6[%add3A_39, %dma_wait3A_69] : memref<80x128xi32, #tpu.memory_space<vmem>> -> memref<1x128xi32, #tpu.memory_space<vmem>>
        %dma_wait3A_71 = tpu.memref_squeeze %dma_wait3A_70 : memref<1x128xi32, #tpu.memory_space<vmem>> -> memref<128xi32, #tpu.memory_space<vmem>>
        %dma_wait3A_72 = arith.constant 0 : i32
        %dma_wait3A_73 = arith.constant 0 : i32
        %dma_wait3A_74 = tpu.memref_slice %arg9[%dma_wait3A_72, %dma_wait3A_73] : memref<10240x64xf32, #tpu.memory_space<vmem_shared>> -> memref<10240x64xf32, #tpu.memory_space<vmem_shared>>
        tpu.wait_indirect_dma semaphore(%run_scoped3A : memref<!tpu.dma_semaphore, #tpu.memory_space<semaphore_mem>>) src(%arg8 : memref<128x64xf32, #tpu.memory_space<vmem>>) dst(%dma_wait3A_74 : memref<10240x64xf32, #tpu.memory_space<vmem_shared>>)
        tpu.yield
      }) : () -> ()
    }
    %barrier3A_28 = arith.constant 0 : index
    tpu.barrier barrier_id(%barrier3A_28)
    %mul3A_29 = arith.constant 640 : i32
    %mul3A_30 = arith.muli %arg1, %mul3A_29 : i32
    %mul3A_31 = arith.constant 640 : i32
    %mul3A_32 = arith.muli %arg1, %mul3A_31 : i32
    "tpu.region"() ({
      %run_scoped3A = tpu.sem_alloc : memref<!tpu.dma_semaphore, #tpu.memory_space<semaphore_mem>>
      %dma_start3A_33 = arith.constant 0 : i32
      %dma_start3A_34 = tpu.memref_slice %arg5[%arg0, %mul3A_32, %dma_start3A_33] : memref<2x10240x64xf32, #tpu.memory_space<hbm>> -> memref<1x640x64xf32, #tpu.memory_space<hbm>>
      %dma_start3A_35 = tpu.memref_squeeze %dma_start3A_34 : memref<1x640x64xf32, #tpu.memory_space<hbm>> -> memref<640x64xf32, #tpu.memory_space<hbm>>
      %dma_start3A_36 = arith.constant 0 : i32
      %dma_start3A_37 = tpu.memref_slice %arg9[%mul3A_30, %dma_start3A_36] : memref<10240x64xf32, #tpu.memory_space<vmem_shared>> -> memref<640x64xf32, #tpu.memory_space<vmem_shared>>
      tpu.enqueue_dma source(%dma_start3A_37 : memref<640x64xf32, #tpu.memory_space<vmem_shared>>) target(%dma_start3A_35 : memref<640x64xf32, #tpu.memory_space<hbm>>) target_semaphore(%run_scoped3A : memref<!tpu.dma_semaphore, #tpu.memory_space<semaphore_mem>>)
      %dma_wait3A = arith.constant 0 : i32
      %dma_wait3A_38 = tpu.memref_slice %arg5[%arg0, %mul3A_32, %dma_wait3A] : memref<2x10240x64xf32, #tpu.memory_space<hbm>> -> memref<1x640x64xf32, #tpu.memory_space<hbm>>
      %dma_wait3A_39 = tpu.memref_squeeze %dma_wait3A_38 : memref<1x640x64xf32, #tpu.memory_space<hbm>> -> memref<640x64xf32, #tpu.memory_space<hbm>>
      %dma_wait3A_40 = arith.constant 0 : i32
      %dma_wait3A_41 = tpu.memref_slice %arg9[%mul3A_30, %dma_wait3A_40] : memref<10240x64xf32, #tpu.memory_space<vmem_shared>> -> memref<640x64xf32, #tpu.memory_space<vmem_shared>>
      tpu.wait_dma2 semaphore(%run_scoped3A : memref<!tpu.dma_semaphore, #tpu.memory_space<semaphore_mem>>) src(%dma_wait3A_41 : memref<640x64xf32, #tpu.memory_space<vmem_shared>>) dst(%dma_wait3A_39 : memref<640x64xf32, #tpu.memory_space<hbm>>)
      tpu.yield
    }) : () -> ()
    return
  }
}

module attributes {stable_mosaic.version = 14 : i64} {
  func.func @_node_body(%arg0: i32, %arg1: memref<1000x128xf32, #tpu.memory_space<vmem>>, %arg2: memref<128x64xf32, #tpu.memory_space<vmem>>, %arg3: memref<1x64xf32, #tpu.memory_space<vmem>>, %arg4: memref<1x64xf32, #tpu.memory_space<vmem>>, %arg5: memref<1x64xf32, #tpu.memory_space<vmem>>, %arg6: memref<64x128xf32, #tpu.memory_space<vmem>>, %arg7: memref<1000x64xf32, #tpu.memory_space<vmem>>, %arg8: memref<1000x1xi32, #tpu.memory_space<vmem>>, %arg9: memref<1000x128xf32, #tpu.memory_space<vmem>>) attributes {dimension_semantics = [#tpu.dimension_semantics<arbitrary>], iteration_bounds = array<i64: 10>, scalar_prefetch = 0 : i64, scratch_operands = 0 : i64, tpu.core_type = #tpu.core_type<tc>, window_params = [{transform_indices = @transform_0, window_bounds = array<i64: 1000, 128>}, {pipeline_mode = #tpu.pipeline_mode<synchronous>, transform_indices = @transform_1, window_bounds = array<i64: 128, 64>}, {pipeline_mode = #tpu.pipeline_mode<synchronous>, transform_indices = @transform_2, window_bounds = array<i64: 1, 64>}, {pipeline_mode = #tpu.pipeline_mode<synchronous>, transform_indices = @transform_3, window_bounds = array<i64: 1, 64>}, {pipeline_mode = #tpu.pipeline_mode<synchronous>, transform_indices = @transform_4, window_bounds = array<i64: 1, 64>}, {pipeline_mode = #tpu.pipeline_mode<synchronous>, transform_indices = @transform_5, window_bounds = array<i64: 64, 128>}, {transform_indices = @transform_6, window_bounds = array<i64: 1000, 64>}, {transform_indices = @transform_7, window_bounds = array<i64: 1000, 1>}, {transform_indices = @transform_8, window_bounds = array<i64: 1000, 128>}]} {
    %get3A = arith.constant 0 : index
    %get3A_0 = arith.constant 0 : index
    %get3A_1 = vector.load %arg1[%get3A, %get3A_0] : memref<1000x128xf32, #tpu.memory_space<vmem>>, vector<1000x128xf32>
    %get3A_2 = arith.constant 0 : index
    %get3A_3 = arith.constant 0 : index
    %get3A_4 = vector.load %arg2[%get3A_2, %get3A_3] : memref<128x64xf32, #tpu.memory_space<vmem>>, vector<128x64xf32>
    %dot_general3A = arith.constant dense<0.000000e+00> : vector<1000x64xf32>
    %dot_general3A_5 = tpu.matmul %get3A_1, %get3A_4, %dot_general3A {dimension_numbers = #tpu.dot_dimension_numbers<[1], [0], [0], [1], [0, 0, 1, 1], [], []>, transpose_lhs_hint = false} : vector<1000x128xf32>, vector<128x64xf32>, vector<1000x64xf32> -> vector<1000x64xf32>
    %get3A_6 = arith.constant 0 : index
    %get3A_7 = arith.constant 0 : index
    %get3A_8 = vector.load %arg3[%get3A_6, %get3A_7] : memref<1x64xf32, #tpu.memory_space<vmem>>, vector<1x64xf32>
    %add3A = vector.broadcast %get3A_8 : vector<1x64xf32> to vector<1000x64xf32>
    %add3A_9 = arith.addf %dot_general3A_5, %add3A : vector<1000x64xf32>
    %get3A_10 = arith.constant 0 : index
    %get3A_11 = arith.constant 0 : index
    %get3A_12 = vector.load %arg4[%get3A_10, %get3A_11] : memref<1x64xf32, #tpu.memory_space<vmem>>, vector<1x64xf32>
    %get3A_13 = arith.constant 0 : index
    %get3A_14 = arith.constant 0 : index
    %get3A_15 = vector.load %arg5[%get3A_13, %get3A_14] : memref<1x64xf32, #tpu.memory_space<vmem>>, vector<1x64xf32>
    %reduce_sum3A = arith.constant dense<0.000000e+00> : vector<1000xf32>
    %reduce_sum3A_16 = vector.multi_reduction <add>, %add3A_9, %reduce_sum3A [1] : vector<1000x64xf32> to vector<1000xf32>
    %broadcast_in_dim3A = vector.shape_cast %reduce_sum3A_16 : vector<1000xf32> to vector<1000x1xf32>
    %div3A = arith.constant 6.400000e+01 : f32
    %div3A_17 = vector.broadcast %div3A : f32 to vector<1000x1xf32>
    %div3A_18 = arith.divf %broadcast_in_dim3A, %div3A_17 : vector<1000x1xf32>
    %sub3A = vector.broadcast %div3A_18 : vector<1000x1xf32> to vector<1000x64xf32>
    %sub3A_19 = arith.subf %add3A_9, %sub3A : vector<1000x64xf32>
    %integer_pow3A = arith.mulf %sub3A_19, %sub3A_19 : vector<1000x64xf32>
    %reduce_sum3A_20 = arith.constant dense<0.000000e+00> : vector<1000xf32>
    %reduce_sum3A_21 = vector.multi_reduction <add>, %integer_pow3A, %reduce_sum3A_20 [1] : vector<1000x64xf32> to vector<1000xf32>
    %broadcast_in_dim3A_22 = vector.shape_cast %reduce_sum3A_21 : vector<1000xf32> to vector<1000x1xf32>
    %div3A_23 = arith.constant 6.400000e+01 : f32
    %div3A_24 = vector.broadcast %div3A_23 : f32 to vector<1000x1xf32>
    %div3A_25 = arith.divf %broadcast_in_dim3A_22, %div3A_24 : vector<1000x1xf32>
    %sub3A_26 = vector.broadcast %div3A_18 : vector<1000x1xf32> to vector<1000x64xf32>
    %sub3A_27 = arith.subf %add3A_9, %sub3A_26 : vector<1000x64xf32>
    %add3A_28 = arith.constant 9.99999974E-6 : f32
    %add3A_29 = vector.broadcast %add3A_28 : f32 to vector<1000x1xf32>
    %add3A_30 = arith.addf %div3A_25, %add3A_29 : vector<1000x1xf32>
    %sqrt3A = math.sqrt %add3A_30 : vector<1000x1xf32>
    %div3A_31 = vector.broadcast %sqrt3A : vector<1000x1xf32> to vector<1000x64xf32>
    %div3A_32 = arith.divf %sub3A_27, %div3A_31 : vector<1000x64xf32>
    %mul3A = vector.broadcast %get3A_12 : vector<1x64xf32> to vector<1000x64xf32>
    %mul3A_33 = arith.mulf %div3A_32, %mul3A : vector<1000x64xf32>
    %add3A_34 = vector.broadcast %get3A_15 : vector<1x64xf32> to vector<1000x64xf32>
    %add3A_35 = arith.addf %mul3A_33, %add3A_34 : vector<1000x64xf32>
    %logistic3A = arith.negf %add3A_35 : vector<1000x64xf32>
    %logistic3A_36 = math.exp %logistic3A : vector<1000x64xf32>
    %logistic3A_37 = arith.constant 1.000000e+00 : f32
    %logistic3A_38 = vector.broadcast %logistic3A_37 : f32 to vector<1000x64xf32>
    %logistic3A_39 = arith.addf %logistic3A_38, %logistic3A_36 : vector<1000x64xf32>
    %logistic3A_40 = arith.divf %logistic3A_38, %logistic3A_39 : vector<1000x64xf32>
    %mul3A_41 = arith.mulf %add3A_35, %logistic3A_40 : vector<1000x64xf32>
    %swap3A = arith.constant 0 : index
    %swap3A_42 = arith.constant 0 : index
    %swap3A_43 = vector.load %arg7[%swap3A, %swap3A_42] : memref<1000x64xf32, #tpu.memory_space<vmem>>, vector<1000x64xf32>
    tpu.vector_store %arg7[%swap3A, %swap3A_42], %mul3A_41 {strides = array<i32>} : memref<1000x64xf32, #tpu.memory_space<vmem>>, vector<1000x64xf32>,
    %get3A_44 = arith.constant 0 : index
    %get3A_45 = arith.constant 0 : index
    %get3A_46 = vector.load %arg6[%get3A_44, %get3A_45] : memref<64x128xf32, #tpu.memory_space<vmem>>, vector<64x128xf32>
    %dot_general3A_47 = arith.constant dense<0.000000e+00> : vector<1000x128xf32>
    %dot_general3A_48 = tpu.matmul %mul3A_41, %get3A_46, %dot_general3A_47 {dimension_numbers = #tpu.dot_dimension_numbers<[1], [0], [0], [1], [0, 0, 1, 1], [], []>, transpose_lhs_hint = false} : vector<1000x64xf32>, vector<64x128xf32>, vector<1000x128xf32> -> vector<1000x128xf32>
    %swap3A_49 = arith.constant 0 : index
    %swap3A_50 = arith.constant 0 : index
    %swap3A_51 = vector.load %arg9[%swap3A_49, %swap3A_50] : memref<1000x128xf32, #tpu.memory_space<vmem>>, vector<1000x128xf32>
    tpu.vector_store %arg9[%swap3A_49, %swap3A_50], %dot_general3A_48 {strides = array<i32>} : memref<1000x128xf32, #tpu.memory_space<vmem>>, vector<1000x128xf32>,
    %slice3A = vector.extract_strided_slice %get3A_1 {offsets = [0, 100], sizes = [1000, 26], strides = [1, 1]} : vector<1000x128xf32> to vector<1000x26xf32>
    %reduce_max3A = arith.constant dense<0xFF800000> : vector<1000xf32>
    %reduce_max3A_52 = vector.multi_reduction <maximumf>, %slice3A, %reduce_max3A [1] : vector<1000x26xf32> to vector<1000xf32>
    %broadcast_in_dim3A_53 = vector.shape_cast %reduce_max3A_52 : vector<1000xf32> to vector<1000x1xf32>
    %iota3A = tpu.iota {dimensions = array<i32: 1>} : vector<1x26xi32>
    %eq3A = vector.broadcast %broadcast_in_dim3A_53 : vector<1000x1xf32> to vector<1000x26xf32>
    %eq3A_54 = arith.cmpf oeq, %slice3A, %eq3A : vector<1000x26xf32>
    %jit3A = arith.constant 1073741824 : i32
    %broadcast_in_dim3A_55 = vector.shape_cast %iota3A : vector<1x26xi32> to vector<1x26xi32>
    %broadcast_in_dim3A_56 = vector.broadcast %broadcast_in_dim3A_55 : vector<1x26xi32> to vector<1000x26xi32>
    %broadcast_in_dim3A_57 = vector.broadcast %jit3A : i32 to vector<1000x26xi32>
    %select_n3A = arith.select %eq3A_54, %broadcast_in_dim3A_56, %broadcast_in_dim3A_57 : vector<1000x26xi1>, vector<1000x26xi32>
    %reduce_min3A = arith.constant dense<2147483647> : vector<1000xi32>
    %reduce_min3A_58 = vector.multi_reduction <minsi>, %select_n3A, %reduce_min3A [1] : vector<1000x26xi32> to vector<1000xi32>
    %broadcast_in_dim3A_59 = vector.shape_cast %reduce_min3A_58 : vector<1000xi32> to vector<1000x1xi32>
    %swap3A_60 = arith.constant 0 : index
    %swap3A_61 = arith.constant 0 : index
    %swap3A_62 = vector.load %arg8[%swap3A_60, %swap3A_61] : memref<1000x1xi32, #tpu.memory_space<vmem>>, vector<1000x1xi32>
    tpu.vector_store %arg8[%swap3A_60, %swap3A_61], %broadcast_in_dim3A_59 {strides = array<i32>} : memref<1000x1xi32, #tpu.memory_space<vmem>>, vector<1000x1xi32>,
    return
  }
  func.func @transform_0(%arg0: i32) -> (i32, i32) {
    %c0_i32 = arith.constant 0 : i32
    %c0_i32_0 = arith.constant 0 : i32
    return %arg0, %c0_i32 : i32, i32
  }
  func.func @transform_1(%arg0: i32) -> (i32, i32) {
    %c0_i32 = arith.constant 0 : i32
    %c0_i32_0 = arith.constant 0 : i32
    %c0_i32_1 = arith.constant 0 : i32
    return %c0_i32, %c0_i32_0 : i32, i32
  }
  func.func @transform_2(%arg0: i32) -> (i32, i32) {
    %c0_i32 = arith.constant 0 : i32
    %c0_i32_0 = arith.constant 0 : i32
    %c0_i32_1 = arith.constant 0 : i32
    return %c0_i32, %c0_i32_0 : i32, i32
  }
  func.func @transform_3(%arg0: i32) -> (i32, i32) {
    %c0_i32 = arith.constant 0 : i32
    %c0_i32_0 = arith.constant 0 : i32
    %c0_i32_1 = arith.constant 0 : i32
    return %c0_i32, %c0_i32_0 : i32, i32
  }
  func.func @transform_4(%arg0: i32) -> (i32, i32) {
    %c0_i32 = arith.constant 0 : i32
    %c0_i32_0 = arith.constant 0 : i32
    %c0_i32_1 = arith.constant 0 : i32
    return %c0_i32, %c0_i32_0 : i32, i32
  }
  func.func @transform_5(%arg0: i32) -> (i32, i32) {
    %c0_i32 = arith.constant 0 : i32
    %c0_i32_0 = arith.constant 0 : i32
    %c0_i32_1 = arith.constant 0 : i32
    return %c0_i32, %c0_i32_0 : i32, i32
  }
  func.func @transform_6(%arg0: i32) -> (i32, i32) {
    %c0_i32 = arith.constant 0 : i32
    %c0_i32_0 = arith.constant 0 : i32
    return %arg0, %c0_i32 : i32, i32
  }
  func.func @transform_7(%arg0: i32) -> (i32, i32) {
    %c0_i32 = arith.constant 0 : i32
    %c0_i32_0 = arith.constant 0 : i32
    return %arg0, %c0_i32 : i32, i32
  }
  func.func @transform_8(%arg0: i32) -> (i32, i32) {
    %c0_i32 = arith.constant 0 : i32
    %c0_i32_0 = arith.constant 0 : i32
    return %arg0, %c0_i32 : i32, i32
  }
}

module attributes {stable_mosaic.version = 14 : i64} {
  func.func @_rmax_body(%arg0: memref<2500x128xf32, #tpu.memory_space<vmem>>, %arg1: memref<2500x128xf32, #tpu.memory_space<vmem>>, %arg2: memref<2500x128xf32, #tpu.memory_space<vmem>>, %arg3: memref<1x1xf32, #tpu.memory_space<smem>>) attributes {dimension_semantics = [], scalar_prefetch = 0 : i64, scratch_operands = 0 : i64, tpu.core_type = #tpu.core_type<tc>} {
    %get3A = arith.constant 0 : index
    %get3A_0 = arith.constant 0 : index
    %get3A_1 = vector.load %arg0[%get3A, %get3A_0] : memref<2500x128xf32, #tpu.memory_space<vmem>>, vector<2500x128xf32>
    %integer_pow3A = arith.mulf %get3A_1, %get3A_1 : vector<2500x128xf32>
    %get3A_2 = arith.constant 0 : index
    %get3A_3 = arith.constant 0 : index
    %get3A_4 = vector.load %arg1[%get3A_2, %get3A_3] : memref<2500x128xf32, #tpu.memory_space<vmem>>, vector<2500x128xf32>
    %integer_pow3A_5 = arith.mulf %get3A_4, %get3A_4 : vector<2500x128xf32>
    %add3A = arith.addf %integer_pow3A, %integer_pow3A_5 : vector<2500x128xf32>
    %get3A_6 = arith.constant 0 : index
    %get3A_7 = arith.constant 0 : index
    %get3A_8 = vector.load %arg2[%get3A_6, %get3A_7] : memref<2500x128xf32, #tpu.memory_space<vmem>>, vector<2500x128xf32>
    %integer_pow3A_9 = arith.mulf %get3A_8, %get3A_8 : vector<2500x128xf32>
    %add3A_10 = arith.addf %add3A, %integer_pow3A_9 : vector<2500x128xf32>
    %sqrt3A = math.sqrt %add3A_10 : vector<2500x128xf32>
    %max3A = arith.constant 9.99999993E-9 : f32
    %max3A_11 = vector.broadcast %max3A : f32 to vector<2500x128xf32>
    %max3A_12 = arith.maximumf %sqrt3A, %max3A_11 : vector<2500x128xf32>
    %bitcast_convert_type3A = tpu.bitcast %max3A_12 : vector<2500x128xf32> -> vector<2500x128xi32>
    %scan3A = arith.constant 304000 : i32
    %scan3A_13 = arith.constant 304001 : i32
    %scan3A_14 = arith.constant -1 : i32
    %scan3A_15 = arith.constant 2139095039 : i32
    %scan3A_16 = arith.constant -1 : i32
    %scan3A_17 = arith.constant 2139095039 : i32
    %scan3A_18 = arith.constant 0 : i32
    %scan3A_19 = arith.constant 31 : i32
    %scan3A_20 = arith.addi %scan3A_18, %scan3A_19 : i32
    %scan3A_21 = arith.constant 1 : i32
    %scan3A_22:4 = scf.for %scan3A_34 = %scan3A_18 to %scan3A_20 step %scan3A_21 iter_args(%scan3A_35 = %scan3A_14, %scan3A_36 = %scan3A_15, %scan3A_37 = %scan3A_16, %scan3A_38 = %scan3A_17) -> (i32, i32, i32, i32)  : i32 {
      %sub3A_39 = arith.subi %scan3A_36, %scan3A_35 : i32
      %jit3A_40 = arith.constant 2 : i32
      %div3A = arith.divsi %sub3A_39, %jit3A_40 : i32
      %sign3A = arith.constant 0 : i32
      %sign3A_41 = arith.cmpi sgt, %sub3A_39, %sign3A : i32
      %sign3A_42 = arith.extui %sign3A_41 : i1 to i32
      %sign3A_43 = arith.constant 0 : i32
      %sign3A_44 = arith.cmpi slt, %sub3A_39, %sign3A_43 : i32
      %sign3A_45 = arith.extui %sign3A_44 : i1 to i32
      %sign3A_46 = arith.subi %sign3A_42, %sign3A_45 : i32
      %sign3A_47 = arith.constant 0 : i32
      %sign3A_48 = arith.cmpi sgt, %jit3A_40, %sign3A_47 : i32
      %sign3A_49 = arith.extui %sign3A_48 : i1 to i32
      %sign3A_50 = arith.constant 0 : i32
      %sign3A_51 = arith.cmpi slt, %jit3A_40, %sign3A_50 : i32
      %sign3A_52 = arith.extui %sign3A_51 : i1 to i32
      %sign3A_53 = arith.subi %sign3A_49, %sign3A_52 : i32
      %ne3A = arith.cmpi ne, %sign3A_46, %sign3A_53 : i32
      %rem3A = arith.remsi %sub3A_39, %jit3A_40 : i32
      %ne3A_54 = arith.constant 0 : i32
      %ne3A_55 = arith.cmpi ne, %rem3A, %ne3A_54 : i32
      %and3A = arith.andi %ne3A, %ne3A_55 : i1
      %sub3A_56 = arith.constant 1 : i32
      %sub3A_57 = arith.subi %div3A, %sub3A_56 : i32
      %select_n3A = arith.select %and3A, %sub3A_57, %div3A : i32
      %add3A_58 = arith.addi %scan3A_35, %select_n3A : i32
      %sub3A_59 = arith.subi %scan3A_38, %scan3A_37 : i32
      %jit3A_60 = arith.constant 2 : i32
      %div3A_61 = arith.divsi %sub3A_59, %jit3A_60 : i32
      %sign3A_62 = arith.constant 0 : i32
      %sign3A_63 = arith.cmpi sgt, %sub3A_59, %sign3A_62 : i32
      %sign3A_64 = arith.extui %sign3A_63 : i1 to i32
      %sign3A_65 = arith.constant 0 : i32
      %sign3A_66 = arith.cmpi slt, %sub3A_59, %sign3A_65 : i32
      %sign3A_67 = arith.extui %sign3A_66 : i1 to i32
      %sign3A_68 = arith.subi %sign3A_64, %sign3A_67 : i32
      %sign3A_69 = arith.constant 0 : i32
      %sign3A_70 = arith.cmpi sgt, %jit3A_60, %sign3A_69 : i32
      %sign3A_71 = arith.extui %sign3A_70 : i1 to i32
      %sign3A_72 = arith.constant 0 : i32
      %sign3A_73 = arith.cmpi slt, %jit3A_60, %sign3A_72 : i32
      %sign3A_74 = arith.extui %sign3A_73 : i1 to i32
      %sign3A_75 = arith.subi %sign3A_71, %sign3A_74 : i32
      %ne3A_76 = arith.cmpi ne, %sign3A_68, %sign3A_75 : i32
      %rem3A_77 = arith.remsi %sub3A_59, %jit3A_60 : i32
      %ne3A_78 = arith.constant 0 : i32
      %ne3A_79 = arith.cmpi ne, %rem3A_77, %ne3A_78 : i32
      %and3A_80 = arith.andi %ne3A_76, %ne3A_79 : i1
      %sub3A_81 = arith.constant 1 : i32
      %sub3A_82 = arith.subi %div3A_61, %sub3A_81 : i32
      %select_n3A_83 = arith.select %and3A_80, %sub3A_82, %div3A_61 : i32
      %add3A_84 = arith.addi %scan3A_37, %select_n3A_83 : i32
      %le3A = vector.broadcast %add3A_58 : i32 to vector<2500x128xi32>
      %le3A_85 = arith.cmpi sle, %bitcast_convert_type3A, %le3A : vector<2500x128xi32>
      %convert_element_type3A = arith.extui %le3A_85 : vector<2500x128xi1> to vector<2500x128xi32>
      %reduce_sum3A = vector.shape_cast %convert_element_type3A : vector<2500x128xi32> to vector<1x2500x128xi32>
      %reduce_sum3A_86 = arith.constant dense<0> : vector<1xi32>
      %reduce_sum3A_87 = vector.multi_reduction <add>, %reduce_sum3A, %reduce_sum3A_86 [1, 2] : vector<1x2500x128xi32> to vector<1xi32>
      %reduce_sum3A_88 = vector.shape_cast %reduce_sum3A_87 : vector<1xi32> to vector<1x1x1xi32>
      %reduce_sum3A_89 = vector.extract %reduce_sum3A_88[0, 0, 0] : i32 from vector<1x1x1xi32>
      %le3A_90 = vector.broadcast %add3A_84 : i32 to vector<2500x128xi32>
      %le3A_91 = arith.cmpi sle, %bitcast_convert_type3A, %le3A_90 : vector<2500x128xi32>
      %convert_element_type3A_92 = arith.extui %le3A_91 : vector<2500x128xi1> to vector<2500x128xi32>
      %reduce_sum3A_93 = vector.shape_cast %convert_element_type3A_92 : vector<2500x128xi32> to vector<1x2500x128xi32>
      %reduce_sum3A_94 = arith.constant dense<0> : vector<1xi32>
      %reduce_sum3A_95 = vector.multi_reduction <add>, %reduce_sum3A_93, %reduce_sum3A_94 [1, 2] : vector<1x2500x128xi32> to vector<1xi32>
      %reduce_sum3A_96 = vector.shape_cast %reduce_sum3A_95 : vector<1xi32> to vector<1x1x1xi32>
      %reduce_sum3A_97 = vector.extract %reduce_sum3A_96[0, 0, 0] : i32 from vector<1x1x1xi32>
      %ge3A = arith.cmpi sge, %reduce_sum3A_89, %scan3A : i32
      %select_n3A_98 = arith.select %ge3A, %scan3A_35, %add3A_58 : i32
      %ge3A_99 = arith.cmpi sge, %reduce_sum3A_89, %scan3A : i32
      %select_n3A_100 = arith.select %ge3A_99, %add3A_58, %scan3A_36 : i32
      %ge3A_101 = arith.cmpi sge, %reduce_sum3A_97, %scan3A_13 : i32
      %select_n3A_102 = arith.select %ge3A_101, %scan3A_37, %add3A_84 : i32
      %ge3A_103 = arith.cmpi sge, %reduce_sum3A_97, %scan3A_13 : i32
      %select_n3A_104 = arith.select %ge3A_103, %add3A_84, %scan3A_38 : i32
      scf.yield %select_n3A_98, %select_n3A_100, %select_n3A_102, %select_n3A_104 : i32, i32, i32, i32
    }
    %bitcast_convert_type3A_23 = arith.bitcast %scan3A_22#1 : i32 to f32
    %bitcast_convert_type3A_24 = arith.bitcast %scan3A_22#3 : i32 to f32
    %mul3A = arith.constant 0.949999988 : f32
    %mul3A_25 = arith.constant 3.199990e+05 : f32
    %mul3A_26 = arith.mulf %mul3A, %mul3A_25 : f32
    %floor3A = math.floor %mul3A_26 : f32
    %sub3A = arith.subf %mul3A_26, %floor3A : f32
    %sub3A_27 = arith.subf %bitcast_convert_type3A_24, %bitcast_convert_type3A_23 : f32
    %mul3A_28 = arith.mulf %sub3A_27, %sub3A : f32
    %add3A_29 = arith.addf %bitcast_convert_type3A_23, %mul3A_28 : f32
    %jit3A = arith.constant 1.000000e+00 : f32
    %jit3A_30 = arith.constant 8.000000e+00 : f32
    %max3A_31 = arith.maximumf %jit3A, %add3A_29 : f32
    %min3A = arith.minimumf %jit3A_30, %max3A_31 : f32
    %swap3A = arith.constant 0 : index
    %swap3A_32 = arith.constant 0 : index
    %swap3A_33 = memref.load %arg3[%swap3A, %swap3A_32] : memref<1x1xf32, #tpu.memory_space<smem>>
    memref.store %min3A, %arg3[%swap3A, %swap3A_32] : memref<1x1xf32, #tpu.memory_space<smem>>
    return
  }
}

module attributes {stable_mosaic.version = 14 : i64} {
  func.func @_edge_body(%arg0: i32, %arg1: memref<1x1xf32, #tpu.memory_space<smem>>, %arg2: memref<2000x4xf32, #tpu.memory_space<vmem>>, %arg3: memref<20x64xf32, #tpu.memory_space<vmem>>, %arg4: memref<1x64xf32, #tpu.memory_space<vmem>>, %arg5: memref<1x64xf32, #tpu.memory_space<vmem>>, %arg6: memref<1x64xf32, #tpu.memory_space<vmem>>, %arg7: memref<2000x64xbf16, #tpu.memory_space<vmem>>) attributes {dimension_semantics = [#tpu.dimension_semantics<arbitrary>], iteration_bounds = array<i64: 160>, scalar_prefetch = 0 : i64, scratch_operands = 0 : i64, tpu.core_type = #tpu.core_type<tc>, window_params = [{transform_indices = @transform_0, window_bounds = array<i64: 1, 1>}, {transform_indices = @transform_1, window_bounds = array<i64: 2000, 4>}, {pipeline_mode = #tpu.pipeline_mode<synchronous>, transform_indices = @transform_2, window_bounds = array<i64: 20, 64>}, {pipeline_mode = #tpu.pipeline_mode<synchronous>, transform_indices = @transform_3, window_bounds = array<i64: 1, 64>}, {pipeline_mode = #tpu.pipeline_mode<synchronous>, transform_indices = @transform_4, window_bounds = array<i64: 1, 64>}, {pipeline_mode = #tpu.pipeline_mode<synchronous>, transform_indices = @transform_5, window_bounds = array<i64: 1, 64>}, {transform_indices = @transform_6, window_bounds = array<i64: 2000, 64>}]} {
    %get3A = arith.constant 0 : index
    %get3A_0 = arith.constant 0 : index
    %get3A_1 = vector.load %arg2[%get3A, %get3A_0] : memref<2000x4xf32, #tpu.memory_space<vmem>>, vector<2000x4xf32>
    %get3A_2 = arith.constant 0 : index
    %get3A_3 = arith.constant 0 : index
    %get3A_4 = memref.load %arg1[%get3A_2, %get3A_3] : memref<1x1xf32, #tpu.memory_space<smem>>
    %iota3A = tpu.iota {dimensions = array<i32: 1>} : vector<1x16xi32>
    %convert_element_type3A = arith.sitofp %iota3A : vector<1x16xi32> to vector<1x16xf32>
    %mul3A = vector.broadcast %get3A_4 : f32 to vector<1x16xf32>
    %mul3A_5 = arith.mulf %mul3A, %convert_element_type3A : vector<1x16xf32>
    %div3A = arith.constant 1.500000e+01 : f32
    %div3A_6 = vector.broadcast %div3A : f32 to vector<1x16xf32>
    %div3A_7 = arith.divf %mul3A_5, %div3A_6 : vector<1x16xf32>
    %div3A_8 = arith.constant 1.500000e+01 : f32
    %div3A_9 = arith.divf %get3A_4, %div3A_8 : f32
    %max3A = arith.constant 1.000000e-03 : f32
    %max3A_10 = arith.maximumf %div3A_9, %max3A : f32
    %mul3A_11 = arith.constant 5.000000e-01 : f32
    %mul3A_12 = arith.mulf %mul3A_11, %max3A_10 : f32
    %integer_pow3A = arith.mulf %mul3A_12, %mul3A_12 : f32
    %mul3A_13 = arith.constant 2.000000e+00 : f32
    %mul3A_14 = arith.mulf %mul3A_13, %integer_pow3A : f32
    %div3A_15 = arith.constant 1.000000e+00 : f32
    %div3A_16 = arith.divf %div3A_15, %mul3A_14 : f32
    %slice3A = vector.extract_strided_slice %get3A_1 {offsets = [0, 0], sizes = [2000, 3], strides = [1, 1]} : vector<2000x4xf32> to vector<2000x3xf32>
    %mul3A_17 = arith.mulf %slice3A, %slice3A : vector<2000x3xf32>
    %reduce_sum3A = arith.constant dense<0.000000e+00> : vector<2000xf32>
    %reduce_sum3A_18 = vector.multi_reduction <add>, %mul3A_17, %reduce_sum3A [1] : vector<2000x3xf32> to vector<2000xf32>
    %broadcast_in_dim3A = vector.shape_cast %reduce_sum3A_18 : vector<2000xf32> to vector<2000x1xf32>
    %sqrt3A = math.sqrt %broadcast_in_dim3A : vector<2000x1xf32>
    %max3A_19 = arith.constant 9.99999993E-9 : f32
    %max3A_20 = vector.broadcast %max3A_19 : f32 to vector<2000x1xf32>
    %max3A_21 = arith.maximumf %sqrt3A, %max3A_20 : vector<2000x1xf32>
    %div3A_22 = vector.broadcast %max3A_21 : vector<2000x1xf32> to vector<2000x3xf32>
    %div3A_23 = arith.divf %slice3A, %div3A_22 : vector<2000x3xf32>
    %neg3A = arith.constant 0.000000e+00 : f32
    %neg3A_24 = arith.subf %neg3A, %div3A_16 : f32
    %sub3A = vector.broadcast %max3A_21 : vector<2000x1xf32> to vector<2000x16xf32>
    %sub3A_25 = vector.broadcast %div3A_7 : vector<1x16xf32> to vector<2000x16xf32>
    %sub3A_26 = arith.subf %sub3A, %sub3A_25 : vector<2000x16xf32>
    %integer_pow3A_27 = arith.mulf %sub3A_26, %sub3A_26 : vector<2000x16xf32>
    %mul3A_28 = vector.broadcast %neg3A_24 : f32 to vector<2000x16xf32>
    %mul3A_29 = arith.mulf %mul3A_28, %integer_pow3A_27 : vector<2000x16xf32>
    %exp3A = math.exp %mul3A_29 : vector<2000x16xf32>
    %concatenate3A = tpu.concatenate %div3A_23, %max3A_21, %exp3A in 1 : vector<2000x3xf32>, vector<2000x1xf32>, vector<2000x16xf32> -> vector<2000x20xf32>
    %get3A_30 = arith.constant 0 : index
    %get3A_31 = arith.constant 0 : index
    %get3A_32 = vector.load %arg3[%get3A_30, %get3A_31] : memref<20x64xf32, #tpu.memory_space<vmem>>, vector<20x64xf32>
    %dot_general3A = arith.constant dense<0.000000e+00> : vector<2000x64xf32>
    %dot_general3A_33 = tpu.matmul %concatenate3A, %get3A_32, %dot_general3A {dimension_numbers = #tpu.dot_dimension_numbers<[1], [0], [0], [1], [0, 0, 1, 1], [], []>, transpose_lhs_hint = false} : vector<2000x20xf32>, vector<20x64xf32>, vector<2000x64xf32> -> vector<2000x64xf32>
    %get3A_34 = arith.constant 0 : index
    %get3A_35 = arith.constant 0 : index
    %get3A_36 = vector.load %arg4[%get3A_34, %get3A_35] : memref<1x64xf32, #tpu.memory_space<vmem>>, vector<1x64xf32>
    %add3A = vector.broadcast %get3A_36 : vector<1x64xf32> to vector<2000x64xf32>
    %add3A_37 = arith.addf %dot_general3A_33, %add3A : vector<2000x64xf32>
    %logistic3A = arith.negf %add3A_37 : vector<2000x64xf32>
    %logistic3A_38 = math.exp %logistic3A : vector<2000x64xf32>
    %logistic3A_39 = arith.constant 1.000000e+00 : f32
    %logistic3A_40 = vector.broadcast %logistic3A_39 : f32 to vector<2000x64xf32>
    %logistic3A_41 = arith.addf %logistic3A_40, %logistic3A_38 : vector<2000x64xf32>
    %logistic3A_42 = arith.divf %logistic3A_40, %logistic3A_41 : vector<2000x64xf32>
    %mul3A_43 = arith.mulf %add3A_37, %logistic3A_42 : vector<2000x64xf32>
    %get3A_44 = arith.constant 0 : index
    %get3A_45 = arith.constant 0 : index
    %get3A_46 = vector.load %arg5[%get3A_44, %get3A_45] : memref<1x64xf32, #tpu.memory_space<vmem>>, vector<1x64xf32>
    %get3A_47 = arith.constant 0 : index
    %get3A_48 = arith.constant 0 : index
    %get3A_49 = vector.load %arg6[%get3A_47, %get3A_48] : memref<1x64xf32, #tpu.memory_space<vmem>>, vector<1x64xf32>
    %reduce_sum3A_50 = arith.constant dense<0.000000e+00> : vector<2000xf32>
    %reduce_sum3A_51 = vector.multi_reduction <add>, %mul3A_43, %reduce_sum3A_50 [1] : vector<2000x64xf32> to vector<2000xf32>
    %broadcast_in_dim3A_52 = vector.shape_cast %reduce_sum3A_51 : vector<2000xf32> to vector<2000x1xf32>
    %div3A_53 = arith.constant 6.400000e+01 : f32
    %div3A_54 = vector.broadcast %div3A_53 : f32 to vector<2000x1xf32>
    %div3A_55 = arith.divf %broadcast_in_dim3A_52, %div3A_54 : vector<2000x1xf32>
    %sub3A_56 = vector.broadcast %div3A_55 : vector<2000x1xf32> to vector<2000x64xf32>
    %sub3A_57 = arith.subf %mul3A_43, %sub3A_56 : vector<2000x64xf32>
    %integer_pow3A_58 = arith.mulf %sub3A_57, %sub3A_57 : vector<2000x64xf32>
    %reduce_sum3A_59 = arith.constant dense<0.000000e+00> : vector<2000xf32>
    %reduce_sum3A_60 = vector.multi_reduction <add>, %integer_pow3A_58, %reduce_sum3A_59 [1] : vector<2000x64xf32> to vector<2000xf32>
    %broadcast_in_dim3A_61 = vector.shape_cast %reduce_sum3A_60 : vector<2000xf32> to vector<2000x1xf32>
    %div3A_62 = arith.constant 6.400000e+01 : f32
    %div3A_63 = vector.broadcast %div3A_62 : f32 to vector<2000x1xf32>
    %div3A_64 = arith.divf %broadcast_in_dim3A_61, %div3A_63 : vector<2000x1xf32>
    %sub3A_65 = vector.broadcast %div3A_55 : vector<2000x1xf32> to vector<2000x64xf32>
    %sub3A_66 = arith.subf %mul3A_43, %sub3A_65 : vector<2000x64xf32>
    %add3A_67 = arith.constant 9.99999974E-6 : f32
    %add3A_68 = vector.broadcast %add3A_67 : f32 to vector<2000x1xf32>
    %add3A_69 = arith.addf %div3A_64, %add3A_68 : vector<2000x1xf32>
    %sqrt3A_70 = math.sqrt %add3A_69 : vector<2000x1xf32>
    %div3A_71 = vector.broadcast %sqrt3A_70 : vector<2000x1xf32> to vector<2000x64xf32>
    %div3A_72 = arith.divf %sub3A_66, %div3A_71 : vector<2000x64xf32>
    %mul3A_73 = vector.broadcast %get3A_46 : vector<1x64xf32> to vector<2000x64xf32>
    %mul3A_74 = arith.mulf %div3A_72, %mul3A_73 : vector<2000x64xf32>
    %add3A_75 = vector.broadcast %get3A_49 : vector<1x64xf32> to vector<2000x64xf32>
    %add3A_76 = arith.addf %mul3A_74, %add3A_75 : vector<2000x64xf32>
    %convert_element_type3A_77 = arith.truncf %add3A_76 : vector<2000x64xf32> to vector<2000x64xbf16>
    %swap3A = arith.constant 0 : index
    %swap3A_78 = arith.constant 0 : index
    %swap3A_79 = vector.load %arg7[%swap3A, %swap3A_78] : memref<2000x64xbf16, #tpu.memory_space<vmem>>, vector<2000x64xbf16>
    tpu.vector_store %arg7[%swap3A, %swap3A_78], %convert_element_type3A_77 {strides = array<i32>} : memref<2000x64xbf16, #tpu.memory_space<vmem>>, vector<2000x64xbf16>,
    return
  }
  func.func @transform_0(%arg0: i32) -> (i32, i32) {
    %c0_i32 = arith.constant 0 : i32
    %c0_i32_0 = arith.constant 0 : i32
    %c0_i32_1 = arith.constant 0 : i32
    return %c0_i32, %c0_i32_0 : i32, i32
  }
  func.func @transform_1(%arg0: i32) -> (i32, i32) {
    %c0_i32 = arith.constant 0 : i32
    %c0_i32_0 = arith.constant 0 : i32
    return %arg0, %c0_i32 : i32, i32
  }
  func.func @transform_2(%arg0: i32) -> (i32, i32) {
    %c0_i32 = arith.constant 0 : i32
    %c0_i32_0 = arith.constant 0 : i32
    %c0_i32_1 = arith.constant 0 : i32
    return %c0_i32, %c0_i32_0 : i32, i32
  }
  func.func @transform_3(%arg0: i32) -> (i32, i32) {
    %c0_i32 = arith.constant 0 : i32
    %c0_i32_0 = arith.constant 0 : i32
    %c0_i32_1 = arith.constant 0 : i32
    return %c0_i32, %c0_i32_0 : i32, i32
  }
  func.func @transform_4(%arg0: i32) -> (i32, i32) {
    %c0_i32 = arith.constant 0 : i32
    %c0_i32_0 = arith.constant 0 : i32
    %c0_i32_1 = arith.constant 0 : i32
    return %c0_i32, %c0_i32_0 : i32, i32
  }
  func.func @transform_5(%arg0: i32) -> (i32, i32) {
    %c0_i32 = arith.constant 0 : i32
    %c0_i32_0 = arith.constant 0 : i32
    %c0_i32_1 = arith.constant 0 : i32
    return %c0_i32, %c0_i32_0 : i32, i32
  }
  func.func @transform_6(%arg0: i32) -> (i32, i32) {
    %c0_i32 = arith.constant 0 : i32
    %c0_i32_0 = arith.constant 0 : i32
    return %arg0, %c0_i32 : i32, i32
  }
}

module attributes {stable_mosaic.version = 14 : i64} {
  func.func @_msg_body(%arg0: i32, %arg1: memref<2000x128xf32, #tpu.memory_space<vmem>>, %arg2: memref<2000x128xf32, #tpu.memory_space<vmem>>, %arg3: memref<2000x64xbf16, #tpu.memory_space<vmem>>, %arg4: memref<64x64xf32, #tpu.memory_space<vmem>>, %arg5: memref<1x64xf32, #tpu.memory_space<vmem>>, %arg6: memref<64x64xf32, #tpu.memory_space<vmem>>, %arg7: memref<1x64xf32, #tpu.memory_space<vmem>>, %arg8: memref<2000x128xf32, #tpu.memory_space<vmem>>) attributes {dimension_semantics = [#tpu.dimension_semantics<arbitrary>], iteration_bounds = array<i64: 160>, scalar_prefetch = 0 : i64, scratch_operands = 0 : i64, tpu.core_type = #tpu.core_type<tc>, window_params = [{transform_indices = @transform_0, window_bounds = array<i64: 2000, 128>}, {transform_indices = @transform_1, window_bounds = array<i64: 2000, 128>}, {transform_indices = @transform_2, window_bounds = array<i64: 2000, 64>}, {pipeline_mode = #tpu.pipeline_mode<synchronous>, transform_indices = @transform_3, window_bounds = array<i64: 64, 64>}, {pipeline_mode = #tpu.pipeline_mode<synchronous>, transform_indices = @transform_4, window_bounds = array<i64: 1, 64>}, {pipeline_mode = #tpu.pipeline_mode<synchronous>, transform_indices = @transform_5, window_bounds = array<i64: 64, 64>}, {pipeline_mode = #tpu.pipeline_mode<synchronous>, transform_indices = @transform_6, window_bounds = array<i64: 1, 64>}, {transform_indices = @transform_7, window_bounds = array<i64: 2000, 128>}]} {
    %get3A = arith.constant 0 : index
    %get3A_0 = arith.constant 0 : index
    %get3A_1 = vector.load %arg1[%get3A, %get3A_0] : memref<2000x128xf32, #tpu.memory_space<vmem>>, vector<2000x128xf32>
    %slice3A = vector.extract_strided_slice %get3A_1 {offsets = [0, 0], sizes = [2000, 64], strides = [1, 1]} : vector<2000x128xf32> to vector<2000x64xf32>
    %get3A_2 = arith.constant 0 : index
    %get3A_3 = arith.constant 0 : index
    %get3A_4 = vector.load %arg2[%get3A_2, %get3A_3] : memref<2000x128xf32, #tpu.memory_space<vmem>>, vector<2000x128xf32>
    %slice3A_5 = vector.extract_strided_slice %get3A_4 {offsets = [0, 64], sizes = [2000, 64], strides = [1, 1]} : vector<2000x128xf32> to vector<2000x64xf32>
    %add3A = arith.addf %slice3A, %slice3A_5 : vector<2000x64xf32>
    %get3A_6 = arith.constant 0 : index
    %get3A_7 = arith.constant 0 : index
    %get3A_8 = vector.load %arg3[%get3A_6, %get3A_7] : memref<2000x64xbf16, #tpu.memory_space<vmem>>, vector<2000x64xbf16>
    %convert_element_type3A = arith.extf %get3A_8 : vector<2000x64xbf16> to vector<2000x64xf32>
    %get3A_9 = arith.constant 0 : index
    %get3A_10 = arith.constant 0 : index
    %get3A_11 = vector.load %arg4[%get3A_9, %get3A_10] : memref<64x64xf32, #tpu.memory_space<vmem>>, vector<64x64xf32>
    %dot_general3A = arith.constant dense<0.000000e+00> : vector<2000x64xf32>
    %dot_general3A_12 = tpu.matmul %convert_element_type3A, %get3A_11, %dot_general3A {dimension_numbers = #tpu.dot_dimension_numbers<[1], [0], [0], [1], [0, 0, 1, 1], [], []>, transpose_lhs_hint = false} : vector<2000x64xf32>, vector<64x64xf32>, vector<2000x64xf32> -> vector<2000x64xf32>
    %add3A_13 = arith.addf %add3A, %dot_general3A_12 : vector<2000x64xf32>
    %get3A_14 = arith.constant 0 : index
    %get3A_15 = arith.constant 0 : index
    %get3A_16 = vector.load %arg5[%get3A_14, %get3A_15] : memref<1x64xf32, #tpu.memory_space<vmem>>, vector<1x64xf32>
    %add3A_17 = vector.broadcast %get3A_16 : vector<1x64xf32> to vector<2000x64xf32>
    %add3A_18 = arith.addf %add3A_13, %add3A_17 : vector<2000x64xf32>
    %logistic3A = arith.negf %add3A_18 : vector<2000x64xf32>
    %logistic3A_19 = math.exp %logistic3A : vector<2000x64xf32>
    %logistic3A_20 = arith.constant 1.000000e+00 : f32
    %logistic3A_21 = vector.broadcast %logistic3A_20 : f32 to vector<2000x64xf32>
    %logistic3A_22 = arith.addf %logistic3A_21, %logistic3A_19 : vector<2000x64xf32>
    %logistic3A_23 = arith.divf %logistic3A_21, %logistic3A_22 : vector<2000x64xf32>
    %mul3A = arith.mulf %add3A_18, %logistic3A_23 : vector<2000x64xf32>
    %get3A_24 = arith.constant 0 : index
    %get3A_25 = arith.constant 0 : index
    %get3A_26 = vector.load %arg6[%get3A_24, %get3A_25] : memref<64x64xf32, #tpu.memory_space<vmem>>, vector<64x64xf32>
    %dot_general3A_27 = arith.constant dense<0.000000e+00> : vector<2000x64xf32>
    %dot_general3A_28 = tpu.matmul %mul3A, %get3A_26, %dot_general3A_27 {dimension_numbers = #tpu.dot_dimension_numbers<[1], [0], [0], [1], [0, 0, 1, 1], [], []>, transpose_lhs_hint = false} : vector<2000x64xf32>, vector<64x64xf32>, vector<2000x64xf32> -> vector<2000x64xf32>
    %get3A_29 = arith.constant 0 : index
    %get3A_30 = arith.constant 0 : index
    %get3A_31 = vector.load %arg7[%get3A_29, %get3A_30] : memref<1x64xf32, #tpu.memory_space<vmem>>, vector<1x64xf32>
    %add3A_32 = vector.broadcast %get3A_31 : vector<1x64xf32> to vector<2000x64xf32>
    %add3A_33 = arith.addf %dot_general3A_28, %add3A_32 : vector<2000x64xf32>
    %logistic3A_34 = arith.negf %add3A_33 : vector<2000x64xf32>
    %logistic3A_35 = math.exp %logistic3A_34 : vector<2000x64xf32>
    %logistic3A_36 = arith.constant 1.000000e+00 : f32
    %logistic3A_37 = vector.broadcast %logistic3A_36 : f32 to vector<2000x64xf32>
    %logistic3A_38 = arith.addf %logistic3A_37, %logistic3A_35 : vector<2000x64xf32>
    %logistic3A_39 = arith.divf %logistic3A_37, %logistic3A_38 : vector<2000x64xf32>
    %mul3A_40 = arith.mulf %add3A_33, %logistic3A_39 : vector<2000x64xf32>
    %concatenate3A = tpu.concatenate %mul3A_40, %mul3A_40 in 1 : vector<2000x64xf32>, vector<2000x64xf32> -> vector<2000x128xf32>
    %swap3A = arith.constant 0 : index
    %swap3A_41 = arith.constant 0 : index
    %swap3A_42 = vector.load %arg8[%swap3A, %swap3A_41] : memref<2000x128xf32, #tpu.memory_space<vmem>>, vector<2000x128xf32>
    tpu.vector_store %arg8[%swap3A, %swap3A_41], %concatenate3A {strides = array<i32>} : memref<2000x128xf32, #tpu.memory_space<vmem>>, vector<2000x128xf32>,
    return
  }
  func.func @transform_0(%arg0: i32) -> (i32, i32) {
    %c0_i32 = arith.constant 0 : i32
    %c0_i32_0 = arith.constant 0 : i32
    return %arg0, %c0_i32 : i32, i32
  }
  func.func @transform_1(%arg0: i32) -> (i32, i32) {
    %c0_i32 = arith.constant 0 : i32
    %c0_i32_0 = arith.constant 0 : i32
    return %arg0, %c0_i32 : i32, i32
  }
  func.func @transform_2(%arg0: i32) -> (i32, i32) {
    %c0_i32 = arith.constant 0 : i32
    %c0_i32_0 = arith.constant 0 : i32
    return %arg0, %c0_i32 : i32, i32
  }
  func.func @transform_3(%arg0: i32) -> (i32, i32) {
    %c0_i32 = arith.constant 0 : i32
    %c0_i32_0 = arith.constant 0 : i32
    %c0_i32_1 = arith.constant 0 : i32
    return %c0_i32, %c0_i32_0 : i32, i32
  }
  func.func @transform_4(%arg0: i32) -> (i32, i32) {
    %c0_i32 = arith.constant 0 : i32
    %c0_i32_0 = arith.constant 0 : i32
    %c0_i32_1 = arith.constant 0 : i32
    return %c0_i32, %c0_i32_0 : i32, i32
  }
  func.func @transform_5(%arg0: i32) -> (i32, i32) {
    %c0_i32 = arith.constant 0 : i32
    %c0_i32_0 = arith.constant 0 : i32
    %c0_i32_1 = arith.constant 0 : i32
    return %c0_i32, %c0_i32_0 : i32, i32
  }
  func.func @transform_6(%arg0: i32) -> (i32, i32) {
    %c0_i32 = arith.constant 0 : i32
    %c0_i32_0 = arith.constant 0 : i32
    %c0_i32_1 = arith.constant 0 : i32
    return %c0_i32, %c0_i32_0 : i32, i32
  }
  func.func @transform_7(%arg0: i32) -> (i32, i32) {
    %c0_i32 = arith.constant 0 : i32
    %c0_i32_0 = arith.constant 0 : i32
    return %arg0, %c0_i32 : i32, i32
  }
}

module attributes {stable_mosaic.version = 14 : i64} {
  func.func @_upd_body_proj(%arg0: i32, %arg1: memref<1000x64xf32, #tpu.memory_space<vmem>>, %arg2: memref<1x1000x64xf32, #tpu.memory_space<vmem>>, %arg3: memref<1x1000x64xf32, #tpu.memory_space<vmem>>, %arg4: memref<64x64xf32, #tpu.memory_space<vmem>>, %arg5: memref<64x64xf32, #tpu.memory_space<vmem>>, %arg6: memref<1x64xf32, #tpu.memory_space<vmem>>, %arg7: memref<1x64xf32, #tpu.memory_space<vmem>>, %arg8: memref<1x64xf32, #tpu.memory_space<vmem>>, %arg9: memref<64x128xf32, #tpu.memory_space<vmem>>, %arg10: memref<1000x64xf32, #tpu.memory_space<vmem>>, %arg11: memref<1000x128xf32, #tpu.memory_space<vmem>>) attributes {dimension_semantics = [#tpu.dimension_semantics<arbitrary>], iteration_bounds = array<i64: 10>, scalar_prefetch = 0 : i64, scratch_operands = 0 : i64, tpu.core_type = #tpu.core_type<tc>, window_params = [{transform_indices = @transform_0, window_bounds = array<i64: 1000, 64>}, {transform_indices = @transform_1, window_bounds = array<i64: 1, 1000, 64>}, {transform_indices = @transform_2, window_bounds = array<i64: 1, 1000, 64>}, {pipeline_mode = #tpu.pipeline_mode<synchronous>, transform_indices = @transform_3, window_bounds = array<i64: 64, 64>}, {pipeline_mode = #tpu.pipeline_mode<synchronous>, transform_indices = @transform_4, window_bounds = array<i64: 64, 64>}, {pipeline_mode = #tpu.pipeline_mode<synchronous>, transform_indices = @transform_5, window_bounds = array<i64: 1, 64>}, {pipeline_mode = #tpu.pipeline_mode<synchronous>, transform_indices = @transform_6, window_bounds = array<i64: 1, 64>}, {pipeline_mode = #tpu.pipeline_mode<synchronous>, transform_indices = @transform_7, window_bounds = array<i64: 1, 64>}, {pipeline_mode = #tpu.pipeline_mode<synchronous>, transform_indices = @transform_8, window_bounds = array<i64: 64, 128>}, {transform_indices = @transform_9, window_bounds = array<i64: 1000, 64>}, {transform_indices = @transform_10, window_bounds = array<i64: 1000, 128>}]} {
    %get3A = arith.constant 0 : index
    %get3A_0 = arith.constant 0 : index
    %get3A_1 = vector.load %arg1[%get3A, %get3A_0] : memref<1000x64xf32, #tpu.memory_space<vmem>>, vector<1000x64xf32>
    %get3A_2 = arith.constant 0 : index
    %get3A_3 = arith.constant 0 : index
    %get3A_4 = arith.constant 0 : index
    %get3A_5 = vector.load %arg2[%get3A_2, %get3A_3, %get3A_4] : memref<1x1000x64xf32, #tpu.memory_space<vmem>>, vector<1x1000x64xf32>
    %get3A_6 = vector.shape_cast %get3A_5 : vector<1x1000x64xf32> to vector<1000x64xf32>
    %get3A_7 = arith.constant 0 : index
    %get3A_8 = arith.constant 0 : index
    %get3A_9 = arith.constant 0 : index
    %get3A_10 = vector.load %arg3[%get3A_7, %get3A_8, %get3A_9] : memref<1x1000x64xf32, #tpu.memory_space<vmem>>, vector<1x1000x64xf32>
    %get3A_11 = vector.shape_cast %get3A_10 : vector<1x1000x64xf32> to vector<1000x64xf32>
    %add3A = arith.addf %get3A_6, %get3A_11 : vector<1000x64xf32>
    %get3A_12 = arith.constant 0 : index
    %get3A_13 = arith.constant 0 : index
    %get3A_14 = vector.load %arg4[%get3A_12, %get3A_13] : memref<64x64xf32, #tpu.memory_space<vmem>>, vector<64x64xf32>
    %dot_general3A = arith.constant dense<0.000000e+00> : vector<1000x64xf32>
    %dot_general3A_15 = tpu.matmul %get3A_1, %get3A_14, %dot_general3A {dimension_numbers = #tpu.dot_dimension_numbers<[1], [0], [0], [1], [0, 0, 1, 1], [], []>, transpose_lhs_hint = false} : vector<1000x64xf32>, vector<64x64xf32>, vector<1000x64xf32> -> vector<1000x64xf32>
    %get3A_16 = arith.constant 0 : index
    %get3A_17 = arith.constant 0 : index
    %get3A_18 = vector.load %arg5[%get3A_16, %get3A_17] : memref<64x64xf32, #tpu.memory_space<vmem>>, vector<64x64xf32>
    %dot_general3A_19 = arith.constant dense<0.000000e+00> : vector<1000x64xf32>
    %dot_general3A_20 = tpu.matmul %add3A, %get3A_18, %dot_general3A_19 {dimension_numbers = #tpu.dot_dimension_numbers<[1], [0], [0], [1], [0, 0, 1, 1], [], []>, transpose_lhs_hint = false} : vector<1000x64xf32>, vector<64x64xf32>, vector<1000x64xf32> -> vector<1000x64xf32>
    %add3A_21 = arith.addf %dot_general3A_15, %dot_general3A_20 : vector<1000x64xf32>
    %get3A_22 = arith.constant 0 : index
    %get3A_23 = arith.constant 0 : index
    %get3A_24 = vector.load %arg6[%get3A_22, %get3A_23] : memref<1x64xf32, #tpu.memory_space<vmem>>, vector<1x64xf32>
    %add3A_25 = vector.broadcast %get3A_24 : vector<1x64xf32> to vector<1000x64xf32>
    %add3A_26 = arith.addf %add3A_21, %add3A_25 : vector<1000x64xf32>
    %logistic3A = arith.negf %add3A_26 : vector<1000x64xf32>
    %logistic3A_27 = math.exp %logistic3A : vector<1000x64xf32>
    %logistic3A_28 = arith.constant 1.000000e+00 : f32
    %logistic3A_29 = vector.broadcast %logistic3A_28 : f32 to vector<1000x64xf32>
    %logistic3A_30 = arith.addf %logistic3A_29, %logistic3A_27 : vector<1000x64xf32>
    %logistic3A_31 = arith.divf %logistic3A_29, %logistic3A_30 : vector<1000x64xf32>
    %mul3A = arith.mulf %add3A_26, %logistic3A_31 : vector<1000x64xf32>
    %add3A_32 = arith.addf %mul3A, %get3A_1 : vector<1000x64xf32>
    %get3A_33 = arith.constant 0 : index
    %get3A_34 = arith.constant 0 : index
    %get3A_35 = vector.load %arg7[%get3A_33, %get3A_34] : memref<1x64xf32, #tpu.memory_space<vmem>>, vector<1x64xf32>
    %get3A_36 = arith.constant 0 : index
    %get3A_37 = arith.constant 0 : index
    %get3A_38 = vector.load %arg8[%get3A_36, %get3A_37] : memref<1x64xf32, #tpu.memory_space<vmem>>, vector<1x64xf32>
    %reduce_sum3A = arith.constant dense<0.000000e+00> : vector<1000xf32>
    %reduce_sum3A_39 = vector.multi_reduction <add>, %add3A_32, %reduce_sum3A [1] : vector<1000x64xf32> to vector<1000xf32>
    %broadcast_in_dim3A = vector.shape_cast %reduce_sum3A_39 : vector<1000xf32> to vector<1000x1xf32>
    %div3A = arith.constant 6.400000e+01 : f32
    %div3A_40 = vector.broadcast %div3A : f32 to vector<1000x1xf32>
    %div3A_41 = arith.divf %broadcast_in_dim3A, %div3A_40 : vector<1000x1xf32>
    %sub3A = vector.broadcast %div3A_41 : vector<1000x1xf32> to vector<1000x64xf32>
    %sub3A_42 = arith.subf %add3A_32, %sub3A : vector<1000x64xf32>
    %integer_pow3A = arith.mulf %sub3A_42, %sub3A_42 : vector<1000x64xf32>
    %reduce_sum3A_43 = arith.constant dense<0.000000e+00> : vector<1000xf32>
    %reduce_sum3A_44 = vector.multi_reduction <add>, %integer_pow3A, %reduce_sum3A_43 [1] : vector<1000x64xf32> to vector<1000xf32>
    %broadcast_in_dim3A_45 = vector.shape_cast %reduce_sum3A_44 : vector<1000xf32> to vector<1000x1xf32>
    %div3A_46 = arith.constant 6.400000e+01 : f32
    %div3A_47 = vector.broadcast %div3A_46 : f32 to vector<1000x1xf32>
    %div3A_48 = arith.divf %broadcast_in_dim3A_45, %div3A_47 : vector<1000x1xf32>
    %sub3A_49 = vector.broadcast %div3A_41 : vector<1000x1xf32> to vector<1000x64xf32>
    %sub3A_50 = arith.subf %add3A_32, %sub3A_49 : vector<1000x64xf32>
    %add3A_51 = arith.constant 9.99999974E-6 : f32
    %add3A_52 = vector.broadcast %add3A_51 : f32 to vector<1000x1xf32>
    %add3A_53 = arith.addf %div3A_48, %add3A_52 : vector<1000x1xf32>
    %sqrt3A = math.sqrt %add3A_53 : vector<1000x1xf32>
    %div3A_54 = vector.broadcast %sqrt3A : vector<1000x1xf32> to vector<1000x64xf32>
    %div3A_55 = arith.divf %sub3A_50, %div3A_54 : vector<1000x64xf32>
    %mul3A_56 = vector.broadcast %get3A_35 : vector<1x64xf32> to vector<1000x64xf32>
    %mul3A_57 = arith.mulf %div3A_55, %mul3A_56 : vector<1000x64xf32>
    %add3A_58 = vector.broadcast %get3A_38 : vector<1x64xf32> to vector<1000x64xf32>
    %add3A_59 = arith.addf %mul3A_57, %add3A_58 : vector<1000x64xf32>
    %swap3A = arith.constant 0 : index
    %swap3A_60 = arith.constant 0 : index
    %swap3A_61 = vector.load %arg10[%swap3A, %swap3A_60] : memref<1000x64xf32, #tpu.memory_space<vmem>>, vector<1000x64xf32>
    tpu.vector_store %arg10[%swap3A, %swap3A_60], %add3A_59 {strides = array<i32>} : memref<1000x64xf32, #tpu.memory_space<vmem>>, vector<1000x64xf32>,
    %get3A_62 = arith.constant 0 : index
    %get3A_63 = arith.constant 0 : index
    %get3A_64 = vector.load %arg9[%get3A_62, %get3A_63] : memref<64x128xf32, #tpu.memory_space<vmem>>, vector<64x128xf32>
    %dot_general3A_65 = arith.constant dense<0.000000e+00> : vector<1000x128xf32>
    %dot_general3A_66 = tpu.matmul %add3A_59, %get3A_64, %dot_general3A_65 {dimension_numbers = #tpu.dot_dimension_numbers<[1], [0], [0], [1], [0, 0, 1, 1], [], []>, transpose_lhs_hint = false} : vector<1000x64xf32>, vector<64x128xf32>, vector<1000x128xf32> -> vector<1000x128xf32>
    %swap3A_67 = arith.constant 0 : index
    %swap3A_68 = arith.constant 0 : index
    %swap3A_69 = vector.load %arg11[%swap3A_67, %swap3A_68] : memref<1000x128xf32, #tpu.memory_space<vmem>>, vector<1000x128xf32>
    tpu.vector_store %arg11[%swap3A_67, %swap3A_68], %dot_general3A_66 {strides = array<i32>} : memref<1000x128xf32, #tpu.memory_space<vmem>>, vector<1000x128xf32>,
    return
  }
  func.func @transform_0(%arg0: i32) -> (i32, i32) {
    %c0_i32 = arith.constant 0 : i32
    %c0_i32_0 = arith.constant 0 : i32
    return %arg0, %c0_i32 : i32, i32
  }
  func.func @transform_1(%arg0: i32) -> (i32, i32, i32) {
    %c0_i32 = arith.constant 0 : i32
    %c0_i32_0 = arith.constant 0 : i32
    %c0_i32_1 = arith.constant 0 : i32
    return %c0_i32, %arg0, %c0_i32_0 : i32, i32, i32
  }
  func.func @transform_2(%arg0: i32) -> (i32, i32, i32) {
    %c1_i32 = arith.constant 1 : i32
    %c0_i32 = arith.constant 0 : i32
    %c0_i32_0 = arith.constant 0 : i32
    return %c1_i32, %arg0, %c0_i32 : i32, i32, i32
  }
  func.func @transform_3(%arg0: i32) -> (i32, i32) {
    %c0_i32 = arith.constant 0 : i32
    %c0_i32_0 = arith.constant 0 : i32
    %c0_i32_1 = arith.constant 0 : i32
    return %c0_i32, %c0_i32_0 : i32, i32
  }
  func.func @transform_4(%arg0: i32) -> (i32, i32) {
    %c0_i32 = arith.constant 0 : i32
    %c0_i32_0 = arith.constant 0 : i32
    %c0_i32_1 = arith.constant 0 : i32
    return %c0_i32, %c0_i32_0 : i32, i32
  }
  func.func @transform_5(%arg0: i32) -> (i32, i32) {
    %c0_i32 = arith.constant 0 : i32
    %c0_i32_0 = arith.constant 0 : i32
    %c0_i32_1 = arith.constant 0 : i32
    return %c0_i32, %c0_i32_0 : i32, i32
  }
  func.func @transform_6(%arg0: i32) -> (i32, i32) {
    %c0_i32 = arith.constant 0 : i32
    %c0_i32_0 = arith.constant 0 : i32
    %c0_i32_1 = arith.constant 0 : i32
    return %c0_i32, %c0_i32_0 : i32, i32
  }
  func.func @transform_7(%arg0: i32) -> (i32, i32) {
    %c0_i32 = arith.constant 0 : i32
    %c0_i32_0 = arith.constant 0 : i32
    %c0_i32_1 = arith.constant 0 : i32
    return %c0_i32, %c0_i32_0 : i32, i32
  }
  func.func @transform_8(%arg0: i32) -> (i32, i32) {
    %c0_i32 = arith.constant 0 : i32
    %c0_i32_0 = arith.constant 0 : i32
    %c0_i32_1 = arith.constant 0 : i32
    return %c0_i32, %c0_i32_0 : i32, i32
  }
  func.func @transform_9(%arg0: i32) -> (i32, i32) {
    %c0_i32 = arith.constant 0 : i32
    %c0_i32_0 = arith.constant 0 : i32
    return %arg0, %c0_i32 : i32, i32
  }
  func.func @transform_10(%arg0: i32) -> (i32, i32) {
    %c0_i32 = arith.constant 0 : i32
    %c0_i32_0 = arith.constant 0 : i32
    return %arg0, %c0_i32 : i32, i32
  }
}

module attributes {stable_mosaic.version = 14 : i64} {
  func.func @_upd_body(%arg0: i32, %arg1: memref<1000x64xf32, #tpu.memory_space<vmem>>, %arg2: memref<1x1000x64xf32, #tpu.memory_space<vmem>>, %arg3: memref<1x1000x64xf32, #tpu.memory_space<vmem>>, %arg4: memref<64x64xf32, #tpu.memory_space<vmem>>, %arg5: memref<64x64xf32, #tpu.memory_space<vmem>>, %arg6: memref<1x64xf32, #tpu.memory_space<vmem>>, %arg7: memref<1x64xf32, #tpu.memory_space<vmem>>, %arg8: memref<1x64xf32, #tpu.memory_space<vmem>>, %arg9: memref<1000x64xf32, #tpu.memory_space<vmem>>) attributes {dimension_semantics = [#tpu.dimension_semantics<arbitrary>], iteration_bounds = array<i64: 10>, scalar_prefetch = 0 : i64, scratch_operands = 0 : i64, tpu.core_type = #tpu.core_type<tc>, window_params = [{transform_indices = @transform_0, window_bounds = array<i64: 1000, 64>}, {transform_indices = @transform_1, window_bounds = array<i64: 1, 1000, 64>}, {transform_indices = @transform_2, window_bounds = array<i64: 1, 1000, 64>}, {pipeline_mode = #tpu.pipeline_mode<synchronous>, transform_indices = @transform_3, window_bounds = array<i64: 64, 64>}, {pipeline_mode = #tpu.pipeline_mode<synchronous>, transform_indices = @transform_4, window_bounds = array<i64: 64, 64>}, {pipeline_mode = #tpu.pipeline_mode<synchronous>, transform_indices = @transform_5, window_bounds = array<i64: 1, 64>}, {pipeline_mode = #tpu.pipeline_mode<synchronous>, transform_indices = @transform_6, window_bounds = array<i64: 1, 64>}, {pipeline_mode = #tpu.pipeline_mode<synchronous>, transform_indices = @transform_7, window_bounds = array<i64: 1, 64>}, {transform_indices = @transform_8, window_bounds = array<i64: 1000, 64>}]} {
    %get3A = arith.constant 0 : index
    %get3A_0 = arith.constant 0 : index
    %get3A_1 = vector.load %arg1[%get3A, %get3A_0] : memref<1000x64xf32, #tpu.memory_space<vmem>>, vector<1000x64xf32>
    %get3A_2 = arith.constant 0 : index
    %get3A_3 = arith.constant 0 : index
    %get3A_4 = arith.constant 0 : index
    %get3A_5 = vector.load %arg2[%get3A_2, %get3A_3, %get3A_4] : memref<1x1000x64xf32, #tpu.memory_space<vmem>>, vector<1x1000x64xf32>
    %get3A_6 = vector.shape_cast %get3A_5 : vector<1x1000x64xf32> to vector<1000x64xf32>
    %get3A_7 = arith.constant 0 : index
    %get3A_8 = arith.constant 0 : index
    %get3A_9 = arith.constant 0 : index
    %get3A_10 = vector.load %arg3[%get3A_7, %get3A_8, %get3A_9] : memref<1x1000x64xf32, #tpu.memory_space<vmem>>, vector<1x1000x64xf32>
    %get3A_11 = vector.shape_cast %get3A_10 : vector<1x1000x64xf32> to vector<1000x64xf32>
    %add3A = arith.addf %get3A_6, %get3A_11 : vector<1000x64xf32>
    %get3A_12 = arith.constant 0 : index
    %get3A_13 = arith.constant 0 : index
    %get3A_14 = vector.load %arg4[%get3A_12, %get3A_13] : memref<64x64xf32, #tpu.memory_space<vmem>>, vector<64x64xf32>
    %dot_general3A = arith.constant dense<0.000000e+00> : vector<1000x64xf32>
    %dot_general3A_15 = tpu.matmul %get3A_1, %get3A_14, %dot_general3A {dimension_numbers = #tpu.dot_dimension_numbers<[1], [0], [0], [1], [0, 0, 1, 1], [], []>, transpose_lhs_hint = false} : vector<1000x64xf32>, vector<64x64xf32>, vector<1000x64xf32> -> vector<1000x64xf32>
    %get3A_16 = arith.constant 0 : index
    %get3A_17 = arith.constant 0 : index
    %get3A_18 = vector.load %arg5[%get3A_16, %get3A_17] : memref<64x64xf32, #tpu.memory_space<vmem>>, vector<64x64xf32>
    %dot_general3A_19 = arith.constant dense<0.000000e+00> : vector<1000x64xf32>
    %dot_general3A_20 = tpu.matmul %add3A, %get3A_18, %dot_general3A_19 {dimension_numbers = #tpu.dot_dimension_numbers<[1], [0], [0], [1], [0, 0, 1, 1], [], []>, transpose_lhs_hint = false} : vector<1000x64xf32>, vector<64x64xf32>, vector<1000x64xf32> -> vector<1000x64xf32>
    %add3A_21 = arith.addf %dot_general3A_15, %dot_general3A_20 : vector<1000x64xf32>
    %get3A_22 = arith.constant 0 : index
    %get3A_23 = arith.constant 0 : index
    %get3A_24 = vector.load %arg6[%get3A_22, %get3A_23] : memref<1x64xf32, #tpu.memory_space<vmem>>, vector<1x64xf32>
    %add3A_25 = vector.broadcast %get3A_24 : vector<1x64xf32> to vector<1000x64xf32>
    %add3A_26 = arith.addf %add3A_21, %add3A_25 : vector<1000x64xf32>
    %logistic3A = arith.negf %add3A_26 : vector<1000x64xf32>
    %logistic3A_27 = math.exp %logistic3A : vector<1000x64xf32>
    %logistic3A_28 = arith.constant 1.000000e+00 : f32
    %logistic3A_29 = vector.broadcast %logistic3A_28 : f32 to vector<1000x64xf32>
    %logistic3A_30 = arith.addf %logistic3A_29, %logistic3A_27 : vector<1000x64xf32>
    %logistic3A_31 = arith.divf %logistic3A_29, %logistic3A_30 : vector<1000x64xf32>
    %mul3A = arith.mulf %add3A_26, %logistic3A_31 : vector<1000x64xf32>
    %add3A_32 = arith.addf %mul3A, %get3A_1 : vector<1000x64xf32>
    %get3A_33 = arith.constant 0 : index
    %get3A_34 = arith.constant 0 : index
    %get3A_35 = vector.load %arg7[%get3A_33, %get3A_34] : memref<1x64xf32, #tpu.memory_space<vmem>>, vector<1x64xf32>
    %get3A_36 = arith.constant 0 : index
    %get3A_37 = arith.constant 0 : index
    %get3A_38 = vector.load %arg8[%get3A_36, %get3A_37] : memref<1x64xf32, #tpu.memory_space<vmem>>, vector<1x64xf32>
    %reduce_sum3A = arith.constant dense<0.000000e+00> : vector<1000xf32>
    %reduce_sum3A_39 = vector.multi_reduction <add>, %add3A_32, %reduce_sum3A [1] : vector<1000x64xf32> to vector<1000xf32>
    %broadcast_in_dim3A = vector.shape_cast %reduce_sum3A_39 : vector<1000xf32> to vector<1000x1xf32>
    %div3A = arith.constant 6.400000e+01 : f32
    %div3A_40 = vector.broadcast %div3A : f32 to vector<1000x1xf32>
    %div3A_41 = arith.divf %broadcast_in_dim3A, %div3A_40 : vector<1000x1xf32>
    %sub3A = vector.broadcast %div3A_41 : vector<1000x1xf32> to vector<1000x64xf32>
    %sub3A_42 = arith.subf %add3A_32, %sub3A : vector<1000x64xf32>
    %integer_pow3A = arith.mulf %sub3A_42, %sub3A_42 : vector<1000x64xf32>
    %reduce_sum3A_43 = arith.constant dense<0.000000e+00> : vector<1000xf32>
    %reduce_sum3A_44 = vector.multi_reduction <add>, %integer_pow3A, %reduce_sum3A_43 [1] : vector<1000x64xf32> to vector<1000xf32>
    %broadcast_in_dim3A_45 = vector.shape_cast %reduce_sum3A_44 : vector<1000xf32> to vector<1000x1xf32>
    %div3A_46 = arith.constant 6.400000e+01 : f32
    %div3A_47 = vector.broadcast %div3A_46 : f32 to vector<1000x1xf32>
    %div3A_48 = arith.divf %broadcast_in_dim3A_45, %div3A_47 : vector<1000x1xf32>
    %sub3A_49 = vector.broadcast %div3A_41 : vector<1000x1xf32> to vector<1000x64xf32>
    %sub3A_50 = arith.subf %add3A_32, %sub3A_49 : vector<1000x64xf32>
    %add3A_51 = arith.constant 9.99999974E-6 : f32
    %add3A_52 = vector.broadcast %add3A_51 : f32 to vector<1000x1xf32>
    %add3A_53 = arith.addf %div3A_48, %add3A_52 : vector<1000x1xf32>
    %sqrt3A = math.sqrt %add3A_53 : vector<1000x1xf32>
    %div3A_54 = vector.broadcast %sqrt3A : vector<1000x1xf32> to vector<1000x64xf32>
    %div3A_55 = arith.divf %sub3A_50, %div3A_54 : vector<1000x64xf32>
    %mul3A_56 = vector.broadcast %get3A_35 : vector<1x64xf32> to vector<1000x64xf32>
    %mul3A_57 = arith.mulf %div3A_55, %mul3A_56 : vector<1000x64xf32>
    %add3A_58 = vector.broadcast %get3A_38 : vector<1x64xf32> to vector<1000x64xf32>
    %add3A_59 = arith.addf %mul3A_57, %add3A_58 : vector<1000x64xf32>
    %swap3A = arith.constant 0 : index
    %swap3A_60 = arith.constant 0 : index
    %swap3A_61 = vector.load %arg9[%swap3A, %swap3A_60] : memref<1000x64xf32, #tpu.memory_space<vmem>>, vector<1000x64xf32>
    tpu.vector_store %arg9[%swap3A, %swap3A_60], %add3A_59 {strides = array<i32>} : memref<1000x64xf32, #tpu.memory_space<vmem>>, vector<1000x64xf32>,
    return
  }
  func.func @transform_0(%arg0: i32) -> (i32, i32) {
    %c0_i32 = arith.constant 0 : i32
    %c0_i32_0 = arith.constant 0 : i32
    return %arg0, %c0_i32 : i32, i32
  }
  func.func @transform_1(%arg0: i32) -> (i32, i32, i32) {
    %c0_i32 = arith.constant 0 : i32
    %c0_i32_0 = arith.constant 0 : i32
    %c0_i32_1 = arith.constant 0 : i32
    return %c0_i32, %arg0, %c0_i32_0 : i32, i32, i32
  }
  func.func @transform_2(%arg0: i32) -> (i32, i32, i32) {
    %c1_i32 = arith.constant 1 : i32
    %c0_i32 = arith.constant 0 : i32
    %c0_i32_0 = arith.constant 0 : i32
    return %c1_i32, %arg0, %c0_i32 : i32, i32, i32
  }
  func.func @transform_3(%arg0: i32) -> (i32, i32) {
    %c0_i32 = arith.constant 0 : i32
    %c0_i32_0 = arith.constant 0 : i32
    %c0_i32_1 = arith.constant 0 : i32
    return %c0_i32, %c0_i32_0 : i32, i32
  }
  func.func @transform_4(%arg0: i32) -> (i32, i32) {
    %c0_i32 = arith.constant 0 : i32
    %c0_i32_0 = arith.constant 0 : i32
    %c0_i32_1 = arith.constant 0 : i32
    return %c0_i32, %c0_i32_0 : i32, i32
  }
  func.func @transform_5(%arg0: i32) -> (i32, i32) {
    %c0_i32 = arith.constant 0 : i32
    %c0_i32_0 = arith.constant 0 : i32
    %c0_i32_1 = arith.constant 0 : i32
    return %c0_i32, %c0_i32_0 : i32, i32
  }
  func.func @transform_6(%arg0: i32) -> (i32, i32) {
    %c0_i32 = arith.constant 0 : i32
    %c0_i32_0 = arith.constant 0 : i32
    %c0_i32_1 = arith.constant 0 : i32
    return %c0_i32, %c0_i32_0 : i32, i32
  }
  func.func @transform_7(%arg0: i32) -> (i32, i32) {
    %c0_i32 = arith.constant 0 : i32
    %c0_i32_0 = arith.constant 0 : i32
    %c0_i32_1 = arith.constant 0 : i32
    return %c0_i32, %c0_i32_0 : i32, i32
  }
  func.func @transform_8(%arg0: i32) -> (i32, i32) {
    %c0_i32 = arith.constant 0 : i32
    %c0_i32_0 = arith.constant 0 : i32
    return %arg0, %c0_i32 : i32, i32
  }
}

module attributes {stable_mosaic.version = 14 : i64} {
  func.func @_f1_body(%arg0: i32, %arg1: memref<1000x64xf32, #tpu.memory_space<vmem>>, %arg2: memref<1000x64xf32, #tpu.memory_space<vmem>>, %arg3: memref<1000x64xf32, #tpu.memory_space<vmem>>, %arg4: memref<1000x64xf32, #tpu.memory_space<vmem>>, %arg5: memref<1x1x1000xi32, #tpu.memory_space<vmem>>, %arg6: memref<64x64xf32, #tpu.memory_space<vmem>>, %arg7: memref<64x64xf32, #tpu.memory_space<vmem>>, %arg8: memref<64x64xf32, #tpu.memory_space<vmem>>, %arg9: memref<64x64xf32, #tpu.memory_space<vmem>>, %arg10: memref<1x64xf32, #tpu.memory_space<vmem>>, %arg11: memref<64x64xf32, #tpu.memory_space<vmem>>, %arg12: memref<1x64xf32, #tpu.memory_space<vmem>>, %arg13: memref<64x26xf32, #tpu.memory_space<vmem>>, %arg14: memref<1x26xf32, #tpu.memory_space<vmem>>, %arg15: memref<26x26xf32, #tpu.memory_space<vmem>>, %arg16: memref<26x1xf32, #tpu.memory_space<vmem>>) attributes {dimension_semantics = [#tpu.dimension_semantics<arbitrary>], iteration_bounds = array<i64: 10>, scalar_prefetch = 0 : i64, scratch_operands = 0 : i64, tpu.core_type = #tpu.core_type<tc>, window_params = [{transform_indices = @transform_0, window_bounds = array<i64: 1000, 64>}, {transform_indices = @transform_1, window_bounds = array<i64: 1000, 64>}, {transform_indices = @transform_2, window_bounds = array<i64: 1000, 64>}, {transform_indices = @transform_3, window_bounds = array<i64: 1000, 64>}, {transform_indices = @transform_4, window_bounds = array<i64: 1, 1, 1000>}, {pipeline_mode = #tpu.pipeline_mode<synchronous>, transform_indices = @transform_5, window_bounds = array<i64: 64, 64>}, {pipeline_mode = #tpu.pipeline_mode<synchronous>, transform_indices = @transform_6, window_bounds = array<i64: 64, 64>}, {pipeline_mode = #tpu.pipeline_mode<synchronous>, transform_indices = @transform_7, window_bounds = array<i64: 64, 64>}, {pipeline_mode = #tpu.pipeline_mode<synchronous>, transform_indices = @transform_8, window_bounds = array<i64: 64, 64>}, {pipeline_mode = #tpu.pipeline_mode<synchronous>, transform_indices = @transform_9, window_bounds = array<i64: 1, 64>}, {pipeline_mode = #tpu.pipeline_mode<synchronous>, transform_indices = @transform_10, window_bounds = array<i64: 64, 64>}, {pipeline_mode = #tpu.pipeline_mode<synchronous>, transform_indices = @transform_11, window_bounds = array<i64: 1, 64>}, {pipeline_mode = #tpu.pipeline_mode<synchronous>, transform_indices = @transform_12, window_bounds = array<i64: 64, 26>}, {pipeline_mode = #tpu.pipeline_mode<synchronous>, transform_indices = @transform_13, window_bounds = array<i64: 1, 26>}, {pipeline_mode = #tpu.pipeline_mode<synchronous>, transform_indices = @transform_14, window_bounds = array<i64: 26, 26>}, {pipeline_mode = #tpu.pipeline_mode<synchronous>, transform_indices = @transform_15, window_bounds = array<i64: 26, 1>}]} {
    %get3A = arith.constant 0 : index
    %get3A_0 = arith.constant 0 : index
    %get3A_1 = vector.load %arg1[%get3A, %get3A_0] : memref<1000x64xf32, #tpu.memory_space<vmem>>, vector<1000x64xf32>
    %get3A_2 = arith.constant 0 : index
    %get3A_3 = arith.constant 0 : index
    %get3A_4 = vector.load %arg6[%get3A_2, %get3A_3] : memref<64x64xf32, #tpu.memory_space<vmem>>, vector<64x64xf32>
    %dot_general3A = arith.constant dense<0.000000e+00> : vector<1000x64xf32>
    %dot_general3A_5 = tpu.matmul %get3A_1, %get3A_4, %dot_general3A {dimension_numbers = #tpu.dot_dimension_numbers<[1], [0], [0], [1], [0, 0, 1, 1], [], []>, transpose_lhs_hint = false} : vector<1000x64xf32>, vector<64x64xf32>, vector<1000x64xf32> -> vector<1000x64xf32>
    %get3A_6 = arith.constant 0 : index
    %get3A_7 = arith.constant 0 : index
    %get3A_8 = vector.load %arg2[%get3A_6, %get3A_7] : memref<1000x64xf32, #tpu.memory_space<vmem>>, vector<1000x64xf32>
    %get3A_9 = arith.constant 0 : index
    %get3A_10 = arith.constant 0 : index
    %get3A_11 = vector.load %arg7[%get3A_9, %get3A_10] : memref<64x64xf32, #tpu.memory_space<vmem>>, vector<64x64xf32>
    %dot_general3A_12 = arith.constant dense<0.000000e+00> : vector<1000x64xf32>
    %dot_general3A_13 = tpu.matmul %get3A_8, %get3A_11, %dot_general3A_12 {dimension_numbers = #tpu.dot_dimension_numbers<[1], [0], [0], [1], [0, 0, 1, 1], [], []>, transpose_lhs_hint = false} : vector<1000x64xf32>, vector<64x64xf32>, vector<1000x64xf32> -> vector<1000x64xf32>
    %add3A = arith.addf %dot_general3A_5, %dot_general3A_13 : vector<1000x64xf32>
    %get3A_14 = arith.constant 0 : index
    %get3A_15 = arith.constant 0 : index
    %get3A_16 = vector.load %arg3[%get3A_14, %get3A_15] : memref<1000x64xf32, #tpu.memory_space<vmem>>, vector<1000x64xf32>
    %get3A_17 = arith.constant 0 : index
    %get3A_18 = arith.constant 0 : index
    %get3A_19 = vector.load %arg8[%get3A_17, %get3A_18] : memref<64x64xf32, #tpu.memory_space<vmem>>, vector<64x64xf32>
    %dot_general3A_20 = arith.constant dense<0.000000e+00> : vector<1000x64xf32>
    %dot_general3A_21 = tpu.matmul %get3A_16, %get3A_19, %dot_general3A_20 {dimension_numbers = #tpu.dot_dimension_numbers<[1], [0], [0], [1], [0, 0, 1, 1], [], []>, transpose_lhs_hint = false} : vector<1000x64xf32>, vector<64x64xf32>, vector<1000x64xf32> -> vector<1000x64xf32>
    %add3A_22 = arith.addf %add3A, %dot_general3A_21 : vector<1000x64xf32>
    %get3A_23 = arith.constant 0 : index
    %get3A_24 = arith.constant 0 : index
    %get3A_25 = vector.load %arg4[%get3A_23, %get3A_24] : memref<1000x64xf32, #tpu.memory_space<vmem>>, vector<1000x64xf32>
    %get3A_26 = arith.constant 0 : index
    %get3A_27 = arith.constant 0 : index
    %get3A_28 = vector.load %arg9[%get3A_26, %get3A_27] : memref<64x64xf32, #tpu.memory_space<vmem>>, vector<64x64xf32>
    %dot_general3A_29 = arith.constant dense<0.000000e+00> : vector<1000x64xf32>
    %dot_general3A_30 = tpu.matmul %get3A_25, %get3A_28, %dot_general3A_29 {dimension_numbers = #tpu.dot_dimension_numbers<[1], [0], [0], [1], [0, 0, 1, 1], [], []>, transpose_lhs_hint = false} : vector<1000x64xf32>, vector<64x64xf32>, vector<1000x64xf32> -> vector<1000x64xf32>
    %add3A_31 = arith.addf %add3A_22, %dot_general3A_30 : vector<1000x64xf32>
    %get3A_32 = arith.constant 0 : index
    %get3A_33 = arith.constant 0 : index
    %get3A_34 = vector.load %arg10[%get3A_32, %get3A_33] : memref<1x64xf32, #tpu.memory_space<vmem>>, vector<1x64xf32>
    %add3A_35 = vector.broadcast %get3A_34 : vector<1x64xf32> to vector<1000x64xf32>
    %add3A_36 = arith.addf %add3A_31, %add3A_35 : vector<1000x64xf32>
    %get3A_37 = arith.constant 0 : index
    %get3A_38 = arith.constant 0 : index
    %get3A_39 = vector.load %arg11[%get3A_37, %get3A_38] : memref<64x64xf32, #tpu.memory_space<vmem>>, vector<64x64xf32>
    %dot_general3A_40 = arith.constant dense<0.000000e+00> : vector<1000x64xf32>
    %dot_general3A_41 = tpu.matmul %add3A_36, %get3A_39, %dot_general3A_40 {dimension_numbers = #tpu.dot_dimension_numbers<[1], [0], [0], [1], [0, 0, 1, 1], [], []>, transpose_lhs_hint = false} : vector<1000x64xf32>, vector<64x64xf32>, vector<1000x64xf32> -> vector<1000x64xf32>
    %get3A_42 = arith.constant 0 : index
    %get3A_43 = arith.constant 0 : index
    %get3A_44 = vector.load %arg12[%get3A_42, %get3A_43] : memref<1x64xf32, #tpu.memory_space<vmem>>, vector<1x64xf32>
    %add3A_45 = vector.broadcast %get3A_44 : vector<1x64xf32> to vector<1000x64xf32>
    %add3A_46 = arith.addf %dot_general3A_41, %add3A_45 : vector<1000x64xf32>
    %logistic3A = arith.negf %add3A_46 : vector<1000x64xf32>
    %logistic3A_47 = math.exp %logistic3A : vector<1000x64xf32>
    %logistic3A_48 = arith.constant 1.000000e+00 : f32
    %logistic3A_49 = vector.broadcast %logistic3A_48 : f32 to vector<1000x64xf32>
    %logistic3A_50 = arith.addf %logistic3A_49, %logistic3A_47 : vector<1000x64xf32>
    %logistic3A_51 = arith.divf %logistic3A_49, %logistic3A_50 : vector<1000x64xf32>
    %mul3A = arith.mulf %add3A_46, %logistic3A_51 : vector<1000x64xf32>
    %get3A_52 = arith.constant 0 : index
    %get3A_53 = arith.constant 0 : index
    %get3A_54 = vector.load %arg13[%get3A_52, %get3A_53] : memref<64x26xf32, #tpu.memory_space<vmem>>, vector<64x26xf32>
    %dot_general3A_55 = arith.constant dense<0.000000e+00> : vector<1000x26xf32>
    %dot_general3A_56 = tpu.matmul %mul3A, %get3A_54, %dot_general3A_55 {dimension_numbers = #tpu.dot_dimension_numbers<[1], [0], [0], [1], [0, 0, 1, 1], [], []>, transpose_lhs_hint = false} : vector<1000x64xf32>, vector<64x26xf32>, vector<1000x26xf32> -> vector<1000x26xf32>
    %get3A_57 = arith.constant 0 : index
    %get3A_58 = arith.constant 0 : index
    %get3A_59 = vector.load %arg14[%get3A_57, %get3A_58] : memref<1x26xf32, #tpu.memory_space<vmem>>, vector<1x26xf32>
    %add3A_60 = vector.broadcast %get3A_59 : vector<1x26xf32> to vector<1000x26xf32>
    %add3A_61 = arith.addf %dot_general3A_56, %add3A_60 : vector<1000x26xf32>
    %get3A_62 = arith.constant 0 : index
    %get3A_63 = arith.constant 0 : index
    %get3A_64 = arith.constant 0 : index
    %get3A_65 = vector.load %arg5[%get3A_62, %get3A_63, %get3A_64] : memref<1x1x1000xi32, #tpu.memory_space<vmem>>, vector<1x1x1000xi32>
    %get3A_66 = vector.shape_cast %get3A_65 : vector<1x1x1000xi32> to vector<1x1000xi32>
    %iota3A = tpu.iota {dimensions = array<i32: 0>} : vector<26x1xi32>
    %eq3A = vector.broadcast %get3A_66 : vector<1x1000xi32> to vector<26x1000xi32>
    %eq3A_67 = vector.broadcast %iota3A : vector<26x1xi32> to vector<26x1000xi32>
    %eq3A_68 = arith.cmpi eq, %eq3A, %eq3A_67 : vector<26x1000xi32>
    %convert_element_type3A = arith.extui %eq3A_68 : vector<26x1000xi1> to vector<26x1000xi32>
    %convert_element_type3A_69 = arith.sitofp %convert_element_type3A : vector<26x1000xi32> to vector<26x1000xf32>
    %eq3A_70 = arith.constant 0 : i32
    %eq3A_71 = arith.cmpi eq, %arg0, %eq3A_70 : i32
    %convert_element_type3A_72 = arith.extui %eq3A_71 : i1 to i32
    %cond3A = arith.constant 0 : i32
    %cond3A_73 = arith.cmpi ne, %convert_element_type3A_72, %cond3A : i32
    scf.if %cond3A_73 {
      %broadcast_in_dim3A_90 = arith.constant 0.000000e+00 : f32
      %broadcast_in_dim3A_91 = vector.broadcast %broadcast_in_dim3A_90 : f32 to vector<26x26xf32>
      %swap3A_92 = arith.constant 0 : index
      %swap3A_93 = arith.constant 0 : index
      %swap3A_94 = vector.load %arg15[%swap3A_92, %swap3A_93] : memref<26x26xf32, #tpu.memory_space<vmem>>, vector<26x26xf32>
      tpu.vector_store %arg15[%swap3A_92, %swap3A_93], %broadcast_in_dim3A_91 {strides = array<i32>} : memref<26x26xf32, #tpu.memory_space<vmem>>, vector<26x26xf32>,
      %broadcast_in_dim3A_95 = arith.constant 0.000000e+00 : f32
      %broadcast_in_dim3A_96 = vector.broadcast %broadcast_in_dim3A_95 : f32 to vector<26x1xf32>
      %swap3A_97 = arith.constant 0 : index
      %swap3A_98 = arith.constant 0 : index
      %swap3A_99 = vector.load %arg16[%swap3A_97, %swap3A_98] : memref<26x1xf32, #tpu.memory_space<vmem>>, vector<26x1xf32>
      tpu.vector_store %arg16[%swap3A_97, %swap3A_98], %broadcast_in_dim3A_96 {strides = array<i32>} : memref<26x1xf32, #tpu.memory_space<vmem>>, vector<26x1xf32>,
    } else {
    }
    %get3A_74 = arith.constant 0 : index
    %get3A_75 = arith.constant 0 : index
    %get3A_76 = vector.load %arg15[%get3A_74, %get3A_75] : memref<26x26xf32, #tpu.memory_space<vmem>>, vector<26x26xf32>
    %dot_general3A_77 = arith.constant dense<0.000000e+00> : vector<26x26xf32>
    %dot_general3A_78 = tpu.matmul %convert_element_type3A_69, %add3A_61, %dot_general3A_77 {dimension_numbers = #tpu.dot_dimension_numbers<[1], [0], [0], [1], [0, 0, 1, 1], [], []>, transpose_lhs_hint = false} : vector<26x1000xf32>, vector<1000x26xf32>, vector<26x26xf32> -> vector<26x26xf32>
    %add3A_79 = arith.addf %get3A_76, %dot_general3A_78 : vector<26x26xf32>
    %swap3A = arith.constant 0 : index
    %swap3A_80 = arith.constant 0 : index
    %swap3A_81 = vector.load %arg15[%swap3A, %swap3A_80] : memref<26x26xf32, #tpu.memory_space<vmem>>, vector<26x26xf32>
    tpu.vector_store %arg15[%swap3A, %swap3A_80], %add3A_79 {strides = array<i32>} : memref<26x26xf32, #tpu.memory_space<vmem>>, vector<26x26xf32>,
    %get3A_82 = arith.constant 0 : index
    %get3A_83 = arith.constant 0 : index
    %get3A_84 = vector.load %arg16[%get3A_82, %get3A_83] : memref<26x1xf32, #tpu.memory_space<vmem>>, vector<26x1xf32>
    %reduce_sum3A = arith.constant dense<0.000000e+00> : vector<26xf32>
    %reduce_sum3A_85 = vector.multi_reduction <add>, %convert_element_type3A_69, %reduce_sum3A [1] : vector<26x1000xf32> to vector<26xf32>
    %broadcast_in_dim3A = vector.shape_cast %reduce_sum3A_85 : vector<26xf32> to vector<26x1xf32>
    %add3A_86 = arith.addf %get3A_84, %broadcast_in_dim3A : vector<26x1xf32>
    %swap3A_87 = arith.constant 0 : index
    %swap3A_88 = arith.constant 0 : index
    %swap3A_89 = vector.load %arg16[%swap3A_87, %swap3A_88] : memref<26x1xf32, #tpu.memory_space<vmem>>, vector<26x1xf32>
    tpu.vector_store %arg16[%swap3A_87, %swap3A_88], %add3A_86 {strides = array<i32>} : memref<26x1xf32, #tpu.memory_space<vmem>>, vector<26x1xf32>,
    return
  }
  func.func @transform_0(%arg0: i32) -> (i32, i32) {
    %c0_i32 = arith.constant 0 : i32
    %c0_i32_0 = arith.constant 0 : i32
    return %arg0, %c0_i32 : i32, i32
  }
  func.func @transform_1(%arg0: i32) -> (i32, i32) {
    %c0_i32 = arith.constant 0 : i32
    %c0_i32_0 = arith.constant 0 : i32
    return %arg0, %c0_i32 : i32, i32
  }
  func.func @transform_2(%arg0: i32) -> (i32, i32) {
    %c0_i32 = arith.constant 0 : i32
    %c0_i32_0 = arith.constant 0 : i32
    return %arg0, %c0_i32 : i32, i32
  }
  func.func @transform_3(%arg0: i32) -> (i32, i32) {
    %c0_i32 = arith.constant 0 : i32
    %c0_i32_0 = arith.constant 0 : i32
    return %arg0, %c0_i32 : i32, i32
  }
  func.func @transform_4(%arg0: i32) -> (i32, i32, i32) {
    %c0_i32 = arith.constant 0 : i32
    %c0_i32_0 = arith.constant 0 : i32
    %c0_i32_1 = arith.constant 0 : i32
    return %arg0, %c0_i32, %c0_i32_0 : i32, i32, i32
  }
  func.func @transform_5(%arg0: i32) -> (i32, i32) {
    %c0_i32 = arith.constant 0 : i32
    %c0_i32_0 = arith.constant 0 : i32
    %c0_i32_1 = arith.constant 0 : i32
    return %c0_i32, %c0_i32_0 : i32, i32
  }
  func.func @transform_6(%arg0: i32) -> (i32, i32) {
    %c0_i32 = arith.constant 0 : i32
    %c0_i32_0 = arith.constant 0 : i32
    %c0_i32_1 = arith.constant 0 : i32
    return %c0_i32, %c0_i32_0 : i32, i32
  }
  func.func @transform_7(%arg0: i32) -> (i32, i32) {
    %c0_i32 = arith.constant 0 : i32
    %c0_i32_0 = arith.constant 0 : i32
    %c0_i32_1 = arith.constant 0 : i32
    return %c0_i32, %c0_i32_0 : i32, i32
  }
  func.func @transform_8(%arg0: i32) -> (i32, i32) {
    %c0_i32 = arith.constant 0 : i32
    %c0_i32_0 = arith.constant 0 : i32
    %c0_i32_1 = arith.constant 0 : i32
    return %c0_i32, %c0_i32_0 : i32, i32
  }
  func.func @transform_9(%arg0: i32) -> (i32, i32) {
    %c0_i32 = arith.constant 0 : i32
    %c0_i32_0 = arith.constant 0 : i32
    %c0_i32_1 = arith.constant 0 : i32
    return %c0_i32, %c0_i32_0 : i32, i32
  }
  func.func @transform_10(%arg0: i32) -> (i32, i32) {
    %c0_i32 = arith.constant 0 : i32
    %c0_i32_0 = arith.constant 0 : i32
    %c0_i32_1 = arith.constant 0 : i32
    return %c0_i32, %c0_i32_0 : i32, i32
  }
  func.func @transform_11(%arg0: i32) -> (i32, i32) {
    %c0_i32 = arith.constant 0 : i32
    %c0_i32_0 = arith.constant 0 : i32
    %c0_i32_1 = arith.constant 0 : i32
    return %c0_i32, %c0_i32_0 : i32, i32
  }
  func.func @transform_12(%arg0: i32) -> (i32, i32) {
    %c0_i32 = arith.constant 0 : i32
    %c0_i32_0 = arith.constant 0 : i32
    %c0_i32_1 = arith.constant 0 : i32
    return %c0_i32, %c0_i32_0 : i32, i32
  }
  func.func @transform_13(%arg0: i32) -> (i32, i32) {
    %c0_i32 = arith.constant 0 : i32
    %c0_i32_0 = arith.constant 0 : i32
    %c0_i32_1 = arith.constant 0 : i32
    return %c0_i32, %c0_i32_0 : i32, i32
  }
  func.func @transform_14(%arg0: i32) -> (i32, i32) {
    %c0_i32 = arith.constant 0 : i32
    %c0_i32_0 = arith.constant 0 : i32
    %c0_i32_1 = arith.constant 0 : i32
    return %c0_i32, %c0_i32_0 : i32, i32
  }
  func.func @transform_15(%arg0: i32) -> (i32, i32) {
    %c0_i32 = arith.constant 0 : i32
    %c0_i32_0 = arith.constant 0 : i32
    %c0_i32_1 = arith.constant 0 : i32
    return %c0_i32, %c0_i32_0 : i32, i32
  }
}

module attributes {stable_mosaic.version = 14 : i64} {
  func.func @_f2_body(%arg0: i32, %arg1: memref<1000x1xi32, #tpu.memory_space<vmem>>, %arg2: memref<26x26xf32, #tpu.memory_space<vmem>>, %arg3: memref<26x1xf32, #tpu.memory_space<vmem>>, %arg4: memref<1000x26xf32, #tpu.memory_space<vmem>>) attributes {dimension_semantics = [#tpu.dimension_semantics<arbitrary>], iteration_bounds = array<i64: 10>, scalar_prefetch = 0 : i64, scratch_operands = 0 : i64, tpu.core_type = #tpu.core_type<tc>, window_params = [{transform_indices = @transform_0, window_bounds = array<i64: 1000, 1>}, {pipeline_mode = #tpu.pipeline_mode<synchronous>, transform_indices = @transform_1, window_bounds = array<i64: 26, 26>}, {pipeline_mode = #tpu.pipeline_mode<synchronous>, transform_indices = @transform_2, window_bounds = array<i64: 26, 1>}, {transform_indices = @transform_3, window_bounds = array<i64: 1000, 26>}]} {
    %get3A = arith.constant 0 : index
    %get3A_0 = arith.constant 0 : index
    %get3A_1 = vector.load %arg2[%get3A, %get3A_0] : memref<26x26xf32, #tpu.memory_space<vmem>>, vector<26x26xf32>
    %get3A_2 = arith.constant 0 : index
    %get3A_3 = arith.constant 0 : index
    %get3A_4 = vector.load %arg3[%get3A_2, %get3A_3] : memref<26x1xf32, #tpu.memory_space<vmem>>, vector<26x1xf32>
    %max3A = arith.constant 1.000000e+00 : f32
    %max3A_5 = vector.broadcast %max3A : f32 to vector<26x1xf32>
    %max3A_6 = arith.maximumf %get3A_4, %max3A_5 : vector<26x1xf32>
    %div3A = vector.broadcast %max3A_6 : vector<26x1xf32> to vector<26x26xf32>
    %div3A_7 = arith.divf %get3A_1, %div3A : vector<26x26xf32>
    %get3A_8 = arith.constant 0 : index
    %get3A_9 = arith.constant 0 : index
    %get3A_10 = vector.load %arg1[%get3A_8, %get3A_9] : memref<1000x1xi32, #tpu.memory_space<vmem>>, vector<1000x1xi32>
    %iota3A = tpu.iota {dimensions = array<i32: 1>} : vector<1x26xi32>
    %eq3A = vector.broadcast %get3A_10 : vector<1000x1xi32> to vector<1000x26xi32>
    %eq3A_11 = vector.broadcast %iota3A : vector<1x26xi32> to vector<1000x26xi32>
    %eq3A_12 = arith.cmpi eq, %eq3A, %eq3A_11 : vector<1000x26xi32>
    %convert_element_type3A = arith.extui %eq3A_12 : vector<1000x26xi1> to vector<1000x26xi32>
    %convert_element_type3A_13 = arith.sitofp %convert_element_type3A : vector<1000x26xi32> to vector<1000x26xf32>
    %dot_general3A = arith.constant dense<0.000000e+00> : vector<1000x26xf32>
    %dot_general3A_14 = tpu.matmul %convert_element_type3A_13, %div3A_7, %dot_general3A {dimension_numbers = #tpu.dot_dimension_numbers<[1], [0], [0], [1], [0, 0, 1, 1], [], []>, transpose_lhs_hint = false} : vector<1000x26xf32>, vector<26x26xf32>, vector<1000x26xf32> -> vector<1000x26xf32>
    %swap3A = arith.constant 0 : index
    %swap3A_15 = arith.constant 0 : index
    %swap3A_16 = vector.load %arg4[%swap3A, %swap3A_15] : memref<1000x26xf32, #tpu.memory_space<vmem>>, vector<1000x26xf32>
    tpu.vector_store %arg4[%swap3A, %swap3A_15], %dot_general3A_14 {strides = array<i32>} : memref<1000x26xf32, #tpu.memory_space<vmem>>, vector<1000x26xf32>,
    return
  }
  func.func @transform_0(%arg0: i32) -> (i32, i32) {
    %c0_i32 = arith.constant 0 : i32
    %c0_i32_0 = arith.constant 0 : i32
    return %arg0, %c0_i32 : i32, i32
  }
  func.func @transform_1(%arg0: i32) -> (i32, i32) {
    %c0_i32 = arith.constant 0 : i32
    %c0_i32_0 = arith.constant 0 : i32
    %c0_i32_1 = arith.constant 0 : i32
    return %c0_i32, %c0_i32_0 : i32, i32
  }
  func.func @transform_2(%arg0: i32) -> (i32, i32) {
    %c0_i32 = arith.constant 0 : i32
    %c0_i32_0 = arith.constant 0 : i32
    %c0_i32_1 = arith.constant 0 : i32
    return %c0_i32, %c0_i32_0 : i32, i32
  }
  func.func @transform_3(%arg0: i32) -> (i32, i32) {
    %c0_i32 = arith.constant 0 : i32
    %c0_i32_0 = arith.constant 0 : i32
    return %arg0, %c0_i32 : i32, i32
  }
}

</mosaic_0001>

<sc_bundles>
// kernel: kernel.19.cloned.1.call-start
scs
__scs_entry_jumppad:
0x0: {  	(pc) =	sbr.rel $0x88, $3  }
0x1: {  	(tag) =	ssettag $0x0;
	lr =	simm.s32 $0x1  }
0x2: {  	[smem:$0x3F78] =	sst lr;
	_ =	strace $0xD0000000  }
0x3: {  	_ = 	snop  }
0x4: {  	_ = 	snop  }
0x5: {  	_ = 	snop  }
0x6: {  	_ = 	snop  }
0x7: {  	_ = 	snop  }
__scs_overlays_trampoline_lowered:
0x8: {  	[smem:$0x3F87] =	sst s0  }
0x9: {  	[smem:$0x3F88] =	sst s1  }
0xa: {  	[smem:$0x3F89] =	sst s2  }
0xb: {  	[smem:$0x3F8A] =	sst s3  }
0xc: {  	[smem:$0x3F8B] =	sst s4  }
0xd: {  	[smem:$0x3F8C] =	sst s5  }
0xe: {  	[smem:$0x3F8D] =	sst s6  }
0xf: {  	[smem:$0x3F8E] =	sst s7  }
0x10: {  	[smem:$0x3F8F] =	sst s8  }
0x11: {  	[smem:$0x3F90] =	sst s9;
	s0 =	simm.s32 @!p0 $0x0  }
0x12: {  	s1 =	sld [smem:$0x3F76];
	s0 =	simm.s32 @p0 $0x1  }
0x13: {  	[smem:$0x3F91] =	sst s0;
	s0 =	simm.s32 @!p1 $0x0  }
0x14: {  	s2 =	sld [smem:$0x3F75];
	s0 =	simm.s32 @p1 $0x1  }
0x15: {  	[smem:$0x3F92] =	sst s0;
	s0 =	simm.s32 @!p2 $0x0  }
0x16: {  	s3 =	sld [smem:$0x3FDB];
	s0 =	simm.s32 @p2 $0x1  }
0x17: {  	s4 =	simm.s32 $0x1BF5;
	[smem:$0x3F94] =	sst s0  }
0x18: {  	s0 =	sld [smem:$0x3F77];
	_ =	swait.ge [sflag:s4], $0x0  }
0x19: {  	s7 =	sld [smem:$0x3F78]  }
0x1a: {  	s8 =	sadd.s32 $0xFFFFE003, lr  }
0x1b: {  	s9 =	sadd.s32 $0xFFFFFEF7, lr;
	s5 =	simm.s32 $0xFFFFFFFF;
	p2 =	slt.u32 s8, $0xFFFFF086  }
0x1c: {  	p1 =	slt.u32 s9, $0xF7A;
	s5 =	simm.s32 @!p2 $0x0  }
0x1d: {  	s5 =	simm.s32 @p1 $0x1;
	p0 =	seq.s32 s7, s2  }
0x1e: {  	s7 =	smul.u32 @!p0 $0xF7A, s2;
	p2 =	seq.s32 @!p0 s5, $0x0  }
0x1f: {  	s9 =	smul.u32 $0xF7A, s1;
	s8 =	simm.s32 @!p0 $0x1BF5;
	p2 =	por !p2, p0  }
0x20: {  	[sflag:s8] =	ssyncset.s32 @!p0 $0xFFFFF086;
	s6 =	sadd.s32 @!p0 s3, s7;
	s7 =	simm.s32 @!p0 $0x108  }
0x21: {  	s3 =	sadd.s32 s3, s9;
	s6 =	sadd.s32 @!p0 $0x88, s6;
	s7 =	simm.s32 @p2 $0x1082  }
0x22: {  	[simem:s7], [sflag:s8] =	dma.local @!p0 [hbm:s6], $0xF7A  }
0x23: {  	s9 =	sor.u32 $0xD0000000, s2;
	s6 =	simm.s32 $0x108;
	_ =	swait.ge @!p0 [sflag:s8], $0x0  }
0x24: {  	s3 =	sadd.s32 $0x88, s3;
	s6 =	simm.s32 @!p1 $0x1082;
	[sflag:s4] =	ssyncset.s32 $0xFFFFF086  }
0x25: {  	[simem:s6], [sflag:s4] =	dma.local [hbm:s3], $0xF7A  }
0x26: {  	[smem:$0x3F78] =	sst s1;
	(tag) =	ssettag s2;
	_ =	strace s9  }
0x27: {  	s1 =	sld [smem:$0x3F88]  }
0x28: {  	s2 =	sld [smem:$0x3F89]  }
0x29: {  	s4 =	sld [smem:$0x3F8B]  }
0x2a: {  	p0 =	seq.s32 s5, $0x0;
	s5 =	sld [smem:$0x3F8C]  }
0x2b: {  	s6 =	sld [smem:$0x3F8D]  }
0x2c: {  	s7 =	sld [smem:$0x3F8E]  }
0x2d: {  	s3 =	simm.s32 $0x108;
	s8 =	sld [smem:$0x3F8F]  }
0x2e: {  	s3 =	simm.s32 @!p0 $0x1082;
	s9 =	sld [smem:$0x3F90]  }
0x2f: {  	lr =	sadd.s32 s0, s3;
	s0 =	sld [smem:$0x3F87]  }
0x30: {  	s3 =	sld [smem:$0x3F8A]  }
0x31: {  	[smem:$0x3F93] =	sst s10  }
0x32: {  	s10 =	sld [smem:$0x3F91];
	_ =	sdelay $0x3  }
0x33: {  	p0 =	seq.s32 s10, $0x1;
	s10 =	sld [smem:$0x3F93];
	_ =	sdelay $0x3  }
0x34: {  	[smem:$0x3F93] =	sst s10  }
0x35: {  	s10 =	sld [smem:$0x3F92];
	_ =	sdelay $0x3  }
0x36: {  	p1 =	seq.s32 s10, $0x1;
	s10 =	sld [smem:$0x3F93];
	_ =	sdelay $0x3  }
0x37: {  	[smem:$0x3F93] =	sst s10  }
0x38: {  	s10 =	sld [smem:$0x3F94]  }
0x39: {  	_ = 	snop;
	(pc) =	sbr.ind lr, $3  }
0x3a: {  	_ = 	snop  }
0x3b: {  	_ = 	snop  }
0x3c: {  	p2 =	seq.s32 s10, $0x1;
	s10 =	sld [smem:$0x3F93]  }
0x3d: {  	_ =	shalt  }
0x3e: {  	_ =	shalt  }
0x3f: {  	_ =	shalt  }
0x40: {  	_ =	shalt  }
0x41: {  	_ =	shalt  }
0x42: {  	_ =	shalt  }
0x43: {  	_ =	shalt  }
0x44: {  	_ =	shalt  }
0x45: {  	_ =	shalt  }
0x46: {  	_ =	shalt  }
0x47: {  	_ =	shalt  }
0x48: {  	_ =	shalt  }
0x49: {  	_ =	shalt  }
0x4a: {  	_ =	shalt  }
0x4b: {  	_ =	shalt  }
0x4c: {  	_ =	shalt  }
0x4d: {  	_ =	shalt  }
0x4e: {  	_ =	shalt  }
0x4f: {  	_ =	shalt  }
0x50: {  	_ =	shalt  }
0x51: {  	_ =	shalt  }
0x52: {  	_ =	shalt  }
0x53: {  	_ =	shalt  }
0x54: {  	_ =	shalt  }
0x55: {  	_ =	shalt  }
0x56: {  	_ =	shalt  }
0x57: {  	_ =	shalt  }
0x58: {  	_ =	shalt  }
0x59: {  	_ =	shalt  }
0x5a: {  	_ =	shalt  }
0x5b: {  	_ =	shalt  }
0x5c: {  	_ =	shalt  }
0x5d: {  	_ =	shalt  }
0x5e: {  	_ =	shalt  }
0x5f: {  	_ =	shalt  }
0x60: {  	_ =	shalt  }
0x61: {  	_ =	shalt  }
0x62: {  	_ =	shalt  }
0x63: {  	_ =	shalt  }
0x64: {  	_ =	shalt  }
0x65: {  	_ =	shalt  }
0x66: {  	_ =	shalt  }
0x67: {  	_ =	shalt  }
0x68: {  	_ =	shalt  }
0x69: {  	_ =	shalt  }
0x6a: {  	_ =	shalt  }
0x6b: {  	_ =	shalt  }
0x6c: {  	_ =	shalt  }
0x6d: {  	_ =	shalt  }
0x6e: {  	_ =	shalt  }
0x6f: {  	_ =	shalt  }
0x70: {  	_ =	shalt  }
0x71: {  	_ =	shalt  }
0x72: {  	_ =	shalt  }
0x73: {  	_ =	shalt  }
0x74: {  	_ =	shalt  }
0x75: {  	_ =	shalt  }
0x76: {  	_ =	shalt  }
0x77: {  	_ =	shalt  }
0x78: {  	_ =	shalt  }
0x79: {  	_ =	shalt  }
0x7a: {  	_ =	shalt  }
0x7b: {  	_ =	shalt  }
0x7c: {  	_ =	shalt  }
0x7d: {  	_ =	shalt  }
0x7e: {  	_ =	shalt  }
0x7f: {  	_ =	shalt  }
0x80: {  	_ =	shalt  }
0x81: {  	_ =	shalt  }
0x82: {  	_ =	shalt  }
0x83: {  	_ =	shalt  }
0x84: {  	_ =	shalt  }
0x85: {  	_ =	shalt  }
0x86: {  	_ =	shalt  }
0x87: {  	_ =	shalt  }
.Lfunc_end0:
.L_simem_size_0:
called_computation_lowered:
.L_overlay_start_0:
0x88: {  	s2 =	sld [smem:$0x3FD9]  }
0x89: {  	s3 =	sld [smem:$0x3FFE];
	_ =	sdelay $0x1  }
0x8a: {  	s1 =	srdreg.scid  }
0x8b: {  	s0 =	sand.u32 $0x1, s1  }
0x8c: {  	s17 =	sshll.u32 s0, $0xA;
	s2 =	sadd.s32 s3, s2  }
0x8d: {  	s2 =	sadd.s32 s2, s17  }
0x8e: {  	[smem:$0x3F9F] =	sst s2  }
0x8f: {  	_ = 	snop  }
0x90: {  	s2 =	sld [smem:$0x3FD0];
	(tm) =	ssettm $0x1  }
0x91: {  	s18 =	sld [smem:$0x3FFB];
	_ =	sdelay $0x3  }
0x92: {  	_ =	strace s18  }
0x93: {  	s3 =	sld [smem:$0x3FFC];
	_ =	sdelay $0x3  }
0x94: {  	_ =	strace s3  }
0x95: {  	s3 =	sld [smem:$0x3FFD];
	_ =	sdelay $0x3  }
0x96: {  	_ =	strace s3  }
0x97: {  	_ =	strace $0x8FFFFFFF  }
0x98: {  	s19 =	sld [smem:$0x3FDB];
	_ =	sdelay $0x1  }
0x99: {  	s4 =	simm.s32 $_scs_section_size  }
0x9a: {  	s5 =	simm.s32 $_size__tile_overlayer_lowered;
	s6 =	simm.s32 $_tile_overlayer_lowered  }
0x9b: {  	s22 =	simm.s32 $0x1BFF;
	s21 =	sshll.u32 s6, $0x1;
	s3 =	sadd.s32 s4, s19  }
0x9c: {  	s7 =	simm.s32 $0x0;
	s20 =	sshll.u32 s5, $0x1;
	s5 =	sadd.s32 s21, s3  }
0x9d: {  	[timem:s7], [sflag:s22] =	dma.local [hbm:s5], s20  }
0x9e: {  	_ =	swait.ge [sflag:s22], s20  }
0x9f: {  	s4 =	ssub.s32 $0x0, s20;
	[sflag:s22] =	ssyncset.done $0x0  }
0xa0: {  	[sflag:s22] =	ssyncadd.s32 s4;
	_ =	sdelay $0x1  }
0xa1: {  	s23 =	simm.s32 $0x1B8B  }
0xa2: {  	_ =	swait.ge [sflag:s23], $0x1  }
0xa3: {  	[sflag:s23] =	ssyncset.done $0x0  }
0xa4: {  	s25 =	simm.s32 $0x1B8E;
	s24 =	sld [smem:$0x3FFE];
	[sflag:s23] =	ssyncadd.s32 $0xFFFFFFFF  }
0xa5: {  	s26 =	simm.s32 $execute0_lowered;
	[smem:$0x3FD2] =	sst s25  }
0xa6: {  	s5 =	sshll.u32 s26, $0x1;
	_ =	strace $0x80000046;
	[dreg:$0x1] =	wrdreg $0xFFFFFFFF  }
0xa7: {  	s28 =	simm.s32 $_size_execute0_lowered;
	s3 =	sadd.s32 s3, s5;
	[dreg:$0x0] =	wrdreg $0x0  }
0xa8: {  	s5 =	sshll.u32 s28, $0x1;
	[dreg:$0x2] =	wrdreg s3  }
0xa9: {  	[dreg:$0x3] =	wrdreg s5  }
0xaa: {  	[dreg:$0x4] =	wrdreg $0xC0  }
0xab: {  	_ =	task [dreg:s7], $0x5FFFF  }
0xac: {  	[dreg:$0x1] =	wrdreg $0xFFFFFFFF  }
0xad: {  	[dreg:$0x0] =	wrdreg $0x60  }
0xae: {  	[dreg:$0x2] =	wrdreg s24  }
0xaf: {  	[dreg:$0x3] =	wrdreg s2  }
0xb0: {  	[dreg:$0x4] =	wrdreg $0x9  }
0xb1: {  	_ =	task.clear_ibuf [dreg:s7], $0x5FFFF;
	_ =	strace $0x90000046  }
0xb2: {  	s29 =	simm.s32 $0x9;
	_ =	strace $0x80000048  }
0xb3: {  	_ =	swait.ge [sflag:s29], $0x1  }
0xb4: {  	[sflag:s29] =	ssyncadd.s32 $0xFFFFFFFF  }
0xb5: {  	_ =	strace $0x90000048  }
0xb6: {  	_ =	sfence  }
0xb7: {  	s30 =	sld [smem:$0x0];
	_ =	sdelay $0x2  }
0xb8: {  	s31 =	sshll.u32 s1, $0xD;
	s1 =	sshrl.u32 s1, $0x2  }
0xb9: {  	s3 =	sand.u32 $0x4000, s31;
	s1 =	sadd.s32 s1, s30  }
0xba: {  	s0 =	sor.u32 s3, s0;
	s1 =	sshll.u32 s1, $0x11  }
0xbb: {  	s0 =	sor.u32 s1, s0  }
0xbc: {  	s0 =	sadd.s32 $0x8F2B, s0  }
0xbd: {  	[sflag:s0] =	ssyncadd.remote.s32 $0x1  }
0xbe: {  	_ =	sfence.sel $0xFFFF  }
0xbf: {  	[dreg:$0x0] =	wrdreg $0xFFFFFFFF;
	(pc) =	sbr.abs _section_cstart, $3  }
0xc0: {  	[dreg:$0x1] =	wrdreg $0xFFFFFFFF  }
0xc1: {  	_ =	task.clear_ibuf [dreg:s7], $0x2FFFF;
	_ =	strace $0x9FFFFFFF  }
0xc2: {  	(tm) =	ssettm $0x7FFFFFFF  }
0xc3: {  	_ =	shalt  }
tec
execute0_lowered:
.L_overlay_start_1:
0x0: {  	(tag) =	ssettag $0x1  }
0x1: {  	s0 =	srdreg.scid;
	s1 =	rddreg [dreg:$0x0]  }
0x2: {  	s13 =	stileid.u32;
	s7 =	rddreg [dreg:$0x1];
	s18 =	simm.s32 $0x5000  }
0x3: {  	s20 =	simm.s32 $0x9000;
	s21 =	simm.s32 $0xD000;
	s23 =	simm.s32 $0x11000  }
0x4: {  	s24 =	simm.s32 $0x1;
	s25 =	simm.s32 $0x2;
	s26 =	simm.s32 $0x3  }
0x5: {  	s28 =	simm.s32 $0x4;
	s29 =	simm.s32 $0x0;
	s12 =	smul.u32 $0x280000, s13  }
0x6: {  	s0 =	sand.u32 $0x1, s0;
	s2 =	sshll.u32 s13, $0x1;
	s13 =	smul.u32 $0x5000, s13  }
0x7: {  	s3 =	sadd.s32 $0x14600, s1;
	s15 =	sadd.s32 $0x89C00, s1;
	s31 =	smul.u32 $0x140000, s0  }
0x8: {  	s17 =	sor.u32 s0, s2;
	s6 =	ssub.s32 $0x2, s0;
	s0 =	smul.u32 $0x2800, s0  }
0x9: {  	s16 =	sadd.s32 $0x56BC00, s1;
	s2 =	simm.s32 $0x0;
	s5 =	smul.u32 $0x500, s17  }
0xa: {  	[smem:$0x7FF] =	sst s2;
	s8 =	smul.u32 $0x140000, s17;
	s9 =	sshrl.u32 s6, $0x1  }
0xb: {  	s11 =	smul.u32 $0x28000, s17;
	p0 =	seq.s32 s17, $0x1F;
	s17 =	simm.s32 $0x80  }
0xc: {  	_ =	strace $0x80000047;
	s9 =	ssub.s32 s6, s9;
	s6 =	sadd.s32 $0x14300, s1  }
0xd: {  	s0 =	sadd.s32 s0, s13;
	s4 =	sadd.s32 s5, s1;
	s5 =	sadd.s32 s7, s5  }
0xe: {  	s7 =	sadd.s32 $0x9B00, s7;
	s10 =	sshrl.u32 s8, $0x3;
	s8 =	smax.u32 s9, $0x1  }
0xf: {  	s14 =	sor.u32 $0x800, s11;
	s1 =	sadd.s32 s31, s12;
	s0 =	sshll.u32 s0, $0x4  }
0x10: {  	s4 =	sadd.s32 $0xA800, s4;
	s9 =	sadd.s32 s15, s10;
	s1 =	sor.u32 $0x8000, s1  }
0x11: {  	s10 =	sadd.s32 s16, s10;
	s11 =	sadd.s32 s15, s14;
	s1 =	sshrl.u32 s1, $0x3  }
0x12: {  	s12 =	sadd.s32 s16, s14;
	s0 =	sor.u32 $0x1800, s0;
	s13 =	sadd.s32 s1, s16  }
0x13: {  	s14 =	sadd.s32 s1, s15;
	s15 =	sadd.s32 s0, s15;
	s16 =	sadd.s32 s0, s16  }
.LBB2_1:
0x14: {  	s0 =	simm.s32 @p0 $0x0;
	s1 =	simm.s32 @p0 $0x5  }
0x15: {  	[tilespmem:s0], [sflag:$0x5] =	stream.linear.gather @p0 [hbm4b:s6+s0], $0xA00, $0x38;
	[tilespmem:$0x15000] =	vst v63  }
0x16: {  	_ =	swait.ge @p0 [sflag:s1], $0xA00  }
0x17: {  	[sflag:s1] =	ssyncset.done @p0 $0x0  }
0x18: {  	s19 =	simm.s32 @p0 $0x2800;
	[sflag:s1] =	ssyncadd.s32 @p0 $0xFFFFF600  }
0x19: {  	[tilespmem:s19], [sflag:$0x5] =	stream.linear.gather @p0 [hbm4b:s7+s0], $0xA00, $0x38;
	[tilespmem:$0x15000] =	vst v63  }
0x1a: {  	_ =	swait.ge @p0 [sflag:s1], $0xA00  }
0x1b: {  	[sflag:s1] =	ssyncset.done @p0 $0x0  }
0x1c: {  	s0 =	simm.s32 @!p0 $0x0;
	[sflag:s1] =	ssyncadd.s32 @p0 $0xFFFFF600;
	s1 =	simm.s32 @!p0 $0x5  }
0x1d: {  	[tilespmem:s0], [sflag:$0x5] =	stream.linear.gather @!p0 [hbm4b:s4+s0], $0x2800, $0x38;
	[tilespmem:$0x15000] =	vst v63  }
0x1e: {  	_ =	swait.ge @!p0 [sflag:s1], $0x2800  }
0x1f: {  	[sflag:s1] =	ssyncset.done @!p0 $0x0  }
0x20: {  	s19 =	simm.s32 @!p0 $0x2800;
	[sflag:s1] =	ssyncadd.s32 @!p0 $0xFFFFD800  }
0x21: {  	[tilespmem:s19], [sflag:$0x5] =	stream.linear.gather @!p0 [hbm4b:s5+s0], $0x2800, $0x38;
	[tilespmem:$0x15000] =	vst v63  }
0x22: {  	_ =	swait.ge @!p0 [sflag:s1], $0x2800  }
0x23: {  	[sflag:s1] =	ssyncset.done @!p0 $0x0  }
0x24: {  	[sflag:s1] =	ssyncadd.s32 @!p0 $0xFFFFD800  }
0x25: {  	[tilespmem:s18], [sflag:$0x1] =	stream.indirect.gather [hbm4b:s3+s17], $0x80, s2, s17, $0xb8;
	[tilespmem:$0x15000] =	vst v63  }
0x26: {  	s1 =	simm.s32 $0x2800  }
0x27: {  	[tilespmem:s20], [sflag:$0x1] =	stream.indirect.gather [hbm4b:s3+s17], $0x80, s1, s17, $0xb8;
	[tilespmem:$0x15000] =	vst v63  }
0x28: {  	_ = 	snop  }
0x29: {  	[tilespmem:s21], [sflag:$0x2] =	stream.indirect.gather [hbm4b:s3+s17], $0x80, s17, s17, $0xb8;
	[tilespmem:$0x15000] =	vst v63  }
0x2a: {  	s19 =	simm.s32 $0x2880  }
0x2b: {  	[tilespmem:s23], [sflag:$0x2] =	stream.indirect.gather [hbm4b:s3+s17], $0x80, s19, s17, $0xb8;
	[tilespmem:$0x15000] =	vst v63  }
0x2c: {  	_ =	swait.ge [sflag:s24], $0x4000  }
0x2d: {  	[sflag:s24] =	ssyncset.done $0x0  }
0x2e: {  	[sflag:s24] =	ssyncadd.s32 $0xFFFFC000  }
0x2f: {  	_ =	swait.ge [sflag:s24], $0x4000  }
0x30: {  	[sflag:s24] =	ssyncset.done $0x0  }
0x31: {  	[sflag:s24] =	ssyncadd.s32 $0xFFFFC000  }
0x32: {  	[hbm4b:s9+s2] =	stream.linear.scatter [tilespmem:s18], [sflag:$0x3], $0x4000, $0x38;
	[tilespmem:$0x15000] =	vst v63  }
0x33: {  	_ = 	snop  }
0x34: {  	[hbm4b:s10+s2] =	stream.linear.scatter [tilespmem:s20], [sflag:$0x3], $0x4000, $0x38;
	[tilespmem:$0x15000] =	vst v63  }
0x35: {  	_ =	swait.ge [sflag:s25], $0x4000  }
0x36: {  	[sflag:s25] =	ssyncset.done $0x0  }
0x37: {  	[sflag:s25] =	ssyncadd.s32 $0xFFFFC000  }
0x38: {  	_ =	swait.ge [sflag:s25], $0x4000  }
0x39: {  	[sflag:s25] =	ssyncset.done $0x0  }
0x3a: {  	[sflag:s25] =	ssyncadd.s32 $0xFFFFC000  }
0x3b: {  	[hbm4b:s11+s2] =	stream.linear.scatter [tilespmem:s21], [sflag:$0x4], $0x4000, $0x38;
	[tilespmem:$0x15000] =	vst v63  }
0x3c: {  	_ = 	snop  }
0x3d: {  	[hbm4b:s12+s2] =	stream.linear.scatter [tilespmem:s23], [sflag:$0x4], $0x4000, $0x38;
	[tilespmem:$0x15000] =	vst v63  }
0x3e: {  	_ =	swait.ge [sflag:s26], $0x4000  }
0x3f: {  	[sflag:s26] =	ssyncset.done $0x0  }
0x40: {  	[sflag:s26] =	ssyncadd.s32 $0xFFFFC000  }
0x41: {  	_ =	swait.ge [sflag:s26], $0x4000  }
0x42: {  	[sflag:s26] =	ssyncset.done $0x0  }
0x43: {  	[sflag:s26] =	ssyncadd.s32 $0xFFFFC000  }
0x44: {  	_ =	swait.ge [sflag:s28], $0x4000  }
0x45: {  	[sflag:s28] =	ssyncset.done $0x0  }
0x46: {  	[sflag:s28] =	ssyncadd.s32 $0xFFFFC000  }
0x47: {  	_ =	swait.ge [sflag:s28], $0x4000  }
0x48: {  	[sflag:s28] =	ssyncset.done $0x0  }
0x49: {  	s22 =	simm.s32 $0x100;
	[sflag:s28] =	ssyncadd.s32 $0xFFFFC000  }
0x4a: {  	[tilespmem:s18], [sflag:$0x1] =	stream.indirect.gather [hbm4b:s3+s17], $0x80, s22, s17, $0xb8;
	[tilespmem:$0x15000] =	vst v63  }
0x4b: {  	s1 =	simm.s32 $0x2900  }
0x4c: {  	[tilespmem:s20], [sflag:$0x1] =	stream.indirect.gather [hbm4b:s3+s17], $0x80, s1, s17, $0xb8;
	[tilespmem:$0x15000] =	vst v63  }
0x4d: {  	s19 =	simm.s32 $0x180  }
0x4e: {  	[tilespmem:s21], [sflag:$0x2] =	stream.indirect.gather [hbm4b:s3+s17], $0x80, s19, s17, $0xb8;
	[tilespmem:$0x15000] =	vst v63  }
0x4f: {  	s22 =	simm.s32 $0x2980  }
0x50: {  	[tilespmem:s23], [sflag:$0x2] =	stream.indirect.gather [hbm4b:s3+s17], $0x80, s22, s17, $0xb8;
	[tilespmem:$0x15000] =	vst v63  }
0x51: {  	_ =	swait.ge [sflag:s24], $0x4000  }
0x52: {  	[sflag:s24] =	ssyncset.done $0x0  }
0x53: {  	[sflag:s24] =	ssyncadd.s32 $0xFFFFC000  }
0x54: {  	_ =	swait.ge [sflag:s24], $0x4000  }
0x55: {  	s0 =	simm.s32 @!p0 $0x28;
	[sflag:s24] =	ssyncset.done $0x0  }
0x56: {  	s0 =	simm.s32 @p0 $0xA;
	s1 =	sadd.s32 $0x0, s14;
	[sflag:s24] =	ssyncadd.s32 $0xFFFFC000  }
0x57: {  	[hbm4b:s1+s2] =	stream.linear.scatter [tilespmem:s18], [sflag:$0x3], $0x4000, $0x38;
	[tilespmem:$0x15000] =	vst v63  }
0x58: {  	s0 =	sshll.u32 s0, $0xC;
	s19 =	sadd.s32 $0x0, s13  }
0x59: {  	[hbm4b:s19+s2] =	stream.linear.scatter [tilespmem:s20], [sflag:$0x3], $0x4000, $0x38;
	[tilespmem:$0x15000] =	vst v63  }
0x5a: {  	s30 =	sadd.s32 $0xFFFFF000, s0;
	_ =	swait.ge [sflag:s25], $0x4000  }
0x5b: {  	p1 =	sne.s32 s30, $0x1000;
	[sflag:s25] =	ssyncset.done $0x0  }
.Ltmp0:
0x5c: {  	[sflag:s25] =	ssyncadd.s32 $0xFFFFC000;
	(pc) =	sbr.rel @!p1 .LBB2_3-.Ltmp0, $4  }
0x5d: {  	s31 =	simm.s32 $0x1000;
	_ =	swait.ge [sflag:s25], $0x4000  }
0x5e: {  	s0 =	simm.s32 $0x2A00;
	s22 =	sadd.s32 $0x0, s15;
	[sflag:s25] =	ssyncset.done $0x0  }
0x5f: {  	s1 =	simm.s32 $0x200;
	s19 =	sadd.s32 $0x0, s16;
	[sflag:s25] =	ssyncadd.s32 $0xFFFFC000  }
0x60: {  	[hbm4b:s22+s2] =	stream.linear.scatter [tilespmem:s21], [sflag:$0x4], $0x4000, $0x38;
	[tilespmem:$0x15000] =	vst v63  }
.LBB2_2:
0x61: {  	[hbm4b:s19+s2] =	stream.linear.scatter [tilespmem:s23], [sflag:$0x4], $0x4000, $0x38;
	[tilespmem:$0x15000] =	vst v63  }
0x62: {  	s19 =	smov.u32 s31;
	s31 =	sadd.s32 $0x1000, s31;
	_ =	swait.ge [sflag:s26], $0x4000  }
0x63: {  	p1 =	sne.s32 s30, s31;
	[sflag:s26] =	ssyncset.done $0x0  }
0x64: {  	[sflag:s26] =	ssyncadd.s32 $0xFFFFC000  }
0x65: {  	_ =	swait.ge [sflag:s26], $0x4000  }
0x66: {  	[sflag:s26] =	ssyncset.done $0x0  }
0x67: {  	[sflag:s26] =	ssyncadd.s32 $0xFFFFC000  }
0x68: {  	_ =	swait.ge [sflag:s28], $0x4000  }
0x69: {  	[sflag:s28] =	ssyncset.done $0x0  }
0x6a: {  	[sflag:s28] =	ssyncadd.s32 $0xFFFFC000  }
0x6b: {  	_ =	swait.ge [sflag:s28], $0x4000  }
0x6c: {  	[sflag:s28] =	ssyncset.done $0x0  }
0x6d: {  	[sflag:s28] =	ssyncadd.s32 $0xFFFFC000  }
0x6e: {  	[tilespmem:s18], [sflag:$0x1] =	stream.indirect.gather [hbm4b:s3+s17], $0x80, s1, s17, $0xb8;
	[tilespmem:$0x15000] =	vst v63  }
0x6f: {  	_ = 	snop  }
0x70: {  	[tilespmem:s20], [sflag:$0x1] =	stream.indirect.gather [hbm4b:s3+s17], $0x80, s0, s17, $0xb8;
	[tilespmem:$0x15000] =	vst v63  }
0x71: {  	s22 =	sadd.s32 $0x80, s1  }
0x72: {  	[tilespmem:s21], [sflag:$0x2] =	stream.indirect.gather [hbm4b:s3+s17], $0x80, s22, s17, $0xb8;
	[tilespmem:$0x15000] =	vst v63  }
0x73: {  	s22 =	sadd.s32 $0x80, s0  }
0x74: {  	[tilespmem:s23], [sflag:$0x2] =	stream.indirect.gather [hbm4b:s3+s17], $0x80, s22, s17, $0xb8;
	[tilespmem:$0x15000] =	vst v63  }
0x75: {  	_ =	swait.ge [sflag:s24], $0x4000  }
0x76: {  	[sflag:s24] =	ssyncset.done $0x0  }
0x77: {  	[sflag:s24] =	ssyncadd.s32 $0xFFFFC000  }
0x78: {  	_ =	swait.ge [sflag:s24], $0x4000  }
0x79: {  	[sflag:s24] =	ssyncset.done $0x0  }
0x7a: {  	s22 =	sadd.s32 s19, s14;
	[sflag:s24] =	ssyncadd.s32 $0xFFFFC000  }
0x7b: {  	[hbm4b:s22+s2] =	stream.linear.scatter [tilespmem:s18], [sflag:$0x3], $0x4000, $0x38;
	[tilespmem:$0x15000] =	vst v63  }
0x7c: {  	s22 =	sadd.s32 s19, s13  }
0x7d: {  	[hbm4b:s22+s2] =	stream.linear.scatter [tilespmem:s20], [sflag:$0x3], $0x4000, $0x38;
	[tilespmem:$0x15000] =	vst v63  }
0x7e: {  	_ =	swait.ge [sflag:s25], $0x4000  }
0x7f: {  	[sflag:s25] =	ssyncset.done $0x0  }
0x80: {  	[sflag:s25] =	ssyncadd.s32 $0xFFFFC000  }
.Ltmp1:
0x81: {  	_ =	swait.ge [sflag:s25], $0x4000;
	(pc) =	sbr.rel @p1 .LBB2_2-.Ltmp1, $4  }
0x82: {  	[sflag:s25] =	ssyncset.done $0x0  }
0x83: {  	s22 =	sadd.s32 s19, s15;
	[sflag:s25] =	ssyncadd.s32 $0xFFFFC000  }
0x84: {  	[hbm4b:s22+s2] =	stream.linear.scatter [tilespmem:s21], [sflag:$0x4], $0x4000, $0x38;
	[tilespmem:$0x15000] =	vst v63  }
0x85: {  	s1 =	sadd.s32 $0x100, s1;
	s0 =	sadd.s32 $0x100, s0;
	s19 =	sadd.s32 s19, s16  }
.LBB2_3:
0x86: {  	[hbm4b:s19+s2] =	stream.linear.scatter [tilespmem:s23], [sflag:$0x4], $0x4000, $0x38;
	[tilespmem:$0x15000] =	vst v63  }
0x87: {  	_ =	swait.ge [sflag:s26], $0x4000  }
0x88: {  	[sflag:s26] =	ssyncset.done $0x0  }
0x89: {  	[sflag:s26] =	ssyncadd.s32 $0xFFFFC000  }
0x8a: {  	_ =	swait.ge [sflag:s26], $0x4000  }
0x8b: {  	[sflag:s26] =	ssyncset.done $0x0  }
0x8c: {  	s29 =	sadd.s32 $0x1, s29;
	[sflag:s26] =	ssyncadd.s32 $0xFFFFC000  }
0x8d: {  	p1 =	sne.s32 s29, s8;
	_ =	swait.ge [sflag:s28], $0x4000  }
.Ltmp2:
0x8e: {  	[sflag:s28] =	ssyncset.done $0x0;
	(pc) =	sbr.rel @p1 .LBB2_1-.Ltmp2, $4  }
0x8f: {  	[sflag:s28] =	ssyncadd.s32 $0xFFFFC000  }
0x90: {  	_ =	swait.ge [sflag:s28], $0x4000  }
0x91: {  	[sflag:s28] =	ssyncset.done $0x0  }
0x92: {  	[sflag:s28] =	ssyncadd.s32 $0xFFFFC000  }
0x93: {  	_ =	sfence.sel $0x180000  }
0x94: {  	[bflag:$0x0] =	sbarrier.arrive $0xFFFF  }
0x95: {  	_ =	strace $0x90000047  }
0x96: {  	s0 =	stileid.u32;
	[bflag:$0x2] =	sbarrier.arrive $0xFFFF  }
0x97: {  	p0 =	sne.s32 s0, $0x0;
	s0 =	rddreg [dreg:$0x2]  }
0x98: {  	s0 =	sadd.s32 @!p0 $0x100000, s0  }
0x99: {  	[sflag:s0] =	ssyncadd.tile.s32 @!p0 $0x1;
	_ =	shalt  }
.Lfunc_end2:
_tile_overlayer_lowered:
.L_overlay_start_2:
0x9a: {  	(tag) =	ssettag $0x2  }
0x9b: {  	s0 =	rddreg [dreg:$0x0];
	s2 =	stileid.u32  }
0x9c: {  	s1 =	rddreg [dreg:$0x1];
	p0 =	sne.s32 s2, $0x0  }
0x9d: {  	s3 =	rddreg [dreg:$0x2];
	[bflag:$0x3] =	sbarrier.arrive $0xFFFF;
	s2 =	simm.s32 @!p0 $0x1C05  }
0x9e: {  	[timem:s3], [sflag:s2] =	dma.local @!p0 [hbm:s0], s1  }
0x9f: {  	s0 =	simm.s32 @!p0 $0x5  }
0xa0: {  	_ =	swait.ge @!p0 [sflag:s0], s1  }
0xa1: {  	s1 =	ssub.s32 @!p0 $0x0, s1;
	[sflag:s0] =	ssyncset.done @!p0 $0x0  }
0xa2: {  	[sflag:s0] =	ssyncadd.s32 @!p0 s1  }
0xa3: {  	[bflag:$0x3] =	sbarrier.arrive $0xFFFF  }
0xa4: {  	_ =	shalt  }

// kernel: kernel.22.cloned.1.call-start
scs
__scs_entry_jumppad:
0x0: {  	(pc) =	sbr.rel $0x88, $3  }
0x1: {  	(tag) =	ssettag $0x0;
	lr =	simm.s32 $0x1  }
0x2: {  	[smem:$0x3F78] =	sst lr;
	_ =	strace $0xD0000000  }
0x3: {  	_ = 	snop  }
0x4: {  	_ = 	snop  }
0x5: {  	_ = 	snop  }
0x6: {  	_ = 	snop  }
0x7: {  	_ = 	snop  }
__scs_overlays_trampoline_lowered:
0x8: {  	[smem:$0x3F87] =	sst s0  }
0x9: {  	[smem:$0x3F88] =	sst s1  }
0xa: {  	[smem:$0x3F89] =	sst s2  }
0xb: {  	[smem:$0x3F8A] =	sst s3  }
0xc: {  	[smem:$0x3F8B] =	sst s4  }
0xd: {  	[smem:$0x3F8C] =	sst s5  }
0xe: {  	[smem:$0x3F8D] =	sst s6  }
0xf: {  	[smem:$0x3F8E] =	sst s7  }
0x10: {  	[smem:$0x3F8F] =	sst s8  }
0x11: {  	[smem:$0x3F90] =	sst s9;
	s0 =	simm.s32 @!p0 $0x0  }
0x12: {  	s1 =	sld [smem:$0x3F76];
	s0 =	simm.s32 @p0 $0x1  }
0x13: {  	[smem:$0x3F91] =	sst s0;
	s0 =	simm.s32 @!p1 $0x0  }
0x14: {  	s2 =	sld [smem:$0x3F75];
	s0 =	simm.s32 @p1 $0x1  }
0x15: {  	[smem:$0x3F92] =	sst s0;
	s0 =	simm.s32 @!p2 $0x0  }
0x16: {  	s3 =	sld [smem:$0x3FDB];
	s0 =	simm.s32 @p2 $0x1  }
0x17: {  	s4 =	simm.s32 $0x1BF5;
	[smem:$0x3F94] =	sst s0  }
0x18: {  	s0 =	sld [smem:$0x3F77];
	_ =	swait.ge [sflag:s4], $0x0  }
0x19: {  	s7 =	sld [smem:$0x3F78]  }
0x1a: {  	s8 =	sadd.s32 $0xFFFFE003, lr  }
0x1b: {  	s9 =	sadd.s32 $0xFFFFFEF7, lr;
	s5 =	simm.s32 $0xFFFFFFFF;
	p2 =	slt.u32 s8, $0xFFFFF086  }
0x1c: {  	p1 =	slt.u32 s9, $0xF7A;
	s5 =	simm.s32 @!p2 $0x0  }
0x1d: {  	s5 =	simm.s32 @p1 $0x1;
	p0 =	seq.s32 s7, s2  }
0x1e: {  	s7 =	smul.u32 @!p0 $0xF7A, s2;
	p2 =	seq.s32 @!p0 s5, $0x0  }
0x1f: {  	s9 =	smul.u32 $0xF7A, s1;
	s8 =	simm.s32 @!p0 $0x1BF5;
	p2 =	por !p2, p0  }
0x20: {  	[sflag:s8] =	ssyncset.s32 @!p0 $0xFFFFF086;
	s6 =	sadd.s32 @!p0 s3, s7;
	s7 =	simm.s32 @!p0 $0x108  }
0x21: {  	s3 =	sadd.s32 s3, s9;
	s6 =	sadd.s32 @!p0 $0x88, s6;
	s7 =	simm.s32 @p2 $0x1082  }
0x22: {  	[simem:s7], [sflag:s8] =	dma.local @!p0 [hbm:s6], $0xF7A  }
0x23: {  	s9 =	sor.u32 $0xD0000000, s2;
	s6 =	simm.s32 $0x108;
	_ =	swait.ge @!p0 [sflag:s8], $0x0  }
0x24: {  	s3 =	sadd.s32 $0x88, s3;
	s6 =	simm.s32 @!p1 $0x1082;
	[sflag:s4] =	ssyncset.s32 $0xFFFFF086  }
0x25: {  	[simem:s6], [sflag:s4] =	dma.local [hbm:s3], $0xF7A  }
0x26: {  	[smem:$0x3F78] =	sst s1;
	(tag) =	ssettag s2;
	_ =	strace s9  }
0x27: {  	s1 =	sld [smem:$0x3F88]  }
0x28: {  	s2 =	sld [smem:$0x3F89]  }
0x29: {  	s4 =	sld [smem:$0x3F8B]  }
0x2a: {  	p0 =	seq.s32 s5, $0x0;
	s5 =	sld [smem:$0x3F8C]  }
0x2b: {  	s6 =	sld [smem:$0x3F8D]  }
0x2c: {  	s7 =	sld [smem:$0x3F8E]  }
0x2d: {  	s3 =	simm.s32 $0x108;
	s8 =	sld [smem:$0x3F8F]  }
0x2e: {  	s3 =	simm.s32 @!p0 $0x1082;
	s9 =	sld [smem:$0x3F90]  }
0x2f: {  	lr =	sadd.s32 s0, s3;
	s0 =	sld [smem:$0x3F87]  }
0x30: {  	s3 =	sld [smem:$0x3F8A]  }
0x31: {  	[smem:$0x3F93] =	sst s10  }
0x32: {  	s10 =	sld [smem:$0x3F91];
	_ =	sdelay $0x3  }
0x33: {  	p0 =	seq.s32 s10, $0x1;
	s10 =	sld [smem:$0x3F93];
	_ =	sdelay $0x3  }
0x34: {  	[smem:$0x3F93] =	sst s10  }
0x35: {  	s10 =	sld [smem:$0x3F92];
	_ =	sdelay $0x3  }
0x36: {  	p1 =	seq.s32 s10, $0x1;
	s10 =	sld [smem:$0x3F93];
	_ =	sdelay $0x3  }
0x37: {  	[smem:$0x3F93] =	sst s10  }
0x38: {  	s10 =	sld [smem:$0x3F94]  }
0x39: {  	_ = 	snop;
	(pc) =	sbr.ind lr, $3  }
0x3a: {  	_ = 	snop  }
0x3b: {  	_ = 	snop  }
0x3c: {  	p2 =	seq.s32 s10, $0x1;
	s10 =	sld [smem:$0x3F93]  }
0x3d: {  	_ =	shalt  }
0x3e: {  	_ =	shalt  }
0x3f: {  	_ =	shalt  }
0x40: {  	_ =	shalt  }
0x41: {  	_ =	shalt  }
0x42: {  	_ =	shalt  }
0x43: {  	_ =	shalt  }
0x44: {  	_ =	shalt  }
0x45: {  	_ =	shalt  }
0x46: {  	_ =	shalt  }
0x47: {  	_ =	shalt  }
0x48: {  	_ =	shalt  }
0x49: {  	_ =	shalt  }
0x4a: {  	_ =	shalt  }
0x4b: {  	_ =	shalt  }
0x4c: {  	_ =	shalt  }
0x4d: {  	_ =	shalt  }
0x4e: {  	_ =	shalt  }
0x4f: {  	_ =	shalt  }
0x50: {  	_ =	shalt  }
0x51: {  	_ =	shalt  }
0x52: {  	_ =	shalt  }
0x53: {  	_ =	shalt  }
0x54: {  	_ =	shalt  }
0x55: {  	_ =	shalt  }
0x56: {  	_ =	shalt  }
0x57: {  	_ =	shalt  }
0x58: {  	_ =	shalt  }
0x59: {  	_ =	shalt  }
0x5a: {  	_ =	shalt  }
0x5b: {  	_ =	shalt  }
0x5c: {  	_ =	shalt  }
0x5d: {  	_ =	shalt  }
0x5e: {  	_ =	shalt  }
0x5f: {  	_ =	shalt  }
0x60: {  	_ =	shalt  }
0x61: {  	_ =	shalt  }
0x62: {  	_ =	shalt  }
0x63: {  	_ =	shalt  }
0x64: {  	_ =	shalt  }
0x65: {  	_ =	shalt  }
0x66: {  	_ =	shalt  }
0x67: {  	_ =	shalt  }
0x68: {  	_ =	shalt  }
0x69: {  	_ =	shalt  }
0x6a: {  	_ =	shalt  }
0x6b: {  	_ =	shalt  }
0x6c: {  	_ =	shalt  }
0x6d: {  	_ =	shalt  }
0x6e: {  	_ =	shalt  }
0x6f: {  	_ =	shalt  }
0x70: {  	_ =	shalt  }
0x71: {  	_ =	shalt  }
0x72: {  	_ =	shalt  }
0x73: {  	_ =	shalt  }
0x74: {  	_ =	shalt  }
0x75: {  	_ =	shalt  }
0x76: {  	_ =	shalt  }
0x77: {  	_ =	shalt  }
0x78: {  	_ =	shalt  }
0x79: {  	_ =	shalt  }
0x7a: {  	_ =	shalt  }
0x7b: {  	_ =	shalt  }
0x7c: {  	_ =	shalt  }
0x7d: {  	_ =	shalt  }
0x7e: {  	_ =	shalt  }
0x7f: {  	_ =	shalt  }
0x80: {  	_ =	shalt  }
0x81: {  	_ =	shalt  }
0x82: {  	_ =	shalt  }
0x83: {  	_ =	shalt  }
0x84: {  	_ =	shalt  }
0x85: {  	_ =	shalt  }
0x86: {  	_ =	shalt  }
0x87: {  	_ =	shalt  }
.Lfunc_end0:
.L_simem_size_0:
called_computation.1_lowered:
.L_overlay_start_0:
0x88: {  	s2 =	sld [smem:$0x3FD9]  }
0x89: {  	s3 =	sld [smem:$0x3FFE];
	_ =	sdelay $0x1  }
0x8a: {  	s1 =	srdreg.scid  }
0x8b: {  	s0 =	sand.u32 $0x1, s1  }
0x8c: {  	s17 =	sshll.u32 s0, $0xA;
	s2 =	sadd.s32 s3, s2  }
0x8d: {  	s2 =	sadd.s32 s2, s17  }
0x8e: {  	[smem:$0x3F9F] =	sst s2  }
0x8f: {  	_ = 	snop  }
0x90: {  	s2 =	sld [smem:$0x3FD0];
	(tm) =	ssettm $0x1  }
0x91: {  	s18 =	sld [smem:$0x3FFB];
	_ =	sdelay $0x3  }
0x92: {  	_ =	strace s18  }
0x93: {  	s3 =	sld [smem:$0x3FFC];
	_ =	sdelay $0x3  }
0x94: {  	_ =	strace s3  }
0x95: {  	s3 =	sld [smem:$0x3FFD];
	_ =	sdelay $0x3  }
0x96: {  	_ =	strace s3  }
0x97: {  	_ =	strace $0x8FFFFFFF  }
0x98: {  	s19 =	sld [smem:$0x3FDB];
	_ =	sdelay $0x1  }
0x99: {  	s4 =	simm.s32 $_scs_section_size  }
0x9a: {  	s5 =	simm.s32 $_size__tile_overlayer_lowered;
	s6 =	simm.s32 $_tile_overlayer_lowered  }
0x9b: {  	s22 =	simm.s32 $0x1BFF;
	s21 =	sshll.u32 s6, $0x1;
	s3 =	sadd.s32 s4, s19  }
0x9c: {  	s7 =	simm.s32 $0x0;
	s20 =	sshll.u32 s5, $0x1;
	s5 =	sadd.s32 s21, s3  }
0x9d: {  	[timem:s7], [sflag:s22] =	dma.local [hbm:s5], s20  }
0x9e: {  	_ =	swait.ge [sflag:s22], s20  }
0x9f: {  	s4 =	ssub.s32 $0x0, s20;
	[sflag:s22] =	ssyncset.done $0x0  }
0xa0: {  	[sflag:s22] =	ssyncadd.s32 s4;
	_ =	sdelay $0x1  }
0xa1: {  	s23 =	simm.s32 $0x1B8B  }
0xa2: {  	_ =	swait.ge [sflag:s23], $0x1  }
0xa3: {  	[sflag:s23] =	ssyncset.done $0x0  }
0xa4: {  	s25 =	simm.s32 $0x1B8E;
	s24 =	sld [smem:$0x3FFE];
	[sflag:s23] =	ssyncadd.s32 $0xFFFFFFFF  }
0xa5: {  	s26 =	simm.s32 $execute0_lowered;
	[smem:$0x3FD2] =	sst s25  }
0xa6: {  	s5 =	sshll.u32 s26, $0x1;
	_ =	strace $0x80000049;
	[dreg:$0x1] =	wrdreg $0xFFFFFFFF  }
0xa7: {  	s28 =	simm.s32 $_size_execute0_lowered;
	s3 =	sadd.s32 s3, s5;
	[dreg:$0x0] =	wrdreg $0x0  }
0xa8: {  	s5 =	sshll.u32 s28, $0x1;
	[dreg:$0x2] =	wrdreg s3  }
0xa9: {  	[dreg:$0x3] =	wrdreg s5  }
0xaa: {  	[dreg:$0x4] =	wrdreg $0xC0  }
0xab: {  	_ =	task [dreg:s7], $0x5FFFF  }
0xac: {  	[dreg:$0x1] =	wrdreg $0xFFFFFFFF  }
0xad: {  	[dreg:$0x0] =	wrdreg $0x60  }
0xae: {  	[dreg:$0x2] =	wrdreg s24  }
0xaf: {  	[dreg:$0x3] =	wrdreg s2  }
0xb0: {  	[dreg:$0x4] =	wrdreg $0x68000  }
0xb1: {  	[dreg:$0x5] =	wrdreg $0x9  }
0xb2: {  	_ =	task.clear_ibuf [dreg:s7], $0x6FFFF;
	_ =	strace $0x90000049  }
0xb3: {  	s29 =	simm.s32 $0x9;
	_ =	strace $0x8000004B  }
0xb4: {  	_ =	swait.ge [sflag:s29], $0x1  }
0xb5: {  	[sflag:s29] =	ssyncadd.s32 $0xFFFFFFFF  }
0xb6: {  	_ =	strace $0x9000004B  }
0xb7: {  	_ =	sfence  }
0xb8: {  	s30 =	sld [smem:$0x0];
	_ =	sdelay $0x2  }
0xb9: {  	s31 =	sshll.u32 s1, $0xD;
	s1 =	sshrl.u32 s1, $0x2  }
0xba: {  	s3 =	sand.u32 $0x4000, s31;
	s1 =	sadd.s32 s1, s30  }
0xbb: {  	s0 =	sor.u32 s3, s0;
	s1 =	sshll.u32 s1, $0x11  }
0xbc: {  	s0 =	sor.u32 s1, s0  }
0xbd: {  	s0 =	sadd.s32 $0x8F2B, s0  }
0xbe: {  	[sflag:s0] =	ssyncadd.remote.s32 $0x1  }
0xbf: {  	_ =	sfence.sel $0xFFFF  }
0xc0: {  	[dreg:$0x0] =	wrdreg $0xFFFFFFFF;
	(pc) =	sbr.abs _section_cstart, $3  }
0xc1: {  	[dreg:$0x1] =	wrdreg $0xFFFFFFFF  }
0xc2: {  	_ =	task.clear_ibuf [dreg:s7], $0x2FFFF;
	_ =	strace $0x9FFFFFFF  }
0xc3: {  	(tm) =	ssettm $0x7FFFFFFF  }
tec
execute0_lowered:
.L_overlay_start_1:
0x0: {  	(tag) =	ssettag $0x1  }
0x1: {  	s4 =	rddreg [dreg:$0x0]  }
0x2: {  	s7 =	rddreg [dreg:$0x1];
	s0 =	stileid.u32  }
0x3: {  	s1 =	srdreg.scid;
	s2 =	rddreg [dreg:$0x2]  }
0x4: {  	s3 =	simm.s32 $0x0;
	s18 =	simm.s32 $0x80;
	s19 =	simm.s32 $0x4800  }
0x5: {  	s20 =	simm.s32 $0x1;
	s6 =	sand.u32 $0x1, s1;
	s1 =	rddreg [dreg:$0x3]  }
0x6: {  	s21 =	simm.s32 $0x2;
	s5 =	smul.u32 $0xA000, s0;
	[smem:$0x7FF] =	sst s3  }
0x7: {  	s10 =	sadd.s32 $0xA4DC00, s4;
	s26 =	sshll.u32 s0, $0x1;
	s28 =	smul.u32 $0x5000, s0  }
0x8: {  	s29 =	sshll.u32 s0, $0x6;
	s8 =	smul.u32 $0xA0000, s6;
	_ =	strace $0x8000004A  }
0x9: {  	s11 =	ssub.s32 $0x2, s6;
	s14 =	sor.u32 s6, s26;
	s6 =	smul.u32 $0x2800, s6  }
0xa: {  	s9 =	sshrl.u32 s5, $0x3;
	s25 =	sshrl.u32 s11, $0x1;
	s30 =	smul.u32 $0x500, s14  }
0xb: {  	s15 =	sadd.s32 s5, s2;
	s16 =	smul.u32 $0x28000, s14;
	p0 =	seq.s32 s14, $0x1F  }
0xc: {  	s8 =	sadd.s32 s5, s8;
	s9 =	sadd.s32 s9, s4;
	s11 =	ssub.s32 s11, s25  }
0xd: {  	s5 =	sor.u32 $0x1C03, s29;
	s14 =	sshrl.u32 s15, $0x3;
	s8 =	sshrl.u32 s8, $0x3  }
0xe: {  	s15 =	simm.s32 $0x3;
	s12 =	sadd.s32 s8, s4;
	s4 =	sadd.s32 $0x14600, s9  }
0xf: {  	s8 =	sadd.s32 s6, s28;
	s6 =	sadd.s32 s7, s30;
	s7 =	sadd.s32 $0x9B00, s7  }
0x10: {  	s17 =	sshll.u32 s8, $0x4;
	s8 =	sadd.s32 s10, s16;
	s9 =	sadd.s32 $0x89C00, s12  }
0x11: {  	s16 =	simm.s32 $0x40;
	s31 =	sadd.s32 s17, s10;
	s10 =	smax.u32 s11, $0x1  }
0x12: {  	s17 =	simm.s32 $0x2800;
	s11 =	sadd.s32 $0x1000, s31;
	s12 =	sadd.s32 $0x800, s31  }
.LBB2_1:
0x13: {  	[spmem:s14], [sflag:s5] =	dma.local [hbm:s4], $0x1400  }
0x14: {  	_ =	swait.ge [sflag:s15], $0x1400  }
0x15: {  	[sflag:s15] =	ssyncset.done $0x0  }
0x16: {  	[sflag:s15] =	ssyncadd.s32 $0xFFFFEC00  }
0x17: {  	s22 =	simm.s32 @p0 $0x0;
	[bflag:$0x0] =	sbarrier.arrive $0xFFFF  }
0x18: {  	[tilespmem:s22], [sflag:$0x3] =	stream.linear.gather @p0 [hbm4b:s7+s22], $0xA00, $0x38;
	[tilespmem:$0x10800] =	vst v63  }
0x19: {  	s22 =	simm.s32 @p0 $0x3  }
0x1a: {  	_ =	swait.ge @p0 [sflag:s22], $0xA00  }
0x1b: {  	[sflag:s22] =	ssyncset.done @p0 $0x0  }
0x1c: {  	[sflag:s22] =	ssyncadd.s32 @p0 $0xFFFFF600;
	s22 =	simm.s32 @!p0 $0x0  }
0x1d: {  	[tilespmem:s22], [sflag:$0x3] =	stream.linear.gather @!p0 [hbm4b:s6+s22], $0x2800, $0x38;
	[tilespmem:$0x10800] =	vst v63  }
0x1e: {  	s22 =	simm.s32 @!p0 $0x28  }
0x1f: {  	s22 =	simm.s32 @p0 $0xA  }
0x20: {  	s31 =	sshll.u32 s22, $0xC  }
0x21: {  	s28 =	sadd.s32 $0xFFFFF000, s31  }
0x22: {  	p2 =	sne.s32 s28, $0x1000  }
.Ltmp0:
0x23: {  	s23 =	simm.s32 @!p0 $0x3;
	(pc) =	sbr.rel @!p2 .LBB2_2-.Ltmp0, $4  }
0x24: {  	_ =	swait.ge @!p0 [sflag:s23], $0x2800  }
0x25: {  	[sflag:s23] =	ssyncset.done @!p0 $0x0  }
0x26: {  	s25 =	simm.s32 $0x1000;
	p1 =	por $0x0, $0x0;
	[sflag:s23] =	ssyncadd.s32 @!p0 $0xFFFFD800  }
0x27: {  	[tilespmem:s17], [sflag:$0x1] =	stream.strided.gather [hbm4b:s8+s16], $0x2000, s18, s16, $0x38;
	[tilespmem:$0x10800] =	vst v63  }
0x28: {  	s23 =	sadd.s32 $0x0, s12  }
0x29: {  	[tilespmem:s19], [sflag:$0x2] =	stream.strided.gather [hbm4b:s23+s16], $0x2000, s18, s16, $0x38;
	[tilespmem:$0x10800] =	vst v63  }
0x2a: {  	_ =	swait.ge [sflag:s20], $0x2000  }
0x2b: {  	[sflag:s20] =	ssyncset.done $0x0  }
0x2c: {  	s30 =	simm.s32 $0x0;
	[sflag:s20] =	ssyncadd.s32 $0xFFFFE000  }
0x2d: {  	[spmem:s2] =	stream.indirect.scatter.add.f32 [tilespmem:s17], [sflag:$0x3], $0x40, s30, s18, $0xb8;
	[tilespmem:$0x10800] =	vst v63  }
0x2e: {  	_ =	swait.ge [sflag:s15], $0x2000  }
0x2f: {  	[sflag:s15] =	ssyncset.done $0x0  }
0x30: {  	s31 =	sadd.s32 $0x0, s11;
	[sflag:s15] =	ssyncadd.s32 $0xFFFFE000  }
0x31: {  	[tilespmem:s17], [sflag:$0x1] =	stream.strided.gather [hbm4b:s31+s16], $0x2000, s18, s16, $0x38;
	[tilespmem:$0x10800] =	vst v63  }
0x32: {  	p2 =	sne.s32 s28, $0x2000;
	_ =	swait.ge [sflag:s21], $0x2000  }
.Ltmp1:
0x33: {  	[sflag:s21] =	ssyncset.done $0x0;
	(pc) =	sbr.rel @!p2 .LBB2_6-.Ltmp1, $4  }
0x34: {  	[sflag:s21] =	ssyncadd.s32 $0xFFFFE000  }
0x35: {  	[spmem:s2] =	stream.indirect.scatter.add.f32 [tilespmem:s19], [sflag:$0x3], $0x40, s18, s18, $0xb8;
	[tilespmem:$0x10800] =	vst v63  }
0x36: {  	s26 =	simm.s32 $0x2;
	s24 =	simm.s32 $0x180;
	_ =	swait.ge [sflag:s15], $0x2000  }
0x37: {  	p1 =	por $0x1, $0x1;
	s23 =	simm.s32 $0x2000;
	[sflag:s15] =	ssyncset.done $0x0  }
.LBB2_4:
0x38: {  	s13 =	sadd.s32 s25, s12  }
0x39: {  	[sflag:s15] =	ssyncadd.s32 $0xFFFFE000;
	s29 =	smov.u32 s23;
	s23 =	sadd.s32 $0x1000, s23  }
0x3a: {  	[tilespmem:s19], [sflag:$0x2] =	stream.strided.gather [hbm4b:s13+s16], $0x2000, s18, s16, $0x38;
	[tilespmem:$0x10800] =	vst v63  }
0x3b: {  	p2 =	sne.s32 s28, s23;
	_ =	swait.ge [sflag:s20], $0x2000  }
0x3c: {  	[sflag:s20] =	ssyncset.done $0x0  }
0x3d: {  	s13 =	sadd.s32 $0xFFFFFF80, s24;
	[sflag:s20] =	ssyncadd.s32 $0xFFFFE000  }
0x3e: {  	[spmem:s2] =	stream.indirect.scatter.add.f32 [tilespmem:s17], [sflag:$0x3], $0x40, s13, s18, $0xb8;
	[tilespmem:$0x10800] =	vst v63  }
0x3f: {  	_ =	swait.ge [sflag:s15], $0x2000  }
0x40: {  	[sflag:s15] =	ssyncset.done $0x0  }
0x41: {  	s13 =	sadd.s32 s25, s11;
	s25 =	smov.u32 s29;
	[sflag:s15] =	ssyncadd.s32 $0xFFFFE000  }
0x42: {  	[tilespmem:s17], [sflag:$0x1] =	stream.strided.gather [hbm4b:s13+s16], $0x2000, s18, s16, $0x38;
	[tilespmem:$0x10800] =	vst v63  }
0x43: {  	_ =	swait.ge [sflag:s21], $0x2000  }
.Ltmp2:
0x44: {  	[sflag:s21] =	ssyncset.done $0x0;
	(pc) =	sbr.rel @p2 .LBB2_4-.Ltmp2, $4  }
0x45: {  	[sflag:s21] =	ssyncadd.s32 $0xFFFFE000  }
0x46: {  	[spmem:s2] =	stream.indirect.scatter.add.f32 [tilespmem:s19], [sflag:$0x3], $0x40, s24, s18, $0xb8;
	[tilespmem:$0x10800] =	vst v63  }
0x47: {  	s13 =	sadd.s32 $0x100, s24;
	_ =	swait.ge [sflag:s15], $0x2000  }
0x48: {  	s26 =	sadd.s32 $0x1, s26;
	s24 =	smov.u32 s13;
	[sflag:s15] =	ssyncset.done $0x0  }
0x49: {  	s24 =	smov.u32 s13  }
.LBB2_6:
0x4a: {  	s28 =	sadd.s32 s25, s12;
	[sflag:s15] =	ssyncadd.s32 @p1 $0xFFFFE000  }
0x4b: {  	[tilespmem:s19], [sflag:$0x2] =	stream.strided.gather [hbm4b:s28+s16], $0x2000, s18, s16, $0x38;
	[tilespmem:$0x10800] =	vst v63  }
0x4c: {  	_ =	swait.ge [sflag:s20], $0x2000  }
0x4d: {  	[sflag:s20] =	ssyncset.done $0x0  }
0x4e: {  	s30 =	sadd.s32 $0xFFFFFF80, s24;
	[sflag:s20] =	ssyncadd.s32 $0xFFFFE000  }
0x4f: {  	[spmem:s2] =	stream.indirect.scatter.add.f32 [tilespmem:s17], [sflag:$0x3], $0x40, s30, s18, $0xb8;
	[tilespmem:$0x10800] =	vst v63  }
0x50: {  	_ =	swait.ge [sflag:s15], $0x2000  }
0x51: {  	[sflag:s15] =	ssyncset.done $0x0  }
0x52: {  	s31 =	sadd.s32 s25, s11;
	[sflag:s15] =	ssyncadd.s32 $0xFFFFE000  }
0x53: {  	[tilespmem:s17], [sflag:$0x1] =	stream.strided.gather [hbm4b:s31+s16], $0x2000, s18, s16, $0x38;
	[tilespmem:$0x10800] =	vst v63  }
0x54: {  	_ =	swait.ge [sflag:s21], $0x2000  }
0x55: {  	[sflag:s21] =	ssyncset.done $0x0  }
0x56: {  	[sflag:s21] =	ssyncadd.s32 $0xFFFFE000  }
0x57: {  	[spmem:s2] =	stream.indirect.scatter.add.f32 [tilespmem:s19], [sflag:$0x3], $0x40, s24, s18, $0xb8;
	[tilespmem:$0x10800] =	vst v63  }
0x58: {  	_ =	swait.ge [sflag:s15], $0x2000  }
0x59: {  	[sflag:s15] =	ssyncset.done $0x0  }
0x5a: {  	s28 =	sadd.s32 s23, s12;
	[sflag:s15] =	ssyncadd.s32 $0xFFFFE000  }
0x5b: {  	[tilespmem:s19], [sflag:$0x2] =	stream.strided.gather [hbm4b:s28+s16], $0x2000, s18, s16, $0x38;
	[tilespmem:$0x10800] =	vst v63  }
0x5c: {  	_ =	swait.ge [sflag:s20], $0x2000  }
0x5d: {  	[sflag:s20] =	ssyncset.done $0x0  }
0x5e: {  	s29 =	sadd.s32 $0x80, s13;
	s30 =	sadd.s32 $0x1, s26;
	[sflag:s20] =	ssyncadd.s32 $0xFFFFE000  }
0x5f: {  	[spmem:s2] =	stream.indirect.scatter.add.f32 [tilespmem:s17], [sflag:$0x3], $0x40, s29, s18, $0xb8;
	[tilespmem:$0x10800] =	vst v63  }
0x60: {  	p1 =	sge.u32 s30, s22;
	_ =	swait.ge [sflag:s15], $0x2000  }
0x61: {  	s22 =	sadd.s32 @!p1 s23, s11;
	s23 =	simm.s32 @!p1 $0x40;
	[sflag:s15] =	ssyncset.done $0x0  }
0x62: {  	s25 =	simm.s32 @!p1 $0x80;
	s26 =	simm.s32 @!p1 $0x2800;
	[sflag:s15] =	ssyncadd.s32 $0xFFFFE000  }
0x63: {  	[tilespmem:s26], [sflag:$0x1] =	stream.strided.gather @!p1 [hbm4b:s22+s23], $0x2000, s25, s23, $0x38;
	[tilespmem:$0x10800] =	vst v63  }
0x64: {  	_ =	swait.ge [sflag:s21], $0x2000  }
0x65: {  	[sflag:s21] =	ssyncset.done $0x0  }
0x66: {  	s31 =	sadd.s32 $0x100, s24;
	[sflag:s21] =	ssyncadd.s32 $0xFFFFE000  }
0x67: {  	[spmem:s2] =	stream.indirect.scatter.add.f32 [tilespmem:s19], [sflag:$0x3], $0x40, s31, s18, $0xb8;
	[tilespmem:$0x10800] =	vst v63  }
0x68: {  	_ =	swait.ge [sflag:s15], $0x2000  }
0x69: {  	[sflag:s15] =	ssyncset.done $0x0  }
0x6a: {  	s3 =	sadd.s32 $0x1, s3;
	[sflag:s15] =	ssyncadd.s32 $0xFFFFE000  }
0x6b: {  	p1 =	sne.s32 s3, s10;
	[bflag:$0x0] =	sbarrier.arrive $0xFFFF  }
0x6c: {  	[hbm:s9], [sflag:s5] =	dma.local [spmem:s14], $0x1400  }
.Ltmp3:
0x6d: {  	_ = 	snop;
	(pc) =	sbr.rel @p1 .LBB2_1-.Ltmp3, $4  }
.Ltmp4:
0x6e: {  	_ = 	snop;
	(pc) =	sbr.rel @!p1 .LBB2_7-.Ltmp4, $4  }
0x6f: {  	_ =	swait.ge [sflag:s15], $0x1400  }
0x70: {  	[sflag:s15] =	ssyncset.done $0x0  }
0x71: {  	[sflag:s15] =	ssyncadd.s32 $0xFFFFEC00  }
0x72: {  	_ = 	snop  }
.LBB2_2:
.Ltmp5:
0x73: {  	(pc) =	sbr.rel .LBB2_6-.Ltmp5, $3  }
0x74: {  	_ =	sdelay $0x1  }
0x75: {  	s23 =	simm.s32 $0x1000  }
0x76: {  	s25 =	simm.s32 $0x0;
	s24 =	simm.s32 $0x80;
	s26 =	simm.s32 $0x1  }
.LBB2_7:
0x77: {  	_ =	sfence.sel $0x180000  }
0x78: {  	[bflag:$0x0] =	sbarrier.arrive $0xFFFF  }
0x79: {  	p0 =	sne.s32 s0, $0x0;
	_ =	strace $0x9000004A  }
0x7a: {  	s0 =	sadd.s32 @!p0 $0x100000, s1;
	[bflag:$0x2] =	sbarrier.arrive $0xFFFF  }
0x7b: {  	[sflag:s0] =	ssyncadd.tile.s32 @!p0 $0x1;
	_ =	shalt  }
.Lfunc_end2:
_tile_overlayer_lowered:
.L_overlay_start_2:
0x7c: {  	(tag) =	ssettag $0x2  }
0x7d: {  	s0 =	rddreg [dreg:$0x0];
	s2 =	stileid.u32  }
0x7e: {  	s1 =	rddreg [dreg:$0x1];
	p0 =	sne.s32 s2, $0x0  }
0x7f: {  	s3 =	rddreg [dreg:$0x2];
	[bflag:$0x3] =	sbarrier.arrive $0xFFFF;
	s2 =	simm.s32 @!p0 $0x1C03  }
0x80: {  	[timem:s3], [sflag:s2] =	dma.local @!p0 [hbm:s0], s1  }
0x81: {  	s0 =	simm.s32 @!p0 $0x3  }
0x82: {  	_ =	swait.ge @!p0 [sflag:s0], s1  }
0x83: {  	s1 =	ssub.s32 @!p0 $0x0, s1;
	[sflag:s0] =	ssyncset.done @!p0 $0x0  }
0x84: {  	[sflag:s0] =	ssyncadd.s32 @!p0 s1  }
0x85: {  	[bflag:$0x3] =	sbarrier.arrive $0xFFFF  }
0x86: {  	_ =	shalt  }

// kernel: kernel.25.cloned.1.call-start
scs
__scs_entry_jumppad:
0x0: {  	(pc) =	sbr.rel $0x88, $3  }
0x1: {  	(tag) =	ssettag $0x0;
	lr =	simm.s32 $0x1  }
0x2: {  	[smem:$0x3F78] =	sst lr;
	_ =	strace $0xD0000000  }
0x3: {  	_ = 	snop  }
0x4: {  	_ = 	snop  }
0x5: {  	_ = 	snop  }
0x6: {  	_ = 	snop  }
0x7: {  	_ = 	snop  }
__scs_overlays_trampoline_lowered:
0x8: {  	[smem:$0x3F87] =	sst s0  }
0x9: {  	[smem:$0x3F88] =	sst s1  }
0xa: {  	[smem:$0x3F89] =	sst s2  }
0xb: {  	[smem:$0x3F8A] =	sst s3  }
0xc: {  	[smem:$0x3F8B] =	sst s4  }
0xd: {  	[smem:$0x3F8C] =	sst s5  }
0xe: {  	[smem:$0x3F8D] =	sst s6  }
0xf: {  	[smem:$0x3F8E] =	sst s7  }
0x10: {  	[smem:$0x3F8F] =	sst s8  }
0x11: {  	[smem:$0x3F90] =	sst s9;
	s0 =	simm.s32 @!p0 $0x0  }
0x12: {  	s1 =	sld [smem:$0x3F76];
	s0 =	simm.s32 @p0 $0x1  }
0x13: {  	[smem:$0x3F91] =	sst s0;
	s0 =	simm.s32 @!p1 $0x0  }
0x14: {  	s2 =	sld [smem:$0x3F75];
	s0 =	simm.s32 @p1 $0x1  }
0x15: {  	[smem:$0x3F92] =	sst s0;
	s0 =	simm.s32 @!p2 $0x0  }
0x16: {  	s3 =	sld [smem:$0x3FDB];
	s0 =	simm.s32 @p2 $0x1  }
0x17: {  	s4 =	simm.s32 $0x1BF5;
	[smem:$0x3F94] =	sst s0  }
0x18: {  	s0 =	sld [smem:$0x3F77];
	_ =	swait.ge [sflag:s4], $0x0  }
0x19: {  	s7 =	sld [smem:$0x3F78]  }
0x1a: {  	s8 =	sadd.s32 $0xFFFFE003, lr  }
0x1b: {  	s9 =	sadd.s32 $0xFFFFFEF7, lr;
	s5 =	simm.s32 $0xFFFFFFFF;
	p2 =	slt.u32 s8, $0xFFFFF086  }
0x1c: {  	p1 =	slt.u32 s9, $0xF7A;
	s5 =	simm.s32 @!p2 $0x0  }
0x1d: {  	s5 =	simm.s32 @p1 $0x1;
	p0 =	seq.s32 s7, s2  }
0x1e: {  	s7 =	smul.u32 @!p0 $0xF7A, s2;
	p2 =	seq.s32 @!p0 s5, $0x0  }
0x1f: {  	s9 =	smul.u32 $0xF7A, s1;
	s8 =	simm.s32 @!p0 $0x1BF5;
	p2 =	por !p2, p0  }
0x20: {  	[sflag:s8] =	ssyncset.s32 @!p0 $0xFFFFF086;
	s6 =	sadd.s32 @!p0 s3, s7;
	s7 =	simm.s32 @!p0 $0x108  }
0x21: {  	s3 =	sadd.s32 s3, s9;
	s6 =	sadd.s32 @!p0 $0x88, s6;
	s7 =	simm.s32 @p2 $0x1082  }
0x22: {  	[simem:s7], [sflag:s8] =	dma.local @!p0 [hbm:s6], $0xF7A  }
0x23: {  	s9 =	sor.u32 $0xD0000000, s2;
	s6 =	simm.s32 $0x108;
	_ =	swait.ge @!p0 [sflag:s8], $0x0  }
0x24: {  	s3 =	sadd.s32 $0x88, s3;
	s6 =	simm.s32 @!p1 $0x1082;
	[sflag:s4] =	ssyncset.s32 $0xFFFFF086  }
0x25: {  	[simem:s6], [sflag:s4] =	dma.local [hbm:s3], $0xF7A  }
0x26: {  	[smem:$0x3F78] =	sst s1;
	(tag) =	ssettag s2;
	_ =	strace s9  }
0x27: {  	s1 =	sld [smem:$0x3F88]  }
0x28: {  	s2 =	sld [smem:$0x3F89]  }
0x29: {  	s4 =	sld [smem:$0x3F8B]  }
0x2a: {  	p0 =	seq.s32 s5, $0x0;
	s5 =	sld [smem:$0x3F8C]  }
0x2b: {  	s6 =	sld [smem:$0x3F8D]  }
0x2c: {  	s7 =	sld [smem:$0x3F8E]  }
0x2d: {  	s3 =	simm.s32 $0x108;
	s8 =	sld [smem:$0x3F8F]  }
0x2e: {  	s3 =	simm.s32 @!p0 $0x1082;
	s9 =	sld [smem:$0x3F90]  }
0x2f: {  	lr =	sadd.s32 s0, s3;
	s0 =	sld [smem:$0x3F87]  }
0x30: {  	s3 =	sld [smem:$0x3F8A]  }
0x31: {  	[smem:$0x3F93] =	sst s10  }
0x32: {  	s10 =	sld [smem:$0x3F91];
	_ =	sdelay $0x3  }
0x33: {  	p0 =	seq.s32 s10, $0x1;
	s10 =	sld [smem:$0x3F93];
	_ =	sdelay $0x3  }
0x34: {  	[smem:$0x3F93] =	sst s10  }
0x35: {  	s10 =	sld [smem:$0x3F92];
	_ =	sdelay $0x3  }
0x36: {  	p1 =	seq.s32 s10, $0x1;
	s10 =	sld [smem:$0x3F93];
	_ =	sdelay $0x3  }
0x37: {  	[smem:$0x3F93] =	sst s10  }
0x38: {  	s10 =	sld [smem:$0x3F94]  }
0x39: {  	_ = 	snop;
	(pc) =	sbr.ind lr, $3  }
0x3a: {  	_ = 	snop  }
0x3b: {  	_ = 	snop  }
0x3c: {  	p2 =	seq.s32 s10, $0x1;
	s10 =	sld [smem:$0x3F93]  }
0x3d: {  	_ =	shalt  }
0x3e: {  	_ =	shalt  }
0x3f: {  	_ =	shalt  }
0x40: {  	_ =	shalt  }
0x41: {  	_ =	shalt  }
0x42: {  	_ =	shalt  }
0x43: {  	_ =	shalt  }
0x44: {  	_ =	shalt  }
0x45: {  	_ =	shalt  }
0x46: {  	_ =	shalt  }
0x47: {  	_ =	shalt  }
0x48: {  	_ =	shalt  }
0x49: {  	_ =	shalt  }
0x4a: {  	_ =	shalt  }
0x4b: {  	_ =	shalt  }
0x4c: {  	_ =	shalt  }
0x4d: {  	_ =	shalt  }
0x4e: {  	_ =	shalt  }
0x4f: {  	_ =	shalt  }
0x50: {  	_ =	shalt  }
0x51: {  	_ =	shalt  }
0x52: {  	_ =	shalt  }
0x53: {  	_ =	shalt  }
0x54: {  	_ =	shalt  }
0x55: {  	_ =	shalt  }
0x56: {  	_ =	shalt  }
0x57: {  	_ =	shalt  }
0x58: {  	_ =	shalt  }
0x59: {  	_ =	shalt  }
0x5a: {  	_ =	shalt  }
0x5b: {  	_ =	shalt  }
0x5c: {  	_ =	shalt  }
0x5d: {  	_ =	shalt  }
0x5e: {  	_ =	shalt  }
0x5f: {  	_ =	shalt  }
0x60: {  	_ =	shalt  }
0x61: {  	_ =	shalt  }
0x62: {  	_ =	shalt  }
0x63: {  	_ =	shalt  }
0x64: {  	_ =	shalt  }
0x65: {  	_ =	shalt  }
0x66: {  	_ =	shalt  }
0x67: {  	_ =	shalt  }
0x68: {  	_ =	shalt  }
0x69: {  	_ =	shalt  }
0x6a: {  	_ =	shalt  }
0x6b: {  	_ =	shalt  }
0x6c: {  	_ =	shalt  }
0x6d: {  	_ =	shalt  }
0x6e: {  	_ =	shalt  }
0x6f: {  	_ =	shalt  }
0x70: {  	_ =	shalt  }
0x71: {  	_ =	shalt  }
0x72: {  	_ =	shalt  }
0x73: {  	_ =	shalt  }
0x74: {  	_ =	shalt  }
0x75: {  	_ =	shalt  }
0x76: {  	_ =	shalt  }
0x77: {  	_ =	shalt  }
0x78: {  	_ =	shalt  }
0x79: {  	_ =	shalt  }
0x7a: {  	_ =	shalt  }
0x7b: {  	_ =	shalt  }
0x7c: {  	_ =	shalt  }
0x7d: {  	_ =	shalt  }
0x7e: {  	_ =	shalt  }
0x7f: {  	_ =	shalt  }
0x80: {  	_ =	shalt  }
0x81: {  	_ =	shalt  }
0x82: {  	_ =	shalt  }
0x83: {  	_ =	shalt  }
0x84: {  	_ =	shalt  }
0x85: {  	_ =	shalt  }
0x86: {  	_ =	shalt  }
0x87: {  	_ =	shalt  }
.Lfunc_end0:
.L_simem_size_0:
called_computation.2_lowered:
.L_overlay_start_0:
0x88: {  	s2 =	sld [smem:$0x3FD9]  }
0x89: {  	s3 =	sld [smem:$0x3FFE];
	_ =	sdelay $0x1  }
0x8a: {  	s1 =	srdreg.scid  }
0x8b: {  	s0 =	sand.u32 $0x1, s1  }
0x8c: {  	s17 =	sshll.u32 s0, $0xA;
	s2 =	sadd.s32 s3, s2  }
0x8d: {  	s2 =	sadd.s32 s2, s17  }
0x8e: {  	[smem:$0x3F9F] =	sst s2  }
0x8f: {  	_ = 	snop  }
0x90: {  	s2 =	sld [smem:$0x3FD0];
	(tm) =	ssettm $0x1  }
0x91: {  	s18 =	sld [smem:$0x3FFB];
	_ =	sdelay $0x3  }
0x92: {  	_ =	strace s18  }
0x93: {  	s3 =	sld [smem:$0x3FFC];
	_ =	sdelay $0x3  }
0x94: {  	_ =	strace s3  }
0x95: {  	s3 =	sld [smem:$0x3FFD];
	_ =	sdelay $0x3  }
0x96: {  	_ =	strace s3  }
0x97: {  	_ =	strace $0x8FFFFFFF  }
0x98: {  	s19 =	sld [smem:$0x3FDB];
	_ =	sdelay $0x1  }
0x99: {  	s4 =	simm.s32 $_scs_section_size  }
0x9a: {  	s5 =	simm.s32 $_size__tile_overlayer_lowered;
	s6 =	simm.s32 $_tile_overlayer_lowered  }
0x9b: {  	s22 =	simm.s32 $0x1BFF;
	s21 =	sshll.u32 s6, $0x1;
	s3 =	sadd.s32 s4, s19  }
0x9c: {  	s7 =	simm.s32 $0x0;
	s20 =	sshll.u32 s5, $0x1;
	s5 =	sadd.s32 s21, s3  }
0x9d: {  	[timem:s7], [sflag:s22] =	dma.local [hbm:s5], s20  }
0x9e: {  	_ =	swait.ge [sflag:s22], s20  }
0x9f: {  	s4 =	ssub.s32 $0x0, s20;
	[sflag:s22] =	ssyncset.done $0x0  }
0xa0: {  	[sflag:s22] =	ssyncadd.s32 s4;
	_ =	sdelay $0x1  }
0xa1: {  	s23 =	simm.s32 $0x1B8B  }
0xa2: {  	_ =	swait.ge [sflag:s23], $0x1  }
0xa3: {  	[sflag:s23] =	ssyncset.done $0x0  }
0xa4: {  	s25 =	simm.s32 $0x1B8E;
	s24 =	sld [smem:$0x3FFE];
	[sflag:s23] =	ssyncadd.s32 $0xFFFFFFFF  }
0xa5: {  	s26 =	simm.s32 $execute0_lowered;
	[smem:$0x3FD2] =	sst s25  }
0xa6: {  	s5 =	sshll.u32 s26, $0x1;
	_ =	strace $0x8000004C;
	[dreg:$0x1] =	wrdreg $0xFFFFFFFF  }
0xa7: {  	s28 =	simm.s32 $_size_execute0_lowered;
	s3 =	sadd.s32 s3, s5;
	[dreg:$0x0] =	wrdreg $0x0  }
0xa8: {  	s5 =	sshll.u32 s28, $0x1;
	[dreg:$0x2] =	wrdreg s3  }
0xa9: {  	[dreg:$0x3] =	wrdreg s5  }
0xaa: {  	[dreg:$0x4] =	wrdreg $0xC0  }
0xab: {  	_ =	task [dreg:s7], $0x5FFFF  }
0xac: {  	[dreg:$0x1] =	wrdreg $0xFFFFFFFF  }
0xad: {  	[dreg:$0x0] =	wrdreg $0x60  }
0xae: {  	[dreg:$0x2] =	wrdreg s24  }
0xaf: {  	[dreg:$0x3] =	wrdreg s2  }
0xb0: {  	[dreg:$0x4] =	wrdreg $0x9  }
0xb1: {  	_ =	task.clear_ibuf [dreg:s7], $0x5FFFF;
	_ =	strace $0x9000004C  }
0xb2: {  	s29 =	simm.s32 $0x9;
	_ =	strace $0x8000004E  }
0xb3: {  	_ =	swait.ge [sflag:s29], $0x1  }
0xb4: {  	[sflag:s29] =	ssyncadd.s32 $0xFFFFFFFF  }
0xb5: {  	_ =	strace $0x9000004E  }
0xb6: {  	_ =	sfence  }
0xb7: {  	s30 =	sld [smem:$0x0];
	_ =	sdelay $0x2  }
0xb8: {  	s31 =	sshll.u32 s1, $0xD;
	s1 =	sshrl.u32 s1, $0x2  }
0xb9: {  	s3 =	sand.u32 $0x4000, s31;
	s1 =	sadd.s32 s1, s30  }
0xba: {  	s0 =	sor.u32 s3, s0;
	s1 =	sshll.u32 s1, $0x11  }
0xbb: {  	s0 =	sor.u32 s1, s0  }
0xbc: {  	s0 =	sadd.s32 $0x8F2B, s0  }
0xbd: {  	[sflag:s0] =	ssyncadd.remote.s32 $0x1  }
0xbe: {  	_ =	sfence.sel $0xFFFF  }
0xbf: {  	[dreg:$0x0] =	wrdreg $0xFFFFFFFF;
	(pc) =	sbr.abs _section_cstart, $3  }
0xc0: {  	[dreg:$0x1] =	wrdreg $0xFFFFFFFF  }
0xc1: {  	_ =	task.clear_ibuf [dreg:s7], $0x2FFFF;
	_ =	strace $0x9FFFFFFF  }
0xc2: {  	(tm) =	ssettm $0x7FFFFFFF  }
0xc3: {  	_ =	shalt  }
tec
execute0_lowered:
.L_overlay_start_1:
0x0: {  	(tag) =	ssettag $0x1  }
0x1: {  	s0 =	srdreg.scid;
	s1 =	rddreg [dreg:$0x0]  }
0x2: {  	s13 =	stileid.u32;
	s7 =	rddreg [dreg:$0x1];
	s18 =	simm.s32 $0x5000  }
0x3: {  	s20 =	simm.s32 $0x9000;
	s21 =	simm.s32 $0xD000;
	s23 =	simm.s32 $0x11000  }
0x4: {  	s24 =	simm.s32 $0x1;
	s25 =	simm.s32 $0x2;
	s26 =	simm.s32 $0x3  }
0x5: {  	s28 =	simm.s32 $0x4;
	s29 =	simm.s32 $0x0;
	s12 =	smul.u32 $0x280000, s13  }
0x6: {  	s0 =	sand.u32 $0x1, s0;
	s2 =	sshll.u32 s13, $0x1;
	s13 =	smul.u32 $0x5000, s13  }
0x7: {  	s3 =	sadd.s32 $0x89C00, s1;
	s15 =	sadd.s32 $0xD8000, s1;
	s31 =	smul.u32 $0x140000, s0  }
0x8: {  	s17 =	sor.u32 s0, s2;
	s6 =	ssub.s32 $0x2, s0;
	s0 =	smul.u32 $0x2800, s0  }
0x9: {  	s16 =	sadd.s32 $0x5BA000, s1;
	s2 =	simm.s32 $0x0;
	s5 =	smul.u32 $0x500, s17  }
0xa: {  	[smem:$0x7FF] =	sst s2;
	s8 =	smul.u32 $0x140000, s17;
	s9 =	sshrl.u32 s6, $0x1  }
0xb: {  	s11 =	smul.u32 $0x28000, s17;
	p0 =	seq.s32 s17, $0x1F;
	s17 =	simm.s32 $0x80  }
0xc: {  	_ =	strace $0x8000004D;
	s9 =	ssub.s32 s6, s9;
	s6 =	sadd.s32 $0x14300, s1  }
0xd: {  	s0 =	sadd.s32 s0, s13;
	s4 =	sadd.s32 s5, s1;
	s5 =	sadd.s32 s7, s5  }
0xe: {  	s7 =	sadd.s32 $0x9B00, s7;
	s10 =	sshrl.u32 s8, $0x3;
	s8 =	smax.u32 s9, $0x1  }
0xf: {  	s14 =	sor.u32 $0x800, s11;
	s1 =	sadd.s32 s31, s12;
	s0 =	sshll.u32 s0, $0x4  }
0x10: {  	s4 =	sadd.s32 $0xA800, s4;
	s9 =	sadd.s32 s15, s10;
	s1 =	sor.u32 $0x8000, s1  }
0x11: {  	s10 =	sadd.s32 s16, s10;
	s11 =	sadd.s32 s15, s14;
	s1 =	sshrl.u32 s1, $0x3  }
0x12: {  	s12 =	sadd.s32 s16, s14;
	s0 =	sor.u32 $0x1800, s0;
	s13 =	sadd.s32 s1, s16  }
0x13: {  	s14 =	sadd.s32 s1, s15;
	s15 =	sadd.s32 s0, s15;
	s16 =	sadd.s32 s0, s16  }
.LBB2_1:
0x14: {  	s0 =	simm.s32 @p0 $0x0;
	s1 =	simm.s32 @p0 $0x5  }
0x15: {  	[tilespmem:s0], [sflag:$0x5] =	stream.linear.gather @p0 [hbm4b:s6+s0], $0xA00, $0x38;
	[tilespmem:$0x15000] =	vst v63  }
0x16: {  	_ =	swait.ge @p0 [sflag:s1], $0xA00  }
0x17: {  	[sflag:s1] =	ssyncset.done @p0 $0x0  }
0x18: {  	s19 =	simm.s32 @p0 $0x2800;
	[sflag:s1] =	ssyncadd.s32 @p0 $0xFFFFF600  }
0x19: {  	[tilespmem:s19], [sflag:$0x5] =	stream.linear.gather @p0 [hbm4b:s7+s0], $0xA00, $0x38;
	[tilespmem:$0x15000] =	vst v63  }
0x1a: {  	_ =	swait.ge @p0 [sflag:s1], $0xA00  }
0x1b: {  	[sflag:s1] =	ssyncset.done @p0 $0x0  }
0x1c: {  	s0 =	simm.s32 @!p0 $0x0;
	[sflag:s1] =	ssyncadd.s32 @p0 $0xFFFFF600;
	s1 =	simm.s32 @!p0 $0x5  }
0x1d: {  	[tilespmem:s0], [sflag:$0x5] =	stream.linear.gather @!p0 [hbm4b:s4+s0], $0x2800, $0x38;
	[tilespmem:$0x15000] =	vst v63  }
0x1e: {  	_ =	swait.ge @!p0 [sflag:s1], $0x2800  }
0x1f: {  	[sflag:s1] =	ssyncset.done @!p0 $0x0  }
0x20: {  	s19 =	simm.s32 @!p0 $0x2800;
	[sflag:s1] =	ssyncadd.s32 @!p0 $0xFFFFD800  }
0x21: {  	[tilespmem:s19], [sflag:$0x5] =	stream.linear.gather @!p0 [hbm4b:s5+s0], $0x2800, $0x38;
	[tilespmem:$0x15000] =	vst v63  }
0x22: {  	_ =	swait.ge @!p0 [sflag:s1], $0x2800  }
0x23: {  	[sflag:s1] =	ssyncset.done @!p0 $0x0  }
0x24: {  	[sflag:s1] =	ssyncadd.s32 @!p0 $0xFFFFD800  }
0x25: {  	[tilespmem:s18], [sflag:$0x1] =	stream.indirect.gather [hbm4b:s3+s17], $0x80, s2, s17, $0xb8;
	[tilespmem:$0x15000] =	vst v63  }
0x26: {  	s1 =	simm.s32 $0x2800  }
0x27: {  	[tilespmem:s20], [sflag:$0x1] =	stream.indirect.gather [hbm4b:s3+s17], $0x80, s1, s17, $0xb8;
	[tilespmem:$0x15000] =	vst v63  }
0x28: {  	_ = 	snop  }
0x29: {  	[tilespmem:s21], [sflag:$0x2] =	stream.indirect.gather [hbm4b:s3+s17], $0x80, s17, s17, $0xb8;
	[tilespmem:$0x15000] =	vst v63  }
0x2a: {  	s19 =	simm.s32 $0x2880  }
0x2b: {  	[tilespmem:s23], [sflag:$0x2] =	stream.indirect.gather [hbm4b:s3+s17], $0x80, s19, s17, $0xb8;
	[tilespmem:$0x15000] =	vst v63  }
0x2c: {  	_ =	swait.ge [sflag:s24], $0x4000  }
0x2d: {  	[sflag:s24] =	ssyncset.done $0x0  }
0x2e: {  	[sflag:s24] =	ssyncadd.s32 $0xFFFFC000  }
0x2f: {  	_ =	swait.ge [sflag:s24], $0x4000  }
0x30: {  	[sflag:s24] =	ssyncset.done $0x0  }
0x31: {  	[sflag:s24] =	ssyncadd.s32 $0xFFFFC000  }
0x32: {  	[hbm4b:s9+s2] =	stream.linear.scatter [tilespmem:s18], [sflag:$0x3], $0x4000, $0x38;
	[tilespmem:$0x15000] =	vst v63  }
0x33: {  	_ = 	snop  }
0x34: {  	[hbm4b:s10+s2] =	stream.linear.scatter [tilespmem:s20], [sflag:$0x3], $0x4000, $0x38;
	[tilespmem:$0x15000] =	vst v63  }
0x35: {  	_ =	swait.ge [sflag:s25], $0x4000  }
0x36: {  	[sflag:s25] =	ssyncset.done $0x0  }
0x37: {  	[sflag:s25] =	ssyncadd.s32 $0xFFFFC000  }
0x38: {  	_ =	swait.ge [sflag:s25], $0x4000  }
0x39: {  	[sflag:s25] =	ssyncset.done $0x0  }
0x3a: {  	[sflag:s25] =	ssyncadd.s32 $0xFFFFC000  }
0x3b: {  	[hbm4b:s11+s2] =	stream.linear.scatter [tilespmem:s21], [sflag:$0x4], $0x4000, $0x38;
	[tilespmem:$0x15000] =	vst v63  }
0x3c: {  	_ = 	snop  }
0x3d: {  	[hbm4b:s12+s2] =	stream.linear.scatter [tilespmem:s23], [sflag:$0x4], $0x4000, $0x38;
	[tilespmem:$0x15000] =	vst v63  }
0x3e: {  	_ =	swait.ge [sflag:s26], $0x4000  }
0x3f: {  	[sflag:s26] =	ssyncset.done $0x0  }
0x40: {  	[sflag:s26] =	ssyncadd.s32 $0xFFFFC000  }
0x41: {  	_ =	swait.ge [sflag:s26], $0x4000  }
0x42: {  	[sflag:s26] =	ssyncset.done $0x0  }
0x43: {  	[sflag:s26] =	ssyncadd.s32 $0xFFFFC000  }
0x44: {  	_ =	swait.ge [sflag:s28], $0x4000  }
0x45: {  	[sflag:s28] =	ssyncset.done $0x0  }
0x46: {  	[sflag:s28] =	ssyncadd.s32 $0xFFFFC000  }
0x47: {  	_ =	swait.ge [sflag:s28], $0x4000  }
0x48: {  	[sflag:s28] =	ssyncset.done $0x0  }
0x49: {  	s22 =	simm.s32 $0x100;
	[sflag:s28] =	ssyncadd.s32 $0xFFFFC000  }
0x4a: {  	[tilespmem:s18], [sflag:$0x1] =	stream.indirect.gather [hbm4b:s3+s17], $0x80, s22, s17, $0xb8;
	[tilespmem:$0x15000] =	vst v63  }
0x4b: {  	s1 =	simm.s32 $0x2900  }
0x4c: {  	[tilespmem:s20], [sflag:$0x1] =	stream.indirect.gather [hbm4b:s3+s17], $0x80, s1, s17, $0xb8;
	[tilespmem:$0x15000] =	vst v63  }
0x4d: {  	s19 =	simm.s32 $0x180  }
0x4e: {  	[tilespmem:s21], [sflag:$0x2] =	stream.indirect.gather [hbm4b:s3+s17], $0x80, s19, s17, $0xb8;
	[tilespmem:$0x15000] =	vst v63  }
0x4f: {  	s22 =	simm.s32 $0x2980  }
0x50: {  	[tilespmem:s23], [sflag:$0x2] =	stream.indirect.gather [hbm4b:s3+s17], $0x80, s22, s17, $0xb8;
	[tilespmem:$0x15000] =	vst v63  }
0x51: {  	_ =	swait.ge [sflag:s24], $0x4000  }
0x52: {  	[sflag:s24] =	ssyncset.done $0x0  }
0x53: {  	[sflag:s24] =	ssyncadd.s32 $0xFFFFC000  }
0x54: {  	_ =	swait.ge [sflag:s24], $0x4000  }
0x55: {  	s0 =	simm.s32 @!p0 $0x28;
	[sflag:s24] =	ssyncset.done $0x0  }
0x56: {  	s0 =	simm.s32 @p0 $0xA;
	s1 =	sadd.s32 $0x0, s14;
	[sflag:s24] =	ssyncadd.s32 $0xFFFFC000  }
0x57: {  	[hbm4b:s1+s2] =	stream.linear.scatter [tilespmem:s18], [sflag:$0x3], $0x4000, $0x38;
	[tilespmem:$0x15000] =	vst v63  }
0x58: {  	s0 =	sshll.u32 s0, $0xC;
	s19 =	sadd.s32 $0x0, s13  }
0x59: {  	[hbm4b:s19+s2] =	stream.linear.scatter [tilespmem:s20], [sflag:$0x3], $0x4000, $0x38;
	[tilespmem:$0x15000] =	vst v63  }
0x5a: {  	s30 =	sadd.s32 $0xFFFFF000, s0;
	_ =	swait.ge [sflag:s25], $0x4000  }
0x5b: {  	p1 =	sne.s32 s30, $0x1000;
	[sflag:s25] =	ssyncset.done $0x0  }
.Ltmp0:
0x5c: {  	[sflag:s25] =	ssyncadd.s32 $0xFFFFC000;
	(pc) =	sbr.rel @!p1 .LBB2_3-.Ltmp0, $4  }
0x5d: {  	s31 =	simm.s32 $0x1000;
	_ =	swait.ge [sflag:s25], $0x4000  }
0x5e: {  	s0 =	simm.s32 $0x2A00;
	s22 =	sadd.s32 $0x0, s15;
	[sflag:s25] =	ssyncset.done $0x0  }
0x5f: {  	s1 =	simm.s32 $0x200;
	s19 =	sadd.s32 $0x0, s16;
	[sflag:s25] =	ssyncadd.s32 $0xFFFFC000  }
0x60: {  	[hbm4b:s22+s2] =	stream.linear.scatter [tilespmem:s21], [sflag:$0x4], $0x4000, $0x38;
	[tilespmem:$0x15000] =	vst v63  }
.LBB2_2:
0x61: {  	[hbm4b:s19+s2] =	stream.linear.scatter [tilespmem:s23], [sflag:$0x4], $0x4000, $0x38;
	[tilespmem:$0x15000] =	vst v63  }
0x62: {  	s19 =	smov.u32 s31;
	s31 =	sadd.s32 $0x1000, s31;
	_ =	swait.ge [sflag:s26], $0x4000  }
0x63: {  	p1 =	sne.s32 s30, s31;
	[sflag:s26] =	ssyncset.done $0x0  }
0x64: {  	[sflag:s26] =	ssyncadd.s32 $0xFFFFC000  }
0x65: {  	_ =	swait.ge [sflag:s26], $0x4000  }
0x66: {  	[sflag:s26] =	ssyncset.done $0x0  }
0x67: {  	[sflag:s26] =	ssyncadd.s32 $0xFFFFC000  }
0x68: {  	_ =	swait.ge [sflag:s28], $0x4000  }
0x69: {  	[sflag:s28] =	ssyncset.done $0x0  }
0x6a: {  	[sflag:s28] =	ssyncadd.s32 $0xFFFFC000  }
0x6b: {  	_ =	swait.ge [sflag:s28], $0x4000  }
0x6c: {  	[sflag:s28] =	ssyncset.done $0x0  }
0x6d: {  	[sflag:s28] =	ssyncadd.s32 $0xFFFFC000  }
0x6e: {  	[tilespmem:s18], [sflag:$0x1] =	stream.indirect.gather [hbm4b:s3+s17], $0x80, s1, s17, $0xb8;
	[tilespmem:$0x15000] =	vst v63  }
0x6f: {  	_ = 	snop  }
0x70: {  	[tilespmem:s20], [sflag:$0x1] =	stream.indirect.gather [hbm4b:s3+s17], $0x80, s0, s17, $0xb8;
	[tilespmem:$0x15000] =	vst v63  }
0x71: {  	s22 =	sadd.s32 $0x80, s1  }
0x72: {  	[tilespmem:s21], [sflag:$0x2] =	stream.indirect.gather [hbm4b:s3+s17], $0x80, s22, s17, $0xb8;
	[tilespmem:$0x15000] =	vst v63  }
0x73: {  	s22 =	sadd.s32 $0x80, s0  }
0x74: {  	[tilespmem:s23], [sflag:$0x2] =	stream.indirect.gather [hbm4b:s3+s17], $0x80, s22, s17, $0xb8;
	[tilespmem:$0x15000] =	vst v63  }
0x75: {  	_ =	swait.ge [sflag:s24], $0x4000  }
0x76: {  	[sflag:s24] =	ssyncset.done $0x0  }
0x77: {  	[sflag:s24] =	ssyncadd.s32 $0xFFFFC000  }
0x78: {  	_ =	swait.ge [sflag:s24], $0x4000  }
0x79: {  	[sflag:s24] =	ssyncset.done $0x0  }
0x7a: {  	s22 =	sadd.s32 s19, s14;
	[sflag:s24] =	ssyncadd.s32 $0xFFFFC000  }
0x7b: {  	[hbm4b:s22+s2] =	stream.linear.scatter [tilespmem:s18], [sflag:$0x3], $0x4000, $0x38;
	[tilespmem:$0x15000] =	vst v63  }
0x7c: {  	s22 =	sadd.s32 s19, s13  }
0x7d: {  	[hbm4b:s22+s2] =	stream.linear.scatter [tilespmem:s20], [sflag:$0x3], $0x4000, $0x38;
	[tilespmem:$0x15000] =	vst v63  }
0x7e: {  	_ =	swait.ge [sflag:s25], $0x4000  }
0x7f: {  	[sflag:s25] =	ssyncset.done $0x0  }
0x80: {  	[sflag:s25] =	ssyncadd.s32 $0xFFFFC000  }
.Ltmp1:
0x81: {  	_ =	swait.ge [sflag:s25], $0x4000;
	(pc) =	sbr.rel @p1 .LBB2_2-.Ltmp1, $4  }
0x82: {  	[sflag:s25] =	ssyncset.done $0x0  }
0x83: {  	s22 =	sadd.s32 s19, s15;
	[sflag:s25] =	ssyncadd.s32 $0xFFFFC000  }
0x84: {  	[hbm4b:s22+s2] =	stream.linear.scatter [tilespmem:s21], [sflag:$0x4], $0x4000, $0x38;
	[tilespmem:$0x15000] =	vst v63  }
0x85: {  	s1 =	sadd.s32 $0x100, s1;
	s0 =	sadd.s32 $0x100, s0;
	s19 =	sadd.s32 s19, s16  }
.LBB2_3:
0x86: {  	[hbm4b:s19+s2] =	stream.linear.scatter [tilespmem:s23], [sflag:$0x4], $0x4000, $0x38;
	[tilespmem:$0x15000] =	vst v63  }
0x87: {  	_ =	swait.ge [sflag:s26], $0x4000  }
0x88: {  	[sflag:s26] =	ssyncset.done $0x0  }
0x89: {  	[sflag:s26] =	ssyncadd.s32 $0xFFFFC000  }
0x8a: {  	_ =	swait.ge [sflag:s26], $0x4000  }
0x8b: {  	[sflag:s26] =	ssyncset.done $0x0  }
0x8c: {  	s29 =	sadd.s32 $0x1, s29;
	[sflag:s26] =	ssyncadd.s32 $0xFFFFC000  }
0x8d: {  	p1 =	sne.s32 s29, s8;
	_ =	swait.ge [sflag:s28], $0x4000  }
.Ltmp2:
0x8e: {  	[sflag:s28] =	ssyncset.done $0x0;
	(pc) =	sbr.rel @p1 .LBB2_1-.Ltmp2, $4  }
0x8f: {  	[sflag:s28] =	ssyncadd.s32 $0xFFFFC000  }
0x90: {  	_ =	swait.ge [sflag:s28], $0x4000  }
0x91: {  	[sflag:s28] =	ssyncset.done $0x0  }
0x92: {  	[sflag:s28] =	ssyncadd.s32 $0xFFFFC000  }
0x93: {  	_ =	sfence.sel $0x180000  }
0x94: {  	[bflag:$0x0] =	sbarrier.arrive $0xFFFF  }
0x95: {  	_ =	strace $0x9000004D  }
0x96: {  	s0 =	stileid.u32;
	[bflag:$0x2] =	sbarrier.arrive $0xFFFF  }
0x97: {  	p0 =	sne.s32 s0, $0x0;
	s0 =	rddreg [dreg:$0x2]  }
0x98: {  	s0 =	sadd.s32 @!p0 $0x100000, s0  }
0x99: {  	[sflag:s0] =	ssyncadd.tile.s32 @!p0 $0x1;
	_ =	shalt  }
.Lfunc_end2:
_tile_overlayer_lowered:
.L_overlay_start_2:
0x9a: {  	(tag) =	ssettag $0x2  }
0x9b: {  	s0 =	rddreg [dreg:$0x0];
	s2 =	stileid.u32  }
0x9c: {  	s1 =	rddreg [dreg:$0x1];
	p0 =	sne.s32 s2, $0x0  }
0x9d: {  	s3 =	rddreg [dreg:$0x2];
	[bflag:$0x3] =	sbarrier.arrive $0xFFFF;
	s2 =	simm.s32 @!p0 $0x1C05  }
0x9e: {  	[timem:s3], [sflag:s2] =	dma.local @!p0 [hbm:s0], s1  }
0x9f: {  	s0 =	simm.s32 @!p0 $0x5  }
0xa0: {  	_ =	swait.ge @!p0 [sflag:s0], s1  }
0xa1: {  	s1 =	ssub.s32 @!p0 $0x0, s1;
	[sflag:s0] =	ssyncset.done @!p0 $0x0  }
0xa2: {  	[sflag:s0] =	ssyncadd.s32 @!p0 s1  }
0xa3: {  	[bflag:$0x3] =	sbarrier.arrive $0xFFFF  }
0xa4: {  	_ =	shalt  }

// kernel: kernel.28.cloned.1.call-start
scs
__scs_entry_jumppad:
0x0: {  	(pc) =	sbr.rel $0x88, $3  }
0x1: {  	(tag) =	ssettag $0x0;
	lr =	simm.s32 $0x1  }
0x2: {  	[smem:$0x3F78] =	sst lr;
	_ =	strace $0xD0000000  }
0x3: {  	_ = 	snop  }
0x4: {  	_ = 	snop  }
0x5: {  	_ = 	snop  }
0x6: {  	_ = 	snop  }
0x7: {  	_ = 	snop  }
__scs_overlays_trampoline_lowered:
0x8: {  	[smem:$0x3F87] =	sst s0  }
0x9: {  	[smem:$0x3F88] =	sst s1  }
0xa: {  	[smem:$0x3F89] =	sst s2  }
0xb: {  	[smem:$0x3F8A] =	sst s3  }
0xc: {  	[smem:$0x3F8B] =	sst s4  }
0xd: {  	[smem:$0x3F8C] =	sst s5  }
0xe: {  	[smem:$0x3F8D] =	sst s6  }
0xf: {  	[smem:$0x3F8E] =	sst s7  }
0x10: {  	[smem:$0x3F8F] =	sst s8  }
0x11: {  	[smem:$0x3F90] =	sst s9;
	s0 =	simm.s32 @!p0 $0x0  }
0x12: {  	s1 =	sld [smem:$0x3F76];
	s0 =	simm.s32 @p0 $0x1  }
0x13: {  	[smem:$0x3F91] =	sst s0;
	s0 =	simm.s32 @!p1 $0x0  }
0x14: {  	s2 =	sld [smem:$0x3F75];
	s0 =	simm.s32 @p1 $0x1  }
0x15: {  	[smem:$0x3F92] =	sst s0;
	s0 =	simm.s32 @!p2 $0x0  }
0x16: {  	s3 =	sld [smem:$0x3FDB];
	s0 =	simm.s32 @p2 $0x1  }
0x17: {  	s4 =	simm.s32 $0x1BF5;
	[smem:$0x3F94] =	sst s0  }
0x18: {  	s0 =	sld [smem:$0x3F77];
	_ =	swait.ge [sflag:s4], $0x0  }
0x19: {  	s7 =	sld [smem:$0x3F78]  }
0x1a: {  	s8 =	sadd.s32 $0xFFFFE003, lr  }
0x1b: {  	s9 =	sadd.s32 $0xFFFFFEF7, lr;
	s5 =	simm.s32 $0xFFFFFFFF;
	p2 =	slt.u32 s8, $0xFFFFF086  }
0x1c: {  	p1 =	slt.u32 s9, $0xF7A;
	s5 =	simm.s32 @!p2 $0x0  }
0x1d: {  	s5 =	simm.s32 @p1 $0x1;
	p0 =	seq.s32 s7, s2  }
0x1e: {  	s7 =	smul.u32 @!p0 $0xF7A, s2;
	p2 =	seq.s32 @!p0 s5, $0x0  }
0x1f: {  	s9 =	smul.u32 $0xF7A, s1;
	s8 =	simm.s32 @!p0 $0x1BF5;
	p2 =	por !p2, p0  }
0x20: {  	[sflag:s8] =	ssyncset.s32 @!p0 $0xFFFFF086;
	s6 =	sadd.s32 @!p0 s3, s7;
	s7 =	simm.s32 @!p0 $0x108  }
0x21: {  	s3 =	sadd.s32 s3, s9;
	s6 =	sadd.s32 @!p0 $0x88, s6;
	s7 =	simm.s32 @p2 $0x1082  }
0x22: {  	[simem:s7], [sflag:s8] =	dma.local @!p0 [hbm:s6], $0xF7A  }
0x23: {  	s9 =	sor.u32 $0xD0000000, s2;
	s6 =	simm.s32 $0x108;
	_ =	swait.ge @!p0 [sflag:s8], $0x0  }
0x24: {  	s3 =	sadd.s32 $0x88, s3;
	s6 =	simm.s32 @!p1 $0x1082;
	[sflag:s4] =	ssyncset.s32 $0xFFFFF086  }
0x25: {  	[simem:s6], [sflag:s4] =	dma.local [hbm:s3], $0xF7A  }
0x26: {  	[smem:$0x3F78] =	sst s1;
	(tag) =	ssettag s2;
	_ =	strace s9  }
0x27: {  	s1 =	sld [smem:$0x3F88]  }
0x28: {  	s2 =	sld [smem:$0x3F89]  }
0x29: {  	s4 =	sld [smem:$0x3F8B]  }
0x2a: {  	p0 =	seq.s32 s5, $0x0;
	s5 =	sld [smem:$0x3F8C]  }
0x2b: {  	s6 =	sld [smem:$0x3F8D]  }
0x2c: {  	s7 =	sld [smem:$0x3F8E]  }
0x2d: {  	s3 =	simm.s32 $0x108;
	s8 =	sld [smem:$0x3F8F]  }
0x2e: {  	s3 =	simm.s32 @!p0 $0x1082;
	s9 =	sld [smem:$0x3F90]  }
0x2f: {  	lr =	sadd.s32 s0, s3;
	s0 =	sld [smem:$0x3F87]  }
0x30: {  	s3 =	sld [smem:$0x3F8A]  }
0x31: {  	[smem:$0x3F93] =	sst s10  }
0x32: {  	s10 =	sld [smem:$0x3F91];
	_ =	sdelay $0x3  }
0x33: {  	p0 =	seq.s32 s10, $0x1;
	s10 =	sld [smem:$0x3F93];
	_ =	sdelay $0x3  }
0x34: {  	[smem:$0x3F93] =	sst s10  }
0x35: {  	s10 =	sld [smem:$0x3F92];
	_ =	sdelay $0x3  }
0x36: {  	p1 =	seq.s32 s10, $0x1;
	s10 =	sld [smem:$0x3F93];
	_ =	sdelay $0x3  }
0x37: {  	[smem:$0x3F93] =	sst s10  }
0x38: {  	s10 =	sld [smem:$0x3F94]  }
0x39: {  	_ = 	snop;
	(pc) =	sbr.ind lr, $3  }
0x3a: {  	_ = 	snop  }
0x3b: {  	_ = 	snop  }
0x3c: {  	p2 =	seq.s32 s10, $0x1;
	s10 =	sld [smem:$0x3F93]  }
0x3d: {  	_ =	shalt  }
0x3e: {  	_ =	shalt  }
0x3f: {  	_ =	shalt  }
0x40: {  	_ =	shalt  }
0x41: {  	_ =	shalt  }
0x42: {  	_ =	shalt  }
0x43: {  	_ =	shalt  }
0x44: {  	_ =	shalt  }
0x45: {  	_ =	shalt  }
0x46: {  	_ =	shalt  }
0x47: {  	_ =	shalt  }
0x48: {  	_ =	shalt  }
0x49: {  	_ =	shalt  }
0x4a: {  	_ =	shalt  }
0x4b: {  	_ =	shalt  }
0x4c: {  	_ =	shalt  }
0x4d: {  	_ =	shalt  }
0x4e: {  	_ =	shalt  }
0x4f: {  	_ =	shalt  }
0x50: {  	_ =	shalt  }
0x51: {  	_ =	shalt  }
0x52: {  	_ =	shalt  }
0x53: {  	_ =	shalt  }
0x54: {  	_ =	shalt  }
0x55: {  	_ =	shalt  }
0x56: {  	_ =	shalt  }
0x57: {  	_ =	shalt  }
0x58: {  	_ =	shalt  }
0x59: {  	_ =	shalt  }
0x5a: {  	_ =	shalt  }
0x5b: {  	_ =	shalt  }
0x5c: {  	_ =	shalt  }
0x5d: {  	_ =	shalt  }
0x5e: {  	_ =	shalt  }
0x5f: {  	_ =	shalt  }
0x60: {  	_ =	shalt  }
0x61: {  	_ =	shalt  }
0x62: {  	_ =	shalt  }
0x63: {  	_ =	shalt  }
0x64: {  	_ =	shalt  }
0x65: {  	_ =	shalt  }
0x66: {  	_ =	shalt  }
0x67: {  	_ =	shalt  }
0x68: {  	_ =	shalt  }
0x69: {  	_ =	shalt  }
0x6a: {  	_ =	shalt  }
0x6b: {  	_ =	shalt  }
0x6c: {  	_ =	shalt  }
0x6d: {  	_ =	shalt  }
0x6e: {  	_ =	shalt  }
0x6f: {  	_ =	shalt  }
0x70: {  	_ =	shalt  }
0x71: {  	_ =	shalt  }
0x72: {  	_ =	shalt  }
0x73: {  	_ =	shalt  }
0x74: {  	_ =	shalt  }
0x75: {  	_ =	shalt  }
0x76: {  	_ =	shalt  }
0x77: {  	_ =	shalt  }
0x78: {  	_ =	shalt  }
0x79: {  	_ =	shalt  }
0x7a: {  	_ =	shalt  }
0x7b: {  	_ =	shalt  }
0x7c: {  	_ =	shalt  }
0x7d: {  	_ =	shalt  }
0x7e: {  	_ =	shalt  }
0x7f: {  	_ =	shalt  }
0x80: {  	_ =	shalt  }
0x81: {  	_ =	shalt  }
0x82: {  	_ =	shalt  }
0x83: {  	_ =	shalt  }
0x84: {  	_ =	shalt  }
0x85: {  	_ =	shalt  }
0x86: {  	_ =	shalt  }
0x87: {  	_ =	shalt  }
.Lfunc_end0:
.L_simem_size_0:
called_computation.3_lowered:
.L_overlay_start_0:
0x88: {  	s2 =	sld [smem:$0x3FD9]  }
0x89: {  	s3 =	sld [smem:$0x3FFE];
	_ =	sdelay $0x1  }
0x8a: {  	s1 =	srdreg.scid  }
0x8b: {  	s0 =	sand.u32 $0x1, s1  }
0x8c: {  	s17 =	sshll.u32 s0, $0xA;
	s2 =	sadd.s32 s3, s2  }
0x8d: {  	s2 =	sadd.s32 s2, s17  }
0x8e: {  	[smem:$0x3F9F] =	sst s2  }
0x8f: {  	_ = 	snop  }
0x90: {  	s2 =	sld [smem:$0x3FD0];
	(tm) =	ssettm $0x1  }
0x91: {  	s18 =	sld [smem:$0x3FFB];
	_ =	sdelay $0x3  }
0x92: {  	_ =	strace s18  }
0x93: {  	s3 =	sld [smem:$0x3FFC];
	_ =	sdelay $0x3  }
0x94: {  	_ =	strace s3  }
0x95: {  	s3 =	sld [smem:$0x3FFD];
	_ =	sdelay $0x3  }
0x96: {  	_ =	strace s3  }
0x97: {  	_ =	strace $0x8FFFFFFF  }
0x98: {  	s19 =	sld [smem:$0x3FDB];
	_ =	sdelay $0x1  }
0x99: {  	s4 =	simm.s32 $_scs_section_size  }
0x9a: {  	s5 =	simm.s32 $_size__tile_overlayer_lowered;
	s6 =	simm.s32 $_tile_overlayer_lowered  }
0x9b: {  	s22 =	simm.s32 $0x1BFF;
	s21 =	sshll.u32 s6, $0x1;
	s3 =	sadd.s32 s4, s19  }
0x9c: {  	s7 =	simm.s32 $0x0;
	s20 =	sshll.u32 s5, $0x1;
	s5 =	sadd.s32 s21, s3  }
0x9d: {  	[timem:s7], [sflag:s22] =	dma.local [hbm:s5], s20  }
0x9e: {  	_ =	swait.ge [sflag:s22], s20  }
0x9f: {  	s4 =	ssub.s32 $0x0, s20;
	[sflag:s22] =	ssyncset.done $0x0  }
0xa0: {  	[sflag:s22] =	ssyncadd.s32 s4;
	_ =	sdelay $0x1  }
0xa1: {  	s23 =	simm.s32 $0x1B8B  }
0xa2: {  	_ =	swait.ge [sflag:s23], $0x1  }
0xa3: {  	[sflag:s23] =	ssyncset.done $0x0  }
0xa4: {  	s25 =	simm.s32 $0x1B8E;
	s24 =	sld [smem:$0x3FFE];
	[sflag:s23] =	ssyncadd.s32 $0xFFFFFFFF  }
0xa5: {  	s26 =	simm.s32 $execute0_lowered;
	[smem:$0x3FD2] =	sst s25  }
0xa6: {  	s5 =	sshll.u32 s26, $0x1;
	_ =	strace $0x8000004F;
	[dreg:$0x1] =	wrdreg $0xFFFFFFFF  }
0xa7: {  	s28 =	simm.s32 $_size_execute0_lowered;
	s3 =	sadd.s32 s3, s5;
	[dreg:$0x0] =	wrdreg $0x0  }
0xa8: {  	s5 =	sshll.u32 s28, $0x1;
	[dreg:$0x2] =	wrdreg s3  }
0xa9: {  	[dreg:$0x3] =	wrdreg s5  }
0xaa: {  	[dreg:$0x4] =	wrdreg $0xC0  }
0xab: {  	_ =	task [dreg:s7], $0x5FFFF  }
0xac: {  	[dreg:$0x1] =	wrdreg $0xFFFFFFFF  }
0xad: {  	[dreg:$0x0] =	wrdreg $0x60  }
0xae: {  	[dreg:$0x2] =	wrdreg s24  }
0xaf: {  	[dreg:$0x3] =	wrdreg s2  }
0xb0: {  	[dreg:$0x4] =	wrdreg $0x68000  }
0xb1: {  	[dreg:$0x5] =	wrdreg $0x9  }
0xb2: {  	_ =	task.clear_ibuf [dreg:s7], $0x6FFFF;
	_ =	strace $0x9000004F  }
0xb3: {  	s29 =	simm.s32 $0x9;
	_ =	strace $0x80000051  }
0xb4: {  	_ =	swait.ge [sflag:s29], $0x1  }
0xb5: {  	[sflag:s29] =	ssyncadd.s32 $0xFFFFFFFF  }
0xb6: {  	_ =	strace $0x90000051  }
0xb7: {  	_ =	sfence  }
0xb8: {  	s30 =	sld [smem:$0x0];
	_ =	sdelay $0x2  }
0xb9: {  	s31 =	sshll.u32 s1, $0xD;
	s1 =	sshrl.u32 s1, $0x2  }
0xba: {  	s3 =	sand.u32 $0x4000, s31;
	s1 =	sadd.s32 s1, s30  }
0xbb: {  	s0 =	sor.u32 s3, s0;
	s1 =	sshll.u32 s1, $0x11  }
0xbc: {  	s0 =	sor.u32 s1, s0  }
0xbd: {  	s0 =	sadd.s32 $0x8F2B, s0  }
0xbe: {  	[sflag:s0] =	ssyncadd.remote.s32 $0x1  }
0xbf: {  	_ =	sfence.sel $0xFFFF  }
0xc0: {  	[dreg:$0x0] =	wrdreg $0xFFFFFFFF;
	(pc) =	sbr.abs _section_cstart, $3  }
0xc1: {  	[dreg:$0x1] =	wrdreg $0xFFFFFFFF  }
0xc2: {  	_ =	task.clear_ibuf [dreg:s7], $0x2FFFF;
	_ =	strace $0x9FFFFFFF  }
0xc3: {  	(tm) =	ssettm $0x7FFFFFFF  }
tec
execute0_lowered:
.L_overlay_start_1:
0x0: {  	(tag) =	ssettag $0x1  }
0x1: {  	s4 =	rddreg [dreg:$0x0]  }
0x2: {  	s7 =	rddreg [dreg:$0x1];
	s0 =	stileid.u32  }
0x3: {  	s1 =	srdreg.scid;
	s2 =	rddreg [dreg:$0x2]  }
0x4: {  	s3 =	simm.s32 $0x0;
	s18 =	simm.s32 $0x80;
	s19 =	simm.s32 $0x4800  }
0x5: {  	s20 =	simm.s32 $0x1;
	s6 =	sand.u32 $0x1, s1;
	s1 =	rddreg [dreg:$0x3]  }
0x6: {  	s21 =	simm.s32 $0x2;
	s5 =	smul.u32 $0xA000, s0;
	[smem:$0x7FF] =	sst s3  }
0x7: {  	s10 =	sadd.s32 $0x11A0E00, s4;
	s26 =	sshll.u32 s0, $0x1;
	s28 =	smul.u32 $0x5000, s0  }
0x8: {  	s29 =	sshll.u32 s0, $0x6;
	s8 =	smul.u32 $0xA0000, s6;
	_ =	strace $0x80000050  }
0x9: {  	s11 =	ssub.s32 $0x2, s6;
	s14 =	sor.u32 s6, s26;
	s6 =	smul.u32 $0x2800, s6  }
0xa: {  	s9 =	sshrl.u32 s5, $0x3;
	s25 =	sshrl.u32 s11, $0x1;
	s30 =	smul.u32 $0x500, s14  }
0xb: {  	s15 =	sadd.s32 s5, s2;
	s16 =	smul.u32 $0x28000, s14;
	p0 =	seq.s32 s14, $0x1F  }
0xc: {  	s8 =	sadd.s32 s5, s8;
	s9 =	sadd.s32 s9, s4;
	s11 =	ssub.s32 s11, s25  }
0xd: {  	s5 =	sor.u32 $0x1C03, s29;
	s14 =	sshrl.u32 s15, $0x3;
	s8 =	sshrl.u32 s8, $0x3  }
0xe: {  	s15 =	simm.s32 $0x3;
	s12 =	sadd.s32 s8, s4;
	s4 =	sadd.s32 $0x14600, s9  }
0xf: {  	s8 =	sadd.s32 s6, s28;
	s6 =	sadd.s32 s7, s30;
	s7 =	sadd.s32 $0x9B00, s7  }
0x10: {  	s17 =	sshll.u32 s8, $0x4;
	s8 =	sadd.s32 s10, s16;
	s9 =	sadd.s32 $0xD8000, s12  }
0x11: {  	s16 =	simm.s32 $0x40;
	s31 =	sadd.s32 s17, s10;
	s10 =	smax.u32 s11, $0x1  }
0x12: {  	s17 =	simm.s32 $0x2800;
	s11 =	sadd.s32 $0x1000, s31;
	s12 =	sadd.s32 $0x800, s31  }
.LBB2_1:
0x13: {  	[spmem:s14], [sflag:s5] =	dma.local [hbm:s4], $0x1400  }
0x14: {  	_ =	swait.ge [sflag:s15], $0x1400  }
0x15: {  	[sflag:s15] =	ssyncset.done $0x0  }
0x16: {  	[sflag:s15] =	ssyncadd.s32 $0xFFFFEC00  }
0x17: {  	s22 =	simm.s32 @p0 $0x0;
	[bflag:$0x0] =	sbarrier.arrive $0xFFFF  }
0x18: {  	[tilespmem:s22], [sflag:$0x3] =	stream.linear.gather @p0 [hbm4b:s7+s22], $0xA00, $0x38;
	[tilespmem:$0x10800] =	vst v63  }
0x19: {  	s22 =	simm.s32 @p0 $0x3  }
0x1a: {  	_ =	swait.ge @p0 [sflag:s22], $0xA00  }
0x1b: {  	[sflag:s22] =	ssyncset.done @p0 $0x0  }
0x1c: {  	[sflag:s22] =	ssyncadd.s32 @p0 $0xFFFFF600;
	s22 =	simm.s32 @!p0 $0x0  }
0x1d: {  	[tilespmem:s22], [sflag:$0x3] =	stream.linear.gather @!p0 [hbm4b:s6+s22], $0x2800, $0x38;
	[tilespmem:$0x10800] =	vst v63  }
0x1e: {  	s22 =	simm.s32 @!p0 $0x28  }
0x1f: {  	s22 =	simm.s32 @p0 $0xA  }
0x20: {  	s31 =	sshll.u32 s22, $0xC  }
0x21: {  	s28 =	sadd.s32 $0xFFFFF000, s31  }
0x22: {  	p2 =	sne.s32 s28, $0x1000  }
.Ltmp0:
0x23: {  	s23 =	simm.s32 @!p0 $0x3;
	(pc) =	sbr.rel @!p2 .LBB2_2-.Ltmp0, $4  }
0x24: {  	_ =	swait.ge @!p0 [sflag:s23], $0x2800  }
0x25: {  	[sflag:s23] =	ssyncset.done @!p0 $0x0  }
0x26: {  	s25 =	simm.s32 $0x1000;
	p1 =	por $0x0, $0x0;
	[sflag:s23] =	ssyncadd.s32 @!p0 $0xFFFFD800  }
0x27: {  	[tilespmem:s17], [sflag:$0x1] =	stream.strided.gather [hbm4b:s8+s16], $0x2000, s18, s16, $0x38;
	[tilespmem:$0x10800] =	vst v63  }
0x28: {  	s23 =	sadd.s32 $0x0, s12  }
0x29: {  	[tilespmem:s19], [sflag:$0x2] =	stream.strided.gather [hbm4b:s23+s16], $0x2000, s18, s16, $0x38;
	[tilespmem:$0x10800] =	vst v63  }
0x2a: {  	_ =	swait.ge [sflag:s20], $0x2000  }
0x2b: {  	[sflag:s20] =	ssyncset.done $0x0  }
0x2c: {  	s30 =	simm.s32 $0x0;
	[sflag:s20] =	ssyncadd.s32 $0xFFFFE000  }
0x2d: {  	[spmem:s2] =	stream.indirect.scatter.add.f32 [tilespmem:s17], [sflag:$0x3], $0x40, s30, s18, $0xb8;
	[tilespmem:$0x10800] =	vst v63  }
0x2e: {  	_ =	swait.ge [sflag:s15], $0x2000  }
0x2f: {  	[sflag:s15] =	ssyncset.done $0x0  }
0x30: {  	s31 =	sadd.s32 $0x0, s11;
	[sflag:s15] =	ssyncadd.s32 $0xFFFFE000  }
0x31: {  	[tilespmem:s17], [sflag:$0x1] =	stream.strided.gather [hbm4b:s31+s16], $0x2000, s18, s16, $0x38;
	[tilespmem:$0x10800] =	vst v63  }
0x32: {  	p2 =	sne.s32 s28, $0x2000;
	_ =	swait.ge [sflag:s21], $0x2000  }
.Ltmp1:
0x33: {  	[sflag:s21] =	ssyncset.done $0x0;
	(pc) =	sbr.rel @!p2 .LBB2_6-.Ltmp1, $4  }
0x34: {  	[sflag:s21] =	ssyncadd.s32 $0xFFFFE000  }
0x35: {  	[spmem:s2] =	stream.indirect.scatter.add.f32 [tilespmem:s19], [sflag:$0x3], $0x40, s18, s18, $0xb8;
	[tilespmem:$0x10800] =	vst v63  }
0x36: {  	s26 =	simm.s32 $0x2;
	s24 =	simm.s32 $0x180;
	_ =	swait.ge [sflag:s15], $0x2000  }
0x37: {  	p1 =	por $0x1, $0x1;
	s23 =	simm.s32 $0x2000;
	[sflag:s15] =	ssyncset.done $0x0  }
.LBB2_4:
0x38: {  	s13 =	sadd.s32 s25, s12  }
0x39: {  	[sflag:s15] =	ssyncadd.s32 $0xFFFFE000;
	s29 =	smov.u32 s23;
	s23 =	sadd.s32 $0x1000, s23  }
0x3a: {  	[tilespmem:s19], [sflag:$0x2] =	stream.strided.gather [hbm4b:s13+s16], $0x2000, s18, s16, $0x38;
	[tilespmem:$0x10800] =	vst v63  }
0x3b: {  	p2 =	sne.s32 s28, s23;
	_ =	swait.ge [sflag:s20], $0x2000  }
0x3c: {  	[sflag:s20] =	ssyncset.done $0x0  }
0x3d: {  	s13 =	sadd.s32 $0xFFFFFF80, s24;
	[sflag:s20] =	ssyncadd.s32 $0xFFFFE000  }
0x3e: {  	[spmem:s2] =	stream.indirect.scatter.add.f32 [tilespmem:s17], [sflag:$0x3], $0x40, s13, s18, $0xb8;
	[tilespmem:$0x10800] =	vst v63  }
0x3f: {  	_ =	swait.ge [sflag:s15], $0x2000  }
0x40: {  	[sflag:s15] =	ssyncset.done $0x0  }
0x41: {  	s13 =	sadd.s32 s25, s11;
	s25 =	smov.u32 s29;
	[sflag:s15] =	ssyncadd.s32 $0xFFFFE000  }
0x42: {  	[tilespmem:s17], [sflag:$0x1] =	stream.strided.gather [hbm4b:s13+s16], $0x2000, s18, s16, $0x38;
	[tilespmem:$0x10800] =	vst v63  }
0x43: {  	_ =	swait.ge [sflag:s21], $0x2000  }
.Ltmp2:
0x44: {  	[sflag:s21] =	ssyncset.done $0x0;
	(pc) =	sbr.rel @p2 .LBB2_4-.Ltmp2, $4  }
0x45: {  	[sflag:s21] =	ssyncadd.s32 $0xFFFFE000  }
0x46: {  	[spmem:s2] =	stream.indirect.scatter.add.f32 [tilespmem:s19], [sflag:$0x3], $0x40, s24, s18, $0xb8;
	[tilespmem:$0x10800] =	vst v63  }
0x47: {  	s13 =	sadd.s32 $0x100, s24;
	_ =	swait.ge [sflag:s15], $0x2000  }
0x48: {  	s26 =	sadd.s32 $0x1, s26;
	s24 =	smov.u32 s13;
	[sflag:s15] =	ssyncset.done $0x0  }
0x49: {  	s24 =	smov.u32 s13  }
.LBB2_6:
0x4a: {  	s28 =	sadd.s32 s25, s12;
	[sflag:s15] =	ssyncadd.s32 @p1 $0xFFFFE000  }
0x4b: {  	[tilespmem:s19], [sflag:$0x2] =	stream.strided.gather [hbm4b:s28+s16], $0x2000, s18, s16, $0x38;
	[tilespmem:$0x10800] =	vst v63  }
0x4c: {  	_ =	swait.ge [sflag:s20], $0x2000  }
0x4d: {  	[sflag:s20] =	ssyncset.done $0x0  }
0x4e: {  	s30 =	sadd.s32 $0xFFFFFF80, s24;
	[sflag:s20] =	ssyncadd.s32 $0xFFFFE000  }
0x4f: {  	[spmem:s2] =	stream.indirect.scatter.add.f32 [tilespmem:s17], [sflag:$0x3], $0x40, s30, s18, $0xb8;
	[tilespmem:$0x10800] =	vst v63  }
0x50: {  	_ =	swait.ge [sflag:s15], $0x2000  }
0x51: {  	[sflag:s15] =	ssyncset.done $0x0  }
0x52: {  	s31 =	sadd.s32 s25, s11;
	[sflag:s15] =	ssyncadd.s32 $0xFFFFE000  }
0x53: {  	[tilespmem:s17], [sflag:$0x1] =	stream.strided.gather [hbm4b:s31+s16], $0x2000, s18, s16, $0x38;
	[tilespmem:$0x10800] =	vst v63  }
0x54: {  	_ =	swait.ge [sflag:s21], $0x2000  }
0x55: {  	[sflag:s21] =	ssyncset.done $0x0  }
0x56: {  	[sflag:s21] =	ssyncadd.s32 $0xFFFFE000  }
0x57: {  	[spmem:s2] =	stream.indirect.scatter.add.f32 [tilespmem:s19], [sflag:$0x3], $0x40, s24, s18, $0xb8;
	[tilespmem:$0x10800] =	vst v63  }
0x58: {  	_ =	swait.ge [sflag:s15], $0x2000  }
0x59: {  	[sflag:s15] =	ssyncset.done $0x0  }
0x5a: {  	s28 =	sadd.s32 s23, s12;
	[sflag:s15] =	ssyncadd.s32 $0xFFFFE000  }
0x5b: {  	[tilespmem:s19], [sflag:$0x2] =	stream.strided.gather [hbm4b:s28+s16], $0x2000, s18, s16, $0x38;
	[tilespmem:$0x10800] =	vst v63  }
0x5c: {  	_ =	swait.ge [sflag:s20], $0x2000  }
0x5d: {  	[sflag:s20] =	ssyncset.done $0x0  }
0x5e: {  	s29 =	sadd.s32 $0x80, s13;
	s30 =	sadd.s32 $0x1, s26;
	[sflag:s20] =	ssyncadd.s32 $0xFFFFE000  }
0x5f: {  	[spmem:s2] =	stream.indirect.scatter.add.f32 [tilespmem:s17], [sflag:$0x3], $0x40, s29, s18, $0xb8;
	[tilespmem:$0x10800] =	vst v63  }
0x60: {  	p1 =	sge.u32 s30, s22;
	_ =	swait.ge [sflag:s15], $0x2000  }
0x61: {  	s22 =	sadd.s32 @!p1 s23, s11;
	s23 =	simm.s32 @!p1 $0x40;
	[sflag:s15] =	ssyncset.done $0x0  }
0x62: {  	s25 =	simm.s32 @!p1 $0x80;
	s26 =	simm.s32 @!p1 $0x2800;
	[sflag:s15] =	ssyncadd.s32 $0xFFFFE000  }
0x63: {  	[tilespmem:s26], [sflag:$0x1] =	stream.strided.gather @!p1 [hbm4b:s22+s23], $0x2000, s25, s23, $0x38;
	[tilespmem:$0x10800] =	vst v63  }
0x64: {  	_ =	swait.ge [sflag:s21], $0x2000  }
0x65: {  	[sflag:s21] =	ssyncset.done $0x0  }
0x66: {  	s31 =	sadd.s32 $0x100, s24;
	[sflag:s21] =	ssyncadd.s32 $0xFFFFE000  }
0x67: {  	[spmem:s2] =	stream.indirect.scatter.add.f32 [tilespmem:s19], [sflag:$0x3], $0x40, s31, s18, $0xb8;
	[tilespmem:$0x10800] =	vst v63  }
0x68: {  	_ =	swait.ge [sflag:s15], $0x2000  }
0x69: {  	[sflag:s15] =	ssyncset.done $0x0  }
0x6a: {  	s3 =	sadd.s32 $0x1, s3;
	[sflag:s15] =	ssyncadd.s32 $0xFFFFE000  }
0x6b: {  	p1 =	sne.s32 s3, s10;
	[bflag:$0x0] =	sbarrier.arrive $0xFFFF  }
0x6c: {  	[hbm:s9], [sflag:s5] =	dma.local [spmem:s14], $0x1400  }
.Ltmp3:
0x6d: {  	_ = 	snop;
	(pc) =	sbr.rel @p1 .LBB2_1-.Ltmp3, $4  }
.Ltmp4:
0x6e: {  	_ = 	snop;
	(pc) =	sbr.rel @!p1 .LBB2_7-.Ltmp4, $4  }
0x6f: {  	_ =	swait.ge [sflag:s15], $0x1400  }
0x70: {  	[sflag:s15] =	ssyncset.done $0x0  }
0x71: {  	[sflag:s15] =	ssyncadd.s32 $0xFFFFEC00  }
0x72: {  	_ = 	snop  }
.LBB2_2:
.Ltmp5:
0x73: {  	(pc) =	sbr.rel .LBB2_6-.Ltmp5, $3  }
0x74: {  	_ =	sdelay $0x1  }
0x75: {  	s23 =	simm.s32 $0x1000  }
0x76: {  	s25 =	simm.s32 $0x0;
	s24 =	simm.s32 $0x80;
	s26 =	simm.s32 $0x1  }
.LBB2_7:
0x77: {  	_ =	sfence.sel $0x180000  }
0x78: {  	[bflag:$0x0] =	sbarrier.arrive $0xFFFF  }
0x79: {  	p0 =	sne.s32 s0, $0x0;
	_ =	strace $0x90000050  }
0x7a: {  	s0 =	sadd.s32 @!p0 $0x100000, s1;
	[bflag:$0x2] =	sbarrier.arrive $0xFFFF  }
0x7b: {  	[sflag:s0] =	ssyncadd.tile.s32 @!p0 $0x1;
	_ =	shalt  }
.Lfunc_end2:
_tile_overlayer_lowered:
.L_overlay_start_2:
0x7c: {  	(tag) =	ssettag $0x2  }
0x7d: {  	s0 =	rddreg [dreg:$0x0];
	s2 =	stileid.u32  }
0x7e: {  	s1 =	rddreg [dreg:$0x1];
	p0 =	sne.s32 s2, $0x0  }
0x7f: {  	s3 =	rddreg [dreg:$0x2];
	[bflag:$0x3] =	sbarrier.arrive $0xFFFF;
	s2 =	simm.s32 @!p0 $0x1C03  }
0x80: {  	[timem:s3], [sflag:s2] =	dma.local @!p0 [hbm:s0], s1  }
0x81: {  	s0 =	simm.s32 @!p0 $0x3  }
0x82: {  	_ =	swait.ge @!p0 [sflag:s0], s1  }
0x83: {  	s1 =	ssub.s32 @!p0 $0x0, s1;
	[sflag:s0] =	ssyncset.done @!p0 $0x0  }
0x84: {  	[sflag:s0] =	ssyncadd.s32 @!p0 s1  }
0x85: {  	[bflag:$0x3] =	sbarrier.arrive $0xFFFF  }
0x86: {  	_ =	shalt  }

// kernel: kernel.31.cloned.1.call-start
scs
__scs_entry_jumppad:
0x0: {  	(pc) =	sbr.rel $0x88, $3  }
0x1: {  	(tag) =	ssettag $0x0;
	lr =	simm.s32 $0x1  }
0x2: {  	[smem:$0x3F78] =	sst lr;
	_ =	strace $0xD0000000  }
0x3: {  	_ = 	snop  }
0x4: {  	_ = 	snop  }
0x5: {  	_ = 	snop  }
0x6: {  	_ = 	snop  }
0x7: {  	_ = 	snop  }
__scs_overlays_trampoline_lowered:
0x8: {  	[smem:$0x3F87] =	sst s0  }
0x9: {  	[smem:$0x3F88] =	sst s1  }
0xa: {  	[smem:$0x3F89] =	sst s2  }
0xb: {  	[smem:$0x3F8A] =	sst s3  }
0xc: {  	[smem:$0x3F8B] =	sst s4  }
0xd: {  	[smem:$0x3F8C] =	sst s5  }
0xe: {  	[smem:$0x3F8D] =	sst s6  }
0xf: {  	[smem:$0x3F8E] =	sst s7  }
0x10: {  	[smem:$0x3F8F] =	sst s8  }
0x11: {  	[smem:$0x3F90] =	sst s9;
	s0 =	simm.s32 @!p0 $0x0  }
0x12: {  	s1 =	sld [smem:$0x3F76];
	s0 =	simm.s32 @p0 $0x1  }
0x13: {  	[smem:$0x3F91] =	sst s0;
	s0 =	simm.s32 @!p1 $0x0  }
0x14: {  	s2 =	sld [smem:$0x3F75];
	s0 =	simm.s32 @p1 $0x1  }
0x15: {  	[smem:$0x3F92] =	sst s0;
	s0 =	simm.s32 @!p2 $0x0  }
0x16: {  	s3 =	sld [smem:$0x3FDB];
	s0 =	simm.s32 @p2 $0x1  }
0x17: {  	s4 =	simm.s32 $0x1BF5;
	[smem:$0x3F94] =	sst s0  }
0x18: {  	s0 =	sld [smem:$0x3F77];
	_ =	swait.ge [sflag:s4], $0x0  }
0x19: {  	s7 =	sld [smem:$0x3F78]  }
0x1a: {  	s8 =	sadd.s32 $0xFFFFE003, lr  }
0x1b: {  	s9 =	sadd.s32 $0xFFFFFEF7, lr;
	s5 =	simm.s32 $0xFFFFFFFF;
	p2 =	slt.u32 s8, $0xFFFFF086  }
0x1c: {  	p1 =	slt.u32 s9, $0xF7A;
	s5 =	simm.s32 @!p2 $0x0  }
0x1d: {  	s5 =	simm.s32 @p1 $0x1;
	p0 =	seq.s32 s7, s2  }
0x1e: {  	s7 =	smul.u32 @!p0 $0xF7A, s2;
	p2 =	seq.s32 @!p0 s5, $0x0  }
0x1f: {  	s9 =	smul.u32 $0xF7A, s1;
	s8 =	simm.s32 @!p0 $0x1BF5;
	p2 =	por !p2, p0  }
0x20: {  	[sflag:s8] =	ssyncset.s32 @!p0 $0xFFFFF086;
	s6 =	sadd.s32 @!p0 s3, s7;
	s7 =	simm.s32 @!p0 $0x108  }
0x21: {  	s3 =	sadd.s32 s3, s9;
	s6 =	sadd.s32 @!p0 $0x88, s6;
	s7 =	simm.s32 @p2 $0x1082  }
0x22: {  	[simem:s7], [sflag:s8] =	dma.local @!p0 [hbm:s6], $0xF7A  }
0x23: {  	s9 =	sor.u32 $0xD0000000, s2;
	s6 =	simm.s32 $0x108;
	_ =	swait.ge @!p0 [sflag:s8], $0x0  }
0x24: {  	s3 =	sadd.s32 $0x88, s3;
	s6 =	simm.s32 @!p1 $0x1082;
	[sflag:s4] =	ssyncset.s32 $0xFFFFF086  }
0x25: {  	[simem:s6], [sflag:s4] =	dma.local [hbm:s3], $0xF7A  }
0x26: {  	[smem:$0x3F78] =	sst s1;
	(tag) =	ssettag s2;
	_ =	strace s9  }
0x27: {  	s1 =	sld [smem:$0x3F88]  }
0x28: {  	s2 =	sld [smem:$0x3F89]  }
0x29: {  	s4 =	sld [smem:$0x3F8B]  }
0x2a: {  	p0 =	seq.s32 s5, $0x0;
	s5 =	sld [smem:$0x3F8C]  }
0x2b: {  	s6 =	sld [smem:$0x3F8D]  }
0x2c: {  	s7 =	sld [smem:$0x3F8E]  }
0x2d: {  	s3 =	simm.s32 $0x108;
	s8 =	sld [smem:$0x3F8F]  }
0x2e: {  	s3 =	simm.s32 @!p0 $0x1082;
	s9 =	sld [smem:$0x3F90]  }
0x2f: {  	lr =	sadd.s32 s0, s3;
	s0 =	sld [smem:$0x3F87]  }
0x30: {  	s3 =	sld [smem:$0x3F8A]  }
0x31: {  	[smem:$0x3F93] =	sst s10  }
0x32: {  	s10 =	sld [smem:$0x3F91];
	_ =	sdelay $0x3  }
0x33: {  	p0 =	seq.s32 s10, $0x1;
	s10 =	sld [smem:$0x3F93];
	_ =	sdelay $0x3  }
0x34: {  	[smem:$0x3F93] =	sst s10  }
0x35: {  	s10 =	sld [smem:$0x3F92];
	_ =	sdelay $0x3  }
0x36: {  	p1 =	seq.s32 s10, $0x1;
	s10 =	sld [smem:$0x3F93];
	_ =	sdelay $0x3  }
0x37: {  	[smem:$0x3F93] =	sst s10  }
0x38: {  	s10 =	sld [smem:$0x3F94]  }
0x39: {  	_ = 	snop;
	(pc) =	sbr.ind lr, $3  }
0x3a: {  	_ = 	snop  }
0x3b: {  	_ = 	snop  }
0x3c: {  	p2 =	seq.s32 s10, $0x1;
	s10 =	sld [smem:$0x3F93]  }
0x3d: {  	_ =	shalt  }
0x3e: {  	_ =	shalt  }
0x3f: {  	_ =	shalt  }
0x40: {  	_ =	shalt  }
0x41: {  	_ =	shalt  }
0x42: {  	_ =	shalt  }
0x43: {  	_ =	shalt  }
0x44: {  	_ =	shalt  }
0x45: {  	_ =	shalt  }
0x46: {  	_ =	shalt  }
0x47: {  	_ =	shalt  }
0x48: {  	_ =	shalt  }
0x49: {  	_ =	shalt  }
0x4a: {  	_ =	shalt  }
0x4b: {  	_ =	shalt  }
0x4c: {  	_ =	shalt  }
0x4d: {  	_ =	shalt  }
0x4e: {  	_ =	shalt  }
0x4f: {  	_ =	shalt  }
0x50: {  	_ =	shalt  }
0x51: {  	_ =	shalt  }
0x52: {  	_ =	shalt  }
0x53: {  	_ =	shalt  }
0x54: {  	_ =	shalt  }
0x55: {  	_ =	shalt  }
0x56: {  	_ =	shalt  }
0x57: {  	_ =	shalt  }
0x58: {  	_ =	shalt  }
0x59: {  	_ =	shalt  }
0x5a: {  	_ =	shalt  }
0x5b: {  	_ =	shalt  }
0x5c: {  	_ =	shalt  }
0x5d: {  	_ =	shalt  }
0x5e: {  	_ =	shalt  }
0x5f: {  	_ =	shalt  }
0x60: {  	_ =	shalt  }
0x61: {  	_ =	shalt  }
0x62: {  	_ =	shalt  }
0x63: {  	_ =	shalt  }
0x64: {  	_ =	shalt  }
0x65: {  	_ =	shalt  }
0x66: {  	_ =	shalt  }
0x67: {  	_ =	shalt  }
0x68: {  	_ =	shalt  }
0x69: {  	_ =	shalt  }
0x6a: {  	_ =	shalt  }
0x6b: {  	_ =	shalt  }
0x6c: {  	_ =	shalt  }
0x6d: {  	_ =	shalt  }
0x6e: {  	_ =	shalt  }
0x6f: {  	_ =	shalt  }
0x70: {  	_ =	shalt  }
0x71: {  	_ =	shalt  }
0x72: {  	_ =	shalt  }
0x73: {  	_ =	shalt  }
0x74: {  	_ =	shalt  }
0x75: {  	_ =	shalt  }
0x76: {  	_ =	shalt  }
0x77: {  	_ =	shalt  }
0x78: {  	_ =	shalt  }
0x79: {  	_ =	shalt  }
0x7a: {  	_ =	shalt  }
0x7b: {  	_ =	shalt  }
0x7c: {  	_ =	shalt  }
0x7d: {  	_ =	shalt  }
0x7e: {  	_ =	shalt  }
0x7f: {  	_ =	shalt  }
0x80: {  	_ =	shalt  }
0x81: {  	_ =	shalt  }
0x82: {  	_ =	shalt  }
0x83: {  	_ =	shalt  }
0x84: {  	_ =	shalt  }
0x85: {  	_ =	shalt  }
0x86: {  	_ =	shalt  }
0x87: {  	_ =	shalt  }
.Lfunc_end0:
.L_simem_size_0:
called_computation.4_lowered:
.L_overlay_start_0:
0x88: {  	s2 =	sld [smem:$0x3FD9]  }
0x89: {  	s3 =	sld [smem:$0x3FFE];
	_ =	sdelay $0x1  }
0x8a: {  	s1 =	srdreg.scid  }
0x8b: {  	s0 =	sand.u32 $0x1, s1  }
0x8c: {  	s17 =	sshll.u32 s0, $0xA;
	s2 =	sadd.s32 s3, s2  }
0x8d: {  	s2 =	sadd.s32 s2, s17  }
0x8e: {  	[smem:$0x3F9F] =	sst s2  }
0x8f: {  	_ = 	snop  }
0x90: {  	s2 =	sld [smem:$0x3FD0];
	(tm) =	ssettm $0x1  }
0x91: {  	s18 =	sld [smem:$0x3FFB];
	_ =	sdelay $0x3  }
0x92: {  	_ =	strace s18  }
0x93: {  	s3 =	sld [smem:$0x3FFC];
	_ =	sdelay $0x3  }
0x94: {  	_ =	strace s3  }
0x95: {  	s3 =	sld [smem:$0x3FFD];
	_ =	sdelay $0x3  }
0x96: {  	_ =	strace s3  }
0x97: {  	_ =	strace $0x8FFFFFFF  }
0x98: {  	s19 =	sld [smem:$0x3FDB];
	_ =	sdelay $0x1  }
0x99: {  	s4 =	simm.s32 $_scs_section_size  }
0x9a: {  	s5 =	simm.s32 $_size__tile_overlayer_lowered;
	s6 =	simm.s32 $_tile_overlayer_lowered  }
0x9b: {  	s22 =	simm.s32 $0x1BFF;
	s21 =	sshll.u32 s6, $0x1;
	s3 =	sadd.s32 s4, s19  }
0x9c: {  	s7 =	simm.s32 $0x0;
	s20 =	sshll.u32 s5, $0x1;
	s5 =	sadd.s32 s21, s3  }
0x9d: {  	[timem:s7], [sflag:s22] =	dma.local [hbm:s5], s20  }
0x9e: {  	_ =	swait.ge [sflag:s22], s20  }
0x9f: {  	s4 =	ssub.s32 $0x0, s20;
	[sflag:s22] =	ssyncset.done $0x0  }
0xa0: {  	[sflag:s22] =	ssyncadd.s32 s4;
	_ =	sdelay $0x1  }
0xa1: {  	s23 =	simm.s32 $0x1B8B  }
0xa2: {  	_ =	swait.ge [sflag:s23], $0x1  }
0xa3: {  	[sflag:s23] =	ssyncset.done $0x0  }
0xa4: {  	s25 =	simm.s32 $0x1B8E;
	s24 =	sld [smem:$0x3FFE];
	[sflag:s23] =	ssyncadd.s32 $0xFFFFFFFF  }
0xa5: {  	s26 =	simm.s32 $execute0_lowered;
	[smem:$0x3FD2] =	sst s25  }
0xa6: {  	s5 =	sshll.u32 s26, $0x1;
	_ =	strace $0x80000052;
	[dreg:$0x1] =	wrdreg $0xFFFFFFFF  }
0xa7: {  	s28 =	simm.s32 $_size_execute0_lowered;
	s3 =	sadd.s32 s3, s5;
	[dreg:$0x0] =	wrdreg $0x0  }
0xa8: {  	s5 =	sshll.u32 s28, $0x1;
	[dreg:$0x2] =	wrdreg s3  }
0xa9: {  	[dreg:$0x3] =	wrdreg s5  }
0xaa: {  	[dreg:$0x4] =	wrdreg $0xC0  }
0xab: {  	_ =	task [dreg:s7], $0x5FFFF  }
0xac: {  	[dreg:$0x1] =	wrdreg $0xFFFFFFFF  }
0xad: {  	[dreg:$0x0] =	wrdreg $0x60  }
0xae: {  	[dreg:$0x2] =	wrdreg s24  }
0xaf: {  	[dreg:$0x3] =	wrdreg s2  }
0xb0: {  	[dreg:$0x4] =	wrdreg $0x9  }
0xb1: {  	_ =	task.clear_ibuf [dreg:s7], $0x5FFFF;
	_ =	strace $0x90000052  }
0xb2: {  	s29 =	simm.s32 $0x9;
	_ =	strace $0x80000054  }
0xb3: {  	_ =	swait.ge [sflag:s29], $0x1  }
0xb4: {  	[sflag:s29] =	ssyncadd.s32 $0xFFFFFFFF  }
0xb5: {  	_ =	strace $0x90000054  }
0xb6: {  	_ =	sfence  }
0xb7: {  	s30 =	sld [smem:$0x0];
	_ =	sdelay $0x2  }
0xb8: {  	s31 =	sshll.u32 s1, $0xD;
	s1 =	sshrl.u32 s1, $0x2  }
0xb9: {  	s3 =	sand.u32 $0x4000, s31;
	s1 =	sadd.s32 s1, s30  }
0xba: {  	s0 =	sor.u32 s3, s0;
	s1 =	sshll.u32 s1, $0x11  }
0xbb: {  	s0 =	sor.u32 s1, s0  }
0xbc: {  	s0 =	sadd.s32 $0x8F2B, s0  }
0xbd: {  	[sflag:s0] =	ssyncadd.remote.s32 $0x1  }
0xbe: {  	_ =	sfence.sel $0xFFFF  }
0xbf: {  	[dreg:$0x0] =	wrdreg $0xFFFFFFFF;
	(pc) =	sbr.abs _section_cstart, $3  }
0xc0: {  	[dreg:$0x1] =	wrdreg $0xFFFFFFFF  }
0xc1: {  	_ =	task.clear_ibuf [dreg:s7], $0x2FFFF;
	_ =	strace $0x9FFFFFFF  }
0xc2: {  	(tm) =	ssettm $0x7FFFFFFF  }
0xc3: {  	_ =	shalt  }
tec
execute0_lowered:
.L_overlay_start_1:
0x0: {  	(tag) =	ssettag $0x1  }
0x1: {  	s0 =	srdreg.scid;
	s1 =	rddreg [dreg:$0x0]  }
0x2: {  	s13 =	stileid.u32;
	s7 =	rddreg [dreg:$0x1];
	s18 =	simm.s32 $0x5000  }
0x3: {  	s20 =	simm.s32 $0x9000;
	s21 =	simm.s32 $0xD000;
	s23 =	simm.s32 $0x11000  }
0x4: {  	s24 =	simm.s32 $0x1;
	s25 =	simm.s32 $0x2;
	s26 =	simm.s32 $0x3  }
0x5: {  	s28 =	simm.s32 $0x4;
	s29 =	simm.s32 $0x0;
	s12 =	smul.u32 $0x280000, s13  }
0x6: {  	s0 =	sand.u32 $0x1, s0;
	s2 =	sshll.u32 s13, $0x1;
	s13 =	smul.u32 $0x5000, s13  }
0x7: {  	s3 =	sadd.s32 $0x89C00, s1;
	s15 =	sadd.s32 $0xFF200, s1;
	s31 =	smul.u32 $0x140000, s0  }
0x8: {  	s17 =	sor.u32 s0, s2;
	s6 =	ssub.s32 $0x2, s0;
	s0 =	smul.u32 $0x2800, s0  }
0x9: {  	s16 =	sadd.s32 $0x5E1200, s1;
	s2 =	simm.s32 $0x0;
	s5 =	smul.u32 $0x500, s17  }
0xa: {  	[smem:$0x7FF] =	sst s2;
	s8 =	smul.u32 $0x140000, s17;
	s9 =	sshrl.u32 s6, $0x1  }
0xb: {  	s11 =	smul.u32 $0x28000, s17;
	p0 =	seq.s32 s17, $0x1F;
	s17 =	simm.s32 $0x80  }
0xc: {  	_ =	strace $0x80000053;
	s9 =	ssub.s32 s6, s9;
	s6 =	sadd.s32 $0x14300, s1  }
0xd: {  	s0 =	sadd.s32 s0, s13;
	s4 =	sadd.s32 s5, s1;
	s5 =	sadd.s32 s7, s5  }
0xe: {  	s7 =	sadd.s32 $0x9B00, s7;
	s10 =	sshrl.u32 s8, $0x3;
	s8 =	smax.u32 s9, $0x1  }
0xf: {  	s14 =	sor.u32 $0x800, s11;
	s1 =	sadd.s32 s31, s12;
	s0 =	sshll.u32 s0, $0x4  }
0x10: {  	s4 =	sadd.s32 $0xA800, s4;
	s9 =	sadd.s32 s15, s10;
	s1 =	sor.u32 $0x8000, s1  }
0x11: {  	s10 =	sadd.s32 s16, s10;
	s11 =	sadd.s32 s15, s14;
	s1 =	sshrl.u32 s1, $0x3  }
0x12: {  	s12 =	sadd.s32 s16, s14;
	s0 =	sor.u32 $0x1800, s0;
	s13 =	sadd.s32 s1, s16  }
0x13: {  	s14 =	sadd.s32 s1, s15;
	s15 =	sadd.s32 s0, s15;
	s16 =	sadd.s32 s0, s16  }
.LBB2_1:
0x14: {  	s0 =	simm.s32 @p0 $0x0;
	s1 =	simm.s32 @p0 $0x5  }
0x15: {  	[tilespmem:s0], [sflag:$0x5] =	stream.linear.gather @p0 [hbm4b:s6+s0], $0xA00, $0x38;
	[tilespmem:$0x15000] =	vst v63  }
0x16: {  	_ =	swait.ge @p0 [sflag:s1], $0xA00  }
0x17: {  	[sflag:s1] =	ssyncset.done @p0 $0x0  }
0x18: {  	s19 =	simm.s32 @p0 $0x2800;
	[sflag:s1] =	ssyncadd.s32 @p0 $0xFFFFF600  }
0x19: {  	[tilespmem:s19], [sflag:$0x5] =	stream.linear.gather @p0 [hbm4b:s7+s0], $0xA00, $0x38;
	[tilespmem:$0x15000] =	vst v63  }
0x1a: {  	_ =	swait.ge @p0 [sflag:s1], $0xA00  }
0x1b: {  	[sflag:s1] =	ssyncset.done @p0 $0x0  }
0x1c: {  	s0 =	simm.s32 @!p0 $0x0;
	[sflag:s1] =	ssyncadd.s32 @p0 $0xFFFFF600;
	s1 =	simm.s32 @!p0 $0x5  }
0x1d: {  	[tilespmem:s0], [sflag:$0x5] =	stream.linear.gather @!p0 [hbm4b:s4+s0], $0x2800, $0x38;
	[tilespmem:$0x15000] =	vst v63  }
0x1e: {  	_ =	swait.ge @!p0 [sflag:s1], $0x2800  }
0x1f: {  	[sflag:s1] =	ssyncset.done @!p0 $0x0  }
0x20: {  	s19 =	simm.s32 @!p0 $0x2800;
	[sflag:s1] =	ssyncadd.s32 @!p0 $0xFFFFD800  }
0x21: {  	[tilespmem:s19], [sflag:$0x5] =	stream.linear.gather @!p0 [hbm4b:s5+s0], $0x2800, $0x38;
	[tilespmem:$0x15000] =	vst v63  }
0x22: {  	_ =	swait.ge @!p0 [sflag:s1], $0x2800  }
0x23: {  	[sflag:s1] =	ssyncset.done @!p0 $0x0  }
0x24: {  	[sflag:s1] =	ssyncadd.s32 @!p0 $0xFFFFD800  }
0x25: {  	[tilespmem:s18], [sflag:$0x1] =	stream.indirect.gather [hbm4b:s3+s17], $0x80, s2, s17, $0xb8;
	[tilespmem:$0x15000] =	vst v63  }
0x26: {  	s1 =	simm.s32 $0x2800  }
0x27: {  	[tilespmem:s20], [sflag:$0x1] =	stream.indirect.gather [hbm4b:s3+s17], $0x80, s1, s17, $0xb8;
	[tilespmem:$0x15000] =	vst v63  }
0x28: {  	_ = 	snop  }
0x29: {  	[tilespmem:s21], [sflag:$0x2] =	stream.indirect.gather [hbm4b:s3+s17], $0x80, s17, s17, $0xb8;
	[tilespmem:$0x15000] =	vst v63  }
0x2a: {  	s19 =	simm.s32 $0x2880  }
0x2b: {  	[tilespmem:s23], [sflag:$0x2] =	stream.indirect.gather [hbm4b:s3+s17], $0x80, s19, s17, $0xb8;
	[tilespmem:$0x15000] =	vst v63  }
0x2c: {  	_ =	swait.ge [sflag:s24], $0x4000  }
0x2d: {  	[sflag:s24] =	ssyncset.done $0x0  }
0x2e: {  	[sflag:s24] =	ssyncadd.s32 $0xFFFFC000  }
0x2f: {  	_ =	swait.ge [sflag:s24], $0x4000  }
0x30: {  	[sflag:s24] =	ssyncset.done $0x0  }
0x31: {  	[sflag:s24] =	ssyncadd.s32 $0xFFFFC000  }
0x32: {  	[hbm4b:s9+s2] =	stream.linear.scatter [tilespmem:s18], [sflag:$0x3], $0x4000, $0x38;
	[tilespmem:$0x15000] =	vst v63  }
0x33: {  	_ = 	snop  }
0x34: {  	[hbm4b:s10+s2] =	stream.linear.scatter [tilespmem:s20], [sflag:$0x3], $0x4000, $0x38;
	[tilespmem:$0x15000] =	vst v63  }
0x35: {  	_ =	swait.ge [sflag:s25], $0x4000  }
0x36: {  	[sflag:s25] =	ssyncset.done $0x0  }
0x37: {  	[sflag:s25] =	ssyncadd.s32 $0xFFFFC000  }
0x38: {  	_ =	swait.ge [sflag:s25], $0x4000  }
0x39: {  	[sflag:s25] =	ssyncset.done $0x0  }
0x3a: {  	[sflag:s25] =	ssyncadd.s32 $0xFFFFC000  }
0x3b: {  	[hbm4b:s11+s2] =	stream.linear.scatter [tilespmem:s21], [sflag:$0x4], $0x4000, $0x38;
	[tilespmem:$0x15000] =	vst v63  }
0x3c: {  	_ = 	snop  }
0x3d: {  	[hbm4b:s12+s2] =	stream.linear.scatter [tilespmem:s23], [sflag:$0x4], $0x4000, $0x38;
	[tilespmem:$0x15000] =	vst v63  }
0x3e: {  	_ =	swait.ge [sflag:s26], $0x4000  }
0x3f: {  	[sflag:s26] =	ssyncset.done $0x0  }
0x40: {  	[sflag:s26] =	ssyncadd.s32 $0xFFFFC000  }
0x41: {  	_ =	swait.ge [sflag:s26], $0x4000  }
0x42: {  	[sflag:s26] =	ssyncset.done $0x0  }
0x43: {  	[sflag:s26] =	ssyncadd.s32 $0xFFFFC000  }
0x44: {  	_ =	swait.ge [sflag:s28], $0x4000  }
0x45: {  	[sflag:s28] =	ssyncset.done $0x0  }
0x46: {  	[sflag:s28] =	ssyncadd.s32 $0xFFFFC000  }
0x47: {  	_ =	swait.ge [sflag:s28], $0x4000  }
0x48: {  	[sflag:s28] =	ssyncset.done $0x0  }
0x49: {  	s22 =	simm.s32 $0x100;
	[sflag:s28] =	ssyncadd.s32 $0xFFFFC000  }
0x4a: {  	[tilespmem:s18], [sflag:$0x1] =	stream.indirect.gather [hbm4b:s3+s17], $0x80, s22, s17, $0xb8;
	[tilespmem:$0x15000] =	vst v63  }
0x4b: {  	s1 =	simm.s32 $0x2900  }
0x4c: {  	[tilespmem:s20], [sflag:$0x1] =	stream.indirect.gather [hbm4b:s3+s17], $0x80, s1, s17, $0xb8;
	[tilespmem:$0x15000] =	vst v63  }
0x4d: {  	s19 =	simm.s32 $0x180  }
0x4e: {  	[tilespmem:s21], [sflag:$0x2] =	stream.indirect.gather [hbm4b:s3+s17], $0x80, s19, s17, $0xb8;
	[tilespmem:$0x15000] =	vst v63  }
0x4f: {  	s22 =	simm.s32 $0x2980  }
0x50: {  	[tilespmem:s23], [sflag:$0x2] =	stream.indirect.gather [hbm4b:s3+s17], $0x80, s22, s17, $0xb8;
	[tilespmem:$0x15000] =	vst v63  }
0x51: {  	_ =	swait.ge [sflag:s24], $0x4000  }
0x52: {  	[sflag:s24] =	ssyncset.done $0x0  }
0x53: {  	[sflag:s24] =	ssyncadd.s32 $0xFFFFC000  }
0x54: {  	_ =	swait.ge [sflag:s24], $0x4000  }
0x55: {  	s0 =	simm.s32 @!p0 $0x28;
	[sflag:s24] =	ssyncset.done $0x0  }
0x56: {  	s0 =	simm.s32 @p0 $0xA;
	s1 =	sadd.s32 $0x0, s14;
	[sflag:s24] =	ssyncadd.s32 $0xFFFFC000  }
0x57: {  	[hbm4b:s1+s2] =	stream.linear.scatter [tilespmem:s18], [sflag:$0x3], $0x4000, $0x38;
	[tilespmem:$0x15000] =	vst v63  }
0x58: {  	s0 =	sshll.u32 s0, $0xC;
	s19 =	sadd.s32 $0x0, s13  }
0x59: {  	[hbm4b:s19+s2] =	stream.linear.scatter [tilespmem:s20], [sflag:$0x3], $0x4000, $0x38;
	[tilespmem:$0x15000] =	vst v63  }
0x5a: {  	s30 =	sadd.s32 $0xFFFFF000, s0;
	_ =	swait.ge [sflag:s25], $0x4000  }
0x5b: {  	p1 =	sne.s32 s30, $0x1000;
	[sflag:s25] =	ssyncset.done $0x0  }
.Ltmp0:
0x5c: {  	[sflag:s25] =	ssyncadd.s32 $0xFFFFC000;
	(pc) =	sbr.rel @!p1 .LBB2_3-.Ltmp0, $4  }
0x5d: {  	s31 =	simm.s32 $0x1000;
	_ =	swait.ge [sflag:s25], $0x4000  }
0x5e: {  	s0 =	simm.s32 $0x2A00;
	s22 =	sadd.s32 $0x0, s15;
	[sflag:s25] =	ssyncset.done $0x0  }
0x5f: {  	s1 =	simm.s32 $0x200;
	s19 =	sadd.s32 $0x0, s16;
	[sflag:s25] =	ssyncadd.s32 $0xFFFFC000  }
0x60: {  	[hbm4b:s22+s2] =	stream.linear.scatter [tilespmem:s21], [sflag:$0x4], $0x4000, $0x38;
	[tilespmem:$0x15000] =	vst v63  }
.LBB2_2:
0x61: {  	[hbm4b:s19+s2] =	stream.linear.scatter [tilespmem:s23], [sflag:$0x4], $0x4000, $0x38;
	[tilespmem:$0x15000] =	vst v63  }
0x62: {  	s19 =	smov.u32 s31;
	s31 =	sadd.s32 $0x1000, s31;
	_ =	swait.ge [sflag:s26], $0x4000  }
0x63: {  	p1 =	sne.s32 s30, s31;
	[sflag:s26] =	ssyncset.done $0x0  }
0x64: {  	[sflag:s26] =	ssyncadd.s32 $0xFFFFC000  }
0x65: {  	_ =	swait.ge [sflag:s26], $0x4000  }
0x66: {  	[sflag:s26] =	ssyncset.done $0x0  }
0x67: {  	[sflag:s26] =	ssyncadd.s32 $0xFFFFC000  }
0x68: {  	_ =	swait.ge [sflag:s28], $0x4000  }
0x69: {  	[sflag:s28] =	ssyncset.done $0x0  }
0x6a: {  	[sflag:s28] =	ssyncadd.s32 $0xFFFFC000  }
0x6b: {  	_ =	swait.ge [sflag:s28], $0x4000  }
0x6c: {  	[sflag:s28] =	ssyncset.done $0x0  }
0x6d: {  	[sflag:s28] =	ssyncadd.s32 $0xFFFFC000  }
0x6e: {  	[tilespmem:s18], [sflag:$0x1] =	stream.indirect.gather [hbm4b:s3+s17], $0x80, s1, s17, $0xb8;
	[tilespmem:$0x15000] =	vst v63  }
0x6f: {  	_ = 	snop  }
0x70: {  	[tilespmem:s20], [sflag:$0x1] =	stream.indirect.gather [hbm4b:s3+s17], $0x80, s0, s17, $0xb8;
	[tilespmem:$0x15000] =	vst v63  }
0x71: {  	s22 =	sadd.s32 $0x80, s1  }
0x72: {  	[tilespmem:s21], [sflag:$0x2] =	stream.indirect.gather [hbm4b:s3+s17], $0x80, s22, s17, $0xb8;
	[tilespmem:$0x15000] =	vst v63  }
0x73: {  	s22 =	sadd.s32 $0x80, s0  }
0x74: {  	[tilespmem:s23], [sflag:$0x2] =	stream.indirect.gather [hbm4b:s3+s17], $0x80, s22, s17, $0xb8;
	[tilespmem:$0x15000] =	vst v63  }
0x75: {  	_ =	swait.ge [sflag:s24], $0x4000  }
0x76: {  	[sflag:s24] =	ssyncset.done $0x0  }
0x77: {  	[sflag:s24] =	ssyncadd.s32 $0xFFFFC000  }
0x78: {  	_ =	swait.ge [sflag:s24], $0x4000  }
0x79: {  	[sflag:s24] =	ssyncset.done $0x0  }
0x7a: {  	s22 =	sadd.s32 s19, s14;
	[sflag:s24] =	ssyncadd.s32 $0xFFFFC000  }
0x7b: {  	[hbm4b:s22+s2] =	stream.linear.scatter [tilespmem:s18], [sflag:$0x3], $0x4000, $0x38;
	[tilespmem:$0x15000] =	vst v63  }
0x7c: {  	s22 =	sadd.s32 s19, s13  }
0x7d: {  	[hbm4b:s22+s2] =	stream.linear.scatter [tilespmem:s20], [sflag:$0x3], $0x4000, $0x38;
	[tilespmem:$0x15000] =	vst v63  }
0x7e: {  	_ =	swait.ge [sflag:s25], $0x4000  }
0x7f: {  	[sflag:s25] =	ssyncset.done $0x0  }
0x80: {  	[sflag:s25] =	ssyncadd.s32 $0xFFFFC000  }
.Ltmp1:
0x81: {  	_ =	swait.ge [sflag:s25], $0x4000;
	(pc) =	sbr.rel @p1 .LBB2_2-.Ltmp1, $4  }
0x82: {  	[sflag:s25] =	ssyncset.done $0x0  }
0x83: {  	s22 =	sadd.s32 s19, s15;
	[sflag:s25] =	ssyncadd.s32 $0xFFFFC000  }
0x84: {  	[hbm4b:s22+s2] =	stream.linear.scatter [tilespmem:s21], [sflag:$0x4], $0x4000, $0x38;
	[tilespmem:$0x15000] =	vst v63  }
0x85: {  	s1 =	sadd.s32 $0x100, s1;
	s0 =	sadd.s32 $0x100, s0;
	s19 =	sadd.s32 s19, s16  }
.LBB2_3:
0x86: {  	[hbm4b:s19+s2] =	stream.linear.scatter [tilespmem:s23], [sflag:$0x4], $0x4000, $0x38;
	[tilespmem:$0x15000] =	vst v63  }
0x87: {  	_ =	swait.ge [sflag:s26], $0x4000  }
0x88: {  	[sflag:s26] =	ssyncset.done $0x0  }
0x89: {  	[sflag:s26] =	ssyncadd.s32 $0xFFFFC000  }
0x8a: {  	_ =	swait.ge [sflag:s26], $0x4000  }
0x8b: {  	[sflag:s26] =	ssyncset.done $0x0  }
0x8c: {  	s29 =	sadd.s32 $0x1, s29;
	[sflag:s26] =	ssyncadd.s32 $0xFFFFC000  }
0x8d: {  	p1 =	sne.s32 s29, s8;
	_ =	swait.ge [sflag:s28], $0x4000  }
.Ltmp2:
0x8e: {  	[sflag:s28] =	ssyncset.done $0x0;
	(pc) =	sbr.rel @p1 .LBB2_1-.Ltmp2, $4  }
0x8f: {  	[sflag:s28] =	ssyncadd.s32 $0xFFFFC000  }
0x90: {  	_ =	swait.ge [sflag:s28], $0x4000  }
0x91: {  	[sflag:s28] =	ssyncset.done $0x0  }
0x92: {  	[sflag:s28] =	ssyncadd.s32 $0xFFFFC000  }
0x93: {  	_ =	sfence.sel $0x180000  }
0x94: {  	[bflag:$0x0] =	sbarrier.arrive $0xFFFF  }
0x95: {  	_ =	strace $0x90000053  }
0x96: {  	s0 =	stileid.u32;
	[bflag:$0x2] =	sbarrier.arrive $0xFFFF  }
0x97: {  	p0 =	sne.s32 s0, $0x0;
	s0 =	rddreg [dreg:$0x2]  }
0x98: {  	s0 =	sadd.s32 @!p0 $0x100000, s0  }
0x99: {  	[sflag:s0] =	ssyncadd.tile.s32 @!p0 $0x1;
	_ =	shalt  }
.Lfunc_end2:
_tile_overlayer_lowered:
.L_overlay_start_2:
0x9a: {  	(tag) =	ssettag $0x2  }
0x9b: {  	s0 =	rddreg [dreg:$0x0];
	s2 =	stileid.u32  }
0x9c: {  	s1 =	rddreg [dreg:$0x1];
	p0 =	sne.s32 s2, $0x0  }
0x9d: {  	s3 =	rddreg [dreg:$0x2];
	[bflag:$0x3] =	sbarrier.arrive $0xFFFF;
	s2 =	simm.s32 @!p0 $0x1C05  }
0x9e: {  	[timem:s3], [sflag:s2] =	dma.local @!p0 [hbm:s0], s1  }
0x9f: {  	s0 =	simm.s32 @!p0 $0x5  }
0xa0: {  	_ =	swait.ge @!p0 [sflag:s0], s1  }
0xa1: {  	s1 =	ssub.s32 @!p0 $0x0, s1;
	[sflag:s0] =	ssyncset.done @!p0 $0x0  }
0xa2: {  	[sflag:s0] =	ssyncadd.s32 @!p0 s1  }
0xa3: {  	[bflag:$0x3] =	sbarrier.arrive $0xFFFF  }
0xa4: {  	_ =	shalt  }

// kernel: kernel.34.cloned.1.call-start
scs
__scs_entry_jumppad:
0x0: {  	(pc) =	sbr.rel $0x88, $3  }
0x1: {  	(tag) =	ssettag $0x0;
	lr =	simm.s32 $0x1  }
0x2: {  	[smem:$0x3F78] =	sst lr;
	_ =	strace $0xD0000000  }
0x3: {  	_ = 	snop  }
0x4: {  	_ = 	snop  }
0x5: {  	_ = 	snop  }
0x6: {  	_ = 	snop  }
0x7: {  	_ = 	snop  }
__scs_overlays_trampoline_lowered:
0x8: {  	[smem:$0x3F87] =	sst s0  }
0x9: {  	[smem:$0x3F88] =	sst s1  }
0xa: {  	[smem:$0x3F89] =	sst s2  }
0xb: {  	[smem:$0x3F8A] =	sst s3  }
0xc: {  	[smem:$0x3F8B] =	sst s4  }
0xd: {  	[smem:$0x3F8C] =	sst s5  }
0xe: {  	[smem:$0x3F8D] =	sst s6  }
0xf: {  	[smem:$0x3F8E] =	sst s7  }
0x10: {  	[smem:$0x3F8F] =	sst s8  }
0x11: {  	[smem:$0x3F90] =	sst s9;
	s0 =	simm.s32 @!p0 $0x0  }
0x12: {  	s1 =	sld [smem:$0x3F76];
	s0 =	simm.s32 @p0 $0x1  }
0x13: {  	[smem:$0x3F91] =	sst s0;
	s0 =	simm.s32 @!p1 $0x0  }
0x14: {  	s2 =	sld [smem:$0x3F75];
	s0 =	simm.s32 @p1 $0x1  }
0x15: {  	[smem:$0x3F92] =	sst s0;
	s0 =	simm.s32 @!p2 $0x0  }
0x16: {  	s3 =	sld [smem:$0x3FDB];
	s0 =	simm.s32 @p2 $0x1  }
0x17: {  	s4 =	simm.s32 $0x1BF5;
	[smem:$0x3F94] =	sst s0  }
0x18: {  	s0 =	sld [smem:$0x3F77];
	_ =	swait.ge [sflag:s4], $0x0  }
0x19: {  	s7 =	sld [smem:$0x3F78]  }
0x1a: {  	s8 =	sadd.s32 $0xFFFFE003, lr  }
0x1b: {  	s9 =	sadd.s32 $0xFFFFFEF7, lr;
	s5 =	simm.s32 $0xFFFFFFFF;
	p2 =	slt.u32 s8, $0xFFFFF086  }
0x1c: {  	p1 =	slt.u32 s9, $0xF7A;
	s5 =	simm.s32 @!p2 $0x0  }
0x1d: {  	s5 =	simm.s32 @p1 $0x1;
	p0 =	seq.s32 s7, s2  }
0x1e: {  	s7 =	smul.u32 @!p0 $0xF7A, s2;
	p2 =	seq.s32 @!p0 s5, $0x0  }
0x1f: {  	s9 =	smul.u32 $0xF7A, s1;
	s8 =	simm.s32 @!p0 $0x1BF5;
	p2 =	por !p2, p0  }
0x20: {  	[sflag:s8] =	ssyncset.s32 @!p0 $0xFFFFF086;
	s6 =	sadd.s32 @!p0 s3, s7;
	s7 =	simm.s32 @!p0 $0x108  }
0x21: {  	s3 =	sadd.s32 s3, s9;
	s6 =	sadd.s32 @!p0 $0x88, s6;
	s7 =	simm.s32 @p2 $0x1082  }
0x22: {  	[simem:s7], [sflag:s8] =	dma.local @!p0 [hbm:s6], $0xF7A  }
0x23: {  	s9 =	sor.u32 $0xD0000000, s2;
	s6 =	simm.s32 $0x108;
	_ =	swait.ge @!p0 [sflag:s8], $0x0  }
0x24: {  	s3 =	sadd.s32 $0x88, s3;
	s6 =	simm.s32 @!p1 $0x1082;
	[sflag:s4] =	ssyncset.s32 $0xFFFFF086  }
0x25: {  	[simem:s6], [sflag:s4] =	dma.local [hbm:s3], $0xF7A  }
0x26: {  	[smem:$0x3F78] =	sst s1;
	(tag) =	ssettag s2;
	_ =	strace s9  }
0x27: {  	s1 =	sld [smem:$0x3F88]  }
0x28: {  	s2 =	sld [smem:$0x3F89]  }
0x29: {  	s4 =	sld [smem:$0x3F8B]  }
0x2a: {  	p0 =	seq.s32 s5, $0x0;
	s5 =	sld [smem:$0x3F8C]  }
0x2b: {  	s6 =	sld [smem:$0x3F8D]  }
0x2c: {  	s7 =	sld [smem:$0x3F8E]  }
0x2d: {  	s3 =	simm.s32 $0x108;
	s8 =	sld [smem:$0x3F8F]  }
0x2e: {  	s3 =	simm.s32 @!p0 $0x1082;
	s9 =	sld [smem:$0x3F90]  }
0x2f: {  	lr =	sadd.s32 s0, s3;
	s0 =	sld [smem:$0x3F87]  }
0x30: {  	s3 =	sld [smem:$0x3F8A]  }
0x31: {  	[smem:$0x3F93] =	sst s10  }
0x32: {  	s10 =	sld [smem:$0x3F91];
	_ =	sdelay $0x3  }
0x33: {  	p0 =	seq.s32 s10, $0x1;
	s10 =	sld [smem:$0x3F93];
	_ =	sdelay $0x3  }
0x34: {  	[smem:$0x3F93] =	sst s10  }
0x35: {  	s10 =	sld [smem:$0x3F92];
	_ =	sdelay $0x3  }
0x36: {  	p1 =	seq.s32 s10, $0x1;
	s10 =	sld [smem:$0x3F93];
	_ =	sdelay $0x3  }
0x37: {  	[smem:$0x3F93] =	sst s10  }
0x38: {  	s10 =	sld [smem:$0x3F94]  }
0x39: {  	_ = 	snop;
	(pc) =	sbr.ind lr, $3  }
0x3a: {  	_ = 	snop  }
0x3b: {  	_ = 	snop  }
0x3c: {  	p2 =	seq.s32 s10, $0x1;
	s10 =	sld [smem:$0x3F93]  }
0x3d: {  	_ =	shalt  }
0x3e: {  	_ =	shalt  }
0x3f: {  	_ =	shalt  }
0x40: {  	_ =	shalt  }
0x41: {  	_ =	shalt  }
0x42: {  	_ =	shalt  }
0x43: {  	_ =	shalt  }
0x44: {  	_ =	shalt  }
0x45: {  	_ =	shalt  }
0x46: {  	_ =	shalt  }
0x47: {  	_ =	shalt  }
0x48: {  	_ =	shalt  }
0x49: {  	_ =	shalt  }
0x4a: {  	_ =	shalt  }
0x4b: {  	_ =	shalt  }
0x4c: {  	_ =	shalt  }
0x4d: {  	_ =	shalt  }
0x4e: {  	_ =	shalt  }
0x4f: {  	_ =	shalt  }
0x50: {  	_ =	shalt  }
0x51: {  	_ =	shalt  }
0x52: {  	_ =	shalt  }
0x53: {  	_ =	shalt  }
0x54: {  	_ =	shalt  }
0x55: {  	_ =	shalt  }
0x56: {  	_ =	shalt  }
0x57: {  	_ =	shalt  }
0x58: {  	_ =	shalt  }
0x59: {  	_ =	shalt  }
0x5a: {  	_ =	shalt  }
0x5b: {  	_ =	shalt  }
0x5c: {  	_ =	shalt  }
0x5d: {  	_ =	shalt  }
0x5e: {  	_ =	shalt  }
0x5f: {  	_ =	shalt  }
0x60: {  	_ =	shalt  }
0x61: {  	_ =	shalt  }
0x62: {  	_ =	shalt  }
0x63: {  	_ =	shalt  }
0x64: {  	_ =	shalt  }
0x65: {  	_ =	shalt  }
0x66: {  	_ =	shalt  }
0x67: {  	_ =	shalt  }
0x68: {  	_ =	shalt  }
0x69: {  	_ =	shalt  }
0x6a: {  	_ =	shalt  }
0x6b: {  	_ =	shalt  }
0x6c: {  	_ =	shalt  }
0x6d: {  	_ =	shalt  }
0x6e: {  	_ =	shalt  }
0x6f: {  	_ =	shalt  }
0x70: {  	_ =	shalt  }
0x71: {  	_ =	shalt  }
0x72: {  	_ =	shalt  }
0x73: {  	_ =	shalt  }
0x74: {  	_ =	shalt  }
0x75: {  	_ =	shalt  }
0x76: {  	_ =	shalt  }
0x77: {  	_ =	shalt  }
0x78: {  	_ =	shalt  }
0x79: {  	_ =	shalt  }
0x7a: {  	_ =	shalt  }
0x7b: {  	_ =	shalt  }
0x7c: {  	_ =	shalt  }
0x7d: {  	_ =	shalt  }
0x7e: {  	_ =	shalt  }
0x7f: {  	_ =	shalt  }
0x80: {  	_ =	shalt  }
0x81: {  	_ =	shalt  }
0x82: {  	_ =	shalt  }
0x83: {  	_ =	shalt  }
0x84: {  	_ =	shalt  }
0x85: {  	_ =	shalt  }
0x86: {  	_ =	shalt  }
0x87: {  	_ =	shalt  }
.Lfunc_end0:
.L_simem_size_0:
called_computation.5_lowered:
.L_overlay_start_0:
0x88: {  	s2 =	sld [smem:$0x3FD9]  }
0x89: {  	s3 =	sld [smem:$0x3FFE];
	_ =	sdelay $0x1  }
0x8a: {  	s1 =	srdreg.scid  }
0x8b: {  	s0 =	sand.u32 $0x1, s1  }
0x8c: {  	s17 =	sshll.u32 s0, $0xA;
	s2 =	sadd.s32 s3, s2  }
0x8d: {  	s2 =	sadd.s32 s2, s17  }
0x8e: {  	[smem:$0x3F9F] =	sst s2  }
0x8f: {  	_ = 	snop  }
0x90: {  	s2 =	sld [smem:$0x3FD0];
	(tm) =	ssettm $0x1  }
0x91: {  	s18 =	sld [smem:$0x3FFB];
	_ =	sdelay $0x3  }
0x92: {  	_ =	strace s18  }
0x93: {  	s3 =	sld [smem:$0x3FFC];
	_ =	sdelay $0x3  }
0x94: {  	_ =	strace s3  }
0x95: {  	s3 =	sld [smem:$0x3FFD];
	_ =	sdelay $0x3  }
0x96: {  	_ =	strace s3  }
0x97: {  	_ =	strace $0x8FFFFFFF  }
0x98: {  	s19 =	sld [smem:$0x3FDB];
	_ =	sdelay $0x1  }
0x99: {  	s4 =	simm.s32 $_scs_section_size  }
0x9a: {  	s5 =	simm.s32 $_size__tile_overlayer_lowered;
	s6 =	simm.s32 $_tile_overlayer_lowered  }
0x9b: {  	s22 =	simm.s32 $0x1BFF;
	s21 =	sshll.u32 s6, $0x1;
	s3 =	sadd.s32 s4, s19  }
0x9c: {  	s7 =	simm.s32 $0x0;
	s20 =	sshll.u32 s5, $0x1;
	s5 =	sadd.s32 s21, s3  }
0x9d: {  	[timem:s7], [sflag:s22] =	dma.local [hbm:s5], s20  }
0x9e: {  	_ =	swait.ge [sflag:s22], s20  }
0x9f: {  	s4 =	ssub.s32 $0x0, s20;
	[sflag:s22] =	ssyncset.done $0x0  }
0xa0: {  	[sflag:s22] =	ssyncadd.s32 s4;
	_ =	sdelay $0x1  }
0xa1: {  	s23 =	simm.s32 $0x1B8B  }
0xa2: {  	_ =	swait.ge [sflag:s23], $0x1  }
0xa3: {  	[sflag:s23] =	ssyncset.done $0x0  }
0xa4: {  	s25 =	simm.s32 $0x1B8E;
	s24 =	sld [smem:$0x3FFE];
	[sflag:s23] =	ssyncadd.s32 $0xFFFFFFFF  }
0xa5: {  	s26 =	simm.s32 $execute0_lowered;
	[smem:$0x3FD2] =	sst s25  }
0xa6: {  	s5 =	sshll.u32 s26, $0x1;
	_ =	strace $0x80000055;
	[dreg:$0x1] =	wrdreg $0xFFFFFFFF  }
0xa7: {  	s28 =	simm.s32 $_size_execute0_lowered;
	s3 =	sadd.s32 s3, s5;
	[dreg:$0x0] =	wrdreg $0x0  }
0xa8: {  	s5 =	sshll.u32 s28, $0x1;
	[dreg:$0x2] =	wrdreg s3  }
0xa9: {  	[dreg:$0x3] =	wrdreg s5  }
0xaa: {  	[dreg:$0x4] =	wrdreg $0xC0  }
0xab: {  	_ =	task [dreg:s7], $0x5FFFF  }
0xac: {  	[dreg:$0x1] =	wrdreg $0xFFFFFFFF  }
0xad: {  	[dreg:$0x0] =	wrdreg $0x60  }
0xae: {  	[dreg:$0x2] =	wrdreg s24  }
0xaf: {  	[dreg:$0x3] =	wrdreg s2  }
0xb0: {  	[dreg:$0x4] =	wrdreg $0x68000  }
0xb1: {  	[dreg:$0x5] =	wrdreg $0x9  }
0xb2: {  	_ =	task.clear_ibuf [dreg:s7], $0x6FFFF;
	_ =	strace $0x90000055  }
0xb3: {  	s29 =	simm.s32 $0x9;
	_ =	strace $0x80000057  }
0xb4: {  	_ =	swait.ge [sflag:s29], $0x1  }
0xb5: {  	[sflag:s29] =	ssyncadd.s32 $0xFFFFFFFF  }
0xb6: {  	_ =	strace $0x90000057  }
0xb7: {  	_ =	sfence  }
0xb8: {  	s30 =	sld [smem:$0x0];
	_ =	sdelay $0x2  }
0xb9: {  	s31 =	sshll.u32 s1, $0xD;
	s1 =	sshrl.u32 s1, $0x2  }
0xba: {  	s3 =	sand.u32 $0x4000, s31;
	s1 =	sadd.s32 s1, s30  }
0xbb: {  	s0 =	sor.u32 s3, s0;
	s1 =	sshll.u32 s1, $0x11  }
0xbc: {  	s0 =	sor.u32 s1, s0  }
0xbd: {  	s0 =	sadd.s32 $0x8F2B, s0  }
0xbe: {  	[sflag:s0] =	ssyncadd.remote.s32 $0x1  }
0xbf: {  	_ =	sfence.sel $0xFFFF  }
0xc0: {  	[dreg:$0x0] =	wrdreg $0xFFFFFFFF;
	(pc) =	sbr.abs _section_cstart, $3  }
0xc1: {  	[dreg:$0x1] =	wrdreg $0xFFFFFFFF  }
0xc2: {  	_ =	task.clear_ibuf [dreg:s7], $0x2FFFF;
	_ =	strace $0x9FFFFFFF  }
0xc3: {  	(tm) =	ssettm $0x7FFFFFFF  }
tec
execute0_lowered:
.L_overlay_start_1:
0x0: {  	(tag) =	ssettag $0x1  }
0x1: {  	s4 =	rddreg [dreg:$0x0]  }
0x2: {  	s7 =	rddreg [dreg:$0x1];
	s0 =	stileid.u32  }
0x3: {  	s1 =	srdreg.scid;
	s2 =	rddreg [dreg:$0x2]  }
0x4: {  	s3 =	simm.s32 $0x0;
	s18 =	simm.s32 $0x80;
	s19 =	simm.s32 $0x4800  }
0x5: {  	s20 =	simm.s32 $0x1;
	s6 =	sand.u32 $0x1, s1;
	s1 =	rddreg [dreg:$0x3]  }
0x6: {  	s21 =	simm.s32 $0x2;
	s5 =	smul.u32 $0xA000, s0;
	[smem:$0x7FF] =	sst s3  }
0x7: {  	s10 =	sadd.s32 $0x11A0E00, s4;
	s26 =	sshll.u32 s0, $0x1;
	s28 =	smul.u32 $0x5000, s0  }
0x8: {  	s29 =	sshll.u32 s0, $0x6;
	s8 =	smul.u32 $0xA0000, s6;
	_ =	strace $0x80000056  }
0x9: {  	s11 =	ssub.s32 $0x2, s6;
	s14 =	sor.u32 s6, s26;
	s6 =	smul.u32 $0x2800, s6  }
0xa: {  	s9 =	sshrl.u32 s5, $0x3;
	s25 =	sshrl.u32 s11, $0x1;
	s30 =	smul.u32 $0x500, s14  }
0xb: {  	s15 =	sadd.s32 s5, s2;
	s16 =	smul.u32 $0x28000, s14;
	p0 =	seq.s32 s14, $0x1F  }
0xc: {  	s8 =	sadd.s32 s5, s8;
	s9 =	sadd.s32 s9, s4;
	s11 =	ssub.s32 s11, s25  }
0xd: {  	s5 =	sor.u32 $0x1C03, s29;
	s14 =	sshrl.u32 s15, $0x3;
	s8 =	sshrl.u32 s8, $0x3  }
0xe: {  	s15 =	simm.s32 $0x3;
	s12 =	sadd.s32 s8, s4;
	s4 =	sadd.s32 $0x14600, s9  }
0xf: {  	s8 =	sadd.s32 s6, s28;
	s6 =	sadd.s32 s7, s30;
	s7 =	sadd.s32 $0x9B00, s7  }
0x10: {  	s17 =	sshll.u32 s8, $0x4;
	s8 =	sadd.s32 s10, s16;
	s9 =	sadd.s32 $0xFF200, s12  }
0x11: {  	s16 =	simm.s32 $0x40;
	s31 =	sadd.s32 s17, s10;
	s10 =	smax.u32 s11, $0x1  }
0x12: {  	s17 =	simm.s32 $0x2800;
	s11 =	sadd.s32 $0x1000, s31;
	s12 =	sadd.s32 $0x800, s31  }
.LBB2_1:
0x13: {  	[spmem:s14], [sflag:s5] =	dma.local [hbm:s4], $0x1400  }
0x14: {  	_ =	swait.ge [sflag:s15], $0x1400  }
0x15: {  	[sflag:s15] =	ssyncset.done $0x0  }
0x16: {  	[sflag:s15] =	ssyncadd.s32 $0xFFFFEC00  }
0x17: {  	s22 =	simm.s32 @p0 $0x0;
	[bflag:$0x0] =	sbarrier.arrive $0xFFFF  }
0x18: {  	[tilespmem:s22], [sflag:$0x3] =	stream.linear.gather @p0 [hbm4b:s7+s22], $0xA00, $0x38;
	[tilespmem:$0x10800] =	vst v63  }
0x19: {  	s22 =	simm.s32 @p0 $0x3  }
0x1a: {  	_ =	swait.ge @p0 [sflag:s22], $0xA00  }
0x1b: {  	[sflag:s22] =	ssyncset.done @p0 $0x0  }
0x1c: {  	[sflag:s22] =	ssyncadd.s32 @p0 $0xFFFFF600;
	s22 =	simm.s32 @!p0 $0x0  }
0x1d: {  	[tilespmem:s22], [sflag:$0x3] =	stream.linear.gather @!p0 [hbm4b:s6+s22], $0x2800, $0x38;
	[tilespmem:$0x10800] =	vst v63  }
0x1e: {  	s22 =	simm.s32 @!p0 $0x28  }
0x1f: {  	s22 =	simm.s32 @p0 $0xA  }
0x20: {  	s31 =	sshll.u32 s22, $0xC  }
0x21: {  	s28 =	sadd.s32 $0xFFFFF000, s31  }
0x22: {  	p2 =	sne.s32 s28, $0x1000  }
.Ltmp0:
0x23: {  	s23 =	simm.s32 @!p0 $0x3;
	(pc) =	sbr.rel @!p2 .LBB2_2-.Ltmp0, $4  }
0x24: {  	_ =	swait.ge @!p0 [sflag:s23], $0x2800  }
0x25: {  	[sflag:s23] =	ssyncset.done @!p0 $0x0  }
0x26: {  	s25 =	simm.s32 $0x1000;
	p1 =	por $0x0, $0x0;
	[sflag:s23] =	ssyncadd.s32 @!p0 $0xFFFFD800  }
0x27: {  	[tilespmem:s17], [sflag:$0x1] =	stream.strided.gather [hbm4b:s8+s16], $0x2000, s18, s16, $0x38;
	[tilespmem:$0x10800] =	vst v63  }
0x28: {  	s23 =	sadd.s32 $0x0, s12  }
0x29: {  	[tilespmem:s19], [sflag:$0x2] =	stream.strided.gather [hbm4b:s23+s16], $0x2000, s18, s16, $0x38;
	[tilespmem:$0x10800] =	vst v63  }
0x2a: {  	_ =	swait.ge [sflag:s20], $0x2000  }
0x2b: {  	[sflag:s20] =	ssyncset.done $0x0  }
0x2c: {  	s30 =	simm.s32 $0x0;
	[sflag:s20] =	ssyncadd.s32 $0xFFFFE000  }
0x2d: {  	[spmem:s2] =	stream.indirect.scatter.add.f32 [tilespmem:s17], [sflag:$0x3], $0x40, s30, s18, $0xb8;
	[tilespmem:$0x10800] =	vst v63  }
0x2e: {  	_ =	swait.ge [sflag:s15], $0x2000  }
0x2f: {  	[sflag:s15] =	ssyncset.done $0x0  }
0x30: {  	s31 =	sadd.s32 $0x0, s11;
	[sflag:s15] =	ssyncadd.s32 $0xFFFFE000  }
0x31: {  	[tilespmem:s17], [sflag:$0x1] =	stream.strided.gather [hbm4b:s31+s16], $0x2000, s18, s16, $0x38;
	[tilespmem:$0x10800] =	vst v63  }
0x32: {  	p2 =	sne.s32 s28, $0x2000;
	_ =	swait.ge [sflag:s21], $0x2000  }
.Ltmp1:
0x33: {  	[sflag:s21] =	ssyncset.done $0x0;
	(pc) =	sbr.rel @!p2 .LBB2_6-.Ltmp1, $4  }
0x34: {  	[sflag:s21] =	ssyncadd.s32 $0xFFFFE000  }
0x35: {  	[spmem:s2] =	stream.indirect.scatter.add.f32 [tilespmem:s19], [sflag:$0x3], $0x40, s18, s18, $0xb8;
	[tilespmem:$0x10800] =	vst v63  }
0x36: {  	s26 =	simm.s32 $0x2;
	s24 =	simm.s32 $0x180;
	_ =	swait.ge [sflag:s15], $0x2000  }
0x37: {  	p1 =	por $0x1, $0x1;
	s23 =	simm.s32 $0x2000;
	[sflag:s15] =	ssyncset.done $0x0  }
.LBB2_4:
0x38: {  	s13 =	sadd.s32 s25, s12  }
0x39: {  	[sflag:s15] =	ssyncadd.s32 $0xFFFFE000;
	s29 =	smov.u32 s23;
	s23 =	sadd.s32 $0x1000, s23  }
0x3a: {  	[tilespmem:s19], [sflag:$0x2] =	stream.strided.gather [hbm4b:s13+s16], $0x2000, s18, s16, $0x38;
	[tilespmem:$0x10800] =	vst v63  }
0x3b: {  	p2 =	sne.s32 s28, s23;
	_ =	swait.ge [sflag:s20], $0x2000  }
0x3c: {  	[sflag:s20] =	ssyncset.done $0x0  }
0x3d: {  	s13 =	sadd.s32 $0xFFFFFF80, s24;
	[sflag:s20] =	ssyncadd.s32 $0xFFFFE000  }
0x3e: {  	[spmem:s2] =	stream.indirect.scatter.add.f32 [tilespmem:s17], [sflag:$0x3], $0x40, s13, s18, $0xb8;
	[tilespmem:$0x10800] =	vst v63  }
0x3f: {  	_ =	swait.ge [sflag:s15], $0x2000  }
0x40: {  	[sflag:s15] =	ssyncset.done $0x0  }
0x41: {  	s13 =	sadd.s32 s25, s11;
	s25 =	smov.u32 s29;
	[sflag:s15] =	ssyncadd.s32 $0xFFFFE000  }
0x42: {  	[tilespmem:s17], [sflag:$0x1] =	stream.strided.gather [hbm4b:s13+s16], $0x2000, s18, s16, $0x38;
	[tilespmem:$0x10800] =	vst v63  }
0x43: {  	_ =	swait.ge [sflag:s21], $0x2000  }
.Ltmp2:
0x44: {  	[sflag:s21] =	ssyncset.done $0x0;
	(pc) =	sbr.rel @p2 .LBB2_4-.Ltmp2, $4  }
0x45: {  	[sflag:s21] =	ssyncadd.s32 $0xFFFFE000  }
0x46: {  	[spmem:s2] =	stream.indirect.scatter.add.f32 [tilespmem:s19], [sflag:$0x3], $0x40, s24, s18, $0xb8;
	[tilespmem:$0x10800] =	vst v63  }
0x47: {  	s13 =	sadd.s32 $0x100, s24;
	_ =	swait.ge [sflag:s15], $0x2000  }
0x48: {  	s26 =	sadd.s32 $0x1, s26;
	s24 =	smov.u32 s13;
	[sflag:s15] =	ssyncset.done $0x0  }
0x49: {  	s24 =	smov.u32 s13  }
.LBB2_6:
0x4a: {  	s28 =	sadd.s32 s25, s12;
	[sflag:s15] =	ssyncadd.s32 @p1 $0xFFFFE000  }
0x4b: {  	[tilespmem:s19], [sflag:$0x2] =	stream.strided.gather [hbm4b:s28+s16], $0x2000, s18, s16, $0x38;
	[tilespmem:$0x10800] =	vst v63  }
0x4c: {  	_ =	swait.ge [sflag:s20], $0x2000  }
0x4d: {  	[sflag:s20] =	ssyncset.done $0x0  }
0x4e: {  	s30 =	sadd.s32 $0xFFFFFF80, s24;
	[sflag:s20] =	ssyncadd.s32 $0xFFFFE000  }
0x4f: {  	[spmem:s2] =	stream.indirect.scatter.add.f32 [tilespmem:s17], [sflag:$0x3], $0x40, s30, s18, $0xb8;
	[tilespmem:$0x10800] =	vst v63  }
0x50: {  	_ =	swait.ge [sflag:s15], $0x2000  }
0x51: {  	[sflag:s15] =	ssyncset.done $0x0  }
0x52: {  	s31 =	sadd.s32 s25, s11;
	[sflag:s15] =	ssyncadd.s32 $0xFFFFE000  }
0x53: {  	[tilespmem:s17], [sflag:$0x1] =	stream.strided.gather [hbm4b:s31+s16], $0x2000, s18, s16, $0x38;
	[tilespmem:$0x10800] =	vst v63  }
0x54: {  	_ =	swait.ge [sflag:s21], $0x2000  }
0x55: {  	[sflag:s21] =	ssyncset.done $0x0  }
0x56: {  	[sflag:s21] =	ssyncadd.s32 $0xFFFFE000  }
0x57: {  	[spmem:s2] =	stream.indirect.scatter.add.f32 [tilespmem:s19], [sflag:$0x3], $0x40, s24, s18, $0xb8;
	[tilespmem:$0x10800] =	vst v63  }
0x58: {  	_ =	swait.ge [sflag:s15], $0x2000  }
0x59: {  	[sflag:s15] =	ssyncset.done $0x0  }
0x5a: {  	s28 =	sadd.s32 s23, s12;
	[sflag:s15] =	ssyncadd.s32 $0xFFFFE000  }
0x5b: {  	[tilespmem:s19], [sflag:$0x2] =	stream.strided.gather [hbm4b:s28+s16], $0x2000, s18, s16, $0x38;
	[tilespmem:$0x10800] =	vst v63  }
0x5c: {  	_ =	swait.ge [sflag:s20], $0x2000  }
0x5d: {  	[sflag:s20] =	ssyncset.done $0x0  }
0x5e: {  	s29 =	sadd.s32 $0x80, s13;
	s30 =	sadd.s32 $0x1, s26;
	[sflag:s20] =	ssyncadd.s32 $0xFFFFE000  }
0x5f: {  	[spmem:s2] =	stream.indirect.scatter.add.f32 [tilespmem:s17], [sflag:$0x3], $0x40, s29, s18, $0xb8;
	[tilespmem:$0x10800] =	vst v63  }
0x60: {  	p1 =	sge.u32 s30, s22;
	_ =	swait.ge [sflag:s15], $0x2000  }
0x61: {  	s22 =	sadd.s32 @!p1 s23, s11;
	s23 =	simm.s32 @!p1 $0x40;
	[sflag:s15] =	ssyncset.done $0x0  }
0x62: {  	s25 =	simm.s32 @!p1 $0x80;
	s26 =	simm.s32 @!p1 $0x2800;
	[sflag:s15] =	ssyncadd.s32 $0xFFFFE000  }
0x63: {  	[tilespmem:s26], [sflag:$0x1] =	stream.strided.gather @!p1 [hbm4b:s22+s23], $0x2000, s25, s23, $0x38;
	[tilespmem:$0x10800] =	vst v63  }
0x64: {  	_ =	swait.ge [sflag:s21], $0x2000  }
0x65: {  	[sflag:s21] =	ssyncset.done $0x0  }
0x66: {  	s31 =	sadd.s32 $0x100, s24;
	[sflag:s21] =	ssyncadd.s32 $0xFFFFE000  }
0x67: {  	[spmem:s2] =	stream.indirect.scatter.add.f32 [tilespmem:s19], [sflag:$0x3], $0x40, s31, s18, $0xb8;
	[tilespmem:$0x10800] =	vst v63  }
0x68: {  	_ =	swait.ge [sflag:s15], $0x2000  }
0x69: {  	[sflag:s15] =	ssyncset.done $0x0  }
0x6a: {  	s3 =	sadd.s32 $0x1, s3;
	[sflag:s15] =	ssyncadd.s32 $0xFFFFE000  }
0x6b: {  	p1 =	sne.s32 s3, s10;
	[bflag:$0x0] =	sbarrier.arrive $0xFFFF  }
0x6c: {  	[hbm:s9], [sflag:s5] =	dma.local [spmem:s14], $0x1400  }
.Ltmp3:
0x6d: {  	_ = 	snop;
	(pc) =	sbr.rel @p1 .LBB2_1-.Ltmp3, $4  }
.Ltmp4:
0x6e: {  	_ = 	snop;
	(pc) =	sbr.rel @!p1 .LBB2_7-.Ltmp4, $4  }
0x6f: {  	_ =	swait.ge [sflag:s15], $0x1400  }
0x70: {  	[sflag:s15] =	ssyncset.done $0x0  }
0x71: {  	[sflag:s15] =	ssyncadd.s32 $0xFFFFEC00  }
0x72: {  	_ = 	snop  }
.LBB2_2:
.Ltmp5:
0x73: {  	(pc) =	sbr.rel .LBB2_6-.Ltmp5, $3  }
0x74: {  	_ =	sdelay $0x1  }
0x75: {  	s23 =	simm.s32 $0x1000  }
0x76: {  	s25 =	simm.s32 $0x0;
	s24 =	simm.s32 $0x80;
	s26 =	simm.s32 $0x1  }
.LBB2_7:
0x77: {  	_ =	sfence.sel $0x180000  }
0x78: {  	[bflag:$0x0] =	sbarrier.arrive $0xFFFF  }
0x79: {  	p0 =	sne.s32 s0, $0x0;
	_ =	strace $0x90000056  }
0x7a: {  	s0 =	sadd.s32 @!p0 $0x100000, s1;
	[bflag:$0x2] =	sbarrier.arrive $0xFFFF  }
0x7b: {  	[sflag:s0] =	ssyncadd.tile.s32 @!p0 $0x1;
	_ =	shalt  }
.Lfunc_end2:
_tile_overlayer_lowered:
.L_overlay_start_2:
0x7c: {  	(tag) =	ssettag $0x2  }
0x7d: {  	s0 =	rddreg [dreg:$0x0];
	s2 =	stileid.u32  }
0x7e: {  	s1 =	rddreg [dreg:$0x1];
	p0 =	sne.s32 s2, $0x0  }
0x7f: {  	s3 =	rddreg [dreg:$0x2];
	[bflag:$0x3] =	sbarrier.arrive $0xFFFF;
	s2 =	simm.s32 @!p0 $0x1C03  }
0x80: {  	[timem:s3], [sflag:s2] =	dma.local @!p0 [hbm:s0], s1  }
0x81: {  	s0 =	simm.s32 @!p0 $0x3  }
0x82: {  	_ =	swait.ge @!p0 [sflag:s0], s1  }
0x83: {  	s1 =	ssub.s32 @!p0 $0x0, s1;
	[sflag:s0] =	ssyncset.done @!p0 $0x0  }
0x84: {  	[sflag:s0] =	ssyncadd.s32 @!p0 s1  }
0x85: {  	[bflag:$0x3] =	sbarrier.arrive $0xFFFF  }
0x86: {  	_ =	shalt  }

</sc_bundles>
